<compile_context>
chip_gen: v7x
topology: tpu7x:2x2x1
jax: 0.10.2.dev20260603
libtpu: 0.0.44.dev20260713+nightly
codegen_flags: <defaults>
</compile_context>

<pallas_src>
import jax
import jax.numpy as jnp
from jax import lax
from jax.experimental import pallas as pl
from jax.experimental.pallas import tpu as pltpu
from jax.experimental.pallas import tpu_sc as plsc

N = 10000
NPAD = 10240
E = 320000
CH = 128
NCHUNK = E // CH
D_IN = 128
D_HID = 256
HF = 128
NC = 2
NS = 16
RPS = NPAD // NS
RB = 512
GRID = NPAD // RB

_mesh = plsc.VectorSubcoreMesh(
    core_axis_name="c", subcore_axis_name="s", num_cores=NC, num_subcores=NS)


CPS = 157
CPS_PAD = 160
BP = 32
NBLK = CPS_PAD // BP


def _msg_body(s_hbm, idx_hbm, dst_hbm, zrows_hbm, acc_hbm,
              acc_sh, idxall, dstall, rows_a, rows_b,
              sem_ga, sem_gb, sem_sa, sem_sb):
    c = lax.axis_index("c")
    s = lax.axis_index("s")
    row0 = s * RPS

    pltpu.sync_copy(zrows_hbm, rows_a)
    for t in range(RPS // CH):
        pltpu.sync_copy(rows_a, acc_sh.at[pl.ds(row0 + t * CH, CH), :])

    cnt = 156 + (s < 4).astype(jnp.int32)
    bufs = ((rows_a, sem_ga, sem_sa), (rows_b, sem_gb, sem_sb))

    def gather(jj, rbuf, sem):
        pltpu.async_copy(s_hbm.at[idxall.at[jj]], rbuf, sem)

    def wait_gather(jj, rbuf, sem):
        pltpu.make_async_copy(s_hbm.at[idxall.at[jj]], rbuf, sem).wait()

    def scatter(jj, rbuf, sem):
        pltpu.async_copy(rbuf, acc_sh.at[dstall.at[jj]], sem, add=True)

    def wait_scatter(rbuf, sem):
        pltpu.make_async_copy(rbuf, acc_sh.at[dstall.at[0]], sem).wait()

    plsc.subcore_barrier()

    def blk_body(bi, carry):
        k0 = bi * BP
        nin = jnp.clip(cnt - k0, 0, BP)

        @pl.when(k0 < cnt)
        def _():
            pltpu.sync_copy(idx_hbm.at[c, s, pl.ds(k0, BP), :], idxall)
            pltpu.sync_copy(dst_hbm.at[s, pl.ds(k0, BP), :], dstall)
            gather(0, rows_a, sem_ga)

            def pair_body(g, carry2):
                for b in range(2):
                    j = 2 * g + b
                    k = k0 + j
                    rbuf, gsem, ssem = bufs[b]
                    nbuf, ngsem, nssem = bufs[1 - b]

                    @pl.when(k < cnt)
                    def _():
                        if b == 0:
                            @pl.when(j >= 1)
                            def _():
                                wait_scatter(nbuf, nssem)
                        else:
                            wait_scatter(nbuf, nssem)

                        @pl.when(jnp.logical_and(j + 1 < BP, k + 1 < cnt))
                        def _():
                            gather(j + 1, nbuf, ngsem)

                        wait_gather(j, rbuf, gsem)
                        scatter(j, rbuf, ssem)

                return carry2

            lax.fori_loop(0, BP // 2, pair_body, 0)

            @pl.when(lax.rem(nin, 2) == 1)
            def _():
                wait_scatter(rows_a, sem_sa)

            @pl.when(lax.rem(nin, 2) == 0)
            def _():
                wait_scatter(rows_b, sem_sb)

        return carry

    lax.fori_loop(0, NBLK, blk_body, 0)
    plsc.subcore_barrier()

    base_off = c * NPAD
    for t in range(RPS // CH):
        rr = row0 + t * CH
        pltpu.sync_copy(acc_sh.at[pl.ds(rr, CH), :], rows_a)
        pltpu.sync_copy(rows_a, acc_hbm.at[pl.ds(base_off + rr, CH), :])


_msg_scratch = [
    pltpu.VMEM_SHARED((NPAD, HF), jnp.float32),
    pltpu.VMEM((BP, CH), jnp.int32),
    pltpu.VMEM((BP, CH), jnp.int32),
    pltpu.VMEM((CH, HF), jnp.float32),
    pltpu.VMEM((CH, HF), jnp.float32),
    pltpu.SemaphoreType.DMA,
    pltpu.SemaphoreType.DMA,
    pltpu.SemaphoreType.DMA,
    pltpu.SemaphoreType.DMA,
]
_msg_kernel = pl.kernel(
    _msg_body,
    out_type=jax.ShapeDtypeStruct((NC * NPAD, HF), jnp.float32),
    mesh=_mesh,
    scratch_types=_msg_scratch,
)


def _make_deg_kernel(dw):
    def body(dst_hbm, ones_hbm, zcol_hbm, deg_hbm,
             acc_sh, dstall, onesbuf, obuf, sem):
        c = lax.axis_index("c")
        s = lax.axis_index("s")
        row0 = s * RPS

        pltpu.sync_copy(ones_hbm, onesbuf)
        pltpu.sync_copy(zcol_hbm, obuf)
        for t in range(RPS // CH):
            pltpu.sync_copy(obuf, acc_sh.at[pl.ds(row0 + t * CH, CH), :])

        cnt = 156 + (s < 4).astype(jnp.int32)
        plsc.subcore_barrier()

        def blk_body(bi, carry):
            k0 = bi * BP

            @pl.when(k0 < cnt)
            def _():
                pltpu.sync_copy(dst_hbm.at[s, pl.ds(k0, BP), :], dstall)

                nin = jnp.clip(cnt - k0, 0, BP)

                def issue(j, carry2):
                    @pl.when(k0 + j < cnt)
                    def _():
                        pltpu.async_copy(
                            onesbuf, acc_sh.at[dstall.at[j]], sem, add=True)

                        @pl.when(j >= 2)
                        def _():
                            pltpu.make_async_copy(
                                onesbuf, acc_sh.at[dstall.at[0]], sem).wait()

                    return carry2

                lax.fori_loop(0, BP, issue, 0)

                @pl.when(nin >= 1)
                def _():
                    pltpu.make_async_copy(
                        onesbuf, acc_sh.at[dstall.at[0]], sem).wait()

                @pl.when(nin >= 2)
                def _():
                    pltpu.make_async_copy(
                        onesbuf, acc_sh.at[dstall.at[0]], sem).wait()

            return carry

        lax.fori_loop(0, NBLK, blk_body, 0)
        plsc.subcore_barrier()

        for t in range(RPS // CH):
            rr = row0 + t * CH
            pltpu.sync_copy(acc_sh.at[pl.ds(rr, CH), :], obuf)
            pltpu.sync_copy(obuf, deg_hbm.at[pl.ds(c * NPAD + rr, CH), :])

    scratch = [
        pltpu.VMEM_SHARED((NPAD, dw), jnp.float32),
        pltpu.VMEM((BP, CH), jnp.int32),
        pltpu.VMEM((CH, dw), jnp.float32),
        pltpu.VMEM((CH, dw), jnp.float32),
        pltpu.SemaphoreType.DMA,
    ]
    return body, scratch


DW = 128
_deg_body, _deg_scratch = _make_deg_kernel(DW)
_deg_kernel = pl.kernel(
    _deg_body,
    out_type=jax.ShapeDtypeStruct((NC * NPAD, DW), jnp.float32),
    mesh=_mesh,
    scratch_types=_deg_scratch,
)


def _tc1_body(x_ref, deg_ref, w_ref, out_ref):
    dis = lax.rsqrt(deg_ref[...] + 1.0)
    xw = jnp.dot(x_ref[...], w_ref[...], preferred_element_type=jnp.float32)
    sc = dis * xw
    out_ref[0] = sc[:, :HF]
    out_ref[1] = sc[:, HF:]


def _tc_layer_body(acc_ref, s_ref, deg_ref, w_ref, b_ref, out_ref):
    dis = lax.rsqrt(deg_ref[...] + 1.0)
    a0 = jnp.maximum(dis * (acc_ref[0] + s_ref[0]) + b_ref[0:1, :], 0.0)
    a1 = jnp.maximum(dis * (acc_ref[1] + s_ref[1]) + b_ref[1:2, :], 0.0)
    af = jnp.concatenate([a0, a1], axis=1)
    h = jnp.dot(af, w_ref[...], preferred_element_type=jnp.float32)
    sc = dis * h
    out_ref[0] = sc[:, :HF]
    out_ref[1] = sc[:, HF:]


def _tc_final_body(acc_ref, s_ref, deg_ref, b_ref, out_ref):
    dis = lax.rsqrt(deg_ref[...] + 1.0)
    out_ref[:, :HF] = dis * (acc_ref[0] + s_ref[0]) + b_ref[0:1, :]
    out_ref[:, HF:] = dis * (acc_ref[1] + s_ref[1]) + b_ref[1:2, :]


_half_spec = pl.BlockSpec((2, RB, HF), lambda i: (0, i, 0))
_deg_spec = pl.BlockSpec((RB, 1), lambda i: (i, 0))
_half_out = jax.ShapeDtypeStruct((2, NPAD, HF), jnp.float32)


def _tc1(x_pad, deg3, W1):
    return pl.pallas_call(
        _tc1_body,
        grid=(GRID,),
        in_specs=[
            pl.BlockSpec((RB, D_IN), lambda i: (i, 0)),
            _deg_spec,
            pl.BlockSpec((D_IN, D_HID), lambda i: (0, 0)),
        ],
        out_specs=_half_spec,
        out_shape=_half_out,
    )(x_pad, deg3, W1)


def _tc_layer(acc, s_prev, deg3, W, bh):
    return pl.pallas_call(
        _tc_layer_body,
        grid=(GRID,),
        in_specs=[
            _half_spec,
            _half_spec,
            _deg_spec,
            pl.BlockSpec((D_HID, D_HID), lambda i: (0, 0)),
            pl.BlockSpec((2, HF), lambda i: (0, 0)),
        ],
        out_specs=_half_spec,
        out_shape=_half_out,
    )(acc, s_prev, deg3, W, bh)


def _tc_final(acc, s_prev, deg3, bh):
    return pl.pallas_call(
        _tc_final_body,
        grid=(GRID,),
        in_specs=[
            _half_spec,
            _half_spec,
            _deg_spec,
            pl.BlockSpec((2, HF), lambda i: (0, 0)),
        ],
        out_specs=pl.BlockSpec((RB, D_HID), lambda i: (i, 0)),
        out_shape=jax.ShapeDtypeStruct((NPAD, D_HID), jnp.float32),
    )(acc, s_prev, deg3, bh)


def kernel(x, edge_index, W1, b1, W2, b2, W3, b3):
    src = edge_index[0]
    dst = edge_index[1]
    x_pad = jnp.pad(x, ((0, NPAD - N), (0, 0)))
    z_rows = jnp.zeros((CH, HF), jnp.float32)

    src2d = src.reshape(NCHUNK, CH)
    dst2d = dst.reshape(NCHUNK, CH)
    starts = jnp.arange(NS) * 156 + jnp.minimum(jnp.arange(NS), 4)
    row_ids = jnp.clip(starts[:, None] + jnp.arange(CPS_PAD)[None, :], 0, NCHUNK - 1)
    src3d = src2d[row_ids]
    dst3d = dst2d[row_ids]
    idx3d = jnp.stack([src3d, src3d + NPAD])

    ones_deg = jnp.ones((CH, DW), jnp.float32)
    z_deg = jnp.zeros((CH, DW), jnp.float32)
    degacc = _deg_kernel(dst3d, ones_deg, z_deg)
    deg3 = degacc[:NPAD, 0:1]

    b1h = b1.reshape(2, HF)
    b2h = b2.reshape(2, HF)
    b3h = b3.reshape(2, HF)

    s1 = _tc1(x_pad, deg3, W1)
    acc1 = _msg_kernel(s1.reshape(NC * NPAD, HF), idx3d, dst3d, z_rows).reshape(2, NPAD, HF)
    s2 = _tc_layer(acc1, s1, deg3, W2, b1h)
    acc2 = _msg_kernel(s2.reshape(NC * NPAD, HF), idx3d, dst3d, z_rows).reshape(2, NPAD, HF)
    s3 = _tc_layer(acc2, s2, deg3, W3, b2h)
    acc3 = _msg_kernel(s3.reshape(NC * NPAD, HF), idx3d, dst3d, z_rows).reshape(2, NPAD, HF)
    out = _tc_final(acc3, s3, deg3, b3h)
    return out[:N]

# --- scband reference (transcript-rebuilt; emitter-appended) ---
"""Pipeline reference for scband-gnn-25048249270527 (READ-ONLY COPY).

The authoritative reference and input builder live on the scoring server;
editing this copy changes nothing except your own understanding.
"""

import jax, jax.numpy as jnp
import numpy as np

N = 10000
E = 320000
D_IN = 128
D_HID = 256


def _gcn_conv(x, src, dst, norm, W, b, num_nodes):
    # PyG GCNConv: h = X W; out[i] = sum_j norm_ij * h[j]; out += b
    h = x @ W
    msg = h[src] * norm[:, None]
    out = jnp.zeros((num_nodes, h.shape[1]), dtype=h.dtype).at[dst].add(msg)
    return out + b


def _build_norm(edge_index, num_nodes):
    # add self loops + symmetric normalization D^{-1/2} (A+I) D^{-1/2}
    loop = jnp.arange(num_nodes, dtype=edge_index.dtype)
    src = jnp.concatenate([edge_index[0], loop])
    dst = jnp.concatenate([edge_index[1], loop])
    ones = jnp.ones(src.shape[0], dtype=jnp.float32)
    deg = jnp.zeros(num_nodes, dtype=jnp.float32).at[dst].add(ones)
    deg_inv_sqrt = jnp.where(deg > 0, deg ** -0.5, 0.0)
    norm = deg_inv_sqrt[src] * deg_inv_sqrt[dst]
    return src, dst, norm


def setup_inputs(seed: int = 0):
    key = jax.random.key(seed)
    ks = jax.random.split(key, 8)
    x = jax.random.normal(ks[0], (N, D_IN), dtype=jnp.float32)
    edge_index = jax.random.randint(ks[1], (2, E), 0, N, dtype=jnp.int32)
    W1 = jax.random.normal(ks[2], (D_IN, D_HID), dtype=jnp.float32) * (1.0 / np.sqrt(D_IN))
    b1 = jnp.zeros((D_HID,), dtype=jnp.float32)
    W2 = jax.random.normal(ks[3], (D_HID, D_HID), dtype=jnp.float32) * (1.0 / np.sqrt(D_HID))
    b2 = jnp.zeros((D_HID,), dtype=jnp.float32)
    W3 = jax.random.normal(ks[4], (D_HID, D_HID), dtype=jnp.float32) * (1.0 / np.sqrt(D_HID))
    b3 = jnp.zeros((D_HID,), dtype=jnp.float32)
    return {"x": x, "edge_index": edge_index, "W1": W1, "b1": b1, "W2": W2, "b2": b2, "W3": W3, "b3": b3}


def reference(x, edge_index, W1, b1, W2, b2, W3, b3):
    src, dst, norm = _build_norm(edge_index, N)
    h = _gcn_conv(x, src, dst, norm, W1, b1, N)
    h = jax.nn.relu(h)
    h = _gcn_conv(h, src, dst, norm, W2, b2, N)
    h = jax.nn.relu(h)
    h = _gcn_conv(h, src, dst, norm, W3, b3, N)
    return h

if __name__ == "__main__":
    import jax
    _d = setup_inputs()
    print(jax.jit(kernel)(*tuple(_d.values())))

</pallas_src>

<mosaic_0001>
#map = affine_map<(d0, d1) -> (0, 0)>
#map1 = affine_map<(d0, d1) -> (0, 0, 0, 0)>
#map2 = affine_map<(d0, d1) -> (0, 0, 0)>
module attributes {stable_mosaic.version = 14 : i64} {
  func.func @_msg_body(%arg0: i32, %arg1: i32, %arg2: memref<20480x128xf32, #tpu.memory_space<hbm>>, %arg3: memref<2x16x160x128xi32, #tpu.memory_space<hbm>>, %arg4: memref<16x160x128xi32, #tpu.memory_space<hbm>>, %arg5: memref<128x128xf32, #tpu.memory_space<hbm>>, %arg6: memref<20480x128xf32, #tpu.memory_space<hbm>>, %arg7: memref<10240x128xf32, #tpu.memory_space<vmem_shared>>, %arg8: memref<32x128xi32, #tpu.memory_space<vmem>>, %arg9: memref<32x128xi32, #tpu.memory_space<vmem>>, %arg10: memref<128x128xf32, #tpu.memory_space<vmem>>, %arg11: memref<128x128xf32, #tpu.memory_space<vmem>>, %arg12: memref<!tpu.dma_semaphore, #tpu.memory_space<semaphore_mem>>, %arg13: memref<!tpu.dma_semaphore, #tpu.memory_space<semaphore_mem>>, %arg14: memref<!tpu.dma_semaphore, #tpu.memory_space<semaphore_mem>>, %arg15: memref<!tpu.dma_semaphore, #tpu.memory_space<semaphore_mem>>) attributes {dimension_semantics = [#tpu.dimension_semantics<core_parallel>, #tpu.dimension_semantics<subcore_parallel>], iteration_bounds = array<i64: 2, 16>, scalar_prefetch = 0 : i64, scratch_operands = 9 : i64, tpu.core_type = #tpu.core_type<sc_vector_subcore>, window_params = [{transform_indices = #map}, {transform_indices = #map1}, {transform_indices = #map2}, {transform_indices = #map}, {transform_indices = #map}]} {
    %mul3A = arith.constant 640 : i32
    %mul3A_0 = arith.muli %arg1, %mul3A : i32
    "tpu.region"() ({
      %run_scoped3A = tpu.sem_alloc : memref<!tpu.dma_semaphore, #tpu.memory_space<semaphore_mem>>
      tpu.enqueue_dma source(%arg5 : memref<128x128xf32, #tpu.memory_space<hbm>>) target(%arg10 : memref<128x128xf32, #tpu.memory_space<vmem>>) target_semaphore(%run_scoped3A : memref<!tpu.dma_semaphore, #tpu.memory_space<semaphore_mem>>)
      tpu.wait_dma2 semaphore(%run_scoped3A : memref<!tpu.dma_semaphore, #tpu.memory_space<semaphore_mem>>) src(%arg5 : memref<128x128xf32, #tpu.memory_space<hbm>>) dst(%arg10 : memref<128x128xf32, #tpu.memory_space<vmem>>)
      tpu.yield
    }) : () -> ()
    %add3A = arith.constant 0 : i32
    %add3A_1 = arith.addi %mul3A_0, %add3A : i32
    "tpu.region"() ({
      %run_scoped3A = tpu.sem_alloc : memref<!tpu.dma_semaphore, #tpu.memory_space<semaphore_mem>>
      %dma_start3A = arith.constant 0 : i32
      %dma_start3A_36 = tpu.memref_slice %arg7[%add3A_1, %dma_start3A] : memref<10240x128xf32, #tpu.memory_space<vmem_shared>> -> memref<128x128xf32, #tpu.memory_space<vmem_shared>>
      %dma_start3A_37 = arith.constant 0 : i32
      %dma_start3A_38 = tpu.memref_slice %arg7[%add3A_1, %dma_start3A_37] : memref<10240x128xf32, #tpu.memory_space<vmem_shared>> -> memref<128x128xf32, #tpu.memory_space<vmem_shared>>
      tpu.enqueue_dma source(%arg10 : memref<128x128xf32, #tpu.memory_space<vmem>>) target(%dma_start3A_38 : memref<128x128xf32, #tpu.memory_space<vmem_shared>>) target_semaphore(%run_scoped3A : memref<!tpu.dma_semaphore, #tpu.memory_space<semaphore_mem>>)
      %dma_wait3A = arith.constant 0 : i32
      %dma_wait3A_39 = tpu.memref_slice %arg7[%add3A_1, %dma_wait3A] : memref<10240x128xf32, #tpu.memory_space<vmem_shared>> -> memref<128x128xf32, #tpu.memory_space<vmem_shared>>
      %dma_wait3A_40 = arith.constant 0 : i32
      %dma_wait3A_41 = tpu.memref_slice %arg7[%add3A_1, %dma_wait3A_40] : memref<10240x128xf32, #tpu.memory_space<vmem_shared>> -> memref<128x128xf32, #tpu.memory_space<vmem_shared>>
      tpu.wait_dma2 semaphore(%run_scoped3A : memref<!tpu.dma_semaphore, #tpu.memory_space<semaphore_mem>>) src(%arg10 : memref<128x128xf32, #tpu.memory_space<vmem>>) dst(%dma_wait3A_41 : memref<128x128xf32, #tpu.memory_space<vmem_shared>>)
      tpu.yield
    }) : () -> ()
    %add3A_2 = arith.constant 128 : i32
    %add3A_3 = arith.addi %mul3A_0, %add3A_2 : i32
    "tpu.region"() ({
      %run_scoped3A = tpu.sem_alloc : memref<!tpu.dma_semaphore, #tpu.memory_space<semaphore_mem>>
      %dma_start3A = arith.constant 0 : i32
      %dma_start3A_36 = tpu.memref_slice %arg7[%add3A_3, %dma_start3A] : memref<10240x128xf32, #tpu.memory_space<vmem_shared>> -> memref<128x128xf32, #tpu.memory_space<vmem_shared>>
      %dma_start3A_37 = arith.constant 0 : i32
      %dma_start3A_38 = tpu.memref_slice %arg7[%add3A_3, %dma_start3A_37] : memref<10240x128xf32, #tpu.memory_space<vmem_shared>> -> memref<128x128xf32, #tpu.memory_space<vmem_shared>>
      tpu.enqueue_dma source(%arg10 : memref<128x128xf32, #tpu.memory_space<vmem>>) target(%dma_start3A_38 : memref<128x128xf32, #tpu.memory_space<vmem_shared>>) target_semaphore(%run_scoped3A : memref<!tpu.dma_semaphore, #tpu.memory_space<semaphore_mem>>)
      %dma_wait3A = arith.constant 0 : i32
      %dma_wait3A_39 = tpu.memref_slice %arg7[%add3A_3, %dma_wait3A] : memref<10240x128xf32, #tpu.memory_space<vmem_shared>> -> memref<128x128xf32, #tpu.memory_space<vmem_shared>>
      %dma_wait3A_40 = arith.constant 0 : i32
      %dma_wait3A_41 = tpu.memref_slice %arg7[%add3A_3, %dma_wait3A_40] : memref<10240x128xf32, #tpu.memory_space<vmem_shared>> -> memref<128x128xf32, #tpu.memory_space<vmem_shared>>
      tpu.wait_dma2 semaphore(%run_scoped3A : memref<!tpu.dma_semaphore, #tpu.memory_space<semaphore_mem>>) src(%arg10 : memref<128x128xf32, #tpu.memory_space<vmem>>) dst(%dma_wait3A_41 : memref<128x128xf32, #tpu.memory_space<vmem_shared>>)
      tpu.yield
    }) : () -> ()
    %add3A_4 = arith.constant 256 : i32
    %add3A_5 = arith.addi %mul3A_0, %add3A_4 : i32
    "tpu.region"() ({
      %run_scoped3A = tpu.sem_alloc : memref<!tpu.dma_semaphore, #tpu.memory_space<semaphore_mem>>
      %dma_start3A = arith.constant 0 : i32
      %dma_start3A_36 = tpu.memref_slice %arg7[%add3A_5, %dma_start3A] : memref<10240x128xf32, #tpu.memory_space<vmem_shared>> -> memref<128x128xf32, #tpu.memory_space<vmem_shared>>
      %dma_start3A_37 = arith.constant 0 : i32
      %dma_start3A_38 = tpu.memref_slice %arg7[%add3A_5, %dma_start3A_37] : memref<10240x128xf32, #tpu.memory_space<vmem_shared>> -> memref<128x128xf32, #tpu.memory_space<vmem_shared>>
      tpu.enqueue_dma source(%arg10 : memref<128x128xf32, #tpu.memory_space<vmem>>) target(%dma_start3A_38 : memref<128x128xf32, #tpu.memory_space<vmem_shared>>) target_semaphore(%run_scoped3A : memref<!tpu.dma_semaphore, #tpu.memory_space<semaphore_mem>>)
      %dma_wait3A = arith.constant 0 : i32
      %dma_wait3A_39 = tpu.memref_slice %arg7[%add3A_5, %dma_wait3A] : memref<10240x128xf32, #tpu.memory_space<vmem_shared>> -> memref<128x128xf32, #tpu.memory_space<vmem_shared>>
      %dma_wait3A_40 = arith.constant 0 : i32
      %dma_wait3A_41 = tpu.memref_slice %arg7[%add3A_5, %dma_wait3A_40] : memref<10240x128xf32, #tpu.memory_space<vmem_shared>> -> memref<128x128xf32, #tpu.memory_space<vmem_shared>>
      tpu.wait_dma2 semaphore(%run_scoped3A : memref<!tpu.dma_semaphore, #tpu.memory_space<semaphore_mem>>) src(%arg10 : memref<128x128xf32, #tpu.memory_space<vmem>>) dst(%dma_wait3A_41 : memref<128x128xf32, #tpu.memory_space<vmem_shared>>)
      tpu.yield
    }) : () -> ()
    %add3A_6 = arith.constant 384 : i32
    %add3A_7 = arith.addi %mul3A_0, %add3A_6 : i32
    "tpu.region"() ({
      %run_scoped3A = tpu.sem_alloc : memref<!tpu.dma_semaphore, #tpu.memory_space<semaphore_mem>>
      %dma_start3A = arith.constant 0 : i32
      %dma_start3A_36 = tpu.memref_slice %arg7[%add3A_7, %dma_start3A] : memref<10240x128xf32, #tpu.memory_space<vmem_shared>> -> memref<128x128xf32, #tpu.memory_space<vmem_shared>>
      %dma_start3A_37 = arith.constant 0 : i32
      %dma_start3A_38 = tpu.memref_slice %arg7[%add3A_7, %dma_start3A_37] : memref<10240x128xf32, #tpu.memory_space<vmem_shared>> -> memref<128x128xf32, #tpu.memory_space<vmem_shared>>
      tpu.enqueue_dma source(%arg10 : memref<128x128xf32, #tpu.memory_space<vmem>>) target(%dma_start3A_38 : memref<128x128xf32, #tpu.memory_space<vmem_shared>>) target_semaphore(%run_scoped3A : memref<!tpu.dma_semaphore, #tpu.memory_space<semaphore_mem>>)
      %dma_wait3A = arith.constant 0 : i32
      %dma_wait3A_39 = tpu.memref_slice %arg7[%add3A_7, %dma_wait3A] : memref<10240x128xf32, #tpu.memory_space<vmem_shared>> -> memref<128x128xf32, #tpu.memory_space<vmem_shared>>
      %dma_wait3A_40 = arith.constant 0 : i32
      %dma_wait3A_41 = tpu.memref_slice %arg7[%add3A_7, %dma_wait3A_40] : memref<10240x128xf32, #tpu.memory_space<vmem_shared>> -> memref<128x128xf32, #tpu.memory_space<vmem_shared>>
      tpu.wait_dma2 semaphore(%run_scoped3A : memref<!tpu.dma_semaphore, #tpu.memory_space<semaphore_mem>>) src(%arg10 : memref<128x128xf32, #tpu.memory_space<vmem>>) dst(%dma_wait3A_41 : memref<128x128xf32, #tpu.memory_space<vmem_shared>>)
      tpu.yield
    }) : () -> ()
    %add3A_8 = arith.constant 512 : i32
    %add3A_9 = arith.addi %mul3A_0, %add3A_8 : i32
    "tpu.region"() ({
      %run_scoped3A = tpu.sem_alloc : memref<!tpu.dma_semaphore, #tpu.memory_space<semaphore_mem>>
      %dma_start3A = arith.constant 0 : i32
      %dma_start3A_36 = tpu.memref_slice %arg7[%add3A_9, %dma_start3A] : memref<10240x128xf32, #tpu.memory_space<vmem_shared>> -> memref<128x128xf32, #tpu.memory_space<vmem_shared>>
      %dma_start3A_37 = arith.constant 0 : i32
      %dma_start3A_38 = tpu.memref_slice %arg7[%add3A_9, %dma_start3A_37] : memref<10240x128xf32, #tpu.memory_space<vmem_shared>> -> memref<128x128xf32, #tpu.memory_space<vmem_shared>>
      tpu.enqueue_dma source(%arg10 : memref<128x128xf32, #tpu.memory_space<vmem>>) target(%dma_start3A_38 : memref<128x128xf32, #tpu.memory_space<vmem_shared>>) target_semaphore(%run_scoped3A : memref<!tpu.dma_semaphore, #tpu.memory_space<semaphore_mem>>)
      %dma_wait3A = arith.constant 0 : i32
      %dma_wait3A_39 = tpu.memref_slice %arg7[%add3A_9, %dma_wait3A] : memref<10240x128xf32, #tpu.memory_space<vmem_shared>> -> memref<128x128xf32, #tpu.memory_space<vmem_shared>>
      %dma_wait3A_40 = arith.constant 0 : i32
      %dma_wait3A_41 = tpu.memref_slice %arg7[%add3A_9, %dma_wait3A_40] : memref<10240x128xf32, #tpu.memory_space<vmem_shared>> -> memref<128x128xf32, #tpu.memory_space<vmem_shared>>
      tpu.wait_dma2 semaphore(%run_scoped3A : memref<!tpu.dma_semaphore, #tpu.memory_space<semaphore_mem>>) src(%arg10 : memref<128x128xf32, #tpu.memory_space<vmem>>) dst(%dma_wait3A_41 : memref<128x128xf32, #tpu.memory_space<vmem_shared>>)
      tpu.yield
    }) : () -> ()
    %lt3A = arith.constant 4 : i32
    %lt3A_10 = arith.cmpi slt, %arg1, %lt3A : i32
    %convert_element_type3A = arith.extui %lt3A_10 : i1 to i32
    %add3A_11 = arith.constant 156 : i32
    %add3A_12 = arith.addi %add3A_11, %convert_element_type3A : i32
    %barrier3A = arith.constant 0 : index
    tpu.barrier barrier_id(%barrier3A)
    %scan3A = arith.constant 0 : i32
    %scan3A_13 = arith.constant 0 : i32
    %scan3A_14 = arith.constant 5 : i32
    %scan3A_15 = arith.addi %scan3A_13, %scan3A_14 : i32
    %scan3A_16 = arith.constant 1 : i32
    scf.for %scan3A_36 = %scan3A_13 to %scan3A_15 step %scan3A_16  : i32 {
      %mul3A_37 = arith.constant 32 : i32
      %mul3A_38 = arith.muli %scan3A_36, %mul3A_37 : i32
      %sub3A = arith.subi %add3A_12, %mul3A_38 : i32
      %jit3A = arith.constant 0 : i32
      %jit3A_39 = arith.constant 32 : i32
      %max3A = arith.maxsi %jit3A, %sub3A : i32
      %min3A = arith.minsi %jit3A_39, %max3A : i32
      %lt3A_40 = arith.cmpi slt, %mul3A_38, %add3A_12 : i32
      %convert_element_type3A_41 = arith.extui %lt3A_40 : i1 to i32
      %cond3A = arith.constant 0 : i32
      %cond3A_42 = arith.cmpi ne, %convert_element_type3A_41, %cond3A : i32
      scf.if %cond3A_42 {
        "tpu.region"() ({
          %run_scoped3A = tpu.sem_alloc : memref<!tpu.dma_semaphore, #tpu.memory_space<semaphore_mem>>
          %dma_start3A_67 = arith.constant 0 : i32
          %dma_start3A_68 = tpu.memref_slice %arg3[%arg0, %arg1, %mul3A_38, %dma_start3A_67] : memref<2x16x160x128xi32, #tpu.memory_space<hbm>> -> memref<1x1x32x128xi32, #tpu.memory_space<hbm>>
          %dma_start3A_69 = tpu.memref_squeeze %dma_start3A_68 : memref<1x1x32x128xi32, #tpu.memory_space<hbm>> -> memref<32x128xi32, #tpu.memory_space<hbm>>
          %dma_start3A_70 = arith.constant 0 : i32
          %dma_start3A_71 = tpu.memref_slice %arg3[%arg0, %arg1, %mul3A_38, %dma_start3A_70] : memref<2x16x160x128xi32, #tpu.memory_space<hbm>> -> memref<1x1x32x128xi32, #tpu.memory_space<hbm>>
          %dma_start3A_72 = tpu.memref_squeeze %dma_start3A_71 : memref<1x1x32x128xi32, #tpu.memory_space<hbm>> -> memref<32x128xi32, #tpu.memory_space<hbm>>
          tpu.enqueue_dma source(%dma_start3A_72 : memref<32x128xi32, #tpu.memory_space<hbm>>) target(%arg8 : memref<32x128xi32, #tpu.memory_space<vmem>>) target_semaphore(%run_scoped3A : memref<!tpu.dma_semaphore, #tpu.memory_space<semaphore_mem>>)
          %dma_wait3A = arith.constant 0 : i32
          %dma_wait3A_73 = tpu.memref_slice %arg3[%arg0, %arg1, %mul3A_38, %dma_wait3A] : memref<2x16x160x128xi32, #tpu.memory_space<hbm>> -> memref<1x1x32x128xi32, #tpu.memory_space<hbm>>
          %dma_wait3A_74 = tpu.memref_squeeze %dma_wait3A_73 : memref<1x1x32x128xi32, #tpu.memory_space<hbm>> -> memref<32x128xi32, #tpu.memory_space<hbm>>
          %dma_wait3A_75 = arith.constant 0 : i32
          %dma_wait3A_76 = tpu.memref_slice %arg3[%arg0, %arg1, %mul3A_38, %dma_wait3A_75] : memref<2x16x160x128xi32, #tpu.memory_space<hbm>> -> memref<1x1x32x128xi32, #tpu.memory_space<hbm>>
          %dma_wait3A_77 = tpu.memref_squeeze %dma_wait3A_76 : memref<1x1x32x128xi32, #tpu.memory_space<hbm>> -> memref<32x128xi32, #tpu.memory_space<hbm>>
          tpu.wait_dma2 semaphore(%run_scoped3A : memref<!tpu.dma_semaphore, #tpu.memory_space<semaphore_mem>>) src(%dma_wait3A_77 : memref<32x128xi32, #tpu.memory_space<hbm>>) dst(%arg8 : memref<32x128xi32, #tpu.memory_space<vmem>>)
          tpu.yield
        }) : () -> ()
        "tpu.region"() ({
          %run_scoped3A = tpu.sem_alloc : memref<!tpu.dma_semaphore, #tpu.memory_space<semaphore_mem>>
          %dma_start3A_67 = arith.constant 0 : i32
          %dma_start3A_68 = tpu.memref_slice %arg4[%arg1, %mul3A_38, %dma_start3A_67] : memref<16x160x128xi32, #tpu.memory_space<hbm>> -> memref<1x32x128xi32, #tpu.memory_space<hbm>>
          %dma_start3A_69 = tpu.memref_squeeze %dma_start3A_68 : memref<1x32x128xi32, #tpu.memory_space<hbm>> -> memref<32x128xi32, #tpu.memory_space<hbm>>
          %dma_start3A_70 = arith.constant 0 : i32
          %dma_start3A_71 = tpu.memref_slice %arg4[%arg1, %mul3A_38, %dma_start3A_70] : memref<16x160x128xi32, #tpu.memory_space<hbm>> -> memref<1x32x128xi32, #tpu.memory_space<hbm>>
          %dma_start3A_72 = tpu.memref_squeeze %dma_start3A_71 : memref<1x32x128xi32, #tpu.memory_space<hbm>> -> memref<32x128xi32, #tpu.memory_space<hbm>>
          tpu.enqueue_dma source(%dma_start3A_72 : memref<32x128xi32, #tpu.memory_space<hbm>>) target(%arg9 : memref<32x128xi32, #tpu.memory_space<vmem>>) target_semaphore(%run_scoped3A : memref<!tpu.dma_semaphore, #tpu.memory_space<semaphore_mem>>)
          %dma_wait3A = arith.constant 0 : i32
          %dma_wait3A_73 = tpu.memref_slice %arg4[%arg1, %mul3A_38, %dma_wait3A] : memref<16x160x128xi32, #tpu.memory_space<hbm>> -> memref<1x32x128xi32, #tpu.memory_space<hbm>>
          %dma_wait3A_74 = tpu.memref_squeeze %dma_wait3A_73 : memref<1x32x128xi32, #tpu.memory_space<hbm>> -> memref<32x128xi32, #tpu.memory_space<hbm>>
          %dma_wait3A_75 = arith.constant 0 : i32
          %dma_wait3A_76 = tpu.memref_slice %arg4[%arg1, %mul3A_38, %dma_wait3A_75] : memref<16x160x128xi32, #tpu.memory_space<hbm>> -> memref<1x32x128xi32, #tpu.memory_space<hbm>>
          %dma_wait3A_77 = tpu.memref_squeeze %dma_wait3A_76 : memref<1x32x128xi32, #tpu.memory_space<hbm>> -> memref<32x128xi32, #tpu.memory_space<hbm>>
          tpu.wait_dma2 semaphore(%run_scoped3A : memref<!tpu.dma_semaphore, #tpu.memory_space<semaphore_mem>>) src(%dma_wait3A_77 : memref<32x128xi32, #tpu.memory_space<hbm>>) dst(%arg9 : memref<32x128xi32, #tpu.memory_space<vmem>>)
          tpu.yield
        }) : () -> ()
        %dma_start3A = arith.constant 0 : i32
        %dma_start3A_43 = arith.constant 0 : i32
        %dma_start3A_44 = tpu.memref_slice %arg8[%dma_start3A, %dma_start3A_43] : memref<32x128xi32, #tpu.memory_space<vmem>> -> memref<1x128xi32, #tpu.memory_space<vmem>>
        %dma_start3A_45 = tpu.memref_squeeze %dma_start3A_44 : memref<1x128xi32, #tpu.memory_space<vmem>> -> memref<128xi32, #tpu.memory_space<vmem>>
        %dma_start3A_46 = arith.constant 0 : i32
        %dma_start3A_47 = arith.constant 0 : i32
        %dma_start3A_48 = tpu.memref_slice %arg2[%dma_start3A_46, %dma_start3A_47] : memref<20480x128xf32, #tpu.memory_space<hbm>> -> memref<20480x128xf32, #tpu.memory_space<hbm>>
        tpu.enqueue_indirect_dma source(%dma_start3A_48 : memref<20480x128xf32, #tpu.memory_space<hbm>>) target(%arg10 : memref<128x128xf32, #tpu.memory_space<vmem>>) offsets(%dma_start3A_45 : memref<128xi32, #tpu.memory_space<vmem>>) semaphore(%arg12 : memref<!tpu.dma_semaphore, #tpu.memory_space<semaphore_mem>>)
        %scan3A_49 = arith.constant 0 : i32
        %scan3A_50 = arith.constant 0 : i32
        %scan3A_51 = arith.constant 16 : i32
        %scan3A_52 = arith.addi %scan3A_50, %scan3A_51 : i32
        %scan3A_53 = arith.constant 1 : i32
        scf.for %scan3A_67 = %scan3A_50 to %scan3A_52 step %scan3A_53  : i32 {
          %mul3A_68 = arith.constant 2 : i32
          %mul3A_69 = arith.muli %mul3A_68, %scan3A_67 : i32
          %add3A_70 = arith.constant 0 : i32
          %add3A_71 = arith.addi %mul3A_69, %add3A_70 : i32
          %add3A_72 = arith.addi %mul3A_38, %add3A_71 : i32
          %lt3A_73 = arith.cmpi slt, %add3A_72, %add3A_12 : i32
          %convert_element_type3A_74 = arith.extui %lt3A_73 : i1 to i32
          %cond3A_75 = arith.constant 0 : i32
          %cond3A_76 = arith.cmpi ne, %convert_element_type3A_74, %cond3A_75 : i32
          scf.if %cond3A_76 {
            %ge3A = arith.constant 1 : i32
            %ge3A_86 = arith.cmpi sge, %add3A_71, %ge3A : i32
            %convert_element_type3A_87 = arith.extui %ge3A_86 : i1 to i32
            %cond3A_88 = arith.constant 0 : i32
            %cond3A_89 = arith.cmpi ne, %convert_element_type3A_87, %cond3A_88 : i32
            scf.if %cond3A_89 {
              %dma_wait3A_111 = arith.constant 0 : i32
              %dma_wait3A_112 = arith.constant 0 : i32
              %dma_wait3A_113 = tpu.memref_slice %arg9[%dma_wait3A_111, %dma_wait3A_112] : memref<32x128xi32, #tpu.memory_space<vmem>> -> memref<1x128xi32, #tpu.memory_space<vmem>>
              %dma_wait3A_114 = tpu.memref_squeeze %dma_wait3A_113 : memref<1x128xi32, #tpu.memory_space<vmem>> -> memref<128xi32, #tpu.memory_space<vmem>>
              %dma_wait3A_115 = arith.constant 0 : i32
              %dma_wait3A_116 = arith.constant 0 : i32
              %dma_wait3A_117 = tpu.memref_slice %arg7[%dma_wait3A_115, %dma_wait3A_116] : memref<10240x128xf32, #tpu.memory_space<vmem_shared>> -> memref<10240x128xf32, #tpu.memory_space<vmem_shared>>
              tpu.wait_indirect_dma semaphore(%arg15 : memref<!tpu.dma_semaphore, #tpu.memory_space<semaphore_mem>>) src(%arg11 : memref<128x128xf32, #tpu.memory_space<vmem>>) dst(%dma_wait3A_117 : memref<10240x128xf32, #tpu.memory_space<vmem_shared>>)
            } else {
            }
            %add3A_90 = arith.constant 1 : i32
            %add3A_91 = arith.addi %add3A_71, %add3A_90 : i32
            %lt3A_92 = arith.constant 32 : i32
            %lt3A_93 = arith.cmpi slt, %add3A_91, %lt3A_92 : i32
            %add3A_94 = arith.constant 1 : i32
            %add3A_95 = arith.addi %add3A_72, %add3A_94 : i32
            %lt3A_96 = arith.cmpi slt, %add3A_95, %add3A_12 : i32
            %and3A = arith.andi %lt3A_93, %lt3A_96 : i1
            %convert_element_type3A_97 = arith.extui %and3A : i1 to i32
            %cond3A_98 = arith.constant 0 : i32
            %cond3A_99 = arith.cmpi ne, %convert_element_type3A_97, %cond3A_98 : i32
            scf.if %cond3A_99 {
              %add3A_111 = arith.constant 1 : i32
              %add3A_112 = arith.addi %add3A_71, %add3A_111 : i32
              %dma_start3A_113 = arith.constant 0 : i32
              %dma_start3A_114 = tpu.memref_slice %arg8[%add3A_112, %dma_start3A_113] : memref<32x128xi32, #tpu.memory_space<vmem>> -> memref<1x128xi32, #tpu.memory_space<vmem>>
              %dma_start3A_115 = tpu.memref_squeeze %dma_start3A_114 : memref<1x128xi32, #tpu.memory_space<vmem>> -> memref<128xi32, #tpu.memory_space<vmem>>
              %dma_start3A_116 = arith.constant 0 : i32
              %dma_start3A_117 = arith.constant 0 : i32
              %dma_start3A_118 = tpu.memref_slice %arg2[%dma_start3A_116, %dma_start3A_117] : memref<20480x128xf32, #tpu.memory_space<hbm>> -> memref<20480x128xf32, #tpu.memory_space<hbm>>
              tpu.enqueue_indirect_dma source(%dma_start3A_118 : memref<20480x128xf32, #tpu.memory_space<hbm>>) target(%arg11 : memref<128x128xf32, #tpu.memory_space<vmem>>) offsets(%dma_start3A_115 : memref<128xi32, #tpu.memory_space<vmem>>) semaphore(%arg13 : memref<!tpu.dma_semaphore, #tpu.memory_space<semaphore_mem>>)
            } else {
            }
            %dma_wait3A = arith.constant 0 : i32
            %dma_wait3A_100 = tpu.memref_slice %arg8[%add3A_71, %dma_wait3A] : memref<32x128xi32, #tpu.memory_space<vmem>> -> memref<1x128xi32, #tpu.memory_space<vmem>>
            %dma_wait3A_101 = tpu.memref_squeeze %dma_wait3A_100 : memref<1x128xi32, #tpu.memory_space<vmem>> -> memref<128xi32, #tpu.memory_space<vmem>>
            %dma_wait3A_102 = arith.constant 0 : i32
            %dma_wait3A_103 = arith.constant 0 : i32
            %dma_wait3A_104 = tpu.memref_slice %arg2[%dma_wait3A_102, %dma_wait3A_103] : memref<20480x128xf32, #tpu.memory_space<hbm>> -> memref<20480x128xf32, #tpu.memory_space<hbm>>
            tpu.wait_indirect_dma semaphore(%arg12 : memref<!tpu.dma_semaphore, #tpu.memory_space<semaphore_mem>>) src(%dma_wait3A_104 : memref<20480x128xf32, #tpu.memory_space<hbm>>) dst(%arg10 : memref<128x128xf32, #tpu.memory_space<vmem>>)
            %dma_start3A_105 = arith.constant 0 : i32
            %dma_start3A_106 = tpu.memref_slice %arg9[%add3A_71, %dma_start3A_105] : memref<32x128xi32, #tpu.memory_space<vmem>> -> memref<1x128xi32, #tpu.memory_space<vmem>>
            %dma_start3A_107 = tpu.memref_squeeze %dma_start3A_106 : memref<1x128xi32, #tpu.memory_space<vmem>> -> memref<128xi32, #tpu.memory_space<vmem>>
            %dma_start3A_108 = arith.constant 0 : i32
            %dma_start3A_109 = arith.constant 0 : i32
            %dma_start3A_110 = tpu.memref_slice %arg7[%dma_start3A_108, %dma_start3A_109] : memref<10240x128xf32, #tpu.memory_space<vmem_shared>> -> memref<10240x128xf32, #tpu.memory_space<vmem_shared>>
            tpu.enqueue_indirect_dma source(%arg10 : memref<128x128xf32, #tpu.memory_space<vmem>>) target(%dma_start3A_110 : memref<10240x128xf32, #tpu.memory_space<vmem_shared>>) offsets(%dma_start3A_107 : memref<128xi32, #tpu.memory_space<vmem>>) semaphore(%arg14 : memref<!tpu.dma_semaphore, #tpu.memory_space<semaphore_mem>>) {add = true}
          } else {
          }
          %mul3A_77 = arith.constant 2 : i32
          %mul3A_78 = arith.muli %mul3A_77, %scan3A_67 : i32
          %add3A_79 = arith.constant 1 : i32
          %add3A_80 = arith.addi %mul3A_78, %add3A_79 : i32
          %add3A_81 = arith.addi %mul3A_38, %add3A_80 : i32
          %lt3A_82 = arith.cmpi slt, %add3A_81, %add3A_12 : i32
          %convert_element_type3A_83 = arith.extui %lt3A_82 : i1 to i32
          %cond3A_84 = arith.constant 0 : i32
          %cond3A_85 = arith.cmpi ne, %convert_element_type3A_83, %cond3A_84 : i32
          scf.if %cond3A_85 {
            %dma_wait3A = arith.constant 0 : i32
            %dma_wait3A_86 = arith.constant 0 : i32
            %dma_wait3A_87 = tpu.memref_slice %arg9[%dma_wait3A, %dma_wait3A_86] : memref<32x128xi32, #tpu.memory_space<vmem>> -> memref<1x128xi32, #tpu.memory_space<vmem>>
            %dma_wait3A_88 = tpu.memref_squeeze %dma_wait3A_87 : memref<1x128xi32, #tpu.memory_space<vmem>> -> memref<128xi32, #tpu.memory_space<vmem>>
            %dma_wait3A_89 = arith.constant 0 : i32
            %dma_wait3A_90 = arith.constant 0 : i32
            %dma_wait3A_91 = tpu.memref_slice %arg7[%dma_wait3A_89, %dma_wait3A_90] : memref<10240x128xf32, #tpu.memory_space<vmem_shared>> -> memref<10240x128xf32, #tpu.memory_space<vmem_shared>>
            tpu.wait_indirect_dma semaphore(%arg14 : memref<!tpu.dma_semaphore, #tpu.memory_space<semaphore_mem>>) src(%arg10 : memref<128x128xf32, #tpu.memory_space<vmem>>) dst(%dma_wait3A_91 : memref<10240x128xf32, #tpu.memory_space<vmem_shared>>)
            %add3A_92 = arith.constant 1 : i32
            %add3A_93 = arith.addi %add3A_80, %add3A_92 : i32
            %lt3A_94 = arith.constant 32 : i32
            %lt3A_95 = arith.cmpi slt, %add3A_93, %lt3A_94 : i32
            %add3A_96 = arith.constant 1 : i32
            %add3A_97 = arith.addi %add3A_81, %add3A_96 : i32
            %lt3A_98 = arith.cmpi slt, %add3A_97, %add3A_12 : i32
            %and3A = arith.andi %lt3A_95, %lt3A_98 : i1
            %convert_element_type3A_99 = arith.extui %and3A : i1 to i32
            %cond3A_100 = arith.constant 0 : i32
            %cond3A_101 = arith.cmpi ne, %convert_element_type3A_99, %cond3A_100 : i32
            scf.if %cond3A_101 {
              %add3A_114 = arith.constant 1 : i32
              %add3A_115 = arith.addi %add3A_80, %add3A_114 : i32
              %dma_start3A_116 = arith.constant 0 : i32
              %dma_start3A_117 = tpu.memref_slice %arg8[%add3A_115, %dma_start3A_116] : memref<32x128xi32, #tpu.memory_space<vmem>> -> memref<1x128xi32, #tpu.memory_space<vmem>>
              %dma_start3A_118 = tpu.memref_squeeze %dma_start3A_117 : memref<1x128xi32, #tpu.memory_space<vmem>> -> memref<128xi32, #tpu.memory_space<vmem>>
              %dma_start3A_119 = arith.constant 0 : i32
              %dma_start3A_120 = arith.constant 0 : i32
              %dma_start3A_121 = tpu.memref_slice %arg2[%dma_start3A_119, %dma_start3A_120] : memref<20480x128xf32, #tpu.memory_space<hbm>> -> memref<20480x128xf32, #tpu.memory_space<hbm>>
              tpu.enqueue_indirect_dma source(%dma_start3A_121 : memref<20480x128xf32, #tpu.memory_space<hbm>>) target(%arg10 : memref<128x128xf32, #tpu.memory_space<vmem>>) offsets(%dma_start3A_118 : memref<128xi32, #tpu.memory_space<vmem>>) semaphore(%arg12 : memref<!tpu.dma_semaphore, #tpu.memory_space<semaphore_mem>>)
            } else {
            }
            %dma_wait3A_102 = arith.constant 0 : i32
            %dma_wait3A_103 = tpu.memref_slice %arg8[%add3A_80, %dma_wait3A_102] : memref<32x128xi32, #tpu.memory_space<vmem>> -> memref<1x128xi32, #tpu.memory_space<vmem>>
            %dma_wait3A_104 = tpu.memref_squeeze %dma_wait3A_103 : memref<1x128xi32, #tpu.memory_space<vmem>> -> memref<128xi32, #tpu.memory_space<vmem>>
            %dma_wait3A_105 = arith.constant 0 : i32
            %dma_wait3A_106 = arith.constant 0 : i32
            %dma_wait3A_107 = tpu.memref_slice %arg2[%dma_wait3A_105, %dma_wait3A_106] : memref<20480x128xf32, #tpu.memory_space<hbm>> -> memref<20480x128xf32, #tpu.memory_space<hbm>>
            tpu.wait_indirect_dma semaphore(%arg13 : memref<!tpu.dma_semaphore, #tpu.memory_space<semaphore_mem>>) src(%dma_wait3A_107 : memref<20480x128xf32, #tpu.memory_space<hbm>>) dst(%arg11 : memref<128x128xf32, #tpu.memory_space<vmem>>)
            %dma_start3A_108 = arith.constant 0 : i32
            %dma_start3A_109 = tpu.memref_slice %arg9[%add3A_80, %dma_start3A_108] : memref<32x128xi32, #tpu.memory_space<vmem>> -> memref<1x128xi32, #tpu.memory_space<vmem>>
            %dma_start3A_110 = tpu.memref_squeeze %dma_start3A_109 : memref<1x128xi32, #tpu.memory_space<vmem>> -> memref<128xi32, #tpu.memory_space<vmem>>
            %dma_start3A_111 = arith.constant 0 : i32
            %dma_start3A_112 = arith.constant 0 : i32
            %dma_start3A_113 = tpu.memref_slice %arg7[%dma_start3A_111, %dma_start3A_112] : memref<10240x128xf32, #tpu.memory_space<vmem_shared>> -> memref<10240x128xf32, #tpu.memory_space<vmem_shared>>
            tpu.enqueue_indirect_dma source(%arg11 : memref<128x128xf32, #tpu.memory_space<vmem>>) target(%dma_start3A_113 : memref<10240x128xf32, #tpu.memory_space<vmem_shared>>) offsets(%dma_start3A_110 : memref<128xi32, #tpu.memory_space<vmem>>) semaphore(%arg15 : memref<!tpu.dma_semaphore, #tpu.memory_space<semaphore_mem>>) {add = true}
          } else {
          }
        }
        %scan3A_54 = arith.constant 16 : i32
        %rem3A = arith.constant 2 : i32
        %rem3A_55 = arith.remsi %min3A, %rem3A : i32
        %eq3A = arith.constant 1 : i32
        %eq3A_56 = arith.cmpi eq, %rem3A_55, %eq3A : i32
        %convert_element_type3A_57 = arith.extui %eq3A_56 : i1 to i32
        %cond3A_58 = arith.constant 0 : i32
        %cond3A_59 = arith.cmpi ne, %convert_element_type3A_57, %cond3A_58 : i32
        scf.if %cond3A_59 {
          %dma_wait3A = arith.constant 0 : i32
          %dma_wait3A_67 = arith.constant 0 : i32
          %dma_wait3A_68 = tpu.memref_slice %arg9[%dma_wait3A, %dma_wait3A_67] : memref<32x128xi32, #tpu.memory_space<vmem>> -> memref<1x128xi32, #tpu.memory_space<vmem>>
          %dma_wait3A_69 = tpu.memref_squeeze %dma_wait3A_68 : memref<1x128xi32, #tpu.memory_space<vmem>> -> memref<128xi32, #tpu.memory_space<vmem>>
          %dma_wait3A_70 = arith.constant 0 : i32
          %dma_wait3A_71 = arith.constant 0 : i32
          %dma_wait3A_72 = tpu.memref_slice %arg7[%dma_wait3A_70, %dma_wait3A_71] : memref<10240x128xf32, #tpu.memory_space<vmem_shared>> -> memref<10240x128xf32, #tpu.memory_space<vmem_shared>>
          tpu.wait_indirect_dma semaphore(%arg14 : memref<!tpu.dma_semaphore, #tpu.memory_space<semaphore_mem>>) src(%arg10 : memref<128x128xf32, #tpu.memory_space<vmem>>) dst(%dma_wait3A_72 : memref<10240x128xf32, #tpu.memory_space<vmem_shared>>)
        } else {
        }
        %rem3A_60 = arith.constant 2 : i32
        %rem3A_61 = arith.remsi %min3A, %rem3A_60 : i32
        %eq3A_62 = arith.constant 0 : i32
        %eq3A_63 = arith.cmpi eq, %rem3A_61, %eq3A_62 : i32
        %convert_element_type3A_64 = arith.extui %eq3A_63 : i1 to i32
        %cond3A_65 = arith.constant 0 : i32
        %cond3A_66 = arith.cmpi ne, %convert_element_type3A_64, %cond3A_65 : i32
        scf.if %cond3A_66 {
          %dma_wait3A = arith.constant 0 : i32
          %dma_wait3A_67 = arith.constant 0 : i32
          %dma_wait3A_68 = tpu.memref_slice %arg9[%dma_wait3A, %dma_wait3A_67] : memref<32x128xi32, #tpu.memory_space<vmem>> -> memref<1x128xi32, #tpu.memory_space<vmem>>
          %dma_wait3A_69 = tpu.memref_squeeze %dma_wait3A_68 : memref<1x128xi32, #tpu.memory_space<vmem>> -> memref<128xi32, #tpu.memory_space<vmem>>
          %dma_wait3A_70 = arith.constant 0 : i32
          %dma_wait3A_71 = arith.constant 0 : i32
          %dma_wait3A_72 = tpu.memref_slice %arg7[%dma_wait3A_70, %dma_wait3A_71] : memref<10240x128xf32, #tpu.memory_space<vmem_shared>> -> memref<10240x128xf32, #tpu.memory_space<vmem_shared>>
          tpu.wait_indirect_dma semaphore(%arg15 : memref<!tpu.dma_semaphore, #tpu.memory_space<semaphore_mem>>) src(%arg11 : memref<128x128xf32, #tpu.memory_space<vmem>>) dst(%dma_wait3A_72 : memref<10240x128xf32, #tpu.memory_space<vmem_shared>>)
        } else {
        }
      } else {
      }
    }
    %scan3A_17 = arith.constant 5 : i32
    %barrier3A_18 = arith.constant 0 : index
    tpu.barrier barrier_id(%barrier3A_18)
    %mul3A_19 = arith.constant 10240 : i32
    %mul3A_20 = arith.muli %arg0, %mul3A_19 : i32
    %add3A_21 = arith.constant 0 : i32
    %add3A_22 = arith.addi %mul3A_0, %add3A_21 : i32
    "tpu.region"() ({
      %run_scoped3A = tpu.sem_alloc : memref<!tpu.dma_semaphore, #tpu.memory_space<semaphore_mem>>
      %dma_start3A = arith.constant 0 : i32
      %dma_start3A_36 = tpu.memref_slice %arg7[%add3A_22, %dma_start3A] : memref<10240x128xf32, #tpu.memory_space<vmem_shared>> -> memref<128x128xf32, #tpu.memory_space<vmem_shared>>
      %dma_start3A_37 = arith.constant 0 : i32
      %dma_start3A_38 = tpu.memref_slice %arg7[%add3A_22, %dma_start3A_37] : memref<10240x128xf32, #tpu.memory_space<vmem_shared>> -> memref<128x128xf32, #tpu.memory_space<vmem_shared>>
      tpu.enqueue_dma source(%dma_start3A_38 : memref<128x128xf32, #tpu.memory_space<vmem_shared>>) target(%arg10 : memref<128x128xf32, #tpu.memory_space<vmem>>) target_semaphore(%run_scoped3A : memref<!tpu.dma_semaphore, #tpu.memory_space<semaphore_mem>>)
      %dma_wait3A = arith.constant 0 : i32
      %dma_wait3A_39 = tpu.memref_slice %arg7[%add3A_22, %dma_wait3A] : memref<10240x128xf32, #tpu.memory_space<vmem_shared>> -> memref<128x128xf32, #tpu.memory_space<vmem_shared>>
      %dma_wait3A_40 = arith.constant 0 : i32
      %dma_wait3A_41 = tpu.memref_slice %arg7[%add3A_22, %dma_wait3A_40] : memref<10240x128xf32, #tpu.memory_space<vmem_shared>> -> memref<128x128xf32, #tpu.memory_space<vmem_shared>>
      tpu.wait_dma2 semaphore(%run_scoped3A : memref<!tpu.dma_semaphore, #tpu.memory_space<semaphore_mem>>) src(%dma_wait3A_41 : memref<128x128xf32, #tpu.memory_space<vmem_shared>>) dst(%arg10 : memref<128x128xf32, #tpu.memory_space<vmem>>)
      tpu.yield
    }) : () -> ()
    %add3A_23 = arith.addi %mul3A_20, %add3A_22 : i32
    "tpu.region"() ({
      %run_scoped3A = tpu.sem_alloc : memref<!tpu.dma_semaphore, #tpu.memory_space<semaphore_mem>>
      %dma_start3A = arith.constant 0 : i32
      %dma_start3A_36 = tpu.memref_slice %arg6[%add3A_23, %dma_start3A] : memref<20480x128xf32, #tpu.memory_space<hbm>> -> memref<128x128xf32, #tpu.memory_space<hbm>>
      %dma_start3A_37 = arith.constant 0 : i32
      %dma_start3A_38 = tpu.memref_slice %arg6[%add3A_23, %dma_start3A_37] : memref<20480x128xf32, #tpu.memory_space<hbm>> -> memref<128x128xf32, #tpu.memory_space<hbm>>
      tpu.enqueue_dma source(%arg10 : memref<128x128xf32, #tpu.memory_space<vmem>>) target(%dma_start3A_38 : memref<128x128xf32, #tpu.memory_space<hbm>>) target_semaphore(%run_scoped3A : memref<!tpu.dma_semaphore, #tpu.memory_space<semaphore_mem>>)
      %dma_wait3A = arith.constant 0 : i32
      %dma_wait3A_39 = tpu.memref_slice %arg6[%add3A_23, %dma_wait3A] : memref<20480x128xf32, #tpu.memory_space<hbm>> -> memref<128x128xf32, #tpu.memory_space<hbm>>
      %dma_wait3A_40 = arith.constant 0 : i32
      %dma_wait3A_41 = tpu.memref_slice %arg6[%add3A_23, %dma_wait3A_40] : memref<20480x128xf32, #tpu.memory_space<hbm>> -> memref<128x128xf32, #tpu.memory_space<hbm>>
      tpu.wait_dma2 semaphore(%run_scoped3A : memref<!tpu.dma_semaphore, #tpu.memory_space<semaphore_mem>>) src(%arg10 : memref<128x128xf32, #tpu.memory_space<vmem>>) dst(%dma_wait3A_41 : memref<128x128xf32, #tpu.memory_space<hbm>>)
      tpu.yield
    }) : () -> ()
    %add3A_24 = arith.constant 128 : i32
    %add3A_25 = arith.addi %mul3A_0, %add3A_24 : i32
    "tpu.region"() ({
      %run_scoped3A = tpu.sem_alloc : memref<!tpu.dma_semaphore, #tpu.memory_space<semaphore_mem>>
      %dma_start3A = arith.constant 0 : i32
      %dma_start3A_36 = tpu.memref_slice %arg7[%add3A_25, %dma_start3A] : memref<10240x128xf32, #tpu.memory_space<vmem_shared>> -> memref<128x128xf32, #tpu.memory_space<vmem_shared>>
      %dma_start3A_37 = arith.constant 0 : i32
      %dma_start3A_38 = tpu.memref_slice %arg7[%add3A_25, %dma_start3A_37] : memref<10240x128xf32, #tpu.memory_space<vmem_shared>> -> memref<128x128xf32, #tpu.memory_space<vmem_shared>>
      tpu.enqueue_dma source(%dma_start3A_38 : memref<128x128xf32, #tpu.memory_space<vmem_shared>>) target(%arg10 : memref<128x128xf32, #tpu.memory_space<vmem>>) target_semaphore(%run_scoped3A : memref<!tpu.dma_semaphore, #tpu.memory_space<semaphore_mem>>)
      %dma_wait3A = arith.constant 0 : i32
      %dma_wait3A_39 = tpu.memref_slice %arg7[%add3A_25, %dma_wait3A] : memref<10240x128xf32, #tpu.memory_space<vmem_shared>> -> memref<128x128xf32, #tpu.memory_space<vmem_shared>>
      %dma_wait3A_40 = arith.constant 0 : i32
      %dma_wait3A_41 = tpu.memref_slice %arg7[%add3A_25, %dma_wait3A_40] : memref<10240x128xf32, #tpu.memory_space<vmem_shared>> -> memref<128x128xf32, #tpu.memory_space<vmem_shared>>
      tpu.wait_dma2 semaphore(%run_scoped3A : memref<!tpu.dma_semaphore, #tpu.memory_space<semaphore_mem>>) src(%dma_wait3A_41 : memref<128x128xf32, #tpu.memory_space<vmem_shared>>) dst(%arg10 : memref<128x128xf32, #tpu.memory_space<vmem>>)
      tpu.yield
    }) : () -> ()
    %add3A_26 = arith.addi %mul3A_20, %add3A_25 : i32
    "tpu.region"() ({
      %run_scoped3A = tpu.sem_alloc : memref<!tpu.dma_semaphore, #tpu.memory_space<semaphore_mem>>
      %dma_start3A = arith.constant 0 : i32
      %dma_start3A_36 = tpu.memref_slice %arg6[%add3A_26, %dma_start3A] : memref<20480x128xf32, #tpu.memory_space<hbm>> -> memref<128x128xf32, #tpu.memory_space<hbm>>
      %dma_start3A_37 = arith.constant 0 : i32
      %dma_start3A_38 = tpu.memref_slice %arg6[%add3A_26, %dma_start3A_37] : memref<20480x128xf32, #tpu.memory_space<hbm>> -> memref<128x128xf32, #tpu.memory_space<hbm>>
      tpu.enqueue_dma source(%arg10 : memref<128x128xf32, #tpu.memory_space<vmem>>) target(%dma_start3A_38 : memref<128x128xf32, #tpu.memory_space<hbm>>) target_semaphore(%run_scoped3A : memref<!tpu.dma_semaphore, #tpu.memory_space<semaphore_mem>>)
      %dma_wait3A = arith.constant 0 : i32
      %dma_wait3A_39 = tpu.memref_slice %arg6[%add3A_26, %dma_wait3A] : memref<20480x128xf32, #tpu.memory_space<hbm>> -> memref<128x128xf32, #tpu.memory_space<hbm>>
      %dma_wait3A_40 = arith.constant 0 : i32
      %dma_wait3A_41 = tpu.memref_slice %arg6[%add3A_26, %dma_wait3A_40] : memref<20480x128xf32, #tpu.memory_space<hbm>> -> memref<128x128xf32, #tpu.memory_space<hbm>>
      tpu.wait_dma2 semaphore(%run_scoped3A : memref<!tpu.dma_semaphore, #tpu.memory_space<semaphore_mem>>) src(%arg10 : memref<128x128xf32, #tpu.memory_space<vmem>>) dst(%dma_wait3A_41 : memref<128x128xf32, #tpu.memory_space<hbm>>)
      tpu.yield
    }) : () -> ()
    %add3A_27 = arith.constant 256 : i32
    %add3A_28 = arith.addi %mul3A_0, %add3A_27 : i32
    "tpu.region"() ({
      %run_scoped3A = tpu.sem_alloc : memref<!tpu.dma_semaphore, #tpu.memory_space<semaphore_mem>>
      %dma_start3A = arith.constant 0 : i32
      %dma_start3A_36 = tpu.memref_slice %arg7[%add3A_28, %dma_start3A] : memref<10240x128xf32, #tpu.memory_space<vmem_shared>> -> memref<128x128xf32, #tpu.memory_space<vmem_shared>>
      %dma_start3A_37 = arith.constant 0 : i32
      %dma_start3A_38 = tpu.memref_slice %arg7[%add3A_28, %dma_start3A_37] : memref<10240x128xf32, #tpu.memory_space<vmem_shared>> -> memref<128x128xf32, #tpu.memory_space<vmem_shared>>
      tpu.enqueue_dma source(%dma_start3A_38 : memref<128x128xf32, #tpu.memory_space<vmem_shared>>) target(%arg10 : memref<128x128xf32, #tpu.memory_space<vmem>>) target_semaphore(%run_scoped3A : memref<!tpu.dma_semaphore, #tpu.memory_space<semaphore_mem>>)
      %dma_wait3A = arith.constant 0 : i32
      %dma_wait3A_39 = tpu.memref_slice %arg7[%add3A_28, %dma_wait3A] : memref<10240x128xf32, #tpu.memory_space<vmem_shared>> -> memref<128x128xf32, #tpu.memory_space<vmem_shared>>
      %dma_wait3A_40 = arith.constant 0 : i32
      %dma_wait3A_41 = tpu.memref_slice %arg7[%add3A_28, %dma_wait3A_40] : memref<10240x128xf32, #tpu.memory_space<vmem_shared>> -> memref<128x128xf32, #tpu.memory_space<vmem_shared>>
      tpu.wait_dma2 semaphore(%run_scoped3A : memref<!tpu.dma_semaphore, #tpu.memory_space<semaphore_mem>>) src(%dma_wait3A_41 : memref<128x128xf32, #tpu.memory_space<vmem_shared>>) dst(%arg10 : memref<128x128xf32, #tpu.memory_space<vmem>>)
      tpu.yield
    }) : () -> ()
    %add3A_29 = arith.addi %mul3A_20, %add3A_28 : i32
    "tpu.region"() ({
      %run_scoped3A = tpu.sem_alloc : memref<!tpu.dma_semaphore, #tpu.memory_space<semaphore_mem>>
      %dma_start3A = arith.constant 0 : i32
      %dma_start3A_36 = tpu.memref_slice %arg6[%add3A_29, %dma_start3A] : memref<20480x128xf32, #tpu.memory_space<hbm>> -> memref<128x128xf32, #tpu.memory_space<hbm>>
      %dma_start3A_37 = arith.constant 0 : i32
      %dma_start3A_38 = tpu.memref_slice %arg6[%add3A_29, %dma_start3A_37] : memref<20480x128xf32, #tpu.memory_space<hbm>> -> memref<128x128xf32, #tpu.memory_space<hbm>>
      tpu.enqueue_dma source(%arg10 : memref<128x128xf32, #tpu.memory_space<vmem>>) target(%dma_start3A_38 : memref<128x128xf32, #tpu.memory_space<hbm>>) target_semaphore(%run_scoped3A : memref<!tpu.dma_semaphore, #tpu.memory_space<semaphore_mem>>)
      %dma_wait3A = arith.constant 0 : i32
      %dma_wait3A_39 = tpu.memref_slice %arg6[%add3A_29, %dma_wait3A] : memref<20480x128xf32, #tpu.memory_space<hbm>> -> memref<128x128xf32, #tpu.memory_space<hbm>>
      %dma_wait3A_40 = arith.constant 0 : i32
      %dma_wait3A_41 = tpu.memref_slice %arg6[%add3A_29, %dma_wait3A_40] : memref<20480x128xf32, #tpu.memory_space<hbm>> -> memref<128x128xf32, #tpu.memory_space<hbm>>
      tpu.wait_dma2 semaphore(%run_scoped3A : memref<!tpu.dma_semaphore, #tpu.memory_space<semaphore_mem>>) src(%arg10 : memref<128x128xf32, #tpu.memory_space<vmem>>) dst(%dma_wait3A_41 : memref<128x128xf32, #tpu.memory_space<hbm>>)
      tpu.yield
    }) : () -> ()
    %add3A_30 = arith.constant 384 : i32
    %add3A_31 = arith.addi %mul3A_0, %add3A_30 : i32
    "tpu.region"() ({
      %run_scoped3A = tpu.sem_alloc : memref<!tpu.dma_semaphore, #tpu.memory_space<semaphore_mem>>
      %dma_start3A = arith.constant 0 : i32
      %dma_start3A_36 = tpu.memref_slice %arg7[%add3A_31, %dma_start3A] : memref<10240x128xf32, #tpu.memory_space<vmem_shared>> -> memref<128x128xf32, #tpu.memory_space<vmem_shared>>
      %dma_start3A_37 = arith.constant 0 : i32
      %dma_start3A_38 = tpu.memref_slice %arg7[%add3A_31, %dma_start3A_37] : memref<10240x128xf32, #tpu.memory_space<vmem_shared>> -> memref<128x128xf32, #tpu.memory_space<vmem_shared>>
      tpu.enqueue_dma source(%dma_start3A_38 : memref<128x128xf32, #tpu.memory_space<vmem_shared>>) target(%arg10 : memref<128x128xf32, #tpu.memory_space<vmem>>) target_semaphore(%run_scoped3A : memref<!tpu.dma_semaphore, #tpu.memory_space<semaphore_mem>>)
      %dma_wait3A = arith.constant 0 : i32
      %dma_wait3A_39 = tpu.memref_slice %arg7[%add3A_31, %dma_wait3A] : memref<10240x128xf32, #tpu.memory_space<vmem_shared>> -> memref<128x128xf32, #tpu.memory_space<vmem_shared>>
      %dma_wait3A_40 = arith.constant 0 : i32
      %dma_wait3A_41 = tpu.memref_slice %arg7[%add3A_31, %dma_wait3A_40] : memref<10240x128xf32, #tpu.memory_space<vmem_shared>> -> memref<128x128xf32, #tpu.memory_space<vmem_shared>>
      tpu.wait_dma2 semaphore(%run_scoped3A : memref<!tpu.dma_semaphore, #tpu.memory_space<semaphore_mem>>) src(%dma_wait3A_41 : memref<128x128xf32, #tpu.memory_space<vmem_shared>>) dst(%arg10 : memref<128x128xf32, #tpu.memory_space<vmem>>)
      tpu.yield
    }) : () -> ()
    %add3A_32 = arith.addi %mul3A_20, %add3A_31 : i32
    "tpu.region"() ({
      %run_scoped3A = tpu.sem_alloc : memref<!tpu.dma_semaphore, #tpu.memory_space<semaphore_mem>>
      %dma_start3A = arith.constant 0 : i32
      %dma_start3A_36 = tpu.memref_slice %arg6[%add3A_32, %dma_start3A] : memref<20480x128xf32, #tpu.memory_space<hbm>> -> memref<128x128xf32, #tpu.memory_space<hbm>>
      %dma_start3A_37 = arith.constant 0 : i32
      %dma_start3A_38 = tpu.memref_slice %arg6[%add3A_32, %dma_start3A_37] : memref<20480x128xf32, #tpu.memory_space<hbm>> -> memref<128x128xf32, #tpu.memory_space<hbm>>
      tpu.enqueue_dma source(%arg10 : memref<128x128xf32, #tpu.memory_space<vmem>>) target(%dma_start3A_38 : memref<128x128xf32, #tpu.memory_space<hbm>>) target_semaphore(%run_scoped3A : memref<!tpu.dma_semaphore, #tpu.memory_space<semaphore_mem>>)
      %dma_wait3A = arith.constant 0 : i32
      %dma_wait3A_39 = tpu.memref_slice %arg6[%add3A_32, %dma_wait3A] : memref<20480x128xf32, #tpu.memory_space<hbm>> -> memref<128x128xf32, #tpu.memory_space<hbm>>
      %dma_wait3A_40 = arith.constant 0 : i32
      %dma_wait3A_41 = tpu.memref_slice %arg6[%add3A_32, %dma_wait3A_40] : memref<20480x128xf32, #tpu.memory_space<hbm>> -> memref<128x128xf32, #tpu.memory_space<hbm>>
      tpu.wait_dma2 semaphore(%run_scoped3A : memref<!tpu.dma_semaphore, #tpu.memory_space<semaphore_mem>>) src(%arg10 : memref<128x128xf32, #tpu.memory_space<vmem>>) dst(%dma_wait3A_41 : memref<128x128xf32, #tpu.memory_space<hbm>>)
      tpu.yield
    }) : () -> ()
    %add3A_33 = arith.constant 512 : i32
    %add3A_34 = arith.addi %mul3A_0, %add3A_33 : i32
    "tpu.region"() ({
      %run_scoped3A = tpu.sem_alloc : memref<!tpu.dma_semaphore, #tpu.memory_space<semaphore_mem>>
      %dma_start3A = arith.constant 0 : i32
      %dma_start3A_36 = tpu.memref_slice %arg7[%add3A_34, %dma_start3A] : memref<10240x128xf32, #tpu.memory_space<vmem_shared>> -> memref<128x128xf32, #tpu.memory_space<vmem_shared>>
      %dma_start3A_37 = arith.constant 0 : i32
      %dma_start3A_38 = tpu.memref_slice %arg7[%add3A_34, %dma_start3A_37] : memref<10240x128xf32, #tpu.memory_space<vmem_shared>> -> memref<128x128xf32, #tpu.memory_space<vmem_shared>>
      tpu.enqueue_dma source(%dma_start3A_38 : memref<128x128xf32, #tpu.memory_space<vmem_shared>>) target(%arg10 : memref<128x128xf32, #tpu.memory_space<vmem>>) target_semaphore(%run_scoped3A : memref<!tpu.dma_semaphore, #tpu.memory_space<semaphore_mem>>)
      %dma_wait3A = arith.constant 0 : i32
      %dma_wait3A_39 = tpu.memref_slice %arg7[%add3A_34, %dma_wait3A] : memref<10240x128xf32, #tpu.memory_space<vmem_shared>> -> memref<128x128xf32, #tpu.memory_space<vmem_shared>>
      %dma_wait3A_40 = arith.constant 0 : i32
      %dma_wait3A_41 = tpu.memref_slice %arg7[%add3A_34, %dma_wait3A_40] : memref<10240x128xf32, #tpu.memory_space<vmem_shared>> -> memref<128x128xf32, #tpu.memory_space<vmem_shared>>
      tpu.wait_dma2 semaphore(%run_scoped3A : memref<!tpu.dma_semaphore, #tpu.memory_space<semaphore_mem>>) src(%dma_wait3A_41 : memref<128x128xf32, #tpu.memory_space<vmem_shared>>) dst(%arg10 : memref<128x128xf32, #tpu.memory_space<vmem>>)
      tpu.yield
    }) : () -> ()
    %add3A_35 = arith.addi %mul3A_20, %add3A_34 : i32
    "tpu.region"() ({
      %run_scoped3A = tpu.sem_alloc : memref<!tpu.dma_semaphore, #tpu.memory_space<semaphore_mem>>
      %dma_start3A = arith.constant 0 : i32
      %dma_start3A_36 = tpu.memref_slice %arg6[%add3A_35, %dma_start3A] : memref<20480x128xf32, #tpu.memory_space<hbm>> -> memref<128x128xf32, #tpu.memory_space<hbm>>
      %dma_start3A_37 = arith.constant 0 : i32
      %dma_start3A_38 = tpu.memref_slice %arg6[%add3A_35, %dma_start3A_37] : memref<20480x128xf32, #tpu.memory_space<hbm>> -> memref<128x128xf32, #tpu.memory_space<hbm>>
      tpu.enqueue_dma source(%arg10 : memref<128x128xf32, #tpu.memory_space<vmem>>) target(%dma_start3A_38 : memref<128x128xf32, #tpu.memory_space<hbm>>) target_semaphore(%run_scoped3A : memref<!tpu.dma_semaphore, #tpu.memory_space<semaphore_mem>>)
      %dma_wait3A = arith.constant 0 : i32
      %dma_wait3A_39 = tpu.memref_slice %arg6[%add3A_35, %dma_wait3A] : memref<20480x128xf32, #tpu.memory_space<hbm>> -> memref<128x128xf32, #tpu.memory_space<hbm>>
      %dma_wait3A_40 = arith.constant 0 : i32
      %dma_wait3A_41 = tpu.memref_slice %arg6[%add3A_35, %dma_wait3A_40] : memref<20480x128xf32, #tpu.memory_space<hbm>> -> memref<128x128xf32, #tpu.memory_space<hbm>>
      tpu.wait_dma2 semaphore(%run_scoped3A : memref<!tpu.dma_semaphore, #tpu.memory_space<semaphore_mem>>) src(%arg10 : memref<128x128xf32, #tpu.memory_space<vmem>>) dst(%dma_wait3A_41 : memref<128x128xf32, #tpu.memory_space<hbm>>)
      tpu.yield
    }) : () -> ()
    return
  }
}

#map = affine_map<(d0, d1) -> (0, 0, 0)>
#map1 = affine_map<(d0, d1) -> (0, 0)>
module attributes {stable_mosaic.version = 14 : i64} {
  func.func @body(%arg0: i32, %arg1: i32, %arg2: memref<16x160x128xi32, #tpu.memory_space<hbm>>, %arg3: memref<128x128xf32, #tpu.memory_space<hbm>>, %arg4: memref<128x128xf32, #tpu.memory_space<hbm>>, %arg5: memref<20480x128xf32, #tpu.memory_space<hbm>>, %arg6: memref<10240x128xf32, #tpu.memory_space<vmem_shared>>, %arg7: memref<32x128xi32, #tpu.memory_space<vmem>>, %arg8: memref<128x128xf32, #tpu.memory_space<vmem>>, %arg9: memref<128x128xf32, #tpu.memory_space<vmem>>, %arg10: memref<!tpu.dma_semaphore, #tpu.memory_space<semaphore_mem>>) attributes {dimension_semantics = [#tpu.dimension_semantics<core_parallel>, #tpu.dimension_semantics<subcore_parallel>], iteration_bounds = array<i64: 2, 16>, scalar_prefetch = 0 : i64, scratch_operands = 5 : i64, tpu.core_type = #tpu.core_type<sc_vector_subcore>, window_params = [{transform_indices = #map}, {transform_indices = #map1}, {transform_indices = #map1}, {transform_indices = #map1}]} {
    %mul3A = arith.constant 640 : i32
    %mul3A_0 = arith.muli %arg1, %mul3A : i32
    "tpu.region"() ({
      %run_scoped3A = tpu.sem_alloc : memref<!tpu.dma_semaphore, #tpu.memory_space<semaphore_mem>>
      tpu.enqueue_dma source(%arg3 : memref<128x128xf32, #tpu.memory_space<hbm>>) target(%arg8 : memref<128x128xf32, #tpu.memory_space<vmem>>) target_semaphore(%run_scoped3A : memref<!tpu.dma_semaphore, #tpu.memory_space<semaphore_mem>>)
      tpu.wait_dma2 semaphore(%run_scoped3A : memref<!tpu.dma_semaphore, #tpu.memory_space<semaphore_mem>>) src(%arg3 : memref<128x128xf32, #tpu.memory_space<hbm>>) dst(%arg8 : memref<128x128xf32, #tpu.memory_space<vmem>>)
      tpu.yield
    }) : () -> ()
    "tpu.region"() ({
      %run_scoped3A = tpu.sem_alloc : memref<!tpu.dma_semaphore, #tpu.memory_space<semaphore_mem>>
      tpu.enqueue_dma source(%arg4 : memref<128x128xf32, #tpu.memory_space<hbm>>) target(%arg9 : memref<128x128xf32, #tpu.memory_space<vmem>>) target_semaphore(%run_scoped3A : memref<!tpu.dma_semaphore, #tpu.memory_space<semaphore_mem>>)
      tpu.wait_dma2 semaphore(%run_scoped3A : memref<!tpu.dma_semaphore, #tpu.memory_space<semaphore_mem>>) src(%arg4 : memref<128x128xf32, #tpu.memory_space<hbm>>) dst(%arg9 : memref<128x128xf32, #tpu.memory_space<vmem>>)
      tpu.yield
    }) : () -> ()
    %add3A = arith.constant 0 : i32
    %add3A_1 = arith.addi %mul3A_0, %add3A : i32
    "tpu.region"() ({
      %run_scoped3A = tpu.sem_alloc : memref<!tpu.dma_semaphore, #tpu.memory_space<semaphore_mem>>
      %dma_start3A = arith.constant 0 : i32
      %dma_start3A_44 = tpu.memref_slice %arg6[%add3A_1, %dma_start3A] : memref<10240x128xf32, #tpu.memory_space<vmem_shared>> -> memref<128x128xf32, #tpu.memory_space<vmem_shared>>
      %dma_start3A_45 = arith.constant 0 : i32
      %dma_start3A_46 = tpu.memref_slice %arg6[%add3A_1, %dma_start3A_45] : memref<10240x128xf32, #tpu.memory_space<vmem_shared>> -> memref<128x128xf32, #tpu.memory_space<vmem_shared>>
      tpu.enqueue_dma source(%arg9 : memref<128x128xf32, #tpu.memory_space<vmem>>) target(%dma_start3A_46 : memref<128x128xf32, #tpu.memory_space<vmem_shared>>) target_semaphore(%run_scoped3A : memref<!tpu.dma_semaphore, #tpu.memory_space<semaphore_mem>>)
      %dma_wait3A = arith.constant 0 : i32
      %dma_wait3A_47 = tpu.memref_slice %arg6[%add3A_1, %dma_wait3A] : memref<10240x128xf32, #tpu.memory_space<vmem_shared>> -> memref<128x128xf32, #tpu.memory_space<vmem_shared>>
      %dma_wait3A_48 = arith.constant 0 : i32
      %dma_wait3A_49 = tpu.memref_slice %arg6[%add3A_1, %dma_wait3A_48] : memref<10240x128xf32, #tpu.memory_space<vmem_shared>> -> memref<128x128xf32, #tpu.memory_space<vmem_shared>>
      tpu.wait_dma2 semaphore(%run_scoped3A : memref<!tpu.dma_semaphore, #tpu.memory_space<semaphore_mem>>) src(%arg9 : memref<128x128xf32, #tpu.memory_space<vmem>>) dst(%dma_wait3A_49 : memref<128x128xf32, #tpu.memory_space<vmem_shared>>)
      tpu.yield
    }) : () -> ()
    %add3A_2 = arith.constant 128 : i32
    %add3A_3 = arith.addi %mul3A_0, %add3A_2 : i32
    "tpu.region"() ({
      %run_scoped3A = tpu.sem_alloc : memref<!tpu.dma_semaphore, #tpu.memory_space<semaphore_mem>>
      %dma_start3A = arith.constant 0 : i32
      %dma_start3A_44 = tpu.memref_slice %arg6[%add3A_3, %dma_start3A] : memref<10240x128xf32, #tpu.memory_space<vmem_shared>> -> memref<128x128xf32, #tpu.memory_space<vmem_shared>>
      %dma_start3A_45 = arith.constant 0 : i32
      %dma_start3A_46 = tpu.memref_slice %arg6[%add3A_3, %dma_start3A_45] : memref<10240x128xf32, #tpu.memory_space<vmem_shared>> -> memref<128x128xf32, #tpu.memory_space<vmem_shared>>
      tpu.enqueue_dma source(%arg9 : memref<128x128xf32, #tpu.memory_space<vmem>>) target(%dma_start3A_46 : memref<128x128xf32, #tpu.memory_space<vmem_shared>>) target_semaphore(%run_scoped3A : memref<!tpu.dma_semaphore, #tpu.memory_space<semaphore_mem>>)
      %dma_wait3A = arith.constant 0 : i32
      %dma_wait3A_47 = tpu.memref_slice %arg6[%add3A_3, %dma_wait3A] : memref<10240x128xf32, #tpu.memory_space<vmem_shared>> -> memref<128x128xf32, #tpu.memory_space<vmem_shared>>
      %dma_wait3A_48 = arith.constant 0 : i32
      %dma_wait3A_49 = tpu.memref_slice %arg6[%add3A_3, %dma_wait3A_48] : memref<10240x128xf32, #tpu.memory_space<vmem_shared>> -> memref<128x128xf32, #tpu.memory_space<vmem_shared>>
      tpu.wait_dma2 semaphore(%run_scoped3A : memref<!tpu.dma_semaphore, #tpu.memory_space<semaphore_mem>>) src(%arg9 : memref<128x128xf32, #tpu.memory_space<vmem>>) dst(%dma_wait3A_49 : memref<128x128xf32, #tpu.memory_space<vmem_shared>>)
      tpu.yield
    }) : () -> ()
    %add3A_4 = arith.constant 256 : i32
    %add3A_5 = arith.addi %mul3A_0, %add3A_4 : i32
    "tpu.region"() ({
      %run_scoped3A = tpu.sem_alloc : memref<!tpu.dma_semaphore, #tpu.memory_space<semaphore_mem>>
      %dma_start3A = arith.constant 0 : i32
      %dma_start3A_44 = tpu.memref_slice %arg6[%add3A_5, %dma_start3A] : memref<10240x128xf32, #tpu.memory_space<vmem_shared>> -> memref<128x128xf32, #tpu.memory_space<vmem_shared>>
      %dma_start3A_45 = arith.constant 0 : i32
      %dma_start3A_46 = tpu.memref_slice %arg6[%add3A_5, %dma_start3A_45] : memref<10240x128xf32, #tpu.memory_space<vmem_shared>> -> memref<128x128xf32, #tpu.memory_space<vmem_shared>>
      tpu.enqueue_dma source(%arg9 : memref<128x128xf32, #tpu.memory_space<vmem>>) target(%dma_start3A_46 : memref<128x128xf32, #tpu.memory_space<vmem_shared>>) target_semaphore(%run_scoped3A : memref<!tpu.dma_semaphore, #tpu.memory_space<semaphore_mem>>)
      %dma_wait3A = arith.constant 0 : i32
      %dma_wait3A_47 = tpu.memref_slice %arg6[%add3A_5, %dma_wait3A] : memref<10240x128xf32, #tpu.memory_space<vmem_shared>> -> memref<128x128xf32, #tpu.memory_space<vmem_shared>>
      %dma_wait3A_48 = arith.constant 0 : i32
      %dma_wait3A_49 = tpu.memref_slice %arg6[%add3A_5, %dma_wait3A_48] : memref<10240x128xf32, #tpu.memory_space<vmem_shared>> -> memref<128x128xf32, #tpu.memory_space<vmem_shared>>
      tpu.wait_dma2 semaphore(%run_scoped3A : memref<!tpu.dma_semaphore, #tpu.memory_space<semaphore_mem>>) src(%arg9 : memref<128x128xf32, #tpu.memory_space<vmem>>) dst(%dma_wait3A_49 : memref<128x128xf32, #tpu.memory_space<vmem_shared>>)
      tpu.yield
    }) : () -> ()
    %add3A_6 = arith.constant 384 : i32
    %add3A_7 = arith.addi %mul3A_0, %add3A_6 : i32
    "tpu.region"() ({
      %run_scoped3A = tpu.sem_alloc : memref<!tpu.dma_semaphore, #tpu.memory_space<semaphore_mem>>
      %dma_start3A = arith.constant 0 : i32
      %dma_start3A_44 = tpu.memref_slice %arg6[%add3A_7, %dma_start3A] : memref<10240x128xf32, #tpu.memory_space<vmem_shared>> -> memref<128x128xf32, #tpu.memory_space<vmem_shared>>
      %dma_start3A_45 = arith.constant 0 : i32
      %dma_start3A_46 = tpu.memref_slice %arg6[%add3A_7, %dma_start3A_45] : memref<10240x128xf32, #tpu.memory_space<vmem_shared>> -> memref<128x128xf32, #tpu.memory_space<vmem_shared>>
      tpu.enqueue_dma source(%arg9 : memref<128x128xf32, #tpu.memory_space<vmem>>) target(%dma_start3A_46 : memref<128x128xf32, #tpu.memory_space<vmem_shared>>) target_semaphore(%run_scoped3A : memref<!tpu.dma_semaphore, #tpu.memory_space<semaphore_mem>>)
      %dma_wait3A = arith.constant 0 : i32
      %dma_wait3A_47 = tpu.memref_slice %arg6[%add3A_7, %dma_wait3A] : memref<10240x128xf32, #tpu.memory_space<vmem_shared>> -> memref<128x128xf32, #tpu.memory_space<vmem_shared>>
      %dma_wait3A_48 = arith.constant 0 : i32
      %dma_wait3A_49 = tpu.memref_slice %arg6[%add3A_7, %dma_wait3A_48] : memref<10240x128xf32, #tpu.memory_space<vmem_shared>> -> memref<128x128xf32, #tpu.memory_space<vmem_shared>>
      tpu.wait_dma2 semaphore(%run_scoped3A : memref<!tpu.dma_semaphore, #tpu.memory_space<semaphore_mem>>) src(%arg9 : memref<128x128xf32, #tpu.memory_space<vmem>>) dst(%dma_wait3A_49 : memref<128x128xf32, #tpu.memory_space<vmem_shared>>)
      tpu.yield
    }) : () -> ()
    %add3A_8 = arith.constant 512 : i32
    %add3A_9 = arith.addi %mul3A_0, %add3A_8 : i32
    "tpu.region"() ({
      %run_scoped3A = tpu.sem_alloc : memref<!tpu.dma_semaphore, #tpu.memory_space<semaphore_mem>>
      %dma_start3A = arith.constant 0 : i32
      %dma_start3A_44 = tpu.memref_slice %arg6[%add3A_9, %dma_start3A] : memref<10240x128xf32, #tpu.memory_space<vmem_shared>> -> memref<128x128xf32, #tpu.memory_space<vmem_shared>>
      %dma_start3A_45 = arith.constant 0 : i32
      %dma_start3A_46 = tpu.memref_slice %arg6[%add3A_9, %dma_start3A_45] : memref<10240x128xf32, #tpu.memory_space<vmem_shared>> -> memref<128x128xf32, #tpu.memory_space<vmem_shared>>
      tpu.enqueue_dma source(%arg9 : memref<128x128xf32, #tpu.memory_space<vmem>>) target(%dma_start3A_46 : memref<128x128xf32, #tpu.memory_space<vmem_shared>>) target_semaphore(%run_scoped3A : memref<!tpu.dma_semaphore, #tpu.memory_space<semaphore_mem>>)
      %dma_wait3A = arith.constant 0 : i32
      %dma_wait3A_47 = tpu.memref_slice %arg6[%add3A_9, %dma_wait3A] : memref<10240x128xf32, #tpu.memory_space<vmem_shared>> -> memref<128x128xf32, #tpu.memory_space<vmem_shared>>
      %dma_wait3A_48 = arith.constant 0 : i32
      %dma_wait3A_49 = tpu.memref_slice %arg6[%add3A_9, %dma_wait3A_48] : memref<10240x128xf32, #tpu.memory_space<vmem_shared>> -> memref<128x128xf32, #tpu.memory_space<vmem_shared>>
      tpu.wait_dma2 semaphore(%run_scoped3A : memref<!tpu.dma_semaphore, #tpu.memory_space<semaphore_mem>>) src(%arg9 : memref<128x128xf32, #tpu.memory_space<vmem>>) dst(%dma_wait3A_49 : memref<128x128xf32, #tpu.memory_space<vmem_shared>>)
      tpu.yield
    }) : () -> ()
    %lt3A = arith.constant 4 : i32
    %lt3A_10 = arith.cmpi slt, %arg1, %lt3A : i32
    %convert_element_type3A = arith.extui %lt3A_10 : i1 to i32
    %add3A_11 = arith.constant 156 : i32
    %add3A_12 = arith.addi %add3A_11, %convert_element_type3A : i32
    %barrier3A = arith.constant 0 : index
    tpu.barrier barrier_id(%barrier3A)
    %scan3A = arith.constant 0 : i32
    %scan3A_13 = arith.constant 0 : i32
    %scan3A_14 = arith.constant 5 : i32
    %scan3A_15 = arith.addi %scan3A_13, %scan3A_14 : i32
    %scan3A_16 = arith.constant 1 : i32
    scf.for %scan3A_44 = %scan3A_13 to %scan3A_15 step %scan3A_16  : i32 {
      %mul3A_45 = arith.constant 32 : i32
      %mul3A_46 = arith.muli %scan3A_44, %mul3A_45 : i32
      %lt3A_47 = arith.cmpi slt, %mul3A_46, %add3A_12 : i32
      %convert_element_type3A_48 = arith.extui %lt3A_47 : i1 to i32
      %cond3A = arith.constant 0 : i32
      %cond3A_49 = arith.cmpi ne, %convert_element_type3A_48, %cond3A : i32
      scf.if %cond3A_49 {
        "tpu.region"() ({
          %run_scoped3A = tpu.sem_alloc : memref<!tpu.dma_semaphore, #tpu.memory_space<semaphore_mem>>
          %dma_start3A = arith.constant 0 : i32
          %dma_start3A_66 = tpu.memref_slice %arg2[%arg1, %mul3A_46, %dma_start3A] : memref<16x160x128xi32, #tpu.memory_space<hbm>> -> memref<1x32x128xi32, #tpu.memory_space<hbm>>
          %dma_start3A_67 = tpu.memref_squeeze %dma_start3A_66 : memref<1x32x128xi32, #tpu.memory_space<hbm>> -> memref<32x128xi32, #tpu.memory_space<hbm>>
          %dma_start3A_68 = arith.constant 0 : i32
          %dma_start3A_69 = tpu.memref_slice %arg2[%arg1, %mul3A_46, %dma_start3A_68] : memref<16x160x128xi32, #tpu.memory_space<hbm>> -> memref<1x32x128xi32, #tpu.memory_space<hbm>>
          %dma_start3A_70 = tpu.memref_squeeze %dma_start3A_69 : memref<1x32x128xi32, #tpu.memory_space<hbm>> -> memref<32x128xi32, #tpu.memory_space<hbm>>
          tpu.enqueue_dma source(%dma_start3A_70 : memref<32x128xi32, #tpu.memory_space<hbm>>) target(%arg7 : memref<32x128xi32, #tpu.memory_space<vmem>>) target_semaphore(%run_scoped3A : memref<!tpu.dma_semaphore, #tpu.memory_space<semaphore_mem>>)
          %dma_wait3A = arith.constant 0 : i32
          %dma_wait3A_71 = tpu.memref_slice %arg2[%arg1, %mul3A_46, %dma_wait3A] : memref<16x160x128xi32, #tpu.memory_space<hbm>> -> memref<1x32x128xi32, #tpu.memory_space<hbm>>
          %dma_wait3A_72 = tpu.memref_squeeze %dma_wait3A_71 : memref<1x32x128xi32, #tpu.memory_space<hbm>> -> memref<32x128xi32, #tpu.memory_space<hbm>>
          %dma_wait3A_73 = arith.constant 0 : i32
          %dma_wait3A_74 = tpu.memref_slice %arg2[%arg1, %mul3A_46, %dma_wait3A_73] : memref<16x160x128xi32, #tpu.memory_space<hbm>> -> memref<1x32x128xi32, #tpu.memory_space<hbm>>
          %dma_wait3A_75 = tpu.memref_squeeze %dma_wait3A_74 : memref<1x32x128xi32, #tpu.memory_space<hbm>> -> memref<32x128xi32, #tpu.memory_space<hbm>>
          tpu.wait_dma2 semaphore(%run_scoped3A : memref<!tpu.dma_semaphore, #tpu.memory_space<semaphore_mem>>) src(%dma_wait3A_75 : memref<32x128xi32, #tpu.memory_space<hbm>>) dst(%arg7 : memref<32x128xi32, #tpu.memory_space<vmem>>)
          tpu.yield
        }) : () -> ()
        %sub3A = arith.subi %add3A_12, %mul3A_46 : i32
        %jit3A = arith.constant 0 : i32
        %jit3A_50 = arith.constant 32 : i32
        %max3A = arith.maxsi %jit3A, %sub3A : i32
        %min3A = arith.minsi %jit3A_50, %max3A : i32
        %scan3A_51 = arith.constant 0 : i32
        %scan3A_52 = arith.constant 0 : i32
        %scan3A_53 = arith.constant 32 : i32
        %scan3A_54 = arith.addi %scan3A_52, %scan3A_53 : i32
        %scan3A_55 = arith.constant 1 : i32
        scf.for %scan3A_66 = %scan3A_52 to %scan3A_54 step %scan3A_55  : i32 {
          %add3A_67 = arith.addi %mul3A_46, %scan3A_66 : i32
          %lt3A_68 = arith.cmpi slt, %add3A_67, %add3A_12 : i32
          %convert_element_type3A_69 = arith.extui %lt3A_68 : i1 to i32
          %cond3A_70 = arith.constant 0 : i32
          %cond3A_71 = arith.cmpi ne, %convert_element_type3A_69, %cond3A_70 : i32
          scf.if %cond3A_71 {
            %dma_start3A = arith.constant 0 : i32
            %dma_start3A_72 = tpu.memref_slice %arg7[%scan3A_66, %dma_start3A] : memref<32x128xi32, #tpu.memory_space<vmem>> -> memref<1x128xi32, #tpu.memory_space<vmem>>
            %dma_start3A_73 = tpu.memref_squeeze %dma_start3A_72 : memref<1x128xi32, #tpu.memory_space<vmem>> -> memref<128xi32, #tpu.memory_space<vmem>>
            %dma_start3A_74 = arith.constant 0 : i32
            %dma_start3A_75 = arith.constant 0 : i32
            %dma_start3A_76 = tpu.memref_slice %arg6[%dma_start3A_74, %dma_start3A_75] : memref<10240x128xf32, #tpu.memory_space<vmem_shared>> -> memref<10240x128xf32, #tpu.memory_space<vmem_shared>>
            tpu.enqueue_indirect_dma source(%arg8 : memref<128x128xf32, #tpu.memory_space<vmem>>) target(%dma_start3A_76 : memref<10240x128xf32, #tpu.memory_space<vmem_shared>>) offsets(%dma_start3A_73 : memref<128xi32, #tpu.memory_space<vmem>>) semaphore(%arg10 : memref<!tpu.dma_semaphore, #tpu.memory_space<semaphore_mem>>) {add = true}
            %ge3A_77 = arith.constant 2 : i32
            %ge3A_78 = arith.cmpi sge, %scan3A_66, %ge3A_77 : i32
            %convert_element_type3A_79 = arith.extui %ge3A_78 : i1 to i32
            %cond3A_80 = arith.constant 0 : i32
            %cond3A_81 = arith.cmpi ne, %convert_element_type3A_79, %cond3A_80 : i32
            scf.if %cond3A_81 {
              %dma_wait3A = arith.constant 0 : i32
              %dma_wait3A_82 = arith.constant 0 : i32
              %dma_wait3A_83 = tpu.memref_slice %arg7[%dma_wait3A, %dma_wait3A_82] : memref<32x128xi32, #tpu.memory_space<vmem>> -> memref<1x128xi32, #tpu.memory_space<vmem>>
              %dma_wait3A_84 = tpu.memref_squeeze %dma_wait3A_83 : memref<1x128xi32, #tpu.memory_space<vmem>> -> memref<128xi32, #tpu.memory_space<vmem>>
              %dma_wait3A_85 = arith.constant 0 : i32
              %dma_wait3A_86 = arith.constant 0 : i32
              %dma_wait3A_87 = tpu.memref_slice %arg6[%dma_wait3A_85, %dma_wait3A_86] : memref<10240x128xf32, #tpu.memory_space<vmem_shared>> -> memref<10240x128xf32, #tpu.memory_space<vmem_shared>>
              tpu.wait_indirect_dma semaphore(%arg10 : memref<!tpu.dma_semaphore, #tpu.memory_space<semaphore_mem>>) src(%arg8 : memref<128x128xf32, #tpu.memory_space<vmem>>) dst(%dma_wait3A_87 : memref<10240x128xf32, #tpu.memory_space<vmem_shared>>)
            } else {
            }
          } else {
          }
        }
        %scan3A_56 = arith.constant 32 : i32
        %ge3A = arith.constant 1 : i32
        %ge3A_57 = arith.cmpi sge, %min3A, %ge3A : i32
        %convert_element_type3A_58 = arith.extui %ge3A_57 : i1 to i32
        %cond3A_59 = arith.constant 0 : i32
        %cond3A_60 = arith.cmpi ne, %convert_element_type3A_58, %cond3A_59 : i32
        scf.if %cond3A_60 {
          %dma_wait3A = arith.constant 0 : i32
          %dma_wait3A_66 = arith.constant 0 : i32
          %dma_wait3A_67 = tpu.memref_slice %arg7[%dma_wait3A, %dma_wait3A_66] : memref<32x128xi32, #tpu.memory_space<vmem>> -> memref<1x128xi32, #tpu.memory_space<vmem>>
          %dma_wait3A_68 = tpu.memref_squeeze %dma_wait3A_67 : memref<1x128xi32, #tpu.memory_space<vmem>> -> memref<128xi32, #tpu.memory_space<vmem>>
          %dma_wait3A_69 = arith.constant 0 : i32
          %dma_wait3A_70 = arith.constant 0 : i32
          %dma_wait3A_71 = tpu.memref_slice %arg6[%dma_wait3A_69, %dma_wait3A_70] : memref<10240x128xf32, #tpu.memory_space<vmem_shared>> -> memref<10240x128xf32, #tpu.memory_space<vmem_shared>>
          tpu.wait_indirect_dma semaphore(%arg10 : memref<!tpu.dma_semaphore, #tpu.memory_space<semaphore_mem>>) src(%arg8 : memref<128x128xf32, #tpu.memory_space<vmem>>) dst(%dma_wait3A_71 : memref<10240x128xf32, #tpu.memory_space<vmem_shared>>)
        } else {
        }
        %ge3A_61 = arith.constant 2 : i32
        %ge3A_62 = arith.cmpi sge, %min3A, %ge3A_61 : i32
        %convert_element_type3A_63 = arith.extui %ge3A_62 : i1 to i32
        %cond3A_64 = arith.constant 0 : i32
        %cond3A_65 = arith.cmpi ne, %convert_element_type3A_63, %cond3A_64 : i32
        scf.if %cond3A_65 {
          %dma_wait3A = arith.constant 0 : i32
          %dma_wait3A_66 = arith.constant 0 : i32
          %dma_wait3A_67 = tpu.memref_slice %arg7[%dma_wait3A, %dma_wait3A_66] : memref<32x128xi32, #tpu.memory_space<vmem>> -> memref<1x128xi32, #tpu.memory_space<vmem>>
          %dma_wait3A_68 = tpu.memref_squeeze %dma_wait3A_67 : memref<1x128xi32, #tpu.memory_space<vmem>> -> memref<128xi32, #tpu.memory_space<vmem>>
          %dma_wait3A_69 = arith.constant 0 : i32
          %dma_wait3A_70 = arith.constant 0 : i32
          %dma_wait3A_71 = tpu.memref_slice %arg6[%dma_wait3A_69, %dma_wait3A_70] : memref<10240x128xf32, #tpu.memory_space<vmem_shared>> -> memref<10240x128xf32, #tpu.memory_space<vmem_shared>>
          tpu.wait_indirect_dma semaphore(%arg10 : memref<!tpu.dma_semaphore, #tpu.memory_space<semaphore_mem>>) src(%arg8 : memref<128x128xf32, #tpu.memory_space<vmem>>) dst(%dma_wait3A_71 : memref<10240x128xf32, #tpu.memory_space<vmem_shared>>)
        } else {
        }
      } else {
      }
    }
    %scan3A_17 = arith.constant 5 : i32
    %barrier3A_18 = arith.constant 0 : index
    tpu.barrier barrier_id(%barrier3A_18)
    %add3A_19 = arith.constant 0 : i32
    %add3A_20 = arith.addi %mul3A_0, %add3A_19 : i32
    "tpu.region"() ({
      %run_scoped3A = tpu.sem_alloc : memref<!tpu.dma_semaphore, #tpu.memory_space<semaphore_mem>>
      %dma_start3A = arith.constant 0 : i32
      %dma_start3A_44 = tpu.memref_slice %arg6[%add3A_20, %dma_start3A] : memref<10240x128xf32, #tpu.memory_space<vmem_shared>> -> memref<128x128xf32, #tpu.memory_space<vmem_shared>>
      %dma_start3A_45 = arith.constant 0 : i32
      %dma_start3A_46 = tpu.memref_slice %arg6[%add3A_20, %dma_start3A_45] : memref<10240x128xf32, #tpu.memory_space<vmem_shared>> -> memref<128x128xf32, #tpu.memory_space<vmem_shared>>
      tpu.enqueue_dma source(%dma_start3A_46 : memref<128x128xf32, #tpu.memory_space<vmem_shared>>) target(%arg9 : memref<128x128xf32, #tpu.memory_space<vmem>>) target_semaphore(%run_scoped3A : memref<!tpu.dma_semaphore, #tpu.memory_space<semaphore_mem>>)
      %dma_wait3A = arith.constant 0 : i32
      %dma_wait3A_47 = tpu.memref_slice %arg6[%add3A_20, %dma_wait3A] : memref<10240x128xf32, #tpu.memory_space<vmem_shared>> -> memref<128x128xf32, #tpu.memory_space<vmem_shared>>
      %dma_wait3A_48 = arith.constant 0 : i32
      %dma_wait3A_49 = tpu.memref_slice %arg6[%add3A_20, %dma_wait3A_48] : memref<10240x128xf32, #tpu.memory_space<vmem_shared>> -> memref<128x128xf32, #tpu.memory_space<vmem_shared>>
      tpu.wait_dma2 semaphore(%run_scoped3A : memref<!tpu.dma_semaphore, #tpu.memory_space<semaphore_mem>>) src(%dma_wait3A_49 : memref<128x128xf32, #tpu.memory_space<vmem_shared>>) dst(%arg9 : memref<128x128xf32, #tpu.memory_space<vmem>>)
      tpu.yield
    }) : () -> ()
    %mul3A_21 = arith.constant 10240 : i32
    %mul3A_22 = arith.muli %arg0, %mul3A_21 : i32
    %add3A_23 = arith.addi %mul3A_22, %add3A_20 : i32
    "tpu.region"() ({
      %run_scoped3A = tpu.sem_alloc : memref<!tpu.dma_semaphore, #tpu.memory_space<semaphore_mem>>
      %dma_start3A = arith.constant 0 : i32
      %dma_start3A_44 = tpu.memref_slice %arg5[%add3A_23, %dma_start3A] : memref<20480x128xf32, #tpu.memory_space<hbm>> -> memref<128x128xf32, #tpu.memory_space<hbm>>
      %dma_start3A_45 = arith.constant 0 : i32
      %dma_start3A_46 = tpu.memref_slice %arg5[%add3A_23, %dma_start3A_45] : memref<20480x128xf32, #tpu.memory_space<hbm>> -> memref<128x128xf32, #tpu.memory_space<hbm>>
      tpu.enqueue_dma source(%arg9 : memref<128x128xf32, #tpu.memory_space<vmem>>) target(%dma_start3A_46 : memref<128x128xf32, #tpu.memory_space<hbm>>) target_semaphore(%run_scoped3A : memref<!tpu.dma_semaphore, #tpu.memory_space<semaphore_mem>>)
      %dma_wait3A = arith.constant 0 : i32
      %dma_wait3A_47 = tpu.memref_slice %arg5[%add3A_23, %dma_wait3A] : memref<20480x128xf32, #tpu.memory_space<hbm>> -> memref<128x128xf32, #tpu.memory_space<hbm>>
      %dma_wait3A_48 = arith.constant 0 : i32
      %dma_wait3A_49 = tpu.memref_slice %arg5[%add3A_23, %dma_wait3A_48] : memref<20480x128xf32, #tpu.memory_space<hbm>> -> memref<128x128xf32, #tpu.memory_space<hbm>>
      tpu.wait_dma2 semaphore(%run_scoped3A : memref<!tpu.dma_semaphore, #tpu.memory_space<semaphore_mem>>) src(%arg9 : memref<128x128xf32, #tpu.memory_space<vmem>>) dst(%dma_wait3A_49 : memref<128x128xf32, #tpu.memory_space<hbm>>)
      tpu.yield
    }) : () -> ()
    %add3A_24 = arith.constant 128 : i32
    %add3A_25 = arith.addi %mul3A_0, %add3A_24 : i32
    "tpu.region"() ({
      %run_scoped3A = tpu.sem_alloc : memref<!tpu.dma_semaphore, #tpu.memory_space<semaphore_mem>>
      %dma_start3A = arith.constant 0 : i32
      %dma_start3A_44 = tpu.memref_slice %arg6[%add3A_25, %dma_start3A] : memref<10240x128xf32, #tpu.memory_space<vmem_shared>> -> memref<128x128xf32, #tpu.memory_space<vmem_shared>>
      %dma_start3A_45 = arith.constant 0 : i32
      %dma_start3A_46 = tpu.memref_slice %arg6[%add3A_25, %dma_start3A_45] : memref<10240x128xf32, #tpu.memory_space<vmem_shared>> -> memref<128x128xf32, #tpu.memory_space<vmem_shared>>
      tpu.enqueue_dma source(%dma_start3A_46 : memref<128x128xf32, #tpu.memory_space<vmem_shared>>) target(%arg9 : memref<128x128xf32, #tpu.memory_space<vmem>>) target_semaphore(%run_scoped3A : memref<!tpu.dma_semaphore, #tpu.memory_space<semaphore_mem>>)
      %dma_wait3A = arith.constant 0 : i32
      %dma_wait3A_47 = tpu.memref_slice %arg6[%add3A_25, %dma_wait3A] : memref<10240x128xf32, #tpu.memory_space<vmem_shared>> -> memref<128x128xf32, #tpu.memory_space<vmem_shared>>
      %dma_wait3A_48 = arith.constant 0 : i32
      %dma_wait3A_49 = tpu.memref_slice %arg6[%add3A_25, %dma_wait3A_48] : memref<10240x128xf32, #tpu.memory_space<vmem_shared>> -> memref<128x128xf32, #tpu.memory_space<vmem_shared>>
      tpu.wait_dma2 semaphore(%run_scoped3A : memref<!tpu.dma_semaphore, #tpu.memory_space<semaphore_mem>>) src(%dma_wait3A_49 : memref<128x128xf32, #tpu.memory_space<vmem_shared>>) dst(%arg9 : memref<128x128xf32, #tpu.memory_space<vmem>>)
      tpu.yield
    }) : () -> ()
    %mul3A_26 = arith.constant 10240 : i32
    %mul3A_27 = arith.muli %arg0, %mul3A_26 : i32
    %add3A_28 = arith.addi %mul3A_27, %add3A_25 : i32
    "tpu.region"() ({
      %run_scoped3A = tpu.sem_alloc : memref<!tpu.dma_semaphore, #tpu.memory_space<semaphore_mem>>
      %dma_start3A = arith.constant 0 : i32
      %dma_start3A_44 = tpu.memref_slice %arg5[%add3A_28, %dma_start3A] : memref<20480x128xf32, #tpu.memory_space<hbm>> -> memref<128x128xf32, #tpu.memory_space<hbm>>
      %dma_start3A_45 = arith.constant 0 : i32
      %dma_start3A_46 = tpu.memref_slice %arg5[%add3A_28, %dma_start3A_45] : memref<20480x128xf32, #tpu.memory_space<hbm>> -> memref<128x128xf32, #tpu.memory_space<hbm>>
      tpu.enqueue_dma source(%arg9 : memref<128x128xf32, #tpu.memory_space<vmem>>) target(%dma_start3A_46 : memref<128x128xf32, #tpu.memory_space<hbm>>) target_semaphore(%run_scoped3A : memref<!tpu.dma_semaphore, #tpu.memory_space<semaphore_mem>>)
      %dma_wait3A = arith.constant 0 : i32
      %dma_wait3A_47 = tpu.memref_slice %arg5[%add3A_28, %dma_wait3A] : memref<20480x128xf32, #tpu.memory_space<hbm>> -> memref<128x128xf32, #tpu.memory_space<hbm>>
      %dma_wait3A_48 = arith.constant 0 : i32
      %dma_wait3A_49 = tpu.memref_slice %arg5[%add3A_28, %dma_wait3A_48] : memref<20480x128xf32, #tpu.memory_space<hbm>> -> memref<128x128xf32, #tpu.memory_space<hbm>>
      tpu.wait_dma2 semaphore(%run_scoped3A : memref<!tpu.dma_semaphore, #tpu.memory_space<semaphore_mem>>) src(%arg9 : memref<128x128xf32, #tpu.memory_space<vmem>>) dst(%dma_wait3A_49 : memref<128x128xf32, #tpu.memory_space<hbm>>)
      tpu.yield
    }) : () -> ()
    %add3A_29 = arith.constant 256 : i32
    %add3A_30 = arith.addi %mul3A_0, %add3A_29 : i32
    "tpu.region"() ({
      %run_scoped3A = tpu.sem_alloc : memref<!tpu.dma_semaphore, #tpu.memory_space<semaphore_mem>>
      %dma_start3A = arith.constant 0 : i32
      %dma_start3A_44 = tpu.memref_slice %arg6[%add3A_30, %dma_start3A] : memref<10240x128xf32, #tpu.memory_space<vmem_shared>> -> memref<128x128xf32, #tpu.memory_space<vmem_shared>>
      %dma_start3A_45 = arith.constant 0 : i32
      %dma_start3A_46 = tpu.memref_slice %arg6[%add3A_30, %dma_start3A_45] : memref<10240x128xf32, #tpu.memory_space<vmem_shared>> -> memref<128x128xf32, #tpu.memory_space<vmem_shared>>
      tpu.enqueue_dma source(%dma_start3A_46 : memref<128x128xf32, #tpu.memory_space<vmem_shared>>) target(%arg9 : memref<128x128xf32, #tpu.memory_space<vmem>>) target_semaphore(%run_scoped3A : memref<!tpu.dma_semaphore, #tpu.memory_space<semaphore_mem>>)
      %dma_wait3A = arith.constant 0 : i32
      %dma_wait3A_47 = tpu.memref_slice %arg6[%add3A_30, %dma_wait3A] : memref<10240x128xf32, #tpu.memory_space<vmem_shared>> -> memref<128x128xf32, #tpu.memory_space<vmem_shared>>
      %dma_wait3A_48 = arith.constant 0 : i32
      %dma_wait3A_49 = tpu.memref_slice %arg6[%add3A_30, %dma_wait3A_48] : memref<10240x128xf32, #tpu.memory_space<vmem_shared>> -> memref<128x128xf32, #tpu.memory_space<vmem_shared>>
      tpu.wait_dma2 semaphore(%run_scoped3A : memref<!tpu.dma_semaphore, #tpu.memory_space<semaphore_mem>>) src(%dma_wait3A_49 : memref<128x128xf32, #tpu.memory_space<vmem_shared>>) dst(%arg9 : memref<128x128xf32, #tpu.memory_space<vmem>>)
      tpu.yield
    }) : () -> ()
    %mul3A_31 = arith.constant 10240 : i32
    %mul3A_32 = arith.muli %arg0, %mul3A_31 : i32
    %add3A_33 = arith.addi %mul3A_32, %add3A_30 : i32
    "tpu.region"() ({
      %run_scoped3A = tpu.sem_alloc : memref<!tpu.dma_semaphore, #tpu.memory_space<semaphore_mem>>
      %dma_start3A = arith.constant 0 : i32
      %dma_start3A_44 = tpu.memref_slice %arg5[%add3A_33, %dma_start3A] : memref<20480x128xf32, #tpu.memory_space<hbm>> -> memref<128x128xf32, #tpu.memory_space<hbm>>
      %dma_start3A_45 = arith.constant 0 : i32
      %dma_start3A_46 = tpu.memref_slice %arg5[%add3A_33, %dma_start3A_45] : memref<20480x128xf32, #tpu.memory_space<hbm>> -> memref<128x128xf32, #tpu.memory_space<hbm>>
      tpu.enqueue_dma source(%arg9 : memref<128x128xf32, #tpu.memory_space<vmem>>) target(%dma_start3A_46 : memref<128x128xf32, #tpu.memory_space<hbm>>) target_semaphore(%run_scoped3A : memref<!tpu.dma_semaphore, #tpu.memory_space<semaphore_mem>>)
      %dma_wait3A = arith.constant 0 : i32
      %dma_wait3A_47 = tpu.memref_slice %arg5[%add3A_33, %dma_wait3A] : memref<20480x128xf32, #tpu.memory_space<hbm>> -> memref<128x128xf32, #tpu.memory_space<hbm>>
      %dma_wait3A_48 = arith.constant 0 : i32
      %dma_wait3A_49 = tpu.memref_slice %arg5[%add3A_33, %dma_wait3A_48] : memref<20480x128xf32, #tpu.memory_space<hbm>> -> memref<128x128xf32, #tpu.memory_space<hbm>>
      tpu.wait_dma2 semaphore(%run_scoped3A : memref<!tpu.dma_semaphore, #tpu.memory_space<semaphore_mem>>) src(%arg9 : memref<128x128xf32, #tpu.memory_space<vmem>>) dst(%dma_wait3A_49 : memref<128x128xf32, #tpu.memory_space<hbm>>)
      tpu.yield
    }) : () -> ()
    %add3A_34 = arith.constant 384 : i32
    %add3A_35 = arith.addi %mul3A_0, %add3A_34 : i32
    "tpu.region"() ({
      %run_scoped3A = tpu.sem_alloc : memref<!tpu.dma_semaphore, #tpu.memory_space<semaphore_mem>>
      %dma_start3A = arith.constant 0 : i32
      %dma_start3A_44 = tpu.memref_slice %arg6[%add3A_35, %dma_start3A] : memref<10240x128xf32, #tpu.memory_space<vmem_shared>> -> memref<128x128xf32, #tpu.memory_space<vmem_shared>>
      %dma_start3A_45 = arith.constant 0 : i32
      %dma_start3A_46 = tpu.memref_slice %arg6[%add3A_35, %dma_start3A_45] : memref<10240x128xf32, #tpu.memory_space<vmem_shared>> -> memref<128x128xf32, #tpu.memory_space<vmem_shared>>
      tpu.enqueue_dma source(%dma_start3A_46 : memref<128x128xf32, #tpu.memory_space<vmem_shared>>) target(%arg9 : memref<128x128xf32, #tpu.memory_space<vmem>>) target_semaphore(%run_scoped3A : memref<!tpu.dma_semaphore, #tpu.memory_space<semaphore_mem>>)
      %dma_wait3A = arith.constant 0 : i32
      %dma_wait3A_47 = tpu.memref_slice %arg6[%add3A_35, %dma_wait3A] : memref<10240x128xf32, #tpu.memory_space<vmem_shared>> -> memref<128x128xf32, #tpu.memory_space<vmem_shared>>
      %dma_wait3A_48 = arith.constant 0 : i32
      %dma_wait3A_49 = tpu.memref_slice %arg6[%add3A_35, %dma_wait3A_48] : memref<10240x128xf32, #tpu.memory_space<vmem_shared>> -> memref<128x128xf32, #tpu.memory_space<vmem_shared>>
      tpu.wait_dma2 semaphore(%run_scoped3A : memref<!tpu.dma_semaphore, #tpu.memory_space<semaphore_mem>>) src(%dma_wait3A_49 : memref<128x128xf32, #tpu.memory_space<vmem_shared>>) dst(%arg9 : memref<128x128xf32, #tpu.memory_space<vmem>>)
      tpu.yield
    }) : () -> ()
    %mul3A_36 = arith.constant 10240 : i32
    %mul3A_37 = arith.muli %arg0, %mul3A_36 : i32
    %add3A_38 = arith.addi %mul3A_37, %add3A_35 : i32
    "tpu.region"() ({
      %run_scoped3A = tpu.sem_alloc : memref<!tpu.dma_semaphore, #tpu.memory_space<semaphore_mem>>
      %dma_start3A = arith.constant 0 : i32
      %dma_start3A_44 = tpu.memref_slice %arg5[%add3A_38, %dma_start3A] : memref<20480x128xf32, #tpu.memory_space<hbm>> -> memref<128x128xf32, #tpu.memory_space<hbm>>
      %dma_start3A_45 = arith.constant 0 : i32
      %dma_start3A_46 = tpu.memref_slice %arg5[%add3A_38, %dma_start3A_45] : memref<20480x128xf32, #tpu.memory_space<hbm>> -> memref<128x128xf32, #tpu.memory_space<hbm>>
      tpu.enqueue_dma source(%arg9 : memref<128x128xf32, #tpu.memory_space<vmem>>) target(%dma_start3A_46 : memref<128x128xf32, #tpu.memory_space<hbm>>) target_semaphore(%run_scoped3A : memref<!tpu.dma_semaphore, #tpu.memory_space<semaphore_mem>>)
      %dma_wait3A = arith.constant 0 : i32
      %dma_wait3A_47 = tpu.memref_slice %arg5[%add3A_38, %dma_wait3A] : memref<20480x128xf32, #tpu.memory_space<hbm>> -> memref<128x128xf32, #tpu.memory_space<hbm>>
      %dma_wait3A_48 = arith.constant 0 : i32
      %dma_wait3A_49 = tpu.memref_slice %arg5[%add3A_38, %dma_wait3A_48] : memref<20480x128xf32, #tpu.memory_space<hbm>> -> memref<128x128xf32, #tpu.memory_space<hbm>>
      tpu.wait_dma2 semaphore(%run_scoped3A : memref<!tpu.dma_semaphore, #tpu.memory_space<semaphore_mem>>) src(%arg9 : memref<128x128xf32, #tpu.memory_space<vmem>>) dst(%dma_wait3A_49 : memref<128x128xf32, #tpu.memory_space<hbm>>)
      tpu.yield
    }) : () -> ()
    %add3A_39 = arith.constant 512 : i32
    %add3A_40 = arith.addi %mul3A_0, %add3A_39 : i32
    "tpu.region"() ({
      %run_scoped3A = tpu.sem_alloc : memref<!tpu.dma_semaphore, #tpu.memory_space<semaphore_mem>>
      %dma_start3A = arith.constant 0 : i32
      %dma_start3A_44 = tpu.memref_slice %arg6[%add3A_40, %dma_start3A] : memref<10240x128xf32, #tpu.memory_space<vmem_shared>> -> memref<128x128xf32, #tpu.memory_space<vmem_shared>>
      %dma_start3A_45 = arith.constant 0 : i32
      %dma_start3A_46 = tpu.memref_slice %arg6[%add3A_40, %dma_start3A_45] : memref<10240x128xf32, #tpu.memory_space<vmem_shared>> -> memref<128x128xf32, #tpu.memory_space<vmem_shared>>
      tpu.enqueue_dma source(%dma_start3A_46 : memref<128x128xf32, #tpu.memory_space<vmem_shared>>) target(%arg9 : memref<128x128xf32, #tpu.memory_space<vmem>>) target_semaphore(%run_scoped3A : memref<!tpu.dma_semaphore, #tpu.memory_space<semaphore_mem>>)
      %dma_wait3A = arith.constant 0 : i32
      %dma_wait3A_47 = tpu.memref_slice %arg6[%add3A_40, %dma_wait3A] : memref<10240x128xf32, #tpu.memory_space<vmem_shared>> -> memref<128x128xf32, #tpu.memory_space<vmem_shared>>
      %dma_wait3A_48 = arith.constant 0 : i32
      %dma_wait3A_49 = tpu.memref_slice %arg6[%add3A_40, %dma_wait3A_48] : memref<10240x128xf32, #tpu.memory_space<vmem_shared>> -> memref<128x128xf32, #tpu.memory_space<vmem_shared>>
      tpu.wait_dma2 semaphore(%run_scoped3A : memref<!tpu.dma_semaphore, #tpu.memory_space<semaphore_mem>>) src(%dma_wait3A_49 : memref<128x128xf32, #tpu.memory_space<vmem_shared>>) dst(%arg9 : memref<128x128xf32, #tpu.memory_space<vmem>>)
      tpu.yield
    }) : () -> ()
    %mul3A_41 = arith.constant 10240 : i32
    %mul3A_42 = arith.muli %arg0, %mul3A_41 : i32
    %add3A_43 = arith.addi %mul3A_42, %add3A_40 : i32
    "tpu.region"() ({
      %run_scoped3A = tpu.sem_alloc : memref<!tpu.dma_semaphore, #tpu.memory_space<semaphore_mem>>
      %dma_start3A = arith.constant 0 : i32
      %dma_start3A_44 = tpu.memref_slice %arg5[%add3A_43, %dma_start3A] : memref<20480x128xf32, #tpu.memory_space<hbm>> -> memref<128x128xf32, #tpu.memory_space<hbm>>
      %dma_start3A_45 = arith.constant 0 : i32
      %dma_start3A_46 = tpu.memref_slice %arg5[%add3A_43, %dma_start3A_45] : memref<20480x128xf32, #tpu.memory_space<hbm>> -> memref<128x128xf32, #tpu.memory_space<hbm>>
      tpu.enqueue_dma source(%arg9 : memref<128x128xf32, #tpu.memory_space<vmem>>) target(%dma_start3A_46 : memref<128x128xf32, #tpu.memory_space<hbm>>) target_semaphore(%run_scoped3A : memref<!tpu.dma_semaphore, #tpu.memory_space<semaphore_mem>>)
      %dma_wait3A = arith.constant 0 : i32
      %dma_wait3A_47 = tpu.memref_slice %arg5[%add3A_43, %dma_wait3A] : memref<20480x128xf32, #tpu.memory_space<hbm>> -> memref<128x128xf32, #tpu.memory_space<hbm>>
      %dma_wait3A_48 = arith.constant 0 : i32
      %dma_wait3A_49 = tpu.memref_slice %arg5[%add3A_43, %dma_wait3A_48] : memref<20480x128xf32, #tpu.memory_space<hbm>> -> memref<128x128xf32, #tpu.memory_space<hbm>>
      tpu.wait_dma2 semaphore(%run_scoped3A : memref<!tpu.dma_semaphore, #tpu.memory_space<semaphore_mem>>) src(%arg9 : memref<128x128xf32, #tpu.memory_space<vmem>>) dst(%dma_wait3A_49 : memref<128x128xf32, #tpu.memory_space<hbm>>)
      tpu.yield
    }) : () -> ()
    return
  }
}

#map = affine_map<(d0, d1) -> (0, 0)>
#map1 = affine_map<(d0, d1) -> (0, 0, 0, 0)>
#map2 = affine_map<(d0, d1) -> (0, 0, 0)>
module attributes {stable_mosaic.version = 14 : i64} {
  func.func @_msg_body(%arg0: i32, %arg1: i32, %arg2: memref<20480x128xf32, #tpu.memory_space<hbm>>, %arg3: memref<2x16x160x128xi32, #tpu.memory_space<hbm>>, %arg4: memref<16x160x128xi32, #tpu.memory_space<hbm>>, %arg5: memref<128x128xf32, #tpu.memory_space<hbm>>, %arg6: memref<20480x128xf32, #tpu.memory_space<hbm>>, %arg7: memref<10240x128xf32, #tpu.memory_space<vmem_shared>>, %arg8: memref<32x128xi32, #tpu.memory_space<vmem>>, %arg9: memref<32x128xi32, #tpu.memory_space<vmem>>, %arg10: memref<128x128xf32, #tpu.memory_space<vmem>>, %arg11: memref<128x128xf32, #tpu.memory_space<vmem>>, %arg12: memref<!tpu.dma_semaphore, #tpu.memory_space<semaphore_mem>>, %arg13: memref<!tpu.dma_semaphore, #tpu.memory_space<semaphore_mem>>, %arg14: memref<!tpu.dma_semaphore, #tpu.memory_space<semaphore_mem>>, %arg15: memref<!tpu.dma_semaphore, #tpu.memory_space<semaphore_mem>>) attributes {dimension_semantics = [#tpu.dimension_semantics<core_parallel>, #tpu.dimension_semantics<subcore_parallel>], iteration_bounds = array<i64: 2, 16>, scalar_prefetch = 0 : i64, scratch_operands = 9 : i64, tpu.core_type = #tpu.core_type<sc_vector_subcore>, window_params = [{transform_indices = #map}, {transform_indices = #map1}, {transform_indices = #map2}, {transform_indices = #map}, {transform_indices = #map}]} {
    %mul3A = arith.constant 640 : i32
    %mul3A_0 = arith.muli %arg1, %mul3A : i32
    "tpu.region"() ({
      %run_scoped3A = tpu.sem_alloc : memref<!tpu.dma_semaphore, #tpu.memory_space<semaphore_mem>>
      tpu.enqueue_dma source(%arg5 : memref<128x128xf32, #tpu.memory_space<hbm>>) target(%arg10 : memref<128x128xf32, #tpu.memory_space<vmem>>) target_semaphore(%run_scoped3A : memref<!tpu.dma_semaphore, #tpu.memory_space<semaphore_mem>>)
      tpu.wait_dma2 semaphore(%run_scoped3A : memref<!tpu.dma_semaphore, #tpu.memory_space<semaphore_mem>>) src(%arg5 : memref<128x128xf32, #tpu.memory_space<hbm>>) dst(%arg10 : memref<128x128xf32, #tpu.memory_space<vmem>>)
      tpu.yield
    }) : () -> ()
    %add3A = arith.constant 0 : i32
    %add3A_1 = arith.addi %mul3A_0, %add3A : i32
    "tpu.region"() ({
      %run_scoped3A = tpu.sem_alloc : memref<!tpu.dma_semaphore, #tpu.memory_space<semaphore_mem>>
      %dma_start3A = arith.constant 0 : i32
      %dma_start3A_36 = tpu.memref_slice %arg7[%add3A_1, %dma_start3A] : memref<10240x128xf32, #tpu.memory_space<vmem_shared>> -> memref<128x128xf32, #tpu.memory_space<vmem_shared>>
      %dma_start3A_37 = arith.constant 0 : i32
      %dma_start3A_38 = tpu.memref_slice %arg7[%add3A_1, %dma_start3A_37] : memref<10240x128xf32, #tpu.memory_space<vmem_shared>> -> memref<128x128xf32, #tpu.memory_space<vmem_shared>>
      tpu.enqueue_dma source(%arg10 : memref<128x128xf32, #tpu.memory_space<vmem>>) target(%dma_start3A_38 : memref<128x128xf32, #tpu.memory_space<vmem_shared>>) target_semaphore(%run_scoped3A : memref<!tpu.dma_semaphore, #tpu.memory_space<semaphore_mem>>)
      %dma_wait3A = arith.constant 0 : i32
      %dma_wait3A_39 = tpu.memref_slice %arg7[%add3A_1, %dma_wait3A] : memref<10240x128xf32, #tpu.memory_space<vmem_shared>> -> memref<128x128xf32, #tpu.memory_space<vmem_shared>>
      %dma_wait3A_40 = arith.constant 0 : i32
      %dma_wait3A_41 = tpu.memref_slice %arg7[%add3A_1, %dma_wait3A_40] : memref<10240x128xf32, #tpu.memory_space<vmem_shared>> -> memref<128x128xf32, #tpu.memory_space<vmem_shared>>
      tpu.wait_dma2 semaphore(%run_scoped3A : memref<!tpu.dma_semaphore, #tpu.memory_space<semaphore_mem>>) src(%arg10 : memref<128x128xf32, #tpu.memory_space<vmem>>) dst(%dma_wait3A_41 : memref<128x128xf32, #tpu.memory_space<vmem_shared>>)
      tpu.yield
    }) : () -> ()
    %add3A_2 = arith.constant 128 : i32
    %add3A_3 = arith.addi %mul3A_0, %add3A_2 : i32
    "tpu.region"() ({
      %run_scoped3A = tpu.sem_alloc : memref<!tpu.dma_semaphore, #tpu.memory_space<semaphore_mem>>
      %dma_start3A = arith.constant 0 : i32
      %dma_start3A_36 = tpu.memref_slice %arg7[%add3A_3, %dma_start3A] : memref<10240x128xf32, #tpu.memory_space<vmem_shared>> -> memref<128x128xf32, #tpu.memory_space<vmem_shared>>
      %dma_start3A_37 = arith.constant 0 : i32
      %dma_start3A_38 = tpu.memref_slice %arg7[%add3A_3, %dma_start3A_37] : memref<10240x128xf32, #tpu.memory_space<vmem_shared>> -> memref<128x128xf32, #tpu.memory_space<vmem_shared>>
      tpu.enqueue_dma source(%arg10 : memref<128x128xf32, #tpu.memory_space<vmem>>) target(%dma_start3A_38 : memref<128x128xf32, #tpu.memory_space<vmem_shared>>) target_semaphore(%run_scoped3A : memref<!tpu.dma_semaphore, #tpu.memory_space<semaphore_mem>>)
      %dma_wait3A = arith.constant 0 : i32
      %dma_wait3A_39 = tpu.memref_slice %arg7[%add3A_3, %dma_wait3A] : memref<10240x128xf32, #tpu.memory_space<vmem_shared>> -> memref<128x128xf32, #tpu.memory_space<vmem_shared>>
      %dma_wait3A_40 = arith.constant 0 : i32
      %dma_wait3A_41 = tpu.memref_slice %arg7[%add3A_3, %dma_wait3A_40] : memref<10240x128xf32, #tpu.memory_space<vmem_shared>> -> memref<128x128xf32, #tpu.memory_space<vmem_shared>>
      tpu.wait_dma2 semaphore(%run_scoped3A : memref<!tpu.dma_semaphore, #tpu.memory_space<semaphore_mem>>) src(%arg10 : memref<128x128xf32, #tpu.memory_space<vmem>>) dst(%dma_wait3A_41 : memref<128x128xf32, #tpu.memory_space<vmem_shared>>)
      tpu.yield
    }) : () -> ()
    %add3A_4 = arith.constant 256 : i32
    %add3A_5 = arith.addi %mul3A_0, %add3A_4 : i32
    "tpu.region"() ({
      %run_scoped3A = tpu.sem_alloc : memref<!tpu.dma_semaphore, #tpu.memory_space<semaphore_mem>>
      %dma_start3A = arith.constant 0 : i32
      %dma_start3A_36 = tpu.memref_slice %arg7[%add3A_5, %dma_start3A] : memref<10240x128xf32, #tpu.memory_space<vmem_shared>> -> memref<128x128xf32, #tpu.memory_space<vmem_shared>>
      %dma_start3A_37 = arith.constant 0 : i32
      %dma_start3A_38 = tpu.memref_slice %arg7[%add3A_5, %dma_start3A_37] : memref<10240x128xf32, #tpu.memory_space<vmem_shared>> -> memref<128x128xf32, #tpu.memory_space<vmem_shared>>
      tpu.enqueue_dma source(%arg10 : memref<128x128xf32, #tpu.memory_space<vmem>>) target(%dma_start3A_38 : memref<128x128xf32, #tpu.memory_space<vmem_shared>>) target_semaphore(%run_scoped3A : memref<!tpu.dma_semaphore, #tpu.memory_space<semaphore_mem>>)
      %dma_wait3A = arith.constant 0 : i32
      %dma_wait3A_39 = tpu.memref_slice %arg7[%add3A_5, %dma_wait3A] : memref<10240x128xf32, #tpu.memory_space<vmem_shared>> -> memref<128x128xf32, #tpu.memory_space<vmem_shared>>
      %dma_wait3A_40 = arith.constant 0 : i32
      %dma_wait3A_41 = tpu.memref_slice %arg7[%add3A_5, %dma_wait3A_40] : memref<10240x128xf32, #tpu.memory_space<vmem_shared>> -> memref<128x128xf32, #tpu.memory_space<vmem_shared>>
      tpu.wait_dma2 semaphore(%run_scoped3A : memref<!tpu.dma_semaphore, #tpu.memory_space<semaphore_mem>>) src(%arg10 : memref<128x128xf32, #tpu.memory_space<vmem>>) dst(%dma_wait3A_41 : memref<128x128xf32, #tpu.memory_space<vmem_shared>>)
      tpu.yield
    }) : () -> ()
    %add3A_6 = arith.constant 384 : i32
    %add3A_7 = arith.addi %mul3A_0, %add3A_6 : i32
    "tpu.region"() ({
      %run_scoped3A = tpu.sem_alloc : memref<!tpu.dma_semaphore, #tpu.memory_space<semaphore_mem>>
      %dma_start3A = arith.constant 0 : i32
      %dma_start3A_36 = tpu.memref_slice %arg7[%add3A_7, %dma_start3A] : memref<10240x128xf32, #tpu.memory_space<vmem_shared>> -> memref<128x128xf32, #tpu.memory_space<vmem_shared>>
      %dma_start3A_37 = arith.constant 0 : i32
      %dma_start3A_38 = tpu.memref_slice %arg7[%add3A_7, %dma_start3A_37] : memref<10240x128xf32, #tpu.memory_space<vmem_shared>> -> memref<128x128xf32, #tpu.memory_space<vmem_shared>>
      tpu.enqueue_dma source(%arg10 : memref<128x128xf32, #tpu.memory_space<vmem>>) target(%dma_start3A_38 : memref<128x128xf32, #tpu.memory_space<vmem_shared>>) target_semaphore(%run_scoped3A : memref<!tpu.dma_semaphore, #tpu.memory_space<semaphore_mem>>)
      %dma_wait3A = arith.constant 0 : i32
      %dma_wait3A_39 = tpu.memref_slice %arg7[%add3A_7, %dma_wait3A] : memref<10240x128xf32, #tpu.memory_space<vmem_shared>> -> memref<128x128xf32, #tpu.memory_space<vmem_shared>>
      %dma_wait3A_40 = arith.constant 0 : i32
      %dma_wait3A_41 = tpu.memref_slice %arg7[%add3A_7, %dma_wait3A_40] : memref<10240x128xf32, #tpu.memory_space<vmem_shared>> -> memref<128x128xf32, #tpu.memory_space<vmem_shared>>
      tpu.wait_dma2 semaphore(%run_scoped3A : memref<!tpu.dma_semaphore, #tpu.memory_space<semaphore_mem>>) src(%arg10 : memref<128x128xf32, #tpu.memory_space<vmem>>) dst(%dma_wait3A_41 : memref<128x128xf32, #tpu.memory_space<vmem_shared>>)
      tpu.yield
    }) : () -> ()
    %add3A_8 = arith.constant 512 : i32
    %add3A_9 = arith.addi %mul3A_0, %add3A_8 : i32
    "tpu.region"() ({
      %run_scoped3A = tpu.sem_alloc : memref<!tpu.dma_semaphore, #tpu.memory_space<semaphore_mem>>
      %dma_start3A = arith.constant 0 : i32
      %dma_start3A_36 = tpu.memref_slice %arg7[%add3A_9, %dma_start3A] : memref<10240x128xf32, #tpu.memory_space<vmem_shared>> -> memref<128x128xf32, #tpu.memory_space<vmem_shared>>
      %dma_start3A_37 = arith.constant 0 : i32
      %dma_start3A_38 = tpu.memref_slice %arg7[%add3A_9, %dma_start3A_37] : memref<10240x128xf32, #tpu.memory_space<vmem_shared>> -> memref<128x128xf32, #tpu.memory_space<vmem_shared>>
      tpu.enqueue_dma source(%arg10 : memref<128x128xf32, #tpu.memory_space<vmem>>) target(%dma_start3A_38 : memref<128x128xf32, #tpu.memory_space<vmem_shared>>) target_semaphore(%run_scoped3A : memref<!tpu.dma_semaphore, #tpu.memory_space<semaphore_mem>>)
      %dma_wait3A = arith.constant 0 : i32
      %dma_wait3A_39 = tpu.memref_slice %arg7[%add3A_9, %dma_wait3A] : memref<10240x128xf32, #tpu.memory_space<vmem_shared>> -> memref<128x128xf32, #tpu.memory_space<vmem_shared>>
      %dma_wait3A_40 = arith.constant 0 : i32
      %dma_wait3A_41 = tpu.memref_slice %arg7[%add3A_9, %dma_wait3A_40] : memref<10240x128xf32, #tpu.memory_space<vmem_shared>> -> memref<128x128xf32, #tpu.memory_space<vmem_shared>>
      tpu.wait_dma2 semaphore(%run_scoped3A : memref<!tpu.dma_semaphore, #tpu.memory_space<semaphore_mem>>) src(%arg10 : memref<128x128xf32, #tpu.memory_space<vmem>>) dst(%dma_wait3A_41 : memref<128x128xf32, #tpu.memory_space<vmem_shared>>)
      tpu.yield
    }) : () -> ()
    %lt3A = arith.constant 4 : i32
    %lt3A_10 = arith.cmpi slt, %arg1, %lt3A : i32
    %convert_element_type3A = arith.extui %lt3A_10 : i1 to i32
    %add3A_11 = arith.constant 156 : i32
    %add3A_12 = arith.addi %add3A_11, %convert_element_type3A : i32
    %barrier3A = arith.constant 0 : index
    tpu.barrier barrier_id(%barrier3A)
    %scan3A = arith.constant 0 : i32
    %scan3A_13 = arith.constant 0 : i32
    %scan3A_14 = arith.constant 5 : i32
    %scan3A_15 = arith.addi %scan3A_13, %scan3A_14 : i32
    %scan3A_16 = arith.constant 1 : i32
    scf.for %scan3A_36 = %scan3A_13 to %scan3A_15 step %scan3A_16  : i32 {
      %mul3A_37 = arith.constant 32 : i32
      %mul3A_38 = arith.muli %scan3A_36, %mul3A_37 : i32
      %sub3A = arith.subi %add3A_12, %mul3A_38 : i32
      %jit3A = arith.constant 0 : i32
      %jit3A_39 = arith.constant 32 : i32
      %max3A = arith.maxsi %jit3A, %sub3A : i32
      %min3A = arith.minsi %jit3A_39, %max3A : i32
      %lt3A_40 = arith.cmpi slt, %mul3A_38, %add3A_12 : i32
      %convert_element_type3A_41 = arith.extui %lt3A_40 : i1 to i32
      %cond3A = arith.constant 0 : i32
      %cond3A_42 = arith.cmpi ne, %convert_element_type3A_41, %cond3A : i32
      scf.if %cond3A_42 {
        "tpu.region"() ({
          %run_scoped3A = tpu.sem_alloc : memref<!tpu.dma_semaphore, #tpu.memory_space<semaphore_mem>>
          %dma_start3A_67 = arith.constant 0 : i32
          %dma_start3A_68 = tpu.memref_slice %arg3[%arg0, %arg1, %mul3A_38, %dma_start3A_67] : memref<2x16x160x128xi32, #tpu.memory_space<hbm>> -> memref<1x1x32x128xi32, #tpu.memory_space<hbm>>
          %dma_start3A_69 = tpu.memref_squeeze %dma_start3A_68 : memref<1x1x32x128xi32, #tpu.memory_space<hbm>> -> memref<32x128xi32, #tpu.memory_space<hbm>>
          %dma_start3A_70 = arith.constant 0 : i32
          %dma_start3A_71 = tpu.memref_slice %arg3[%arg0, %arg1, %mul3A_38, %dma_start3A_70] : memref<2x16x160x128xi32, #tpu.memory_space<hbm>> -> memref<1x1x32x128xi32, #tpu.memory_space<hbm>>
          %dma_start3A_72 = tpu.memref_squeeze %dma_start3A_71 : memref<1x1x32x128xi32, #tpu.memory_space<hbm>> -> memref<32x128xi32, #tpu.memory_space<hbm>>
          tpu.enqueue_dma source(%dma_start3A_72 : memref<32x128xi32, #tpu.memory_space<hbm>>) target(%arg8 : memref<32x128xi32, #tpu.memory_space<vmem>>) target_semaphore(%run_scoped3A : memref<!tpu.dma_semaphore, #tpu.memory_space<semaphore_mem>>)
          %dma_wait3A = arith.constant 0 : i32
          %dma_wait3A_73 = tpu.memref_slice %arg3[%arg0, %arg1, %mul3A_38, %dma_wait3A] : memref<2x16x160x128xi32, #tpu.memory_space<hbm>> -> memref<1x1x32x128xi32, #tpu.memory_space<hbm>>
          %dma_wait3A_74 = tpu.memref_squeeze %dma_wait3A_73 : memref<1x1x32x128xi32, #tpu.memory_space<hbm>> -> memref<32x128xi32, #tpu.memory_space<hbm>>
          %dma_wait3A_75 = arith.constant 0 : i32
          %dma_wait3A_76 = tpu.memref_slice %arg3[%arg0, %arg1, %mul3A_38, %dma_wait3A_75] : memref<2x16x160x128xi32, #tpu.memory_space<hbm>> -> memref<1x1x32x128xi32, #tpu.memory_space<hbm>>
          %dma_wait3A_77 = tpu.memref_squeeze %dma_wait3A_76 : memref<1x1x32x128xi32, #tpu.memory_space<hbm>> -> memref<32x128xi32, #tpu.memory_space<hbm>>
          tpu.wait_dma2 semaphore(%run_scoped3A : memref<!tpu.dma_semaphore, #tpu.memory_space<semaphore_mem>>) src(%dma_wait3A_77 : memref<32x128xi32, #tpu.memory_space<hbm>>) dst(%arg8 : memref<32x128xi32, #tpu.memory_space<vmem>>)
          tpu.yield
        }) : () -> ()
        "tpu.region"() ({
          %run_scoped3A = tpu.sem_alloc : memref<!tpu.dma_semaphore, #tpu.memory_space<semaphore_mem>>
          %dma_start3A_67 = arith.constant 0 : i32
          %dma_start3A_68 = tpu.memref_slice %arg4[%arg1, %mul3A_38, %dma_start3A_67] : memref<16x160x128xi32, #tpu.memory_space<hbm>> -> memref<1x32x128xi32, #tpu.memory_space<hbm>>
          %dma_start3A_69 = tpu.memref_squeeze %dma_start3A_68 : memref<1x32x128xi32, #tpu.memory_space<hbm>> -> memref<32x128xi32, #tpu.memory_space<hbm>>
          %dma_start3A_70 = arith.constant 0 : i32
          %dma_start3A_71 = tpu.memref_slice %arg4[%arg1, %mul3A_38, %dma_start3A_70] : memref<16x160x128xi32, #tpu.memory_space<hbm>> -> memref<1x32x128xi32, #tpu.memory_space<hbm>>
          %dma_start3A_72 = tpu.memref_squeeze %dma_start3A_71 : memref<1x32x128xi32, #tpu.memory_space<hbm>> -> memref<32x128xi32, #tpu.memory_space<hbm>>
          tpu.enqueue_dma source(%dma_start3A_72 : memref<32x128xi32, #tpu.memory_space<hbm>>) target(%arg9 : memref<32x128xi32, #tpu.memory_space<vmem>>) target_semaphore(%run_scoped3A : memref<!tpu.dma_semaphore, #tpu.memory_space<semaphore_mem>>)
          %dma_wait3A = arith.constant 0 : i32
          %dma_wait3A_73 = tpu.memref_slice %arg4[%arg1, %mul3A_38, %dma_wait3A] : memref<16x160x128xi32, #tpu.memory_space<hbm>> -> memref<1x32x128xi32, #tpu.memory_space<hbm>>
          %dma_wait3A_74 = tpu.memref_squeeze %dma_wait3A_73 : memref<1x32x128xi32, #tpu.memory_space<hbm>> -> memref<32x128xi32, #tpu.memory_space<hbm>>
          %dma_wait3A_75 = arith.constant 0 : i32
          %dma_wait3A_76 = tpu.memref_slice %arg4[%arg1, %mul3A_38, %dma_wait3A_75] : memref<16x160x128xi32, #tpu.memory_space<hbm>> -> memref<1x32x128xi32, #tpu.memory_space<hbm>>
          %dma_wait3A_77 = tpu.memref_squeeze %dma_wait3A_76 : memref<1x32x128xi32, #tpu.memory_space<hbm>> -> memref<32x128xi32, #tpu.memory_space<hbm>>
          tpu.wait_dma2 semaphore(%run_scoped3A : memref<!tpu.dma_semaphore, #tpu.memory_space<semaphore_mem>>) src(%dma_wait3A_77 : memref<32x128xi32, #tpu.memory_space<hbm>>) dst(%arg9 : memref<32x128xi32, #tpu.memory_space<vmem>>)
          tpu.yield
        }) : () -> ()
        %dma_start3A = arith.constant 0 : i32
        %dma_start3A_43 = arith.constant 0 : i32
        %dma_start3A_44 = tpu.memref_slice %arg8[%dma_start3A, %dma_start3A_43] : memref<32x128xi32, #tpu.memory_space<vmem>> -> memref<1x128xi32, #tpu.memory_space<vmem>>
        %dma_start3A_45 = tpu.memref_squeeze %dma_start3A_44 : memref<1x128xi32, #tpu.memory_space<vmem>> -> memref<128xi32, #tpu.memory_space<vmem>>
        %dma_start3A_46 = arith.constant 0 : i32
        %dma_start3A_47 = arith.constant 0 : i32
        %dma_start3A_48 = tpu.memref_slice %arg2[%dma_start3A_46, %dma_start3A_47] : memref<20480x128xf32, #tpu.memory_space<hbm>> -> memref<20480x128xf32, #tpu.memory_space<hbm>>
        tpu.enqueue_indirect_dma source(%dma_start3A_48 : memref<20480x128xf32, #tpu.memory_space<hbm>>) target(%arg10 : memref<128x128xf32, #tpu.memory_space<vmem>>) offsets(%dma_start3A_45 : memref<128xi32, #tpu.memory_space<vmem>>) semaphore(%arg12 : memref<!tpu.dma_semaphore, #tpu.memory_space<semaphore_mem>>)
        %scan3A_49 = arith.constant 0 : i32
        %scan3A_50 = arith.constant 0 : i32
        %scan3A_51 = arith.constant 16 : i32
        %scan3A_52 = arith.addi %scan3A_50, %scan3A_51 : i32
        %scan3A_53 = arith.constant 1 : i32
        scf.for %scan3A_67 = %scan3A_50 to %scan3A_52 step %scan3A_53  : i32 {
          %mul3A_68 = arith.constant 2 : i32
          %mul3A_69 = arith.muli %mul3A_68, %scan3A_67 : i32
          %add3A_70 = arith.constant 0 : i32
          %add3A_71 = arith.addi %mul3A_69, %add3A_70 : i32
          %add3A_72 = arith.addi %mul3A_38, %add3A_71 : i32
          %lt3A_73 = arith.cmpi slt, %add3A_72, %add3A_12 : i32
          %convert_element_type3A_74 = arith.extui %lt3A_73 : i1 to i32
          %cond3A_75 = arith.constant 0 : i32
          %cond3A_76 = arith.cmpi ne, %convert_element_type3A_74, %cond3A_75 : i32
          scf.if %cond3A_76 {
            %ge3A = arith.constant 1 : i32
            %ge3A_86 = arith.cmpi sge, %add3A_71, %ge3A : i32
            %convert_element_type3A_87 = arith.extui %ge3A_86 : i1 to i32
            %cond3A_88 = arith.constant 0 : i32
            %cond3A_89 = arith.cmpi ne, %convert_element_type3A_87, %cond3A_88 : i32
            scf.if %cond3A_89 {
              %dma_wait3A_111 = arith.constant 0 : i32
              %dma_wait3A_112 = arith.constant 0 : i32
              %dma_wait3A_113 = tpu.memref_slice %arg9[%dma_wait3A_111, %dma_wait3A_112] : memref<32x128xi32, #tpu.memory_space<vmem>> -> memref<1x128xi32, #tpu.memory_space<vmem>>
              %dma_wait3A_114 = tpu.memref_squeeze %dma_wait3A_113 : memref<1x128xi32, #tpu.memory_space<vmem>> -> memref<128xi32, #tpu.memory_space<vmem>>
              %dma_wait3A_115 = arith.constant 0 : i32
              %dma_wait3A_116 = arith.constant 0 : i32
              %dma_wait3A_117 = tpu.memref_slice %arg7[%dma_wait3A_115, %dma_wait3A_116] : memref<10240x128xf32, #tpu.memory_space<vmem_shared>> -> memref<10240x128xf32, #tpu.memory_space<vmem_shared>>
              tpu.wait_indirect_dma semaphore(%arg15 : memref<!tpu.dma_semaphore, #tpu.memory_space<semaphore_mem>>) src(%arg11 : memref<128x128xf32, #tpu.memory_space<vmem>>) dst(%dma_wait3A_117 : memref<10240x128xf32, #tpu.memory_space<vmem_shared>>)
            } else {
            }
            %add3A_90 = arith.constant 1 : i32
            %add3A_91 = arith.addi %add3A_71, %add3A_90 : i32
            %lt3A_92 = arith.constant 32 : i32
            %lt3A_93 = arith.cmpi slt, %add3A_91, %lt3A_92 : i32
            %add3A_94 = arith.constant 1 : i32
            %add3A_95 = arith.addi %add3A_72, %add3A_94 : i32
            %lt3A_96 = arith.cmpi slt, %add3A_95, %add3A_12 : i32
            %and3A = arith.andi %lt3A_93, %lt3A_96 : i1
            %convert_element_type3A_97 = arith.extui %and3A : i1 to i32
            %cond3A_98 = arith.constant 0 : i32
            %cond3A_99 = arith.cmpi ne, %convert_element_type3A_97, %cond3A_98 : i32
            scf.if %cond3A_99 {
              %add3A_111 = arith.constant 1 : i32
              %add3A_112 = arith.addi %add3A_71, %add3A_111 : i32
              %dma_start3A_113 = arith.constant 0 : i32
              %dma_start3A_114 = tpu.memref_slice %arg8[%add3A_112, %dma_start3A_113] : memref<32x128xi32, #tpu.memory_space<vmem>> -> memref<1x128xi32, #tpu.memory_space<vmem>>
              %dma_start3A_115 = tpu.memref_squeeze %dma_start3A_114 : memref<1x128xi32, #tpu.memory_space<vmem>> -> memref<128xi32, #tpu.memory_space<vmem>>
              %dma_start3A_116 = arith.constant 0 : i32
              %dma_start3A_117 = arith.constant 0 : i32
              %dma_start3A_118 = tpu.memref_slice %arg2[%dma_start3A_116, %dma_start3A_117] : memref<20480x128xf32, #tpu.memory_space<hbm>> -> memref<20480x128xf32, #tpu.memory_space<hbm>>
              tpu.enqueue_indirect_dma source(%dma_start3A_118 : memref<20480x128xf32, #tpu.memory_space<hbm>>) target(%arg11 : memref<128x128xf32, #tpu.memory_space<vmem>>) offsets(%dma_start3A_115 : memref<128xi32, #tpu.memory_space<vmem>>) semaphore(%arg13 : memref<!tpu.dma_semaphore, #tpu.memory_space<semaphore_mem>>)
            } else {
            }
            %dma_wait3A = arith.constant 0 : i32
            %dma_wait3A_100 = tpu.memref_slice %arg8[%add3A_71, %dma_wait3A] : memref<32x128xi32, #tpu.memory_space<vmem>> -> memref<1x128xi32, #tpu.memory_space<vmem>>
            %dma_wait3A_101 = tpu.memref_squeeze %dma_wait3A_100 : memref<1x128xi32, #tpu.memory_space<vmem>> -> memref<128xi32, #tpu.memory_space<vmem>>
            %dma_wait3A_102 = arith.constant 0 : i32
            %dma_wait3A_103 = arith.constant 0 : i32
            %dma_wait3A_104 = tpu.memref_slice %arg2[%dma_wait3A_102, %dma_wait3A_103] : memref<20480x128xf32, #tpu.memory_space<hbm>> -> memref<20480x128xf32, #tpu.memory_space<hbm>>
            tpu.wait_indirect_dma semaphore(%arg12 : memref<!tpu.dma_semaphore, #tpu.memory_space<semaphore_mem>>) src(%dma_wait3A_104 : memref<20480x128xf32, #tpu.memory_space<hbm>>) dst(%arg10 : memref<128x128xf32, #tpu.memory_space<vmem>>)
            %dma_start3A_105 = arith.constant 0 : i32
            %dma_start3A_106 = tpu.memref_slice %arg9[%add3A_71, %dma_start3A_105] : memref<32x128xi32, #tpu.memory_space<vmem>> -> memref<1x128xi32, #tpu.memory_space<vmem>>
            %dma_start3A_107 = tpu.memref_squeeze %dma_start3A_106 : memref<1x128xi32, #tpu.memory_space<vmem>> -> memref<128xi32, #tpu.memory_space<vmem>>
            %dma_start3A_108 = arith.constant 0 : i32
            %dma_start3A_109 = arith.constant 0 : i32
            %dma_start3A_110 = tpu.memref_slice %arg7[%dma_start3A_108, %dma_start3A_109] : memref<10240x128xf32, #tpu.memory_space<vmem_shared>> -> memref<10240x128xf32, #tpu.memory_space<vmem_shared>>
            tpu.enqueue_indirect_dma source(%arg10 : memref<128x128xf32, #tpu.memory_space<vmem>>) target(%dma_start3A_110 : memref<10240x128xf32, #tpu.memory_space<vmem_shared>>) offsets(%dma_start3A_107 : memref<128xi32, #tpu.memory_space<vmem>>) semaphore(%arg14 : memref<!tpu.dma_semaphore, #tpu.memory_space<semaphore_mem>>) {add = true}
          } else {
          }
          %mul3A_77 = arith.constant 2 : i32
          %mul3A_78 = arith.muli %mul3A_77, %scan3A_67 : i32
          %add3A_79 = arith.constant 1 : i32
          %add3A_80 = arith.addi %mul3A_78, %add3A_79 : i32
          %add3A_81 = arith.addi %mul3A_38, %add3A_80 : i32
          %lt3A_82 = arith.cmpi slt, %add3A_81, %add3A_12 : i32
          %convert_element_type3A_83 = arith.extui %lt3A_82 : i1 to i32
          %cond3A_84 = arith.constant 0 : i32
          %cond3A_85 = arith.cmpi ne, %convert_element_type3A_83, %cond3A_84 : i32
          scf.if %cond3A_85 {
            %dma_wait3A = arith.constant 0 : i32
            %dma_wait3A_86 = arith.constant 0 : i32
            %dma_wait3A_87 = tpu.memref_slice %arg9[%dma_wait3A, %dma_wait3A_86] : memref<32x128xi32, #tpu.memory_space<vmem>> -> memref<1x128xi32, #tpu.memory_space<vmem>>
            %dma_wait3A_88 = tpu.memref_squeeze %dma_wait3A_87 : memref<1x128xi32, #tpu.memory_space<vmem>> -> memref<128xi32, #tpu.memory_space<vmem>>
            %dma_wait3A_89 = arith.constant 0 : i32
            %dma_wait3A_90 = arith.constant 0 : i32
            %dma_wait3A_91 = tpu.memref_slice %arg7[%dma_wait3A_89, %dma_wait3A_90] : memref<10240x128xf32, #tpu.memory_space<vmem_shared>> -> memref<10240x128xf32, #tpu.memory_space<vmem_shared>>
            tpu.wait_indirect_dma semaphore(%arg14 : memref<!tpu.dma_semaphore, #tpu.memory_space<semaphore_mem>>) src(%arg10 : memref<128x128xf32, #tpu.memory_space<vmem>>) dst(%dma_wait3A_91 : memref<10240x128xf32, #tpu.memory_space<vmem_shared>>)
            %add3A_92 = arith.constant 1 : i32
            %add3A_93 = arith.addi %add3A_80, %add3A_92 : i32
            %lt3A_94 = arith.constant 32 : i32
            %lt3A_95 = arith.cmpi slt, %add3A_93, %lt3A_94 : i32
            %add3A_96 = arith.constant 1 : i32
            %add3A_97 = arith.addi %add3A_81, %add3A_96 : i32
            %lt3A_98 = arith.cmpi slt, %add3A_97, %add3A_12 : i32
            %and3A = arith.andi %lt3A_95, %lt3A_98 : i1
            %convert_element_type3A_99 = arith.extui %and3A : i1 to i32
            %cond3A_100 = arith.constant 0 : i32
            %cond3A_101 = arith.cmpi ne, %convert_element_type3A_99, %cond3A_100 : i32
            scf.if %cond3A_101 {
              %add3A_114 = arith.constant 1 : i32
              %add3A_115 = arith.addi %add3A_80, %add3A_114 : i32
              %dma_start3A_116 = arith.constant 0 : i32
              %dma_start3A_117 = tpu.memref_slice %arg8[%add3A_115, %dma_start3A_116] : memref<32x128xi32, #tpu.memory_space<vmem>> -> memref<1x128xi32, #tpu.memory_space<vmem>>
              %dma_start3A_118 = tpu.memref_squeeze %dma_start3A_117 : memref<1x128xi32, #tpu.memory_space<vmem>> -> memref<128xi32, #tpu.memory_space<vmem>>
              %dma_start3A_119 = arith.constant 0 : i32
              %dma_start3A_120 = arith.constant 0 : i32
              %dma_start3A_121 = tpu.memref_slice %arg2[%dma_start3A_119, %dma_start3A_120] : memref<20480x128xf32, #tpu.memory_space<hbm>> -> memref<20480x128xf32, #tpu.memory_space<hbm>>
              tpu.enqueue_indirect_dma source(%dma_start3A_121 : memref<20480x128xf32, #tpu.memory_space<hbm>>) target(%arg10 : memref<128x128xf32, #tpu.memory_space<vmem>>) offsets(%dma_start3A_118 : memref<128xi32, #tpu.memory_space<vmem>>) semaphore(%arg12 : memref<!tpu.dma_semaphore, #tpu.memory_space<semaphore_mem>>)
            } else {
            }
            %dma_wait3A_102 = arith.constant 0 : i32
            %dma_wait3A_103 = tpu.memref_slice %arg8[%add3A_80, %dma_wait3A_102] : memref<32x128xi32, #tpu.memory_space<vmem>> -> memref<1x128xi32, #tpu.memory_space<vmem>>
            %dma_wait3A_104 = tpu.memref_squeeze %dma_wait3A_103 : memref<1x128xi32, #tpu.memory_space<vmem>> -> memref<128xi32, #tpu.memory_space<vmem>>
            %dma_wait3A_105 = arith.constant 0 : i32
            %dma_wait3A_106 = arith.constant 0 : i32
            %dma_wait3A_107 = tpu.memref_slice %arg2[%dma_wait3A_105, %dma_wait3A_106] : memref<20480x128xf32, #tpu.memory_space<hbm>> -> memref<20480x128xf32, #tpu.memory_space<hbm>>
            tpu.wait_indirect_dma semaphore(%arg13 : memref<!tpu.dma_semaphore, #tpu.memory_space<semaphore_mem>>) src(%dma_wait3A_107 : memref<20480x128xf32, #tpu.memory_space<hbm>>) dst(%arg11 : memref<128x128xf32, #tpu.memory_space<vmem>>)
            %dma_start3A_108 = arith.constant 0 : i32
            %dma_start3A_109 = tpu.memref_slice %arg9[%add3A_80, %dma_start3A_108] : memref<32x128xi32, #tpu.memory_space<vmem>> -> memref<1x128xi32, #tpu.memory_space<vmem>>
            %dma_start3A_110 = tpu.memref_squeeze %dma_start3A_109 : memref<1x128xi32, #tpu.memory_space<vmem>> -> memref<128xi32, #tpu.memory_space<vmem>>
            %dma_start3A_111 = arith.constant 0 : i32
            %dma_start3A_112 = arith.constant 0 : i32
            %dma_start3A_113 = tpu.memref_slice %arg7[%dma_start3A_111, %dma_start3A_112] : memref<10240x128xf32, #tpu.memory_space<vmem_shared>> -> memref<10240x128xf32, #tpu.memory_space<vmem_shared>>
            tpu.enqueue_indirect_dma source(%arg11 : memref<128x128xf32, #tpu.memory_space<vmem>>) target(%dma_start3A_113 : memref<10240x128xf32, #tpu.memory_space<vmem_shared>>) offsets(%dma_start3A_110 : memref<128xi32, #tpu.memory_space<vmem>>) semaphore(%arg15 : memref<!tpu.dma_semaphore, #tpu.memory_space<semaphore_mem>>) {add = true}
          } else {
          }
        }
        %scan3A_54 = arith.constant 16 : i32
        %rem3A = arith.constant 2 : i32
        %rem3A_55 = arith.remsi %min3A, %rem3A : i32
        %eq3A = arith.constant 1 : i32
        %eq3A_56 = arith.cmpi eq, %rem3A_55, %eq3A : i32
        %convert_element_type3A_57 = arith.extui %eq3A_56 : i1 to i32
        %cond3A_58 = arith.constant 0 : i32
        %cond3A_59 = arith.cmpi ne, %convert_element_type3A_57, %cond3A_58 : i32
        scf.if %cond3A_59 {
          %dma_wait3A = arith.constant 0 : i32
          %dma_wait3A_67 = arith.constant 0 : i32
          %dma_wait3A_68 = tpu.memref_slice %arg9[%dma_wait3A, %dma_wait3A_67] : memref<32x128xi32, #tpu.memory_space<vmem>> -> memref<1x128xi32, #tpu.memory_space<vmem>>
          %dma_wait3A_69 = tpu.memref_squeeze %dma_wait3A_68 : memref<1x128xi32, #tpu.memory_space<vmem>> -> memref<128xi32, #tpu.memory_space<vmem>>
          %dma_wait3A_70 = arith.constant 0 : i32
          %dma_wait3A_71 = arith.constant 0 : i32
          %dma_wait3A_72 = tpu.memref_slice %arg7[%dma_wait3A_70, %dma_wait3A_71] : memref<10240x128xf32, #tpu.memory_space<vmem_shared>> -> memref<10240x128xf32, #tpu.memory_space<vmem_shared>>
          tpu.wait_indirect_dma semaphore(%arg14 : memref<!tpu.dma_semaphore, #tpu.memory_space<semaphore_mem>>) src(%arg10 : memref<128x128xf32, #tpu.memory_space<vmem>>) dst(%dma_wait3A_72 : memref<10240x128xf32, #tpu.memory_space<vmem_shared>>)
        } else {
        }
        %rem3A_60 = arith.constant 2 : i32
        %rem3A_61 = arith.remsi %min3A, %rem3A_60 : i32
        %eq3A_62 = arith.constant 0 : i32
        %eq3A_63 = arith.cmpi eq, %rem3A_61, %eq3A_62 : i32
        %convert_element_type3A_64 = arith.extui %eq3A_63 : i1 to i32
        %cond3A_65 = arith.constant 0 : i32
        %cond3A_66 = arith.cmpi ne, %convert_element_type3A_64, %cond3A_65 : i32
        scf.if %cond3A_66 {
          %dma_wait3A = arith.constant 0 : i32
          %dma_wait3A_67 = arith.constant 0 : i32
          %dma_wait3A_68 = tpu.memref_slice %arg9[%dma_wait3A, %dma_wait3A_67] : memref<32x128xi32, #tpu.memory_space<vmem>> -> memref<1x128xi32, #tpu.memory_space<vmem>>
          %dma_wait3A_69 = tpu.memref_squeeze %dma_wait3A_68 : memref<1x128xi32, #tpu.memory_space<vmem>> -> memref<128xi32, #tpu.memory_space<vmem>>
          %dma_wait3A_70 = arith.constant 0 : i32
          %dma_wait3A_71 = arith.constant 0 : i32
          %dma_wait3A_72 = tpu.memref_slice %arg7[%dma_wait3A_70, %dma_wait3A_71] : memref<10240x128xf32, #tpu.memory_space<vmem_shared>> -> memref<10240x128xf32, #tpu.memory_space<vmem_shared>>
          tpu.wait_indirect_dma semaphore(%arg15 : memref<!tpu.dma_semaphore, #tpu.memory_space<semaphore_mem>>) src(%arg11 : memref<128x128xf32, #tpu.memory_space<vmem>>) dst(%dma_wait3A_72 : memref<10240x128xf32, #tpu.memory_space<vmem_shared>>)
        } else {
        }
      } else {
      }
    }
    %scan3A_17 = arith.constant 5 : i32
    %barrier3A_18 = arith.constant 0 : index
    tpu.barrier barrier_id(%barrier3A_18)
    %mul3A_19 = arith.constant 10240 : i32
    %mul3A_20 = arith.muli %arg0, %mul3A_19 : i32
    %add3A_21 = arith.constant 0 : i32
    %add3A_22 = arith.addi %mul3A_0, %add3A_21 : i32
    "tpu.region"() ({
      %run_scoped3A = tpu.sem_alloc : memref<!tpu.dma_semaphore, #tpu.memory_space<semaphore_mem>>
      %dma_start3A = arith.constant 0 : i32
      %dma_start3A_36 = tpu.memref_slice %arg7[%add3A_22, %dma_start3A] : memref<10240x128xf32, #tpu.memory_space<vmem_shared>> -> memref<128x128xf32, #tpu.memory_space<vmem_shared>>
      %dma_start3A_37 = arith.constant 0 : i32
      %dma_start3A_38 = tpu.memref_slice %arg7[%add3A_22, %dma_start3A_37] : memref<10240x128xf32, #tpu.memory_space<vmem_shared>> -> memref<128x128xf32, #tpu.memory_space<vmem_shared>>
      tpu.enqueue_dma source(%dma_start3A_38 : memref<128x128xf32, #tpu.memory_space<vmem_shared>>) target(%arg10 : memref<128x128xf32, #tpu.memory_space<vmem>>) target_semaphore(%run_scoped3A : memref<!tpu.dma_semaphore, #tpu.memory_space<semaphore_mem>>)
      %dma_wait3A = arith.constant 0 : i32
      %dma_wait3A_39 = tpu.memref_slice %arg7[%add3A_22, %dma_wait3A] : memref<10240x128xf32, #tpu.memory_space<vmem_shared>> -> memref<128x128xf32, #tpu.memory_space<vmem_shared>>
      %dma_wait3A_40 = arith.constant 0 : i32
      %dma_wait3A_41 = tpu.memref_slice %arg7[%add3A_22, %dma_wait3A_40] : memref<10240x128xf32, #tpu.memory_space<vmem_shared>> -> memref<128x128xf32, #tpu.memory_space<vmem_shared>>
      tpu.wait_dma2 semaphore(%run_scoped3A : memref<!tpu.dma_semaphore, #tpu.memory_space<semaphore_mem>>) src(%dma_wait3A_41 : memref<128x128xf32, #tpu.memory_space<vmem_shared>>) dst(%arg10 : memref<128x128xf32, #tpu.memory_space<vmem>>)
      tpu.yield
    }) : () -> ()
    %add3A_23 = arith.addi %mul3A_20, %add3A_22 : i32
    "tpu.region"() ({
      %run_scoped3A = tpu.sem_alloc : memref<!tpu.dma_semaphore, #tpu.memory_space<semaphore_mem>>
      %dma_start3A = arith.constant 0 : i32
      %dma_start3A_36 = tpu.memref_slice %arg6[%add3A_23, %dma_start3A] : memref<20480x128xf32, #tpu.memory_space<hbm>> -> memref<128x128xf32, #tpu.memory_space<hbm>>
      %dma_start3A_37 = arith.constant 0 : i32
      %dma_start3A_38 = tpu.memref_slice %arg6[%add3A_23, %dma_start3A_37] : memref<20480x128xf32, #tpu.memory_space<hbm>> -> memref<128x128xf32, #tpu.memory_space<hbm>>
      tpu.enqueue_dma source(%arg10 : memref<128x128xf32, #tpu.memory_space<vmem>>) target(%dma_start3A_38 : memref<128x128xf32, #tpu.memory_space<hbm>>) target_semaphore(%run_scoped3A : memref<!tpu.dma_semaphore, #tpu.memory_space<semaphore_mem>>)
      %dma_wait3A = arith.constant 0 : i32
      %dma_wait3A_39 = tpu.memref_slice %arg6[%add3A_23, %dma_wait3A] : memref<20480x128xf32, #tpu.memory_space<hbm>> -> memref<128x128xf32, #tpu.memory_space<hbm>>
      %dma_wait3A_40 = arith.constant 0 : i32
      %dma_wait3A_41 = tpu.memref_slice %arg6[%add3A_23, %dma_wait3A_40] : memref<20480x128xf32, #tpu.memory_space<hbm>> -> memref<128x128xf32, #tpu.memory_space<hbm>>
      tpu.wait_dma2 semaphore(%run_scoped3A : memref<!tpu.dma_semaphore, #tpu.memory_space<semaphore_mem>>) src(%arg10 : memref<128x128xf32, #tpu.memory_space<vmem>>) dst(%dma_wait3A_41 : memref<128x128xf32, #tpu.memory_space<hbm>>)
      tpu.yield
    }) : () -> ()
    %add3A_24 = arith.constant 128 : i32
    %add3A_25 = arith.addi %mul3A_0, %add3A_24 : i32
    "tpu.region"() ({
      %run_scoped3A = tpu.sem_alloc : memref<!tpu.dma_semaphore, #tpu.memory_space<semaphore_mem>>
      %dma_start3A = arith.constant 0 : i32
      %dma_start3A_36 = tpu.memref_slice %arg7[%add3A_25, %dma_start3A] : memref<10240x128xf32, #tpu.memory_space<vmem_shared>> -> memref<128x128xf32, #tpu.memory_space<vmem_shared>>
      %dma_start3A_37 = arith.constant 0 : i32
      %dma_start3A_38 = tpu.memref_slice %arg7[%add3A_25, %dma_start3A_37] : memref<10240x128xf32, #tpu.memory_space<vmem_shared>> -> memref<128x128xf32, #tpu.memory_space<vmem_shared>>
      tpu.enqueue_dma source(%dma_start3A_38 : memref<128x128xf32, #tpu.memory_space<vmem_shared>>) target(%arg10 : memref<128x128xf32, #tpu.memory_space<vmem>>) target_semaphore(%run_scoped3A : memref<!tpu.dma_semaphore, #tpu.memory_space<semaphore_mem>>)
      %dma_wait3A = arith.constant 0 : i32
      %dma_wait3A_39 = tpu.memref_slice %arg7[%add3A_25, %dma_wait3A] : memref<10240x128xf32, #tpu.memory_space<vmem_shared>> -> memref<128x128xf32, #tpu.memory_space<vmem_shared>>
      %dma_wait3A_40 = arith.constant 0 : i32
      %dma_wait3A_41 = tpu.memref_slice %arg7[%add3A_25, %dma_wait3A_40] : memref<10240x128xf32, #tpu.memory_space<vmem_shared>> -> memref<128x128xf32, #tpu.memory_space<vmem_shared>>
      tpu.wait_dma2 semaphore(%run_scoped3A : memref<!tpu.dma_semaphore, #tpu.memory_space<semaphore_mem>>) src(%dma_wait3A_41 : memref<128x128xf32, #tpu.memory_space<vmem_shared>>) dst(%arg10 : memref<128x128xf32, #tpu.memory_space<vmem>>)
      tpu.yield
    }) : () -> ()
    %add3A_26 = arith.addi %mul3A_20, %add3A_25 : i32
    "tpu.region"() ({
      %run_scoped3A = tpu.sem_alloc : memref<!tpu.dma_semaphore, #tpu.memory_space<semaphore_mem>>
      %dma_start3A = arith.constant 0 : i32
      %dma_start3A_36 = tpu.memref_slice %arg6[%add3A_26, %dma_start3A] : memref<20480x128xf32, #tpu.memory_space<hbm>> -> memref<128x128xf32, #tpu.memory_space<hbm>>
      %dma_start3A_37 = arith.constant 0 : i32
      %dma_start3A_38 = tpu.memref_slice %arg6[%add3A_26, %dma_start3A_37] : memref<20480x128xf32, #tpu.memory_space<hbm>> -> memref<128x128xf32, #tpu.memory_space<hbm>>
      tpu.enqueue_dma source(%arg10 : memref<128x128xf32, #tpu.memory_space<vmem>>) target(%dma_start3A_38 : memref<128x128xf32, #tpu.memory_space<hbm>>) target_semaphore(%run_scoped3A : memref<!tpu.dma_semaphore, #tpu.memory_space<semaphore_mem>>)
      %dma_wait3A = arith.constant 0 : i32
      %dma_wait3A_39 = tpu.memref_slice %arg6[%add3A_26, %dma_wait3A] : memref<20480x128xf32, #tpu.memory_space<hbm>> -> memref<128x128xf32, #tpu.memory_space<hbm>>
      %dma_wait3A_40 = arith.constant 0 : i32
      %dma_wait3A_41 = tpu.memref_slice %arg6[%add3A_26, %dma_wait3A_40] : memref<20480x128xf32, #tpu.memory_space<hbm>> -> memref<128x128xf32, #tpu.memory_space<hbm>>
      tpu.wait_dma2 semaphore(%run_scoped3A : memref<!tpu.dma_semaphore, #tpu.memory_space<semaphore_mem>>) src(%arg10 : memref<128x128xf32, #tpu.memory_space<vmem>>) dst(%dma_wait3A_41 : memref<128x128xf32, #tpu.memory_space<hbm>>)
      tpu.yield
    }) : () -> ()
    %add3A_27 = arith.constant 256 : i32
    %add3A_28 = arith.addi %mul3A_0, %add3A_27 : i32
    "tpu.region"() ({
      %run_scoped3A = tpu.sem_alloc : memref<!tpu.dma_semaphore, #tpu.memory_space<semaphore_mem>>
      %dma_start3A = arith.constant 0 : i32
      %dma_start3A_36 = tpu.memref_slice %arg7[%add3A_28, %dma_start3A] : memref<10240x128xf32, #tpu.memory_space<vmem_shared>> -> memref<128x128xf32, #tpu.memory_space<vmem_shared>>
      %dma_start3A_37 = arith.constant 0 : i32
      %dma_start3A_38 = tpu.memref_slice %arg7[%add3A_28, %dma_start3A_37] : memref<10240x128xf32, #tpu.memory_space<vmem_shared>> -> memref<128x128xf32, #tpu.memory_space<vmem_shared>>
      tpu.enqueue_dma source(%dma_start3A_38 : memref<128x128xf32, #tpu.memory_space<vmem_shared>>) target(%arg10 : memref<128x128xf32, #tpu.memory_space<vmem>>) target_semaphore(%run_scoped3A : memref<!tpu.dma_semaphore, #tpu.memory_space<semaphore_mem>>)
      %dma_wait3A = arith.constant 0 : i32
      %dma_wait3A_39 = tpu.memref_slice %arg7[%add3A_28, %dma_wait3A] : memref<10240x128xf32, #tpu.memory_space<vmem_shared>> -> memref<128x128xf32, #tpu.memory_space<vmem_shared>>
      %dma_wait3A_40 = arith.constant 0 : i32
      %dma_wait3A_41 = tpu.memref_slice %arg7[%add3A_28, %dma_wait3A_40] : memref<10240x128xf32, #tpu.memory_space<vmem_shared>> -> memref<128x128xf32, #tpu.memory_space<vmem_shared>>
      tpu.wait_dma2 semaphore(%run_scoped3A : memref<!tpu.dma_semaphore, #tpu.memory_space<semaphore_mem>>) src(%dma_wait3A_41 : memref<128x128xf32, #tpu.memory_space<vmem_shared>>) dst(%arg10 : memref<128x128xf32, #tpu.memory_space<vmem>>)
      tpu.yield
    }) : () -> ()
    %add3A_29 = arith.addi %mul3A_20, %add3A_28 : i32
    "tpu.region"() ({
      %run_scoped3A = tpu.sem_alloc : memref<!tpu.dma_semaphore, #tpu.memory_space<semaphore_mem>>
      %dma_start3A = arith.constant 0 : i32
      %dma_start3A_36 = tpu.memref_slice %arg6[%add3A_29, %dma_start3A] : memref<20480x128xf32, #tpu.memory_space<hbm>> -> memref<128x128xf32, #tpu.memory_space<hbm>>
      %dma_start3A_37 = arith.constant 0 : i32
      %dma_start3A_38 = tpu.memref_slice %arg6[%add3A_29, %dma_start3A_37] : memref<20480x128xf32, #tpu.memory_space<hbm>> -> memref<128x128xf32, #tpu.memory_space<hbm>>
      tpu.enqueue_dma source(%arg10 : memref<128x128xf32, #tpu.memory_space<vmem>>) target(%dma_start3A_38 : memref<128x128xf32, #tpu.memory_space<hbm>>) target_semaphore(%run_scoped3A : memref<!tpu.dma_semaphore, #tpu.memory_space<semaphore_mem>>)
      %dma_wait3A = arith.constant 0 : i32
      %dma_wait3A_39 = tpu.memref_slice %arg6[%add3A_29, %dma_wait3A] : memref<20480x128xf32, #tpu.memory_space<hbm>> -> memref<128x128xf32, #tpu.memory_space<hbm>>
      %dma_wait3A_40 = arith.constant 0 : i32
      %dma_wait3A_41 = tpu.memref_slice %arg6[%add3A_29, %dma_wait3A_40] : memref<20480x128xf32, #tpu.memory_space<hbm>> -> memref<128x128xf32, #tpu.memory_space<hbm>>
      tpu.wait_dma2 semaphore(%run_scoped3A : memref<!tpu.dma_semaphore, #tpu.memory_space<semaphore_mem>>) src(%arg10 : memref<128x128xf32, #tpu.memory_space<vmem>>) dst(%dma_wait3A_41 : memref<128x128xf32, #tpu.memory_space<hbm>>)
      tpu.yield
    }) : () -> ()
    %add3A_30 = arith.constant 384 : i32
    %add3A_31 = arith.addi %mul3A_0, %add3A_30 : i32
    "tpu.region"() ({
      %run_scoped3A = tpu.sem_alloc : memref<!tpu.dma_semaphore, #tpu.memory_space<semaphore_mem>>
      %dma_start3A = arith.constant 0 : i32
      %dma_start3A_36 = tpu.memref_slice %arg7[%add3A_31, %dma_start3A] : memref<10240x128xf32, #tpu.memory_space<vmem_shared>> -> memref<128x128xf32, #tpu.memory_space<vmem_shared>>
      %dma_start3A_37 = arith.constant 0 : i32
      %dma_start3A_38 = tpu.memref_slice %arg7[%add3A_31, %dma_start3A_37] : memref<10240x128xf32, #tpu.memory_space<vmem_shared>> -> memref<128x128xf32, #tpu.memory_space<vmem_shared>>
      tpu.enqueue_dma source(%dma_start3A_38 : memref<128x128xf32, #tpu.memory_space<vmem_shared>>) target(%arg10 : memref<128x128xf32, #tpu.memory_space<vmem>>) target_semaphore(%run_scoped3A : memref<!tpu.dma_semaphore, #tpu.memory_space<semaphore_mem>>)
      %dma_wait3A = arith.constant 0 : i32
      %dma_wait3A_39 = tpu.memref_slice %arg7[%add3A_31, %dma_wait3A] : memref<10240x128xf32, #tpu.memory_space<vmem_shared>> -> memref<128x128xf32, #tpu.memory_space<vmem_shared>>
      %dma_wait3A_40 = arith.constant 0 : i32
      %dma_wait3A_41 = tpu.memref_slice %arg7[%add3A_31, %dma_wait3A_40] : memref<10240x128xf32, #tpu.memory_space<vmem_shared>> -> memref<128x128xf32, #tpu.memory_space<vmem_shared>>
      tpu.wait_dma2 semaphore(%run_scoped3A : memref<!tpu.dma_semaphore, #tpu.memory_space<semaphore_mem>>) src(%dma_wait3A_41 : memref<128x128xf32, #tpu.memory_space<vmem_shared>>) dst(%arg10 : memref<128x128xf32, #tpu.memory_space<vmem>>)
      tpu.yield
    }) : () -> ()
    %add3A_32 = arith.addi %mul3A_20, %add3A_31 : i32
    "tpu.region"() ({
      %run_scoped3A = tpu.sem_alloc : memref<!tpu.dma_semaphore, #tpu.memory_space<semaphore_mem>>
      %dma_start3A = arith.constant 0 : i32
      %dma_start3A_36 = tpu.memref_slice %arg6[%add3A_32, %dma_start3A] : memref<20480x128xf32, #tpu.memory_space<hbm>> -> memref<128x128xf32, #tpu.memory_space<hbm>>
      %dma_start3A_37 = arith.constant 0 : i32
      %dma_start3A_38 = tpu.memref_slice %arg6[%add3A_32, %dma_start3A_37] : memref<20480x128xf32, #tpu.memory_space<hbm>> -> memref<128x128xf32, #tpu.memory_space<hbm>>
      tpu.enqueue_dma source(%arg10 : memref<128x128xf32, #tpu.memory_space<vmem>>) target(%dma_start3A_38 : memref<128x128xf32, #tpu.memory_space<hbm>>) target_semaphore(%run_scoped3A : memref<!tpu.dma_semaphore, #tpu.memory_space<semaphore_mem>>)
      %dma_wait3A = arith.constant 0 : i32
      %dma_wait3A_39 = tpu.memref_slice %arg6[%add3A_32, %dma_wait3A] : memref<20480x128xf32, #tpu.memory_space<hbm>> -> memref<128x128xf32, #tpu.memory_space<hbm>>
      %dma_wait3A_40 = arith.constant 0 : i32
      %dma_wait3A_41 = tpu.memref_slice %arg6[%add3A_32, %dma_wait3A_40] : memref<20480x128xf32, #tpu.memory_space<hbm>> -> memref<128x128xf32, #tpu.memory_space<hbm>>
      tpu.wait_dma2 semaphore(%run_scoped3A : memref<!tpu.dma_semaphore, #tpu.memory_space<semaphore_mem>>) src(%arg10 : memref<128x128xf32, #tpu.memory_space<vmem>>) dst(%dma_wait3A_41 : memref<128x128xf32, #tpu.memory_space<hbm>>)
      tpu.yield
    }) : () -> ()
    %add3A_33 = arith.constant 512 : i32
    %add3A_34 = arith.addi %mul3A_0, %add3A_33 : i32
    "tpu.region"() ({
      %run_scoped3A = tpu.sem_alloc : memref<!tpu.dma_semaphore, #tpu.memory_space<semaphore_mem>>
      %dma_start3A = arith.constant 0 : i32
      %dma_start3A_36 = tpu.memref_slice %arg7[%add3A_34, %dma_start3A] : memref<10240x128xf32, #tpu.memory_space<vmem_shared>> -> memref<128x128xf32, #tpu.memory_space<vmem_shared>>
      %dma_start3A_37 = arith.constant 0 : i32
      %dma_start3A_38 = tpu.memref_slice %arg7[%add3A_34, %dma_start3A_37] : memref<10240x128xf32, #tpu.memory_space<vmem_shared>> -> memref<128x128xf32, #tpu.memory_space<vmem_shared>>
      tpu.enqueue_dma source(%dma_start3A_38 : memref<128x128xf32, #tpu.memory_space<vmem_shared>>) target(%arg10 : memref<128x128xf32, #tpu.memory_space<vmem>>) target_semaphore(%run_scoped3A : memref<!tpu.dma_semaphore, #tpu.memory_space<semaphore_mem>>)
      %dma_wait3A = arith.constant 0 : i32
      %dma_wait3A_39 = tpu.memref_slice %arg7[%add3A_34, %dma_wait3A] : memref<10240x128xf32, #tpu.memory_space<vmem_shared>> -> memref<128x128xf32, #tpu.memory_space<vmem_shared>>
      %dma_wait3A_40 = arith.constant 0 : i32
      %dma_wait3A_41 = tpu.memref_slice %arg7[%add3A_34, %dma_wait3A_40] : memref<10240x128xf32, #tpu.memory_space<vmem_shared>> -> memref<128x128xf32, #tpu.memory_space<vmem_shared>>
      tpu.wait_dma2 semaphore(%run_scoped3A : memref<!tpu.dma_semaphore, #tpu.memory_space<semaphore_mem>>) src(%dma_wait3A_41 : memref<128x128xf32, #tpu.memory_space<vmem_shared>>) dst(%arg10 : memref<128x128xf32, #tpu.memory_space<vmem>>)
      tpu.yield
    }) : () -> ()
    %add3A_35 = arith.addi %mul3A_20, %add3A_34 : i32
    "tpu.region"() ({
      %run_scoped3A = tpu.sem_alloc : memref<!tpu.dma_semaphore, #tpu.memory_space<semaphore_mem>>
      %dma_start3A = arith.constant 0 : i32
      %dma_start3A_36 = tpu.memref_slice %arg6[%add3A_35, %dma_start3A] : memref<20480x128xf32, #tpu.memory_space<hbm>> -> memref<128x128xf32, #tpu.memory_space<hbm>>
      %dma_start3A_37 = arith.constant 0 : i32
      %dma_start3A_38 = tpu.memref_slice %arg6[%add3A_35, %dma_start3A_37] : memref<20480x128xf32, #tpu.memory_space<hbm>> -> memref<128x128xf32, #tpu.memory_space<hbm>>
      tpu.enqueue_dma source(%arg10 : memref<128x128xf32, #tpu.memory_space<vmem>>) target(%dma_start3A_38 : memref<128x128xf32, #tpu.memory_space<hbm>>) target_semaphore(%run_scoped3A : memref<!tpu.dma_semaphore, #tpu.memory_space<semaphore_mem>>)
      %dma_wait3A = arith.constant 0 : i32
      %dma_wait3A_39 = tpu.memref_slice %arg6[%add3A_35, %dma_wait3A] : memref<20480x128xf32, #tpu.memory_space<hbm>> -> memref<128x128xf32, #tpu.memory_space<hbm>>
      %dma_wait3A_40 = arith.constant 0 : i32
      %dma_wait3A_41 = tpu.memref_slice %arg6[%add3A_35, %dma_wait3A_40] : memref<20480x128xf32, #tpu.memory_space<hbm>> -> memref<128x128xf32, #tpu.memory_space<hbm>>
      tpu.wait_dma2 semaphore(%run_scoped3A : memref<!tpu.dma_semaphore, #tpu.memory_space<semaphore_mem>>) src(%arg10 : memref<128x128xf32, #tpu.memory_space<vmem>>) dst(%dma_wait3A_41 : memref<128x128xf32, #tpu.memory_space<hbm>>)
      tpu.yield
    }) : () -> ()
    return
  }
}

#map = affine_map<(d0, d1) -> (0, 0)>
#map1 = affine_map<(d0, d1) -> (0, 0, 0, 0)>
#map2 = affine_map<(d0, d1) -> (0, 0, 0)>
module attributes {stable_mosaic.version = 14 : i64} {
  func.func @_msg_body(%arg0: i32, %arg1: i32, %arg2: memref<20480x128xf32, #tpu.memory_space<hbm>>, %arg3: memref<2x16x160x128xi32, #tpu.memory_space<hbm>>, %arg4: memref<16x160x128xi32, #tpu.memory_space<hbm>>, %arg5: memref<128x128xf32, #tpu.memory_space<hbm>>, %arg6: memref<20480x128xf32, #tpu.memory_space<hbm>>, %arg7: memref<10240x128xf32, #tpu.memory_space<vmem_shared>>, %arg8: memref<32x128xi32, #tpu.memory_space<vmem>>, %arg9: memref<32x128xi32, #tpu.memory_space<vmem>>, %arg10: memref<128x128xf32, #tpu.memory_space<vmem>>, %arg11: memref<128x128xf32, #tpu.memory_space<vmem>>, %arg12: memref<!tpu.dma_semaphore, #tpu.memory_space<semaphore_mem>>, %arg13: memref<!tpu.dma_semaphore, #tpu.memory_space<semaphore_mem>>, %arg14: memref<!tpu.dma_semaphore, #tpu.memory_space<semaphore_mem>>, %arg15: memref<!tpu.dma_semaphore, #tpu.memory_space<semaphore_mem>>) attributes {dimension_semantics = [#tpu.dimension_semantics<core_parallel>, #tpu.dimension_semantics<subcore_parallel>], iteration_bounds = array<i64: 2, 16>, scalar_prefetch = 0 : i64, scratch_operands = 9 : i64, tpu.core_type = #tpu.core_type<sc_vector_subcore>, window_params = [{transform_indices = #map}, {transform_indices = #map1}, {transform_indices = #map2}, {transform_indices = #map}, {transform_indices = #map}]} {
    %mul3A = arith.constant 640 : i32
    %mul3A_0 = arith.muli %arg1, %mul3A : i32
    "tpu.region"() ({
      %run_scoped3A = tpu.sem_alloc : memref<!tpu.dma_semaphore, #tpu.memory_space<semaphore_mem>>
      tpu.enqueue_dma source(%arg5 : memref<128x128xf32, #tpu.memory_space<hbm>>) target(%arg10 : memref<128x128xf32, #tpu.memory_space<vmem>>) target_semaphore(%run_scoped3A : memref<!tpu.dma_semaphore, #tpu.memory_space<semaphore_mem>>)
      tpu.wait_dma2 semaphore(%run_scoped3A : memref<!tpu.dma_semaphore, #tpu.memory_space<semaphore_mem>>) src(%arg5 : memref<128x128xf32, #tpu.memory_space<hbm>>) dst(%arg10 : memref<128x128xf32, #tpu.memory_space<vmem>>)
      tpu.yield
    }) : () -> ()
    %add3A = arith.constant 0 : i32
    %add3A_1 = arith.addi %mul3A_0, %add3A : i32
    "tpu.region"() ({
      %run_scoped3A = tpu.sem_alloc : memref<!tpu.dma_semaphore, #tpu.memory_space<semaphore_mem>>
      %dma_start3A = arith.constant 0 : i32
      %dma_start3A_36 = tpu.memref_slice %arg7[%add3A_1, %dma_start3A] : memref<10240x128xf32, #tpu.memory_space<vmem_shared>> -> memref<128x128xf32, #tpu.memory_space<vmem_shared>>
      %dma_start3A_37 = arith.constant 0 : i32
      %dma_start3A_38 = tpu.memref_slice %arg7[%add3A_1, %dma_start3A_37] : memref<10240x128xf32, #tpu.memory_space<vmem_shared>> -> memref<128x128xf32, #tpu.memory_space<vmem_shared>>
      tpu.enqueue_dma source(%arg10 : memref<128x128xf32, #tpu.memory_space<vmem>>) target(%dma_start3A_38 : memref<128x128xf32, #tpu.memory_space<vmem_shared>>) target_semaphore(%run_scoped3A : memref<!tpu.dma_semaphore, #tpu.memory_space<semaphore_mem>>)
      %dma_wait3A = arith.constant 0 : i32
      %dma_wait3A_39 = tpu.memref_slice %arg7[%add3A_1, %dma_wait3A] : memref<10240x128xf32, #tpu.memory_space<vmem_shared>> -> memref<128x128xf32, #tpu.memory_space<vmem_shared>>
      %dma_wait3A_40 = arith.constant 0 : i32
      %dma_wait3A_41 = tpu.memref_slice %arg7[%add3A_1, %dma_wait3A_40] : memref<10240x128xf32, #tpu.memory_space<vmem_shared>> -> memref<128x128xf32, #tpu.memory_space<vmem_shared>>
      tpu.wait_dma2 semaphore(%run_scoped3A : memref<!tpu.dma_semaphore, #tpu.memory_space<semaphore_mem>>) src(%arg10 : memref<128x128xf32, #tpu.memory_space<vmem>>) dst(%dma_wait3A_41 : memref<128x128xf32, #tpu.memory_space<vmem_shared>>)
      tpu.yield
    }) : () -> ()
    %add3A_2 = arith.constant 128 : i32
    %add3A_3 = arith.addi %mul3A_0, %add3A_2 : i32
    "tpu.region"() ({
      %run_scoped3A = tpu.sem_alloc : memref<!tpu.dma_semaphore, #tpu.memory_space<semaphore_mem>>
      %dma_start3A = arith.constant 0 : i32
      %dma_start3A_36 = tpu.memref_slice %arg7[%add3A_3, %dma_start3A] : memref<10240x128xf32, #tpu.memory_space<vmem_shared>> -> memref<128x128xf32, #tpu.memory_space<vmem_shared>>
      %dma_start3A_37 = arith.constant 0 : i32
      %dma_start3A_38 = tpu.memref_slice %arg7[%add3A_3, %dma_start3A_37] : memref<10240x128xf32, #tpu.memory_space<vmem_shared>> -> memref<128x128xf32, #tpu.memory_space<vmem_shared>>
      tpu.enqueue_dma source(%arg10 : memref<128x128xf32, #tpu.memory_space<vmem>>) target(%dma_start3A_38 : memref<128x128xf32, #tpu.memory_space<vmem_shared>>) target_semaphore(%run_scoped3A : memref<!tpu.dma_semaphore, #tpu.memory_space<semaphore_mem>>)
      %dma_wait3A = arith.constant 0 : i32
      %dma_wait3A_39 = tpu.memref_slice %arg7[%add3A_3, %dma_wait3A] : memref<10240x128xf32, #tpu.memory_space<vmem_shared>> -> memref<128x128xf32, #tpu.memory_space<vmem_shared>>
      %dma_wait3A_40 = arith.constant 0 : i32
      %dma_wait3A_41 = tpu.memref_slice %arg7[%add3A_3, %dma_wait3A_40] : memref<10240x128xf32, #tpu.memory_space<vmem_shared>> -> memref<128x128xf32, #tpu.memory_space<vmem_shared>>
      tpu.wait_dma2 semaphore(%run_scoped3A : memref<!tpu.dma_semaphore, #tpu.memory_space<semaphore_mem>>) src(%arg10 : memref<128x128xf32, #tpu.memory_space<vmem>>) dst(%dma_wait3A_41 : memref<128x128xf32, #tpu.memory_space<vmem_shared>>)
      tpu.yield
    }) : () -> ()
    %add3A_4 = arith.constant 256 : i32
    %add3A_5 = arith.addi %mul3A_0, %add3A_4 : i32
    "tpu.region"() ({
      %run_scoped3A = tpu.sem_alloc : memref<!tpu.dma_semaphore, #tpu.memory_space<semaphore_mem>>
      %dma_start3A = arith.constant 0 : i32
      %dma_start3A_36 = tpu.memref_slice %arg7[%add3A_5, %dma_start3A] : memref<10240x128xf32, #tpu.memory_space<vmem_shared>> -> memref<128x128xf32, #tpu.memory_space<vmem_shared>>
      %dma_start3A_37 = arith.constant 0 : i32
      %dma_start3A_38 = tpu.memref_slice %arg7[%add3A_5, %dma_start3A_37] : memref<10240x128xf32, #tpu.memory_space<vmem_shared>> -> memref<128x128xf32, #tpu.memory_space<vmem_shared>>
      tpu.enqueue_dma source(%arg10 : memref<128x128xf32, #tpu.memory_space<vmem>>) target(%dma_start3A_38 : memref<128x128xf32, #tpu.memory_space<vmem_shared>>) target_semaphore(%run_scoped3A : memref<!tpu.dma_semaphore, #tpu.memory_space<semaphore_mem>>)
      %dma_wait3A = arith.constant 0 : i32
      %dma_wait3A_39 = tpu.memref_slice %arg7[%add3A_5, %dma_wait3A] : memref<10240x128xf32, #tpu.memory_space<vmem_shared>> -> memref<128x128xf32, #tpu.memory_space<vmem_shared>>
      %dma_wait3A_40 = arith.constant 0 : i32
      %dma_wait3A_41 = tpu.memref_slice %arg7[%add3A_5, %dma_wait3A_40] : memref<10240x128xf32, #tpu.memory_space<vmem_shared>> -> memref<128x128xf32, #tpu.memory_space<vmem_shared>>
      tpu.wait_dma2 semaphore(%run_scoped3A : memref<!tpu.dma_semaphore, #tpu.memory_space<semaphore_mem>>) src(%arg10 : memref<128x128xf32, #tpu.memory_space<vmem>>) dst(%dma_wait3A_41 : memref<128x128xf32, #tpu.memory_space<vmem_shared>>)
      tpu.yield
    }) : () -> ()
    %add3A_6 = arith.constant 384 : i32
    %add3A_7 = arith.addi %mul3A_0, %add3A_6 : i32
    "tpu.region"() ({
      %run_scoped3A = tpu.sem_alloc : memref<!tpu.dma_semaphore, #tpu.memory_space<semaphore_mem>>
      %dma_start3A = arith.constant 0 : i32
      %dma_start3A_36 = tpu.memref_slice %arg7[%add3A_7, %dma_start3A] : memref<10240x128xf32, #tpu.memory_space<vmem_shared>> -> memref<128x128xf32, #tpu.memory_space<vmem_shared>>
      %dma_start3A_37 = arith.constant 0 : i32
      %dma_start3A_38 = tpu.memref_slice %arg7[%add3A_7, %dma_start3A_37] : memref<10240x128xf32, #tpu.memory_space<vmem_shared>> -> memref<128x128xf32, #tpu.memory_space<vmem_shared>>
      tpu.enqueue_dma source(%arg10 : memref<128x128xf32, #tpu.memory_space<vmem>>) target(%dma_start3A_38 : memref<128x128xf32, #tpu.memory_space<vmem_shared>>) target_semaphore(%run_scoped3A : memref<!tpu.dma_semaphore, #tpu.memory_space<semaphore_mem>>)
      %dma_wait3A = arith.constant 0 : i32
      %dma_wait3A_39 = tpu.memref_slice %arg7[%add3A_7, %dma_wait3A] : memref<10240x128xf32, #tpu.memory_space<vmem_shared>> -> memref<128x128xf32, #tpu.memory_space<vmem_shared>>
      %dma_wait3A_40 = arith.constant 0 : i32
      %dma_wait3A_41 = tpu.memref_slice %arg7[%add3A_7, %dma_wait3A_40] : memref<10240x128xf32, #tpu.memory_space<vmem_shared>> -> memref<128x128xf32, #tpu.memory_space<vmem_shared>>
      tpu.wait_dma2 semaphore(%run_scoped3A : memref<!tpu.dma_semaphore, #tpu.memory_space<semaphore_mem>>) src(%arg10 : memref<128x128xf32, #tpu.memory_space<vmem>>) dst(%dma_wait3A_41 : memref<128x128xf32, #tpu.memory_space<vmem_shared>>)
      tpu.yield
    }) : () -> ()
    %add3A_8 = arith.constant 512 : i32
    %add3A_9 = arith.addi %mul3A_0, %add3A_8 : i32
    "tpu.region"() ({
      %run_scoped3A = tpu.sem_alloc : memref<!tpu.dma_semaphore, #tpu.memory_space<semaphore_mem>>
      %dma_start3A = arith.constant 0 : i32
      %dma_start3A_36 = tpu.memref_slice %arg7[%add3A_9, %dma_start3A] : memref<10240x128xf32, #tpu.memory_space<vmem_shared>> -> memref<128x128xf32, #tpu.memory_space<vmem_shared>>
      %dma_start3A_37 = arith.constant 0 : i32
      %dma_start3A_38 = tpu.memref_slice %arg7[%add3A_9, %dma_start3A_37] : memref<10240x128xf32, #tpu.memory_space<vmem_shared>> -> memref<128x128xf32, #tpu.memory_space<vmem_shared>>
      tpu.enqueue_dma source(%arg10 : memref<128x128xf32, #tpu.memory_space<vmem>>) target(%dma_start3A_38 : memref<128x128xf32, #tpu.memory_space<vmem_shared>>) target_semaphore(%run_scoped3A : memref<!tpu.dma_semaphore, #tpu.memory_space<semaphore_mem>>)
      %dma_wait3A = arith.constant 0 : i32
      %dma_wait3A_39 = tpu.memref_slice %arg7[%add3A_9, %dma_wait3A] : memref<10240x128xf32, #tpu.memory_space<vmem_shared>> -> memref<128x128xf32, #tpu.memory_space<vmem_shared>>
      %dma_wait3A_40 = arith.constant 0 : i32
      %dma_wait3A_41 = tpu.memref_slice %arg7[%add3A_9, %dma_wait3A_40] : memref<10240x128xf32, #tpu.memory_space<vmem_shared>> -> memref<128x128xf32, #tpu.memory_space<vmem_shared>>
      tpu.wait_dma2 semaphore(%run_scoped3A : memref<!tpu.dma_semaphore, #tpu.memory_space<semaphore_mem>>) src(%arg10 : memref<128x128xf32, #tpu.memory_space<vmem>>) dst(%dma_wait3A_41 : memref<128x128xf32, #tpu.memory_space<vmem_shared>>)
      tpu.yield
    }) : () -> ()
    %lt3A = arith.constant 4 : i32
    %lt3A_10 = arith.cmpi slt, %arg1, %lt3A : i32
    %convert_element_type3A = arith.extui %lt3A_10 : i1 to i32
    %add3A_11 = arith.constant 156 : i32
    %add3A_12 = arith.addi %add3A_11, %convert_element_type3A : i32
    %barrier3A = arith.constant 0 : index
    tpu.barrier barrier_id(%barrier3A)
    %scan3A = arith.constant 0 : i32
    %scan3A_13 = arith.constant 0 : i32
    %scan3A_14 = arith.constant 5 : i32
    %scan3A_15 = arith.addi %scan3A_13, %scan3A_14 : i32
    %scan3A_16 = arith.constant 1 : i32
    scf.for %scan3A_36 = %scan3A_13 to %scan3A_15 step %scan3A_16  : i32 {
      %mul3A_37 = arith.constant 32 : i32
      %mul3A_38 = arith.muli %scan3A_36, %mul3A_37 : i32
      %sub3A = arith.subi %add3A_12, %mul3A_38 : i32
      %jit3A = arith.constant 0 : i32
      %jit3A_39 = arith.constant 32 : i32
      %max3A = arith.maxsi %jit3A, %sub3A : i32
      %min3A = arith.minsi %jit3A_39, %max3A : i32
      %lt3A_40 = arith.cmpi slt, %mul3A_38, %add3A_12 : i32
      %convert_element_type3A_41 = arith.extui %lt3A_40 : i1 to i32
      %cond3A = arith.constant 0 : i32
      %cond3A_42 = arith.cmpi ne, %convert_element_type3A_41, %cond3A : i32
      scf.if %cond3A_42 {
        "tpu.region"() ({
          %run_scoped3A = tpu.sem_alloc : memref<!tpu.dma_semaphore, #tpu.memory_space<semaphore_mem>>
          %dma_start3A_67 = arith.constant 0 : i32
          %dma_start3A_68 = tpu.memref_slice %arg3[%arg0, %arg1, %mul3A_38, %dma_start3A_67] : memref<2x16x160x128xi32, #tpu.memory_space<hbm>> -> memref<1x1x32x128xi32, #tpu.memory_space<hbm>>
          %dma_start3A_69 = tpu.memref_squeeze %dma_start3A_68 : memref<1x1x32x128xi32, #tpu.memory_space<hbm>> -> memref<32x128xi32, #tpu.memory_space<hbm>>
          %dma_start3A_70 = arith.constant 0 : i32
          %dma_start3A_71 = tpu.memref_slice %arg3[%arg0, %arg1, %mul3A_38, %dma_start3A_70] : memref<2x16x160x128xi32, #tpu.memory_space<hbm>> -> memref<1x1x32x128xi32, #tpu.memory_space<hbm>>
          %dma_start3A_72 = tpu.memref_squeeze %dma_start3A_71 : memref<1x1x32x128xi32, #tpu.memory_space<hbm>> -> memref<32x128xi32, #tpu.memory_space<hbm>>
          tpu.enqueue_dma source(%dma_start3A_72 : memref<32x128xi32, #tpu.memory_space<hbm>>) target(%arg8 : memref<32x128xi32, #tpu.memory_space<vmem>>) target_semaphore(%run_scoped3A : memref<!tpu.dma_semaphore, #tpu.memory_space<semaphore_mem>>)
          %dma_wait3A = arith.constant 0 : i32
          %dma_wait3A_73 = tpu.memref_slice %arg3[%arg0, %arg1, %mul3A_38, %dma_wait3A] : memref<2x16x160x128xi32, #tpu.memory_space<hbm>> -> memref<1x1x32x128xi32, #tpu.memory_space<hbm>>
          %dma_wait3A_74 = tpu.memref_squeeze %dma_wait3A_73 : memref<1x1x32x128xi32, #tpu.memory_space<hbm>> -> memref<32x128xi32, #tpu.memory_space<hbm>>
          %dma_wait3A_75 = arith.constant 0 : i32
          %dma_wait3A_76 = tpu.memref_slice %arg3[%arg0, %arg1, %mul3A_38, %dma_wait3A_75] : memref<2x16x160x128xi32, #tpu.memory_space<hbm>> -> memref<1x1x32x128xi32, #tpu.memory_space<hbm>>
          %dma_wait3A_77 = tpu.memref_squeeze %dma_wait3A_76 : memref<1x1x32x128xi32, #tpu.memory_space<hbm>> -> memref<32x128xi32, #tpu.memory_space<hbm>>
          tpu.wait_dma2 semaphore(%run_scoped3A : memref<!tpu.dma_semaphore, #tpu.memory_space<semaphore_mem>>) src(%dma_wait3A_77 : memref<32x128xi32, #tpu.memory_space<hbm>>) dst(%arg8 : memref<32x128xi32, #tpu.memory_space<vmem>>)
          tpu.yield
        }) : () -> ()
        "tpu.region"() ({
          %run_scoped3A = tpu.sem_alloc : memref<!tpu.dma_semaphore, #tpu.memory_space<semaphore_mem>>
          %dma_start3A_67 = arith.constant 0 : i32
          %dma_start3A_68 = tpu.memref_slice %arg4[%arg1, %mul3A_38, %dma_start3A_67] : memref<16x160x128xi32, #tpu.memory_space<hbm>> -> memref<1x32x128xi32, #tpu.memory_space<hbm>>
          %dma_start3A_69 = tpu.memref_squeeze %dma_start3A_68 : memref<1x32x128xi32, #tpu.memory_space<hbm>> -> memref<32x128xi32, #tpu.memory_space<hbm>>
          %dma_start3A_70 = arith.constant 0 : i32
          %dma_start3A_71 = tpu.memref_slice %arg4[%arg1, %mul3A_38, %dma_start3A_70] : memref<16x160x128xi32, #tpu.memory_space<hbm>> -> memref<1x32x128xi32, #tpu.memory_space<hbm>>
          %dma_start3A_72 = tpu.memref_squeeze %dma_start3A_71 : memref<1x32x128xi32, #tpu.memory_space<hbm>> -> memref<32x128xi32, #tpu.memory_space<hbm>>
          tpu.enqueue_dma source(%dma_start3A_72 : memref<32x128xi32, #tpu.memory_space<hbm>>) target(%arg9 : memref<32x128xi32, #tpu.memory_space<vmem>>) target_semaphore(%run_scoped3A : memref<!tpu.dma_semaphore, #tpu.memory_space<semaphore_mem>>)
          %dma_wait3A = arith.constant 0 : i32
          %dma_wait3A_73 = tpu.memref_slice %arg4[%arg1, %mul3A_38, %dma_wait3A] : memref<16x160x128xi32, #tpu.memory_space<hbm>> -> memref<1x32x128xi32, #tpu.memory_space<hbm>>
          %dma_wait3A_74 = tpu.memref_squeeze %dma_wait3A_73 : memref<1x32x128xi32, #tpu.memory_space<hbm>> -> memref<32x128xi32, #tpu.memory_space<hbm>>
          %dma_wait3A_75 = arith.constant 0 : i32
          %dma_wait3A_76 = tpu.memref_slice %arg4[%arg1, %mul3A_38, %dma_wait3A_75] : memref<16x160x128xi32, #tpu.memory_space<hbm>> -> memref<1x32x128xi32, #tpu.memory_space<hbm>>
          %dma_wait3A_77 = tpu.memref_squeeze %dma_wait3A_76 : memref<1x32x128xi32, #tpu.memory_space<hbm>> -> memref<32x128xi32, #tpu.memory_space<hbm>>
          tpu.wait_dma2 semaphore(%run_scoped3A : memref<!tpu.dma_semaphore, #tpu.memory_space<semaphore_mem>>) src(%dma_wait3A_77 : memref<32x128xi32, #tpu.memory_space<hbm>>) dst(%arg9 : memref<32x128xi32, #tpu.memory_space<vmem>>)
          tpu.yield
        }) : () -> ()
        %dma_start3A = arith.constant 0 : i32
        %dma_start3A_43 = arith.constant 0 : i32
        %dma_start3A_44 = tpu.memref_slice %arg8[%dma_start3A, %dma_start3A_43] : memref<32x128xi32, #tpu.memory_space<vmem>> -> memref<1x128xi32, #tpu.memory_space<vmem>>
        %dma_start3A_45 = tpu.memref_squeeze %dma_start3A_44 : memref<1x128xi32, #tpu.memory_space<vmem>> -> memref<128xi32, #tpu.memory_space<vmem>>
        %dma_start3A_46 = arith.constant 0 : i32
        %dma_start3A_47 = arith.constant 0 : i32
        %dma_start3A_48 = tpu.memref_slice %arg2[%dma_start3A_46, %dma_start3A_47] : memref<20480x128xf32, #tpu.memory_space<hbm>> -> memref<20480x128xf32, #tpu.memory_space<hbm>>
        tpu.enqueue_indirect_dma source(%dma_start3A_48 : memref<20480x128xf32, #tpu.memory_space<hbm>>) target(%arg10 : memref<128x128xf32, #tpu.memory_space<vmem>>) offsets(%dma_start3A_45 : memref<128xi32, #tpu.memory_space<vmem>>) semaphore(%arg12 : memref<!tpu.dma_semaphore, #tpu.memory_space<semaphore_mem>>)
        %scan3A_49 = arith.constant 0 : i32
        %scan3A_50 = arith.constant 0 : i32
        %scan3A_51 = arith.constant 16 : i32
        %scan3A_52 = arith.addi %scan3A_50, %scan3A_51 : i32
        %scan3A_53 = arith.constant 1 : i32
        scf.for %scan3A_67 = %scan3A_50 to %scan3A_52 step %scan3A_53  : i32 {
          %mul3A_68 = arith.constant 2 : i32
          %mul3A_69 = arith.muli %mul3A_68, %scan3A_67 : i32
          %add3A_70 = arith.constant 0 : i32
          %add3A_71 = arith.addi %mul3A_69, %add3A_70 : i32
          %add3A_72 = arith.addi %mul3A_38, %add3A_71 : i32
          %lt3A_73 = arith.cmpi slt, %add3A_72, %add3A_12 : i32
          %convert_element_type3A_74 = arith.extui %lt3A_73 : i1 to i32
          %cond3A_75 = arith.constant 0 : i32
          %cond3A_76 = arith.cmpi ne, %convert_element_type3A_74, %cond3A_75 : i32
          scf.if %cond3A_76 {
            %ge3A = arith.constant 1 : i32
            %ge3A_86 = arith.cmpi sge, %add3A_71, %ge3A : i32
            %convert_element_type3A_87 = arith.extui %ge3A_86 : i1 to i32
            %cond3A_88 = arith.constant 0 : i32
            %cond3A_89 = arith.cmpi ne, %convert_element_type3A_87, %cond3A_88 : i32
            scf.if %cond3A_89 {
              %dma_wait3A_111 = arith.constant 0 : i32
              %dma_wait3A_112 = arith.constant 0 : i32
              %dma_wait3A_113 = tpu.memref_slice %arg9[%dma_wait3A_111, %dma_wait3A_112] : memref<32x128xi32, #tpu.memory_space<vmem>> -> memref<1x128xi32, #tpu.memory_space<vmem>>
              %dma_wait3A_114 = tpu.memref_squeeze %dma_wait3A_113 : memref<1x128xi32, #tpu.memory_space<vmem>> -> memref<128xi32, #tpu.memory_space<vmem>>
              %dma_wait3A_115 = arith.constant 0 : i32
              %dma_wait3A_116 = arith.constant 0 : i32
              %dma_wait3A_117 = tpu.memref_slice %arg7[%dma_wait3A_115, %dma_wait3A_116] : memref<10240x128xf32, #tpu.memory_space<vmem_shared>> -> memref<10240x128xf32, #tpu.memory_space<vmem_shared>>
              tpu.wait_indirect_dma semaphore(%arg15 : memref<!tpu.dma_semaphore, #tpu.memory_space<semaphore_mem>>) src(%arg11 : memref<128x128xf32, #tpu.memory_space<vmem>>) dst(%dma_wait3A_117 : memref<10240x128xf32, #tpu.memory_space<vmem_shared>>)
            } else {
            }
            %add3A_90 = arith.constant 1 : i32
            %add3A_91 = arith.addi %add3A_71, %add3A_90 : i32
            %lt3A_92 = arith.constant 32 : i32
            %lt3A_93 = arith.cmpi slt, %add3A_91, %lt3A_92 : i32
            %add3A_94 = arith.constant 1 : i32
            %add3A_95 = arith.addi %add3A_72, %add3A_94 : i32
            %lt3A_96 = arith.cmpi slt, %add3A_95, %add3A_12 : i32
            %and3A = arith.andi %lt3A_93, %lt3A_96 : i1
            %convert_element_type3A_97 = arith.extui %and3A : i1 to i32
            %cond3A_98 = arith.constant 0 : i32
            %cond3A_99 = arith.cmpi ne, %convert_element_type3A_97, %cond3A_98 : i32
            scf.if %cond3A_99 {
              %add3A_111 = arith.constant 1 : i32
              %add3A_112 = arith.addi %add3A_71, %add3A_111 : i32
              %dma_start3A_113 = arith.constant 0 : i32
              %dma_start3A_114 = tpu.memref_slice %arg8[%add3A_112, %dma_start3A_113] : memref<32x128xi32, #tpu.memory_space<vmem>> -> memref<1x128xi32, #tpu.memory_space<vmem>>
              %dma_start3A_115 = tpu.memref_squeeze %dma_start3A_114 : memref<1x128xi32, #tpu.memory_space<vmem>> -> memref<128xi32, #tpu.memory_space<vmem>>
              %dma_start3A_116 = arith.constant 0 : i32
              %dma_start3A_117 = arith.constant 0 : i32
              %dma_start3A_118 = tpu.memref_slice %arg2[%dma_start3A_116, %dma_start3A_117] : memref<20480x128xf32, #tpu.memory_space<hbm>> -> memref<20480x128xf32, #tpu.memory_space<hbm>>
              tpu.enqueue_indirect_dma source(%dma_start3A_118 : memref<20480x128xf32, #tpu.memory_space<hbm>>) target(%arg11 : memref<128x128xf32, #tpu.memory_space<vmem>>) offsets(%dma_start3A_115 : memref<128xi32, #tpu.memory_space<vmem>>) semaphore(%arg13 : memref<!tpu.dma_semaphore, #tpu.memory_space<semaphore_mem>>)
            } else {
            }
            %dma_wait3A = arith.constant 0 : i32
            %dma_wait3A_100 = tpu.memref_slice %arg8[%add3A_71, %dma_wait3A] : memref<32x128xi32, #tpu.memory_space<vmem>> -> memref<1x128xi32, #tpu.memory_space<vmem>>
            %dma_wait3A_101 = tpu.memref_squeeze %dma_wait3A_100 : memref<1x128xi32, #tpu.memory_space<vmem>> -> memref<128xi32, #tpu.memory_space<vmem>>
            %dma_wait3A_102 = arith.constant 0 : i32
            %dma_wait3A_103 = arith.constant 0 : i32
            %dma_wait3A_104 = tpu.memref_slice %arg2[%dma_wait3A_102, %dma_wait3A_103] : memref<20480x128xf32, #tpu.memory_space<hbm>> -> memref<20480x128xf32, #tpu.memory_space<hbm>>
            tpu.wait_indirect_dma semaphore(%arg12 : memref<!tpu.dma_semaphore, #tpu.memory_space<semaphore_mem>>) src(%dma_wait3A_104 : memref<20480x128xf32, #tpu.memory_space<hbm>>) dst(%arg10 : memref<128x128xf32, #tpu.memory_space<vmem>>)
            %dma_start3A_105 = arith.constant 0 : i32
            %dma_start3A_106 = tpu.memref_slice %arg9[%add3A_71, %dma_start3A_105] : memref<32x128xi32, #tpu.memory_space<vmem>> -> memref<1x128xi32, #tpu.memory_space<vmem>>
            %dma_start3A_107 = tpu.memref_squeeze %dma_start3A_106 : memref<1x128xi32, #tpu.memory_space<vmem>> -> memref<128xi32, #tpu.memory_space<vmem>>
            %dma_start3A_108 = arith.constant 0 : i32
            %dma_start3A_109 = arith.constant 0 : i32
            %dma_start3A_110 = tpu.memref_slice %arg7[%dma_start3A_108, %dma_start3A_109] : memref<10240x128xf32, #tpu.memory_space<vmem_shared>> -> memref<10240x128xf32, #tpu.memory_space<vmem_shared>>
            tpu.enqueue_indirect_dma source(%arg10 : memref<128x128xf32, #tpu.memory_space<vmem>>) target(%dma_start3A_110 : memref<10240x128xf32, #tpu.memory_space<vmem_shared>>) offsets(%dma_start3A_107 : memref<128xi32, #tpu.memory_space<vmem>>) semaphore(%arg14 : memref<!tpu.dma_semaphore, #tpu.memory_space<semaphore_mem>>) {add = true}
          } else {
          }
          %mul3A_77 = arith.constant 2 : i32
          %mul3A_78 = arith.muli %mul3A_77, %scan3A_67 : i32
          %add3A_79 = arith.constant 1 : i32
          %add3A_80 = arith.addi %mul3A_78, %add3A_79 : i32
          %add3A_81 = arith.addi %mul3A_38, %add3A_80 : i32
          %lt3A_82 = arith.cmpi slt, %add3A_81, %add3A_12 : i32
          %convert_element_type3A_83 = arith.extui %lt3A_82 : i1 to i32
          %cond3A_84 = arith.constant 0 : i32
          %cond3A_85 = arith.cmpi ne, %convert_element_type3A_83, %cond3A_84 : i32
          scf.if %cond3A_85 {
            %dma_wait3A = arith.constant 0 : i32
            %dma_wait3A_86 = arith.constant 0 : i32
            %dma_wait3A_87 = tpu.memref_slice %arg9[%dma_wait3A, %dma_wait3A_86] : memref<32x128xi32, #tpu.memory_space<vmem>> -> memref<1x128xi32, #tpu.memory_space<vmem>>
            %dma_wait3A_88 = tpu.memref_squeeze %dma_wait3A_87 : memref<1x128xi32, #tpu.memory_space<vmem>> -> memref<128xi32, #tpu.memory_space<vmem>>
            %dma_wait3A_89 = arith.constant 0 : i32
            %dma_wait3A_90 = arith.constant 0 : i32
            %dma_wait3A_91 = tpu.memref_slice %arg7[%dma_wait3A_89, %dma_wait3A_90] : memref<10240x128xf32, #tpu.memory_space<vmem_shared>> -> memref<10240x128xf32, #tpu.memory_space<vmem_shared>>
            tpu.wait_indirect_dma semaphore(%arg14 : memref<!tpu.dma_semaphore, #tpu.memory_space<semaphore_mem>>) src(%arg10 : memref<128x128xf32, #tpu.memory_space<vmem>>) dst(%dma_wait3A_91 : memref<10240x128xf32, #tpu.memory_space<vmem_shared>>)
            %add3A_92 = arith.constant 1 : i32
            %add3A_93 = arith.addi %add3A_80, %add3A_92 : i32
            %lt3A_94 = arith.constant 32 : i32
            %lt3A_95 = arith.cmpi slt, %add3A_93, %lt3A_94 : i32
            %add3A_96 = arith.constant 1 : i32
            %add3A_97 = arith.addi %add3A_81, %add3A_96 : i32
            %lt3A_98 = arith.cmpi slt, %add3A_97, %add3A_12 : i32
            %and3A = arith.andi %lt3A_95, %lt3A_98 : i1
            %convert_element_type3A_99 = arith.extui %and3A : i1 to i32
            %cond3A_100 = arith.constant 0 : i32
            %cond3A_101 = arith.cmpi ne, %convert_element_type3A_99, %cond3A_100 : i32
            scf.if %cond3A_101 {
              %add3A_114 = arith.constant 1 : i32
              %add3A_115 = arith.addi %add3A_80, %add3A_114 : i32
              %dma_start3A_116 = arith.constant 0 : i32
              %dma_start3A_117 = tpu.memref_slice %arg8[%add3A_115, %dma_start3A_116] : memref<32x128xi32, #tpu.memory_space<vmem>> -> memref<1x128xi32, #tpu.memory_space<vmem>>
              %dma_start3A_118 = tpu.memref_squeeze %dma_start3A_117 : memref<1x128xi32, #tpu.memory_space<vmem>> -> memref<128xi32, #tpu.memory_space<vmem>>
              %dma_start3A_119 = arith.constant 0 : i32
              %dma_start3A_120 = arith.constant 0 : i32
              %dma_start3A_121 = tpu.memref_slice %arg2[%dma_start3A_119, %dma_start3A_120] : memref<20480x128xf32, #tpu.memory_space<hbm>> -> memref<20480x128xf32, #tpu.memory_space<hbm>>
              tpu.enqueue_indirect_dma source(%dma_start3A_121 : memref<20480x128xf32, #tpu.memory_space<hbm>>) target(%arg10 : memref<128x128xf32, #tpu.memory_space<vmem>>) offsets(%dma_start3A_118 : memref<128xi32, #tpu.memory_space<vmem>>) semaphore(%arg12 : memref<!tpu.dma_semaphore, #tpu.memory_space<semaphore_mem>>)
            } else {
            }
            %dma_wait3A_102 = arith.constant 0 : i32
            %dma_wait3A_103 = tpu.memref_slice %arg8[%add3A_80, %dma_wait3A_102] : memref<32x128xi32, #tpu.memory_space<vmem>> -> memref<1x128xi32, #tpu.memory_space<vmem>>
            %dma_wait3A_104 = tpu.memref_squeeze %dma_wait3A_103 : memref<1x128xi32, #tpu.memory_space<vmem>> -> memref<128xi32, #tpu.memory_space<vmem>>
            %dma_wait3A_105 = arith.constant 0 : i32
            %dma_wait3A_106 = arith.constant 0 : i32
            %dma_wait3A_107 = tpu.memref_slice %arg2[%dma_wait3A_105, %dma_wait3A_106] : memref<20480x128xf32, #tpu.memory_space<hbm>> -> memref<20480x128xf32, #tpu.memory_space<hbm>>
            tpu.wait_indirect_dma semaphore(%arg13 : memref<!tpu.dma_semaphore, #tpu.memory_space<semaphore_mem>>) src(%dma_wait3A_107 : memref<20480x128xf32, #tpu.memory_space<hbm>>) dst(%arg11 : memref<128x128xf32, #tpu.memory_space<vmem>>)
            %dma_start3A_108 = arith.constant 0 : i32
            %dma_start3A_109 = tpu.memref_slice %arg9[%add3A_80, %dma_start3A_108] : memref<32x128xi32, #tpu.memory_space<vmem>> -> memref<1x128xi32, #tpu.memory_space<vmem>>
            %dma_start3A_110 = tpu.memref_squeeze %dma_start3A_109 : memref<1x128xi32, #tpu.memory_space<vmem>> -> memref<128xi32, #tpu.memory_space<vmem>>
            %dma_start3A_111 = arith.constant 0 : i32
            %dma_start3A_112 = arith.constant 0 : i32
            %dma_start3A_113 = tpu.memref_slice %arg7[%dma_start3A_111, %dma_start3A_112] : memref<10240x128xf32, #tpu.memory_space<vmem_shared>> -> memref<10240x128xf32, #tpu.memory_space<vmem_shared>>
            tpu.enqueue_indirect_dma source(%arg11 : memref<128x128xf32, #tpu.memory_space<vmem>>) target(%dma_start3A_113 : memref<10240x128xf32, #tpu.memory_space<vmem_shared>>) offsets(%dma_start3A_110 : memref<128xi32, #tpu.memory_space<vmem>>) semaphore(%arg15 : memref<!tpu.dma_semaphore, #tpu.memory_space<semaphore_mem>>) {add = true}
          } else {
          }
        }
        %scan3A_54 = arith.constant 16 : i32
        %rem3A = arith.constant 2 : i32
        %rem3A_55 = arith.remsi %min3A, %rem3A : i32
        %eq3A = arith.constant 1 : i32
        %eq3A_56 = arith.cmpi eq, %rem3A_55, %eq3A : i32
        %convert_element_type3A_57 = arith.extui %eq3A_56 : i1 to i32
        %cond3A_58 = arith.constant 0 : i32
        %cond3A_59 = arith.cmpi ne, %convert_element_type3A_57, %cond3A_58 : i32
        scf.if %cond3A_59 {
          %dma_wait3A = arith.constant 0 : i32
          %dma_wait3A_67 = arith.constant 0 : i32
          %dma_wait3A_68 = tpu.memref_slice %arg9[%dma_wait3A, %dma_wait3A_67] : memref<32x128xi32, #tpu.memory_space<vmem>> -> memref<1x128xi32, #tpu.memory_space<vmem>>
          %dma_wait3A_69 = tpu.memref_squeeze %dma_wait3A_68 : memref<1x128xi32, #tpu.memory_space<vmem>> -> memref<128xi32, #tpu.memory_space<vmem>>
          %dma_wait3A_70 = arith.constant 0 : i32
          %dma_wait3A_71 = arith.constant 0 : i32
          %dma_wait3A_72 = tpu.memref_slice %arg7[%dma_wait3A_70, %dma_wait3A_71] : memref<10240x128xf32, #tpu.memory_space<vmem_shared>> -> memref<10240x128xf32, #tpu.memory_space<vmem_shared>>
          tpu.wait_indirect_dma semaphore(%arg14 : memref<!tpu.dma_semaphore, #tpu.memory_space<semaphore_mem>>) src(%arg10 : memref<128x128xf32, #tpu.memory_space<vmem>>) dst(%dma_wait3A_72 : memref<10240x128xf32, #tpu.memory_space<vmem_shared>>)
        } else {
        }
        %rem3A_60 = arith.constant 2 : i32
        %rem3A_61 = arith.remsi %min3A, %rem3A_60 : i32
        %eq3A_62 = arith.constant 0 : i32
        %eq3A_63 = arith.cmpi eq, %rem3A_61, %eq3A_62 : i32
        %convert_element_type3A_64 = arith.extui %eq3A_63 : i1 to i32
        %cond3A_65 = arith.constant 0 : i32
        %cond3A_66 = arith.cmpi ne, %convert_element_type3A_64, %cond3A_65 : i32
        scf.if %cond3A_66 {
          %dma_wait3A = arith.constant 0 : i32
          %dma_wait3A_67 = arith.constant 0 : i32
          %dma_wait3A_68 = tpu.memref_slice %arg9[%dma_wait3A, %dma_wait3A_67] : memref<32x128xi32, #tpu.memory_space<vmem>> -> memref<1x128xi32, #tpu.memory_space<vmem>>
          %dma_wait3A_69 = tpu.memref_squeeze %dma_wait3A_68 : memref<1x128xi32, #tpu.memory_space<vmem>> -> memref<128xi32, #tpu.memory_space<vmem>>
          %dma_wait3A_70 = arith.constant 0 : i32
          %dma_wait3A_71 = arith.constant 0 : i32
          %dma_wait3A_72 = tpu.memref_slice %arg7[%dma_wait3A_70, %dma_wait3A_71] : memref<10240x128xf32, #tpu.memory_space<vmem_shared>> -> memref<10240x128xf32, #tpu.memory_space<vmem_shared>>
          tpu.wait_indirect_dma semaphore(%arg15 : memref<!tpu.dma_semaphore, #tpu.memory_space<semaphore_mem>>) src(%arg11 : memref<128x128xf32, #tpu.memory_space<vmem>>) dst(%dma_wait3A_72 : memref<10240x128xf32, #tpu.memory_space<vmem_shared>>)
        } else {
        }
      } else {
      }
    }
    %scan3A_17 = arith.constant 5 : i32
    %barrier3A_18 = arith.constant 0 : index
    tpu.barrier barrier_id(%barrier3A_18)
    %mul3A_19 = arith.constant 10240 : i32
    %mul3A_20 = arith.muli %arg0, %mul3A_19 : i32
    %add3A_21 = arith.constant 0 : i32
    %add3A_22 = arith.addi %mul3A_0, %add3A_21 : i32
    "tpu.region"() ({
      %run_scoped3A = tpu.sem_alloc : memref<!tpu.dma_semaphore, #tpu.memory_space<semaphore_mem>>
      %dma_start3A = arith.constant 0 : i32
      %dma_start3A_36 = tpu.memref_slice %arg7[%add3A_22, %dma_start3A] : memref<10240x128xf32, #tpu.memory_space<vmem_shared>> -> memref<128x128xf32, #tpu.memory_space<vmem_shared>>
      %dma_start3A_37 = arith.constant 0 : i32
      %dma_start3A_38 = tpu.memref_slice %arg7[%add3A_22, %dma_start3A_37] : memref<10240x128xf32, #tpu.memory_space<vmem_shared>> -> memref<128x128xf32, #tpu.memory_space<vmem_shared>>
      tpu.enqueue_dma source(%dma_start3A_38 : memref<128x128xf32, #tpu.memory_space<vmem_shared>>) target(%arg10 : memref<128x128xf32, #tpu.memory_space<vmem>>) target_semaphore(%run_scoped3A : memref<!tpu.dma_semaphore, #tpu.memory_space<semaphore_mem>>)
      %dma_wait3A = arith.constant 0 : i32
      %dma_wait3A_39 = tpu.memref_slice %arg7[%add3A_22, %dma_wait3A] : memref<10240x128xf32, #tpu.memory_space<vmem_shared>> -> memref<128x128xf32, #tpu.memory_space<vmem_shared>>
      %dma_wait3A_40 = arith.constant 0 : i32
      %dma_wait3A_41 = tpu.memref_slice %arg7[%add3A_22, %dma_wait3A_40] : memref<10240x128xf32, #tpu.memory_space<vmem_shared>> -> memref<128x128xf32, #tpu.memory_space<vmem_shared>>
      tpu.wait_dma2 semaphore(%run_scoped3A : memref<!tpu.dma_semaphore, #tpu.memory_space<semaphore_mem>>) src(%dma_wait3A_41 : memref<128x128xf32, #tpu.memory_space<vmem_shared>>) dst(%arg10 : memref<128x128xf32, #tpu.memory_space<vmem>>)
      tpu.yield
    }) : () -> ()
    %add3A_23 = arith.addi %mul3A_20, %add3A_22 : i32
    "tpu.region"() ({
      %run_scoped3A = tpu.sem_alloc : memref<!tpu.dma_semaphore, #tpu.memory_space<semaphore_mem>>
      %dma_start3A = arith.constant 0 : i32
      %dma_start3A_36 = tpu.memref_slice %arg6[%add3A_23, %dma_start3A] : memref<20480x128xf32, #tpu.memory_space<hbm>> -> memref<128x128xf32, #tpu.memory_space<hbm>>
      %dma_start3A_37 = arith.constant 0 : i32
      %dma_start3A_38 = tpu.memref_slice %arg6[%add3A_23, %dma_start3A_37] : memref<20480x128xf32, #tpu.memory_space<hbm>> -> memref<128x128xf32, #tpu.memory_space<hbm>>
      tpu.enqueue_dma source(%arg10 : memref<128x128xf32, #tpu.memory_space<vmem>>) target(%dma_start3A_38 : memref<128x128xf32, #tpu.memory_space<hbm>>) target_semaphore(%run_scoped3A : memref<!tpu.dma_semaphore, #tpu.memory_space<semaphore_mem>>)
      %dma_wait3A = arith.constant 0 : i32
      %dma_wait3A_39 = tpu.memref_slice %arg6[%add3A_23, %dma_wait3A] : memref<20480x128xf32, #tpu.memory_space<hbm>> -> memref<128x128xf32, #tpu.memory_space<hbm>>
      %dma_wait3A_40 = arith.constant 0 : i32
      %dma_wait3A_41 = tpu.memref_slice %arg6[%add3A_23, %dma_wait3A_40] : memref<20480x128xf32, #tpu.memory_space<hbm>> -> memref<128x128xf32, #tpu.memory_space<hbm>>
      tpu.wait_dma2 semaphore(%run_scoped3A : memref<!tpu.dma_semaphore, #tpu.memory_space<semaphore_mem>>) src(%arg10 : memref<128x128xf32, #tpu.memory_space<vmem>>) dst(%dma_wait3A_41 : memref<128x128xf32, #tpu.memory_space<hbm>>)
      tpu.yield
    }) : () -> ()
    %add3A_24 = arith.constant 128 : i32
    %add3A_25 = arith.addi %mul3A_0, %add3A_24 : i32
    "tpu.region"() ({
      %run_scoped3A = tpu.sem_alloc : memref<!tpu.dma_semaphore, #tpu.memory_space<semaphore_mem>>
      %dma_start3A = arith.constant 0 : i32
      %dma_start3A_36 = tpu.memref_slice %arg7[%add3A_25, %dma_start3A] : memref<10240x128xf32, #tpu.memory_space<vmem_shared>> -> memref<128x128xf32, #tpu.memory_space<vmem_shared>>
      %dma_start3A_37 = arith.constant 0 : i32
      %dma_start3A_38 = tpu.memref_slice %arg7[%add3A_25, %dma_start3A_37] : memref<10240x128xf32, #tpu.memory_space<vmem_shared>> -> memref<128x128xf32, #tpu.memory_space<vmem_shared>>
      tpu.enqueue_dma source(%dma_start3A_38 : memref<128x128xf32, #tpu.memory_space<vmem_shared>>) target(%arg10 : memref<128x128xf32, #tpu.memory_space<vmem>>) target_semaphore(%run_scoped3A : memref<!tpu.dma_semaphore, #tpu.memory_space<semaphore_mem>>)
      %dma_wait3A = arith.constant 0 : i32
      %dma_wait3A_39 = tpu.memref_slice %arg7[%add3A_25, %dma_wait3A] : memref<10240x128xf32, #tpu.memory_space<vmem_shared>> -> memref<128x128xf32, #tpu.memory_space<vmem_shared>>
      %dma_wait3A_40 = arith.constant 0 : i32
      %dma_wait3A_41 = tpu.memref_slice %arg7[%add3A_25, %dma_wait3A_40] : memref<10240x128xf32, #tpu.memory_space<vmem_shared>> -> memref<128x128xf32, #tpu.memory_space<vmem_shared>>
      tpu.wait_dma2 semaphore(%run_scoped3A : memref<!tpu.dma_semaphore, #tpu.memory_space<semaphore_mem>>) src(%dma_wait3A_41 : memref<128x128xf32, #tpu.memory_space<vmem_shared>>) dst(%arg10 : memref<128x128xf32, #tpu.memory_space<vmem>>)
      tpu.yield
    }) : () -> ()
    %add3A_26 = arith.addi %mul3A_20, %add3A_25 : i32
    "tpu.region"() ({
      %run_scoped3A = tpu.sem_alloc : memref<!tpu.dma_semaphore, #tpu.memory_space<semaphore_mem>>
      %dma_start3A = arith.constant 0 : i32
      %dma_start3A_36 = tpu.memref_slice %arg6[%add3A_26, %dma_start3A] : memref<20480x128xf32, #tpu.memory_space<hbm>> -> memref<128x128xf32, #tpu.memory_space<hbm>>
      %dma_start3A_37 = arith.constant 0 : i32
      %dma_start3A_38 = tpu.memref_slice %arg6[%add3A_26, %dma_start3A_37] : memref<20480x128xf32, #tpu.memory_space<hbm>> -> memref<128x128xf32, #tpu.memory_space<hbm>>
      tpu.enqueue_dma source(%arg10 : memref<128x128xf32, #tpu.memory_space<vmem>>) target(%dma_start3A_38 : memref<128x128xf32, #tpu.memory_space<hbm>>) target_semaphore(%run_scoped3A : memref<!tpu.dma_semaphore, #tpu.memory_space<semaphore_mem>>)
      %dma_wait3A = arith.constant 0 : i32
      %dma_wait3A_39 = tpu.memref_slice %arg6[%add3A_26, %dma_wait3A] : memref<20480x128xf32, #tpu.memory_space<hbm>> -> memref<128x128xf32, #tpu.memory_space<hbm>>
      %dma_wait3A_40 = arith.constant 0 : i32
      %dma_wait3A_41 = tpu.memref_slice %arg6[%add3A_26, %dma_wait3A_40] : memref<20480x128xf32, #tpu.memory_space<hbm>> -> memref<128x128xf32, #tpu.memory_space<hbm>>
      tpu.wait_dma2 semaphore(%run_scoped3A : memref<!tpu.dma_semaphore, #tpu.memory_space<semaphore_mem>>) src(%arg10 : memref<128x128xf32, #tpu.memory_space<vmem>>) dst(%dma_wait3A_41 : memref<128x128xf32, #tpu.memory_space<hbm>>)
      tpu.yield
    }) : () -> ()
    %add3A_27 = arith.constant 256 : i32
    %add3A_28 = arith.addi %mul3A_0, %add3A_27 : i32
    "tpu.region"() ({
      %run_scoped3A = tpu.sem_alloc : memref<!tpu.dma_semaphore, #tpu.memory_space<semaphore_mem>>
      %dma_start3A = arith.constant 0 : i32
      %dma_start3A_36 = tpu.memref_slice %arg7[%add3A_28, %dma_start3A] : memref<10240x128xf32, #tpu.memory_space<vmem_shared>> -> memref<128x128xf32, #tpu.memory_space<vmem_shared>>
      %dma_start3A_37 = arith.constant 0 : i32
      %dma_start3A_38 = tpu.memref_slice %arg7[%add3A_28, %dma_start3A_37] : memref<10240x128xf32, #tpu.memory_space<vmem_shared>> -> memref<128x128xf32, #tpu.memory_space<vmem_shared>>
      tpu.enqueue_dma source(%dma_start3A_38 : memref<128x128xf32, #tpu.memory_space<vmem_shared>>) target(%arg10 : memref<128x128xf32, #tpu.memory_space<vmem>>) target_semaphore(%run_scoped3A : memref<!tpu.dma_semaphore, #tpu.memory_space<semaphore_mem>>)
      %dma_wait3A = arith.constant 0 : i32
      %dma_wait3A_39 = tpu.memref_slice %arg7[%add3A_28, %dma_wait3A] : memref<10240x128xf32, #tpu.memory_space<vmem_shared>> -> memref<128x128xf32, #tpu.memory_space<vmem_shared>>
      %dma_wait3A_40 = arith.constant 0 : i32
      %dma_wait3A_41 = tpu.memref_slice %arg7[%add3A_28, %dma_wait3A_40] : memref<10240x128xf32, #tpu.memory_space<vmem_shared>> -> memref<128x128xf32, #tpu.memory_space<vmem_shared>>
      tpu.wait_dma2 semaphore(%run_scoped3A : memref<!tpu.dma_semaphore, #tpu.memory_space<semaphore_mem>>) src(%dma_wait3A_41 : memref<128x128xf32, #tpu.memory_space<vmem_shared>>) dst(%arg10 : memref<128x128xf32, #tpu.memory_space<vmem>>)
      tpu.yield
    }) : () -> ()
    %add3A_29 = arith.addi %mul3A_20, %add3A_28 : i32
    "tpu.region"() ({
      %run_scoped3A = tpu.sem_alloc : memref<!tpu.dma_semaphore, #tpu.memory_space<semaphore_mem>>
      %dma_start3A = arith.constant 0 : i32
      %dma_start3A_36 = tpu.memref_slice %arg6[%add3A_29, %dma_start3A] : memref<20480x128xf32, #tpu.memory_space<hbm>> -> memref<128x128xf32, #tpu.memory_space<hbm>>
      %dma_start3A_37 = arith.constant 0 : i32
      %dma_start3A_38 = tpu.memref_slice %arg6[%add3A_29, %dma_start3A_37] : memref<20480x128xf32, #tpu.memory_space<hbm>> -> memref<128x128xf32, #tpu.memory_space<hbm>>
      tpu.enqueue_dma source(%arg10 : memref<128x128xf32, #tpu.memory_space<vmem>>) target(%dma_start3A_38 : memref<128x128xf32, #tpu.memory_space<hbm>>) target_semaphore(%run_scoped3A : memref<!tpu.dma_semaphore, #tpu.memory_space<semaphore_mem>>)
      %dma_wait3A = arith.constant 0 : i32
      %dma_wait3A_39 = tpu.memref_slice %arg6[%add3A_29, %dma_wait3A] : memref<20480x128xf32, #tpu.memory_space<hbm>> -> memref<128x128xf32, #tpu.memory_space<hbm>>
      %dma_wait3A_40 = arith.constant 0 : i32
      %dma_wait3A_41 = tpu.memref_slice %arg6[%add3A_29, %dma_wait3A_40] : memref<20480x128xf32, #tpu.memory_space<hbm>> -> memref<128x128xf32, #tpu.memory_space<hbm>>
      tpu.wait_dma2 semaphore(%run_scoped3A : memref<!tpu.dma_semaphore, #tpu.memory_space<semaphore_mem>>) src(%arg10 : memref<128x128xf32, #tpu.memory_space<vmem>>) dst(%dma_wait3A_41 : memref<128x128xf32, #tpu.memory_space<hbm>>)
      tpu.yield
    }) : () -> ()
    %add3A_30 = arith.constant 384 : i32
    %add3A_31 = arith.addi %mul3A_0, %add3A_30 : i32
    "tpu.region"() ({
      %run_scoped3A = tpu.sem_alloc : memref<!tpu.dma_semaphore, #tpu.memory_space<semaphore_mem>>
      %dma_start3A = arith.constant 0 : i32
      %dma_start3A_36 = tpu.memref_slice %arg7[%add3A_31, %dma_start3A] : memref<10240x128xf32, #tpu.memory_space<vmem_shared>> -> memref<128x128xf32, #tpu.memory_space<vmem_shared>>
      %dma_start3A_37 = arith.constant 0 : i32
      %dma_start3A_38 = tpu.memref_slice %arg7[%add3A_31, %dma_start3A_37] : memref<10240x128xf32, #tpu.memory_space<vmem_shared>> -> memref<128x128xf32, #tpu.memory_space<vmem_shared>>
      tpu.enqueue_dma source(%dma_start3A_38 : memref<128x128xf32, #tpu.memory_space<vmem_shared>>) target(%arg10 : memref<128x128xf32, #tpu.memory_space<vmem>>) target_semaphore(%run_scoped3A : memref<!tpu.dma_semaphore, #tpu.memory_space<semaphore_mem>>)
      %dma_wait3A = arith.constant 0 : i32
      %dma_wait3A_39 = tpu.memref_slice %arg7[%add3A_31, %dma_wait3A] : memref<10240x128xf32, #tpu.memory_space<vmem_shared>> -> memref<128x128xf32, #tpu.memory_space<vmem_shared>>
      %dma_wait3A_40 = arith.constant 0 : i32
      %dma_wait3A_41 = tpu.memref_slice %arg7[%add3A_31, %dma_wait3A_40] : memref<10240x128xf32, #tpu.memory_space<vmem_shared>> -> memref<128x128xf32, #tpu.memory_space<vmem_shared>>
      tpu.wait_dma2 semaphore(%run_scoped3A : memref<!tpu.dma_semaphore, #tpu.memory_space<semaphore_mem>>) src(%dma_wait3A_41 : memref<128x128xf32, #tpu.memory_space<vmem_shared>>) dst(%arg10 : memref<128x128xf32, #tpu.memory_space<vmem>>)
      tpu.yield
    }) : () -> ()
    %add3A_32 = arith.addi %mul3A_20, %add3A_31 : i32
    "tpu.region"() ({
      %run_scoped3A = tpu.sem_alloc : memref<!tpu.dma_semaphore, #tpu.memory_space<semaphore_mem>>
      %dma_start3A = arith.constant 0 : i32
      %dma_start3A_36 = tpu.memref_slice %arg6[%add3A_32, %dma_start3A] : memref<20480x128xf32, #tpu.memory_space<hbm>> -> memref<128x128xf32, #tpu.memory_space<hbm>>
      %dma_start3A_37 = arith.constant 0 : i32
      %dma_start3A_38 = tpu.memref_slice %arg6[%add3A_32, %dma_start3A_37] : memref<20480x128xf32, #tpu.memory_space<hbm>> -> memref<128x128xf32, #tpu.memory_space<hbm>>
      tpu.enqueue_dma source(%arg10 : memref<128x128xf32, #tpu.memory_space<vmem>>) target(%dma_start3A_38 : memref<128x128xf32, #tpu.memory_space<hbm>>) target_semaphore(%run_scoped3A : memref<!tpu.dma_semaphore, #tpu.memory_space<semaphore_mem>>)
      %dma_wait3A = arith.constant 0 : i32
      %dma_wait3A_39 = tpu.memref_slice %arg6[%add3A_32, %dma_wait3A] : memref<20480x128xf32, #tpu.memory_space<hbm>> -> memref<128x128xf32, #tpu.memory_space<hbm>>
      %dma_wait3A_40 = arith.constant 0 : i32
      %dma_wait3A_41 = tpu.memref_slice %arg6[%add3A_32, %dma_wait3A_40] : memref<20480x128xf32, #tpu.memory_space<hbm>> -> memref<128x128xf32, #tpu.memory_space<hbm>>
      tpu.wait_dma2 semaphore(%run_scoped3A : memref<!tpu.dma_semaphore, #tpu.memory_space<semaphore_mem>>) src(%arg10 : memref<128x128xf32, #tpu.memory_space<vmem>>) dst(%dma_wait3A_41 : memref<128x128xf32, #tpu.memory_space<hbm>>)
      tpu.yield
    }) : () -> ()
    %add3A_33 = arith.constant 512 : i32
    %add3A_34 = arith.addi %mul3A_0, %add3A_33 : i32
    "tpu.region"() ({
      %run_scoped3A = tpu.sem_alloc : memref<!tpu.dma_semaphore, #tpu.memory_space<semaphore_mem>>
      %dma_start3A = arith.constant 0 : i32
      %dma_start3A_36 = tpu.memref_slice %arg7[%add3A_34, %dma_start3A] : memref<10240x128xf32, #tpu.memory_space<vmem_shared>> -> memref<128x128xf32, #tpu.memory_space<vmem_shared>>
      %dma_start3A_37 = arith.constant 0 : i32
      %dma_start3A_38 = tpu.memref_slice %arg7[%add3A_34, %dma_start3A_37] : memref<10240x128xf32, #tpu.memory_space<vmem_shared>> -> memref<128x128xf32, #tpu.memory_space<vmem_shared>>
      tpu.enqueue_dma source(%dma_start3A_38 : memref<128x128xf32, #tpu.memory_space<vmem_shared>>) target(%arg10 : memref<128x128xf32, #tpu.memory_space<vmem>>) target_semaphore(%run_scoped3A : memref<!tpu.dma_semaphore, #tpu.memory_space<semaphore_mem>>)
      %dma_wait3A = arith.constant 0 : i32
      %dma_wait3A_39 = tpu.memref_slice %arg7[%add3A_34, %dma_wait3A] : memref<10240x128xf32, #tpu.memory_space<vmem_shared>> -> memref<128x128xf32, #tpu.memory_space<vmem_shared>>
      %dma_wait3A_40 = arith.constant 0 : i32
      %dma_wait3A_41 = tpu.memref_slice %arg7[%add3A_34, %dma_wait3A_40] : memref<10240x128xf32, #tpu.memory_space<vmem_shared>> -> memref<128x128xf32, #tpu.memory_space<vmem_shared>>
      tpu.wait_dma2 semaphore(%run_scoped3A : memref<!tpu.dma_semaphore, #tpu.memory_space<semaphore_mem>>) src(%dma_wait3A_41 : memref<128x128xf32, #tpu.memory_space<vmem_shared>>) dst(%arg10 : memref<128x128xf32, #tpu.memory_space<vmem>>)
      tpu.yield
    }) : () -> ()
    %add3A_35 = arith.addi %mul3A_20, %add3A_34 : i32
    "tpu.region"() ({
      %run_scoped3A = tpu.sem_alloc : memref<!tpu.dma_semaphore, #tpu.memory_space<semaphore_mem>>
      %dma_start3A = arith.constant 0 : i32
      %dma_start3A_36 = tpu.memref_slice %arg6[%add3A_35, %dma_start3A] : memref<20480x128xf32, #tpu.memory_space<hbm>> -> memref<128x128xf32, #tpu.memory_space<hbm>>
      %dma_start3A_37 = arith.constant 0 : i32
      %dma_start3A_38 = tpu.memref_slice %arg6[%add3A_35, %dma_start3A_37] : memref<20480x128xf32, #tpu.memory_space<hbm>> -> memref<128x128xf32, #tpu.memory_space<hbm>>
      tpu.enqueue_dma source(%arg10 : memref<128x128xf32, #tpu.memory_space<vmem>>) target(%dma_start3A_38 : memref<128x128xf32, #tpu.memory_space<hbm>>) target_semaphore(%run_scoped3A : memref<!tpu.dma_semaphore, #tpu.memory_space<semaphore_mem>>)
      %dma_wait3A = arith.constant 0 : i32
      %dma_wait3A_39 = tpu.memref_slice %arg6[%add3A_35, %dma_wait3A] : memref<20480x128xf32, #tpu.memory_space<hbm>> -> memref<128x128xf32, #tpu.memory_space<hbm>>
      %dma_wait3A_40 = arith.constant 0 : i32
      %dma_wait3A_41 = tpu.memref_slice %arg6[%add3A_35, %dma_wait3A_40] : memref<20480x128xf32, #tpu.memory_space<hbm>> -> memref<128x128xf32, #tpu.memory_space<hbm>>
      tpu.wait_dma2 semaphore(%run_scoped3A : memref<!tpu.dma_semaphore, #tpu.memory_space<semaphore_mem>>) src(%arg10 : memref<128x128xf32, #tpu.memory_space<vmem>>) dst(%dma_wait3A_41 : memref<128x128xf32, #tpu.memory_space<hbm>>)
      tpu.yield
    }) : () -> ()
    return
  }
}

module attributes {stable_mosaic.version = 14 : i64} {
  func.func @_tc1_body(%arg0: i32, %arg1: memref<512x128xf32, #tpu.memory_space<vmem>>, %arg2: memref<512x1xf32, #tpu.memory_space<vmem>>, %arg3: memref<128x256xf32, #tpu.memory_space<vmem>>, %arg4: memref<2x512x128xf32, #tpu.memory_space<vmem>>) attributes {dimension_semantics = [#tpu.dimension_semantics<arbitrary>], iteration_bounds = array<i64: 20>, scalar_prefetch = 0 : i64, scratch_operands = 0 : i64, tpu.core_type = #tpu.core_type<tc>, window_params = [{transform_indices = @transform_0, window_bounds = array<i64: 512, 128>}, {transform_indices = @transform_1, window_bounds = array<i64: 512, 1>}, {pipeline_mode = #tpu.pipeline_mode<synchronous>, transform_indices = @transform_2, window_bounds = array<i64: 128, 256>}, {transform_indices = @transform_3, window_bounds = array<i64: 2, 512, 128>}]} {
    %get3A = arith.constant 0 : index
    %get3A_0 = arith.constant 0 : index
    %get3A_1 = vector.load %arg2[%get3A, %get3A_0] : memref<512x1xf32, #tpu.memory_space<vmem>>, vector<512x1xf32>
    %add3A = arith.constant 1.000000e+00 : f32
    %add3A_2 = vector.broadcast %add3A : f32 to vector<512x1xf32>
    %add3A_3 = arith.addf %get3A_1, %add3A_2 : vector<512x1xf32>
    %rsqrt3A = math.rsqrt %add3A_3 : vector<512x1xf32>
    %get3A_4 = arith.constant 0 : index
    %get3A_5 = arith.constant 0 : index
    %get3A_6 = vector.load %arg1[%get3A_4, %get3A_5] : memref<512x128xf32, #tpu.memory_space<vmem>>, vector<512x128xf32>
    %get3A_7 = arith.constant 0 : index
    %get3A_8 = arith.constant 0 : index
    %get3A_9 = vector.load %arg3[%get3A_7, %get3A_8] : memref<128x256xf32, #tpu.memory_space<vmem>>, vector<128x256xf32>
    %dot_general3A = arith.constant dense<0.000000e+00> : vector<512x256xf32>
    %dot_general3A_10 = tpu.matmul %get3A_6, %get3A_9, %dot_general3A {dimension_numbers = #tpu.dot_dimension_numbers<[1], [0], [0], [1], [0, 0, 1, 1], [], []>, transpose_lhs_hint = false} : vector<512x128xf32>, vector<128x256xf32>, vector<512x256xf32> -> vector<512x256xf32>
    %mul3A = vector.broadcast %rsqrt3A : vector<512x1xf32> to vector<512x256xf32>
    %mul3A_11 = arith.mulf %mul3A, %dot_general3A_10 : vector<512x256xf32>
    %slice3A = vector.extract_strided_slice %mul3A_11 {offsets = [0, 0], sizes = [512, 128], strides = [1, 1]} : vector<512x256xf32> to vector<512x128xf32>
    %swap3A = arith.constant 0 : index
    %swap3A_12 = arith.constant 0 : index
    %swap3A_13 = arith.constant 0 : index
    %swap3A_14 = vector.load %arg4[%swap3A, %swap3A_12, %swap3A_13] : memref<2x512x128xf32, #tpu.memory_space<vmem>>, vector<1x512x128xf32>
    %swap3A_15 = vector.shape_cast %swap3A_14 : vector<1x512x128xf32> to vector<512x128xf32>
    %swap3A_16 = vector.shape_cast %slice3A : vector<512x128xf32> to vector<1x512x128xf32>
    tpu.vector_store %arg4[%swap3A, %swap3A_12, %swap3A_13], %swap3A_16 {strides = array<i32>} : memref<2x512x128xf32, #tpu.memory_space<vmem>>, vector<1x512x128xf32>,
    %slice3A_17 = vector.extract_strided_slice %mul3A_11 {offsets = [0, 128], sizes = [512, 128], strides = [1, 1]} : vector<512x256xf32> to vector<512x128xf32>
    %swap3A_18 = arith.constant 1 : index
    %swap3A_19 = arith.constant 0 : index
    %swap3A_20 = arith.constant 0 : index
    %swap3A_21 = vector.load %arg4[%swap3A_18, %swap3A_19, %swap3A_20] : memref<2x512x128xf32, #tpu.memory_space<vmem>>, vector<1x512x128xf32>
    %swap3A_22 = vector.shape_cast %swap3A_21 : vector<1x512x128xf32> to vector<512x128xf32>
    %swap3A_23 = vector.shape_cast %slice3A_17 : vector<512x128xf32> to vector<1x512x128xf32>
    tpu.vector_store %arg4[%swap3A_18, %swap3A_19, %swap3A_20], %swap3A_23 {strides = array<i32>} : memref<2x512x128xf32, #tpu.memory_space<vmem>>, vector<1x512x128xf32>,
    return
  }
  func.func @transform_0(%arg0: i32) -> (i32, i32) {
    %c0_i32 = arith.constant 0 : i32
    %c0_i32_0 = arith.constant 0 : i32
    return %arg0, %c0_i32 : i32, i32
  }
  func.func @transform_1(%arg0: i32) -> (i32, i32) {
    %c0_i32 = arith.constant 0 : i32
    %c0_i32_0 = arith.constant 0 : i32
    return %arg0, %c0_i32 : i32, i32
  }
  func.func @transform_2(%arg0: i32) -> (i32, i32) {
    %c0_i32 = arith.constant 0 : i32
    %c0_i32_0 = arith.constant 0 : i32
    %c0_i32_1 = arith.constant 0 : i32
    return %c0_i32, %c0_i32_0 : i32, i32
  }
  func.func @transform_3(%arg0: i32) -> (i32, i32, i32) {
    %c0_i32 = arith.constant 0 : i32
    %c0_i32_0 = arith.constant 0 : i32
    %c0_i32_1 = arith.constant 0 : i32
    return %c0_i32, %arg0, %c0_i32_0 : i32, i32, i32
  }
}

module attributes {stable_mosaic.version = 14 : i64} {
  func.func @_tc_layer_body(%arg0: i32, %arg1: memref<2x512x128xf32, #tpu.memory_space<vmem>>, %arg2: memref<2x512x128xf32, #tpu.memory_space<vmem>>, %arg3: memref<512x1xf32, #tpu.memory_space<vmem>>, %arg4: memref<256x256xf32, #tpu.memory_space<vmem>>, %arg5: memref<2x128xf32, #tpu.memory_space<vmem>>, %arg6: memref<2x512x128xf32, #tpu.memory_space<vmem>>) attributes {dimension_semantics = [#tpu.dimension_semantics<arbitrary>], iteration_bounds = array<i64: 20>, scalar_prefetch = 0 : i64, scratch_operands = 0 : i64, tpu.core_type = #tpu.core_type<tc>, window_params = [{transform_indices = @transform_0, window_bounds = array<i64: 2, 512, 128>}, {transform_indices = @transform_1, window_bounds = array<i64: 2, 512, 128>}, {transform_indices = @transform_2, window_bounds = array<i64: 512, 1>}, {pipeline_mode = #tpu.pipeline_mode<synchronous>, transform_indices = @transform_3, window_bounds = array<i64: 256, 256>}, {pipeline_mode = #tpu.pipeline_mode<synchronous>, transform_indices = @transform_4, window_bounds = array<i64: 2, 128>}, {transform_indices = @transform_5, window_bounds = array<i64: 2, 512, 128>}]} {
    %get3A = arith.constant 0 : index
    %get3A_0 = arith.constant 0 : index
    %get3A_1 = vector.load %arg3[%get3A, %get3A_0] : memref<512x1xf32, #tpu.memory_space<vmem>>, vector<512x1xf32>
    %add3A = arith.constant 1.000000e+00 : f32
    %add3A_2 = vector.broadcast %add3A : f32 to vector<512x1xf32>
    %add3A_3 = arith.addf %get3A_1, %add3A_2 : vector<512x1xf32>
    %rsqrt3A = math.rsqrt %add3A_3 : vector<512x1xf32>
    %get3A_4 = arith.constant 0 : index
    %get3A_5 = arith.constant 0 : index
    %get3A_6 = arith.constant 0 : index
    %get3A_7 = vector.load %arg1[%get3A_4, %get3A_5, %get3A_6] : memref<2x512x128xf32, #tpu.memory_space<vmem>>, vector<1x512x128xf32>
    %get3A_8 = vector.shape_cast %get3A_7 : vector<1x512x128xf32> to vector<512x128xf32>
    %get3A_9 = arith.constant 0 : index
    %get3A_10 = arith.constant 0 : index
    %get3A_11 = arith.constant 0 : index
    %get3A_12 = vector.load %arg2[%get3A_9, %get3A_10, %get3A_11] : memref<2x512x128xf32, #tpu.memory_space<vmem>>, vector<1x512x128xf32>
    %get3A_13 = vector.shape_cast %get3A_12 : vector<1x512x128xf32> to vector<512x128xf32>
    %add3A_14 = arith.addf %get3A_8, %get3A_13 : vector<512x128xf32>
    %mul3A = vector.broadcast %rsqrt3A : vector<512x1xf32> to vector<512x128xf32>
    %mul3A_15 = arith.mulf %mul3A, %add3A_14 : vector<512x128xf32>
    %get3A_16 = arith.constant 0 : index
    %get3A_17 = arith.constant 0 : index
    %get3A_18 = vector.load %arg5[%get3A_16, %get3A_17] : memref<2x128xf32, #tpu.memory_space<vmem>>, vector<1x128xf32>
    %add3A_19 = vector.broadcast %get3A_18 : vector<1x128xf32> to vector<512x128xf32>
    %add3A_20 = arith.addf %mul3A_15, %add3A_19 : vector<512x128xf32>
    %max3A = arith.constant 0.000000e+00 : f32
    %max3A_21 = vector.broadcast %max3A : f32 to vector<512x128xf32>
    %max3A_22 = arith.maximumf %add3A_20, %max3A_21 : vector<512x128xf32>
    %get3A_23 = arith.constant 1 : index
    %get3A_24 = arith.constant 0 : index
    %get3A_25 = arith.constant 0 : index
    %get3A_26 = vector.load %arg1[%get3A_23, %get3A_24, %get3A_25] : memref<2x512x128xf32, #tpu.memory_space<vmem>>, vector<1x512x128xf32>
    %get3A_27 = vector.shape_cast %get3A_26 : vector<1x512x128xf32> to vector<512x128xf32>
    %get3A_28 = arith.constant 1 : index
    %get3A_29 = arith.constant 0 : index
    %get3A_30 = arith.constant 0 : index
    %get3A_31 = vector.load %arg2[%get3A_28, %get3A_29, %get3A_30] : memref<2x512x128xf32, #tpu.memory_space<vmem>>, vector<1x512x128xf32>
    %get3A_32 = vector.shape_cast %get3A_31 : vector<1x512x128xf32> to vector<512x128xf32>
    %add3A_33 = arith.addf %get3A_27, %get3A_32 : vector<512x128xf32>
    %mul3A_34 = vector.broadcast %rsqrt3A : vector<512x1xf32> to vector<512x128xf32>
    %mul3A_35 = arith.mulf %mul3A_34, %add3A_33 : vector<512x128xf32>
    %get3A_36 = arith.constant 1 : index
    %get3A_37 = arith.constant 0 : index
    %get3A_38 = vector.load %arg5[%get3A_36, %get3A_37] : memref<2x128xf32, #tpu.memory_space<vmem>>, vector<1x128xf32>
    %add3A_39 = vector.broadcast %get3A_38 : vector<1x128xf32> to vector<512x128xf32>
    %add3A_40 = arith.addf %mul3A_35, %add3A_39 : vector<512x128xf32>
    %max3A_41 = arith.constant 0.000000e+00 : f32
    %max3A_42 = vector.broadcast %max3A_41 : f32 to vector<512x128xf32>
    %max3A_43 = arith.maximumf %add3A_40, %max3A_42 : vector<512x128xf32>
    %concatenate3A = tpu.concatenate %max3A_22, %max3A_43 in 1 : vector<512x128xf32>, vector<512x128xf32> -> vector<512x256xf32>
    %get3A_44 = arith.constant 0 : index
    %get3A_45 = arith.constant 0 : index
    %get3A_46 = vector.load %arg4[%get3A_44, %get3A_45] : memref<256x256xf32, #tpu.memory_space<vmem>>, vector<256x256xf32>
    %dot_general3A = arith.constant dense<0.000000e+00> : vector<512x256xf32>
    %dot_general3A_47 = tpu.matmul %concatenate3A, %get3A_46, %dot_general3A {dimension_numbers = #tpu.dot_dimension_numbers<[1], [0], [0], [1], [0, 0, 1, 1], [], []>, transpose_lhs_hint = false} : vector<512x256xf32>, vector<256x256xf32>, vector<512x256xf32> -> vector<512x256xf32>
    %mul3A_48 = vector.broadcast %rsqrt3A : vector<512x1xf32> to vector<512x256xf32>
    %mul3A_49 = arith.mulf %mul3A_48, %dot_general3A_47 : vector<512x256xf32>
    %slice3A = vector.extract_strided_slice %mul3A_49 {offsets = [0, 0], sizes = [512, 128], strides = [1, 1]} : vector<512x256xf32> to vector<512x128xf32>
    %swap3A = arith.constant 0 : index
    %swap3A_50 = arith.constant 0 : index
    %swap3A_51 = arith.constant 0 : index
    %swap3A_52 = vector.load %arg6[%swap3A, %swap3A_50, %swap3A_51] : memref<2x512x128xf32, #tpu.memory_space<vmem>>, vector<1x512x128xf32>
    %swap3A_53 = vector.shape_cast %swap3A_52 : vector<1x512x128xf32> to vector<512x128xf32>
    %swap3A_54 = vector.shape_cast %slice3A : vector<512x128xf32> to vector<1x512x128xf32>
    tpu.vector_store %arg6[%swap3A, %swap3A_50, %swap3A_51], %swap3A_54 {strides = array<i32>} : memref<2x512x128xf32, #tpu.memory_space<vmem>>, vector<1x512x128xf32>,
    %slice3A_55 = vector.extract_strided_slice %mul3A_49 {offsets = [0, 128], sizes = [512, 128], strides = [1, 1]} : vector<512x256xf32> to vector<512x128xf32>
    %swap3A_56 = arith.constant 1 : index
    %swap3A_57 = arith.constant 0 : index
    %swap3A_58 = arith.constant 0 : index
    %swap3A_59 = vector.load %arg6[%swap3A_56, %swap3A_57, %swap3A_58] : memref<2x512x128xf32, #tpu.memory_space<vmem>>, vector<1x512x128xf32>
    %swap3A_60 = vector.shape_cast %swap3A_59 : vector<1x512x128xf32> to vector<512x128xf32>
    %swap3A_61 = vector.shape_cast %slice3A_55 : vector<512x128xf32> to vector<1x512x128xf32>
    tpu.vector_store %arg6[%swap3A_56, %swap3A_57, %swap3A_58], %swap3A_61 {strides = array<i32>} : memref<2x512x128xf32, #tpu.memory_space<vmem>>, vector<1x512x128xf32>,
    return
  }
  func.func @transform_0(%arg0: i32) -> (i32, i32, i32) {
    %c0_i32 = arith.constant 0 : i32
    %c0_i32_0 = arith.constant 0 : i32
    %c0_i32_1 = arith.constant 0 : i32
    return %c0_i32, %arg0, %c0_i32_0 : i32, i32, i32
  }
  func.func @transform_1(%arg0: i32) -> (i32, i32, i32) {
    %c0_i32 = arith.constant 0 : i32
    %c0_i32_0 = arith.constant 0 : i32
    %c0_i32_1 = arith.constant 0 : i32
    return %c0_i32, %arg0, %c0_i32_0 : i32, i32, i32
  }
  func.func @transform_2(%arg0: i32) -> (i32, i32) {
    %c0_i32 = arith.constant 0 : i32
    %c0_i32_0 = arith.constant 0 : i32
    return %arg0, %c0_i32 : i32, i32
  }
  func.func @transform_3(%arg0: i32) -> (i32, i32) {
    %c0_i32 = arith.constant 0 : i32
    %c0_i32_0 = arith.constant 0 : i32
    %c0_i32_1 = arith.constant 0 : i32
    return %c0_i32, %c0_i32_0 : i32, i32
  }
  func.func @transform_4(%arg0: i32) -> (i32, i32) {
    %c0_i32 = arith.constant 0 : i32
    %c0_i32_0 = arith.constant 0 : i32
    %c0_i32_1 = arith.constant 0 : i32
    return %c0_i32, %c0_i32_0 : i32, i32
  }
  func.func @transform_5(%arg0: i32) -> (i32, i32, i32) {
    %c0_i32 = arith.constant 0 : i32
    %c0_i32_0 = arith.constant 0 : i32
    %c0_i32_1 = arith.constant 0 : i32
    return %c0_i32, %arg0, %c0_i32_0 : i32, i32, i32
  }
}

module attributes {stable_mosaic.version = 14 : i64} {
  func.func @_tc_final_body(%arg0: i32, %arg1: memref<2x512x128xf32, #tpu.memory_space<vmem>>, %arg2: memref<2x512x128xf32, #tpu.memory_space<vmem>>, %arg3: memref<512x1xf32, #tpu.memory_space<vmem>>, %arg4: memref<2x128xf32, #tpu.memory_space<vmem>>, %arg5: memref<512x256xf32, #tpu.memory_space<vmem>>) attributes {dimension_semantics = [#tpu.dimension_semantics<arbitrary>], iteration_bounds = array<i64: 20>, scalar_prefetch = 0 : i64, scratch_operands = 0 : i64, tpu.core_type = #tpu.core_type<tc>, window_params = [{transform_indices = @transform_0, window_bounds = array<i64: 2, 512, 128>}, {transform_indices = @transform_1, window_bounds = array<i64: 2, 512, 128>}, {transform_indices = @transform_2, window_bounds = array<i64: 512, 1>}, {pipeline_mode = #tpu.pipeline_mode<synchronous>, transform_indices = @transform_3, window_bounds = array<i64: 2, 128>}, {transform_indices = @transform_4, window_bounds = array<i64: 512, 256>}]} {
    %get3A = arith.constant 0 : index
    %get3A_0 = arith.constant 0 : index
    %get3A_1 = vector.load %arg3[%get3A, %get3A_0] : memref<512x1xf32, #tpu.memory_space<vmem>>, vector<512x1xf32>
    %add3A = arith.constant 1.000000e+00 : f32
    %add3A_2 = vector.broadcast %add3A : f32 to vector<512x1xf32>
    %add3A_3 = arith.addf %get3A_1, %add3A_2 : vector<512x1xf32>
    %rsqrt3A = math.rsqrt %add3A_3 : vector<512x1xf32>
    %get3A_4 = arith.constant 0 : index
    %get3A_5 = arith.constant 0 : index
    %get3A_6 = arith.constant 0 : index
    %get3A_7 = vector.load %arg1[%get3A_4, %get3A_5, %get3A_6] : memref<2x512x128xf32, #tpu.memory_space<vmem>>, vector<1x512x128xf32>
    %get3A_8 = vector.shape_cast %get3A_7 : vector<1x512x128xf32> to vector<512x128xf32>
    %get3A_9 = arith.constant 0 : index
    %get3A_10 = arith.constant 0 : index
    %get3A_11 = arith.constant 0 : index
    %get3A_12 = vector.load %arg2[%get3A_9, %get3A_10, %get3A_11] : memref<2x512x128xf32, #tpu.memory_space<vmem>>, vector<1x512x128xf32>
    %get3A_13 = vector.shape_cast %get3A_12 : vector<1x512x128xf32> to vector<512x128xf32>
    %add3A_14 = arith.addf %get3A_8, %get3A_13 : vector<512x128xf32>
    %mul3A = vector.broadcast %rsqrt3A : vector<512x1xf32> to vector<512x128xf32>
    %mul3A_15 = arith.mulf %mul3A, %add3A_14 : vector<512x128xf32>
    %get3A_16 = arith.constant 0 : index
    %get3A_17 = arith.constant 0 : index
    %get3A_18 = vector.load %arg4[%get3A_16, %get3A_17] : memref<2x128xf32, #tpu.memory_space<vmem>>, vector<1x128xf32>
    %add3A_19 = vector.broadcast %get3A_18 : vector<1x128xf32> to vector<512x128xf32>
    %add3A_20 = arith.addf %mul3A_15, %add3A_19 : vector<512x128xf32>
    %swap3A = arith.constant 0 : index
    %swap3A_21 = arith.constant 0 : index
    %swap3A_22 = vector.load %arg5[%swap3A, %swap3A_21] : memref<512x256xf32, #tpu.memory_space<vmem>>, vector<512x128xf32>
    tpu.vector_store %arg5[%swap3A, %swap3A_21], %add3A_20 {strides = array<i32>} : memref<512x256xf32, #tpu.memory_space<vmem>>, vector<512x128xf32>,
    %get3A_23 = arith.constant 1 : index
    %get3A_24 = arith.constant 0 : index
    %get3A_25 = arith.constant 0 : index
    %get3A_26 = vector.load %arg1[%get3A_23, %get3A_24, %get3A_25] : memref<2x512x128xf32, #tpu.memory_space<vmem>>, vector<1x512x128xf32>
    %get3A_27 = vector.shape_cast %get3A_26 : vector<1x512x128xf32> to vector<512x128xf32>
    %get3A_28 = arith.constant 1 : index
    %get3A_29 = arith.constant 0 : index
    %get3A_30 = arith.constant 0 : index
    %get3A_31 = vector.load %arg2[%get3A_28, %get3A_29, %get3A_30] : memref<2x512x128xf32, #tpu.memory_space<vmem>>, vector<1x512x128xf32>
    %get3A_32 = vector.shape_cast %get3A_31 : vector<1x512x128xf32> to vector<512x128xf32>
    %add3A_33 = arith.addf %get3A_27, %get3A_32 : vector<512x128xf32>
    %mul3A_34 = vector.broadcast %rsqrt3A : vector<512x1xf32> to vector<512x128xf32>
    %mul3A_35 = arith.mulf %mul3A_34, %add3A_33 : vector<512x128xf32>
    %get3A_36 = arith.constant 1 : index
    %get3A_37 = arith.constant 0 : index
    %get3A_38 = vector.load %arg4[%get3A_36, %get3A_37] : memref<2x128xf32, #tpu.memory_space<vmem>>, vector<1x128xf32>
    %add3A_39 = vector.broadcast %get3A_38 : vector<1x128xf32> to vector<512x128xf32>
    %add3A_40 = arith.addf %mul3A_35, %add3A_39 : vector<512x128xf32>
    %swap3A_41 = arith.constant 0 : index
    %swap3A_42 = arith.constant 128 : index
    %swap3A_43 = vector.load %arg5[%swap3A_41, %swap3A_42] : memref<512x256xf32, #tpu.memory_space<vmem>>, vector<512x128xf32>
    tpu.vector_store %arg5[%swap3A_41, %swap3A_42], %add3A_40 {strides = array<i32>} : memref<512x256xf32, #tpu.memory_space<vmem>>, vector<512x128xf32>,
    return
  }
  func.func @transform_0(%arg0: i32) -> (i32, i32, i32) {
    %c0_i32 = arith.constant 0 : i32
    %c0_i32_0 = arith.constant 0 : i32
    %c0_i32_1 = arith.constant 0 : i32
    return %c0_i32, %arg0, %c0_i32_0 : i32, i32, i32
  }
  func.func @transform_1(%arg0: i32) -> (i32, i32, i32) {
    %c0_i32 = arith.constant 0 : i32
    %c0_i32_0 = arith.constant 0 : i32
    %c0_i32_1 = arith.constant 0 : i32
    return %c0_i32, %arg0, %c0_i32_0 : i32, i32, i32
  }
  func.func @transform_2(%arg0: i32) -> (i32, i32) {
    %c0_i32 = arith.constant 0 : i32
    %c0_i32_0 = arith.constant 0 : i32
    return %arg0, %c0_i32 : i32, i32
  }
  func.func @transform_3(%arg0: i32) -> (i32, i32) {
    %c0_i32 = arith.constant 0 : i32
    %c0_i32_0 = arith.constant 0 : i32
    %c0_i32_1 = arith.constant 0 : i32
    return %c0_i32, %c0_i32_0 : i32, i32
  }
  func.func @transform_4(%arg0: i32) -> (i32, i32) {
    %c0_i32 = arith.constant 0 : i32
    %c0_i32_0 = arith.constant 0 : i32
    return %arg0, %c0_i32 : i32, i32
  }
}

</mosaic_0001>

<sc_bundles>
// kernel: gather_offload_async_start.1
scs
__scs_entry_jumppad:
0x0: {  	(pc) =	sbr.rel $0x88, $3  }
0x1: {  	(tag) =	ssettag $0x0;
	lr =	simm.s32 $0x1  }
0x2: {  	[smem:$0x3F99] =	sst lr;
	_ =	strace $0xD0000000  }
0x3: {  	_ = 	snop  }
0x4: {  	_ = 	snop  }
0x5: {  	_ = 	snop  }
0x6: {  	_ = 	snop  }
0x7: {  	_ = 	snop  }
__scs_overlays_trampoline_lowered:
0x8: {  	[smem:$0x3FA8] =	sst s0  }
0x9: {  	[smem:$0x3FA9] =	sst s1  }
0xa: {  	[smem:$0x3FAA] =	sst s2  }
0xb: {  	[smem:$0x3FAB] =	sst s3  }
0xc: {  	[smem:$0x3FAC] =	sst s4  }
0xd: {  	[smem:$0x3FAD] =	sst s5  }
0xe: {  	[smem:$0x3FAE] =	sst s6  }
0xf: {  	[smem:$0x3FAF] =	sst s7  }
0x10: {  	[smem:$0x3FB0] =	sst s8  }
0x11: {  	[smem:$0x3FB1] =	sst s9;
	s0 =	simm.s32 @!p0 $0x0  }
0x12: {  	s1 =	sld [smem:$0x3F97];
	s0 =	simm.s32 @p0 $0x1  }
0x13: {  	[smem:$0x3FB2] =	sst s0;
	s0 =	simm.s32 @!p1 $0x0  }
0x14: {  	s2 =	sld [smem:$0x3F96];
	s0 =	simm.s32 @p1 $0x1  }
0x15: {  	[smem:$0x3FB3] =	sst s0;
	s0 =	simm.s32 @!p2 $0x0  }
0x16: {  	s3 =	sld [smem:$0x3FDB];
	s0 =	simm.s32 @p2 $0x1  }
0x17: {  	s4 =	simm.s32 $0x1BF5;
	[smem:$0x3FB5] =	sst s0  }
0x18: {  	s0 =	sld [smem:$0x3F98];
	_ =	swait.ge [sflag:s4], $0x0  }
0x19: {  	s7 =	sld [smem:$0x3F99]  }
0x1a: {  	s8 =	sadd.s32 $0xFFFFE003, lr  }
0x1b: {  	s9 =	sadd.s32 $0xFFFFFEF7, lr;
	s5 =	simm.s32 $0xFFFFFFFF;
	p2 =	slt.u32 s8, $0xFFFFF086  }
0x1c: {  	p1 =	slt.u32 s9, $0xF7A;
	s5 =	simm.s32 @!p2 $0x0  }
0x1d: {  	s5 =	simm.s32 @p1 $0x1;
	p0 =	seq.s32 s7, s2  }
0x1e: {  	s7 =	smul.u32 @!p0 $0xF7A, s2;
	p2 =	seq.s32 @!p0 s5, $0x0  }
0x1f: {  	s9 =	smul.u32 $0xF7A, s1;
	s8 =	simm.s32 @!p0 $0x1BF5;
	p2 =	por !p2, p0  }
0x20: {  	[sflag:s8] =	ssyncset.s32 @!p0 $0xFFFFF086;
	s6 =	sadd.s32 @!p0 s3, s7;
	s7 =	simm.s32 @!p0 $0x108  }
0x21: {  	s3 =	sadd.s32 s3, s9;
	s6 =	sadd.s32 @!p0 $0x88, s6;
	s7 =	simm.s32 @p2 $0x1082  }
0x22: {  	[simem:s7], [sflag:s8] =	dma.local @!p0 [hbm:s6], $0xF7A  }
0x23: {  	s9 =	sor.u32 $0xD0000000, s2;
	s6 =	simm.s32 $0x108;
	_ =	swait.ge @!p0 [sflag:s8], $0x0  }
0x24: {  	s3 =	sadd.s32 $0x88, s3;
	s6 =	simm.s32 @!p1 $0x1082;
	[sflag:s4] =	ssyncset.s32 $0xFFFFF086  }
0x25: {  	[simem:s6], [sflag:s4] =	dma.local [hbm:s3], $0xF7A  }
0x26: {  	[smem:$0x3F99] =	sst s1;
	(tag) =	ssettag s2;
	_ =	strace s9  }
0x27: {  	s1 =	sld [smem:$0x3FA9]  }
0x28: {  	s2 =	sld [smem:$0x3FAA]  }
0x29: {  	s4 =	sld [smem:$0x3FAC]  }
0x2a: {  	p0 =	seq.s32 s5, $0x0;
	s5 =	sld [smem:$0x3FAD]  }
0x2b: {  	s6 =	sld [smem:$0x3FAE]  }
0x2c: {  	s7 =	sld [smem:$0x3FAF]  }
0x2d: {  	s3 =	simm.s32 $0x108;
	s8 =	sld [smem:$0x3FB0]  }
0x2e: {  	s3 =	simm.s32 @!p0 $0x1082;
	s9 =	sld [smem:$0x3FB1]  }
0x2f: {  	lr =	sadd.s32 s0, s3;
	s0 =	sld [smem:$0x3FA8]  }
0x30: {  	s3 =	sld [smem:$0x3FAB]  }
0x31: {  	[smem:$0x3FB4] =	sst s10  }
0x32: {  	s10 =	sld [smem:$0x3FB2];
	_ =	sdelay $0x3  }
0x33: {  	p0 =	seq.s32 s10, $0x1;
	s10 =	sld [smem:$0x3FB4];
	_ =	sdelay $0x3  }
0x34: {  	[smem:$0x3FB4] =	sst s10  }
0x35: {  	s10 =	sld [smem:$0x3FB3];
	_ =	sdelay $0x3  }
0x36: {  	p1 =	seq.s32 s10, $0x1;
	s10 =	sld [smem:$0x3FB4];
	_ =	sdelay $0x3  }
0x37: {  	[smem:$0x3FB4] =	sst s10  }
0x38: {  	s10 =	sld [smem:$0x3FB5]  }
0x39: {  	_ = 	snop;
	(pc) =	sbr.ind lr, $3  }
0x3a: {  	_ = 	snop  }
0x3b: {  	_ = 	snop  }
0x3c: {  	p2 =	seq.s32 s10, $0x1;
	s10 =	sld [smem:$0x3FB4]  }
0x3d: {  	_ =	shalt  }
0x3e: {  	_ =	shalt  }
0x3f: {  	_ =	shalt  }
0x40: {  	_ =	shalt  }
0x41: {  	_ =	shalt  }
0x42: {  	_ =	shalt  }
0x43: {  	_ =	shalt  }
0x44: {  	_ =	shalt  }
0x45: {  	_ =	shalt  }
0x46: {  	_ =	shalt  }
0x47: {  	_ =	shalt  }
0x48: {  	_ =	shalt  }
0x49: {  	_ =	shalt  }
0x4a: {  	_ =	shalt  }
0x4b: {  	_ =	shalt  }
0x4c: {  	_ =	shalt  }
0x4d: {  	_ =	shalt  }
0x4e: {  	_ =	shalt  }
0x4f: {  	_ =	shalt  }
0x50: {  	_ =	shalt  }
0x51: {  	_ =	shalt  }
0x52: {  	_ =	shalt  }
0x53: {  	_ =	shalt  }
0x54: {  	_ =	shalt  }
0x55: {  	_ =	shalt  }
0x56: {  	_ =	shalt  }
0x57: {  	_ =	shalt  }
0x58: {  	_ =	shalt  }
0x59: {  	_ =	shalt  }
0x5a: {  	_ =	shalt  }
0x5b: {  	_ =	shalt  }
0x5c: {  	_ =	shalt  }
0x5d: {  	_ =	shalt  }
0x5e: {  	_ =	shalt  }
0x5f: {  	_ =	shalt  }
0x60: {  	_ =	shalt  }
0x61: {  	_ =	shalt  }
0x62: {  	_ =	shalt  }
0x63: {  	_ =	shalt  }
0x64: {  	_ =	shalt  }
0x65: {  	_ =	shalt  }
0x66: {  	_ =	shalt  }
0x67: {  	_ =	shalt  }
0x68: {  	_ =	shalt  }
0x69: {  	_ =	shalt  }
0x6a: {  	_ =	shalt  }
0x6b: {  	_ =	shalt  }
0x6c: {  	_ =	shalt  }
0x6d: {  	_ =	shalt  }
0x6e: {  	_ =	shalt  }
0x6f: {  	_ =	shalt  }
0x70: {  	_ =	shalt  }
0x71: {  	_ =	shalt  }
0x72: {  	_ =	shalt  }
0x73: {  	_ =	shalt  }
0x74: {  	_ =	shalt  }
0x75: {  	_ =	shalt  }
0x76: {  	_ =	shalt  }
0x77: {  	_ =	shalt  }
0x78: {  	_ =	shalt  }
0x79: {  	_ =	shalt  }
0x7a: {  	_ =	shalt  }
0x7b: {  	_ =	shalt  }
0x7c: {  	_ =	shalt  }
0x7d: {  	_ =	shalt  }
0x7e: {  	_ =	shalt  }
0x7f: {  	_ =	shalt  }
0x80: {  	_ =	shalt  }
0x81: {  	_ =	shalt  }
0x82: {  	_ =	shalt  }
0x83: {  	_ =	shalt  }
0x84: {  	_ =	shalt  }
0x85: {  	_ =	shalt  }
0x86: {  	_ =	shalt  }
0x87: {  	_ =	shalt  }
.Lfunc_end0:
.L_simem_size_0:
called_computation.1_lowered:
.L_overlay_start_0:
0x88: {  	s2 =	sld [smem:$0x3FD9]  }
0x89: {  	s3 =	sld [smem:$0x3FFE];
	_ =	sdelay $0x1  }
0x8a: {  	s1 =	srdreg.scid  }
0x8b: {  	s0 =	sand.u32 $0x1, s1  }
0x8c: {  	s16 =	sshll.u32 s0, $0xA;
	s2 =	sadd.s32 s3, s2  }
0x8d: {  	s2 =	sadd.s32 s2, s16  }
0x8e: {  	[smem:$0x3FC0] =	sst s2  }
0x8f: {  	_ = 	snop  }
0x90: {  	(tm) =	ssettm $0x1  }
0x91: {  	s17 =	sld [smem:$0x3FFB];
	_ =	sdelay $0x3  }
0x92: {  	_ =	strace s17  }
0x93: {  	s2 =	sld [smem:$0x3FFC];
	_ =	sdelay $0x3  }
0x94: {  	_ =	strace s2  }
0x95: {  	s2 =	sld [smem:$0x3FFD];
	_ =	sdelay $0x3  }
0x96: {  	_ =	strace s2  }
0x97: {  	_ =	strace $0x8FFFFFFF  }
0x98: {  	s18 =	sld [smem:$0x3FDB];
	_ =	sdelay $0x1  }
0x99: {  	s19 =	simm.s32 $_scs_section_size  }
0x9a: {  	s4 =	simm.s32 $_size__tile_overlayer_lowered;
	s5 =	simm.s32 $_tile_overlayer_lowered  }
0x9b: {  	s22 =	simm.s32 $0x1BFF;
	s21 =	sshll.u32 s5, $0x1;
	s2 =	sadd.s32 s19, s18  }
0x9c: {  	s6 =	simm.s32 $0x0;
	s20 =	sshll.u32 s4, $0x1;
	s4 =	sadd.s32 s21, s2  }
0x9d: {  	[timem:s6], [sflag:s22] =	dma.local [hbm:s4], s20  }
0x9e: {  	_ =	swait.ge [sflag:s22], s20  }
0x9f: {  	s3 =	ssub.s32 $0x0, s20;
	[sflag:s22] =	ssyncset.done $0x0  }
0xa0: {  	[sflag:s22] =	ssyncadd.s32 s3;
	_ =	sdelay $0x1  }
0xa1: {  	s23 =	simm.s32 $0x1B8B  }
0xa2: {  	_ =	swait.ge [sflag:s23], $0x1  }
0xa3: {  	[sflag:s23] =	ssyncset.done $0x0  }
0xa4: {  	s25 =	simm.s32 $0x1B8E;
	s24 =	sld [smem:$0x3FFE];
	[sflag:s23] =	ssyncadd.s32 $0xFFFFFFFF  }
0xa5: {  	s26 =	simm.s32 $execute0_lowered;
	[smem:$0x3FD2] =	sst s25  }
0xa6: {  	s4 =	sshll.u32 s26, $0x1;
	_ =	strace $0x80000046;
	[dreg:$0x1] =	wrdreg $0xFFFFFFFF  }
0xa7: {  	s28 =	simm.s32 $_size_execute0_lowered;
	s2 =	sadd.s32 s2, s4;
	[dreg:$0x0] =	wrdreg $0x0  }
0xa8: {  	s4 =	sshll.u32 s28, $0x1;
	[dreg:$0x2] =	wrdreg s2  }
0xa9: {  	[dreg:$0x3] =	wrdreg s4  }
0xaa: {  	[dreg:$0x4] =	wrdreg $0xC0  }
0xab: {  	_ =	task [dreg:s6], $0x5FFFF  }
0xac: {  	[dreg:$0x1] =	wrdreg $0xFFFFFFFF  }
0xad: {  	[dreg:$0x0] =	wrdreg $0x60  }
0xae: {  	[dreg:$0x2] =	wrdreg s24  }
0xaf: {  	[dreg:$0x3] =	wrdreg $0xA  }
0xb0: {  	_ =	task.clear_ibuf [dreg:s6], $0x4FFFF;
	_ =	strace $0x90000046  }
0xb1: {  	s29 =	simm.s32 $0xA;
	_ =	strace $0x80000048  }
0xb2: {  	_ =	swait.ge [sflag:s29], $0x1  }
0xb3: {  	[sflag:s29] =	ssyncadd.s32 $0xFFFFFFFF  }
0xb4: {  	_ =	strace $0x90000048  }
0xb5: {  	_ =	sfence  }
0xb6: {  	s30 =	sld [smem:$0x0];
	_ =	sdelay $0x2  }
0xb7: {  	s31 =	sshll.u32 s1, $0xD;
	s1 =	sshrl.u32 s1, $0x2  }
0xb8: {  	s3 =	sand.u32 $0x4000, s31;
	s1 =	sadd.s32 s1, s30  }
0xb9: {  	s0 =	sor.u32 s3, s0;
	s1 =	sshll.u32 s1, $0x11  }
0xba: {  	s0 =	sor.u32 s1, s0  }
0xbb: {  	s0 =	sadd.s32 $0x8F2B, s0  }
0xbc: {  	[sflag:s0] =	ssyncadd.remote.s32 $0x1  }
0xbd: {  	_ =	sfence.sel $0xFFFF  }
0xbe: {  	[dreg:$0x0] =	wrdreg $0xFFFFFFFF;
	(pc) =	sbr.abs _section_cstart, $3  }
0xbf: {  	[dreg:$0x1] =	wrdreg $0xFFFFFFFF  }
0xc0: {  	_ =	task.clear_ibuf [dreg:s6], $0x2FFFF;
	_ =	strace $0x9FFFFFFF  }
0xc1: {  	(tm) =	ssettm $0x7FFFFFFF  }
tec
execute0_lowered:
.L_overlay_start_1:
0x0: {  	(tag) =	ssettag $0x1  }
0x1: {  	s0 =	srdreg.scid  }
0x2: {  	s1 =	sshll.u32 s0, $0x4  }
0x3: {  	s0 =	stileid.u32;
	s1 =	sand.u32 $0x10, s1  }
0x4: {  	s1 =	sor.u32 s0, s1  }
0x5: {  	s9 =	rddreg [dreg:$0x0];
	s6 =	simm.s32 $0x1;
	s2 =	smin.u32 s1, $0x8  }
0x6: {  	p0 =	slt.u32 s1, $0x8;
	s2 =	sadd.s32 s1, s2;
	s1 =	simm.s32 $0x80  }
0x7: {  	s7 =	simm.s32 $0x2;
	s2 =	sshll.u32 s2, $0x6;
	s1 =	simm.s32 @!p0 $0x40  }
0x8: {  	s10 =	simm.s32 $0x3;
	s13 =	simm.s32 $0x0;
	s3 =	sadd.s32 s1, s2  }
0x9: {  	s12 =	simm.s32 $0x0;
	s4 =	sadd.s32 $0x2E00, s9;
	s3 =	smin.u32 s3, $0xA00  }
.Ltmp0:
0xa: {  	s5 =	sadd.s32 $0x2C00, s9;
	s8 =	ssub.s32 s3, s2;
	(pc) =	sbr.rel .LBB2_1-.Ltmp0, $4  }
0xb: {  	s1 =	rddreg [dreg:$0x1];
	_ =	strace $0x80000047;
	p0 =	sgt.s32 s8, $0x0  }
0xc: {  	s9 =	sadd.s32 $0x16A00, s9;
	[sflag:s6] =	ssyncpa.u1 $0x0;
	s8 =	simm.s32 @!p0 $0x0  }
0xd: {  	s11 =	smov.u32 s2;
	[sflag:s7] =	ssyncpa.u1 $0x0;
	s8 =	sshrl.u32 s8, $0x6  }
0xe: {  	vm0 =	vmmov $0xff;
	vm1 =	vcmask $0x3F20;
	[sflag:s10] =	ssyncpa.u1 $0x0;
	p0 =	por $0x0, $0x0;
	s10 =	sadd.s32 $0x1, s8  }
.LBB2_6:
0xf: {  	[hbm:s17] =	stream.linear.scatter [tilespmem:s14], [sflag:$0x3], $0x400, $0x38;
	[tilespmem:$0x4080] =	vst v63  }
.LBB2_7:
0x10: {  	s13 =	sadd.s32 $0x40, s11  }
0x11: {  	s15 =	smov.u32 s2;
	p2 =	slt.s32 s13, s3  }
0x12: {  	s15 =	smov.u32 @p2 s13;
	p2 =	sne.s32 s12, s10  }
.Ltmp1:
0x13: {  	p1 =	slt.u32 s12, $0x2;
	(pc) =	sbr.rel @!p2 .LBB2_8-.Ltmp1, $4  }
0x14: {  	s14 =	simm.s32 @!p1 $0x3  }
0x15: {  	s16 =	sadd.s32 $0x1, s12;
	_ =	swait.ge @!p1 [sflag:s14], $0x2000  }
0x16: {  	p0 =	por !p0, !p0;
	s13 =	smov.u32 s11;
	[sflag:s14] =	ssyncset.done @!p1 $0x0  }
0x17: {  	s12 =	smov.u32 s16;
	s11 =	smov.u32 s15;
	[sflag:s14] =	ssyncadd.s32 @!p1 $0xFFFFE000  }
.LBB2_1:
0x18: {  	p1 =	sge.u32 s12, s8  }
0x19: {  	s14 =	sxor.u32 @!p1 $0xFFFFFFFF, s12  }
0x1a: {  	s31 =	sadd.s32 $0xFFFFFFFF, s12;
	s15 =	sshrl.u32 @!p1 s11, $0x3;
	s14 =	sshll.u32 @!p1 s14, $0x6  }
0x1b: {  	s16 =	sand.u32 @!p1 $0x7, s11;
	s15 =	sadd.s32 @!p1 s5, s15;
	s14 =	sand.u32 @!p1 $0x40, s14  }
0x1c: {  	[tilespmem:s14], [sflag:$0x2] =	stream.linear.gather @!p1 [hbm4b:s15+s16], $0x40, $0x38;
	[tilespmem:$0x4080] =	vst v63  }
0x1d: {  	p1 =	sge.u32 s31, s8  }
.Ltmp2:
0x1e: {  	_ = 	snop;
	(pc) =	sbr.rel @p1 .LBB2_7-.Ltmp2, $1  }
0x1f: {  	_ =	sdelay $0x3  }
0x20: {  	s14 =	simm.s32 $0x1  }
0x21: {  	_ =	swait.ge [sflag:s7], $0x40;
	s14 =	simm.s32 @!p0 $0x0  }
0x22: {  	[sflag:s7] =	ssyncset.done $0x0;
	s16 =	sshll.u32 s14, $0x6  }
0x23: {  	[sflag:s7] =	ssyncadd.s32 $0xFFFFFFC0;
	s15 =	sadd.s32 $0x0, s16  }
0x24: {  	v0 =	vld.msk [tilespmem:s15+$0x0 ss:$0x1], $0xffff;
	_ =	sdelay $0x4  }
0x25: {  	vm2 =	vgt.s32 v0, $0x0  }
0x26: {  	v0 =	vnsel vm2, $0x0, v0  }
0x27: {  	v0 =	vmin.u32 v0, $0x9C3  }
0x28: {  	v0 =	vshll.u32 v0, $0x4;
	_ =	sdelay $0x2  }
0x29: {  	s14 =	sshll.u32 s14, $0xD  }
0x2a: {  	s14 =	sor.u32 $0x80, s14  }
0x2b: {  	[tilespmem:s14], [sflag:$0x1] =	stream.indirect_vreg.gather [hbm:s4], $0x80, v0, vm0, $0x38;
	[tilespmem:$0x4080] =	vst v63  }
0x2c: {  	s17 =	sadd.s32 $0x10, s16;
	s15 =	sadd.s32 $0x400, s14  }
0x2d: {  	[tilespmem:s15], [sflag:$0x1] =	stream.indirect_vreg.gather [hbm:s4], $0x80, v0, vm1, $0x38;
	[tilespmem:$0x4080] =	vst v63  }
0x2e: {  	s18 =	simm.s32 $0x80;
	v0 =	vld.msk [tilespmem:s17+$0x0 ss:$0x1], $0xffff;
	s17 =	smov.u32 s14  }
.LBB2_3:
0x2f: {  	p1 =	sne.s32 s18, $0xC0;
	_ =	sdelay $0x4  }
0x30: {  	vm2 =	vgt.s32 v0, $0x0  }
0x31: {  	v0 =	vnsel vm2, $0x0, v0  }
0x32: {  	v0 =	vmin.u32 v0, $0x9C3  }
0x33: {  	v0 =	vshll.u32 v0, $0x4;
	_ =	sdelay $0x3  }
.Ltmp3:
0x34: {  	s19 =	sshra.s32 s18, $0x2;
	s17 =	sadd.s32 $0x800, s17;
	(pc) =	sbr.rel @p1 .LBB2_3-.Ltmp3, $4  }
0x35: {  	[tilespmem:s17], [sflag:$0x1] =	stream.indirect_vreg.gather [hbm:s4], $0x80, v0, vm0, $0x38;
	[tilespmem:$0x4080] =	vst v63  }
0x36: {  	s19 =	sadd.s32 s19, s16;
	s20 =	sadd.s32 $0x400, s17  }
0x37: {  	[tilespmem:s20], [sflag:$0x1] =	stream.indirect_vreg.gather [hbm:s4], $0x80, v0, vm1, $0x38;
	[tilespmem:$0x4080] =	vst v63  }
0x38: {  	s18 =	sadd.s32 $0x40, s18;
	v0 =	vld.msk [tilespmem:s19+$0x0 ss:$0x1], $0xffff  }
0x39: {  	_ =	sdelay $0x3  }
0x3a: {  	vm2 =	vgt.s32 v0, $0x0  }
0x3b: {  	v0 =	vnsel vm2, $0x0, v0  }
0x3c: {  	v0 =	vmin.u32 v0, $0x9C3  }
0x3d: {  	v0 =	vshll.u32 v0, $0x4;
	_ =	sdelay $0x3  }
0x3e: {  	s16 =	sadd.s32 $0x800, s17  }
0x3f: {  	[tilespmem:s16], [sflag:$0x1] =	stream.indirect_vreg.gather [hbm:s4], $0x80, v0, vm0, $0x38;
	[tilespmem:$0x4080] =	vst v63  }
0x40: {  	s16 =	sadd.s32 $0x400, s16  }
0x41: {  	[tilespmem:s16], [sflag:$0x1] =	stream.indirect_vreg.gather [hbm:s4], $0x80, v0, vm1, $0x38;
	[tilespmem:$0x4080] =	vst v63  }
0x42: {  	s13 =	sshll.u32 s13, $0x4;
	_ =	swait.ge [sflag:s6], $0x2000  }
0x43: {  	s13 =	sadd.s32 s13, s9;
	[sflag:s6] =	ssyncset.done $0x0  }
0x44: {  	s17 =	sadd.s32 $0x0, s13;
	s16 =	simm.s32 $0x80;
	[sflag:s6] =	ssyncadd.s32 $0xFFFFE000  }
.LBB2_5:
0x45: {  	[hbm:s17] =	stream.linear.scatter [tilespmem:s14], [sflag:$0x3], $0x400, $0x38;
	[tilespmem:$0x4080] =	vst v63  }
0x46: {  	s17 =	smov.u32 s16;
	s14 =	smov.u32 s15;
	p1 =	sne.s32 s16, $0x380  }
.Ltmp4:
0x47: {  	s16 =	sadd.s32 $0x80, s16;
	(pc) =	sbr.rel @p1 .LBB2_5-.Ltmp4, $2  }
0x48: {  	_ =	sdelay $0x2  }
0x49: {  	s15 =	sadd.s32 $0x400, s15;
	s17 =	sadd.s32 s17, s13  }
.Ltmp5:
0x4a: {  	_ = 	snop;
	(pc) =	sbr.rel .LBB2_6-.Ltmp5, $1  }
0x4b: {  	_ =	sdelay $0x3  }
.LBB2_8:
0x4c: {  	_ =	sfence.sel $0x180000  }
0x4d: {  	s2 =	simm.s32 $0x2;
	[bflag:$0x0] =	sbarrier.arrive $0xFFFF  }
0x4e: {  	s30 =	simm.s32 $0x3;
	[sflag:s2] =	ssyncpa.u1 $0x1  }
0x4f: {  	s31 =	simm.s32 $0x1;
	[sflag:s30] =	ssyncpa.u1 $0x1  }
0x50: {  	[sflag:s31] =	ssyncpa.u1 $0x1  }
0x51: {  	p0 =	sne.s32 s0, $0x0;
	_ =	strace $0x90000047  }
0x52: {  	s0 =	sadd.s32 @!p0 $0x100000, s1;
	[bflag:$0x2] =	sbarrier.arrive $0xFFFF  }
0x53: {  	[sflag:s0] =	ssyncadd.tile.s32 @!p0 $0x1;
	_ =	shalt  }
.Lfunc_end2:
_tile_overlayer_lowered:
.L_overlay_start_2:
0x54: {  	(tag) =	ssettag $0x2  }
0x55: {  	s0 =	rddreg [dreg:$0x0];
	s2 =	stileid.u32  }
0x56: {  	s1 =	rddreg [dreg:$0x1];
	p0 =	sne.s32 s2, $0x0  }
0x57: {  	s3 =	rddreg [dreg:$0x2];
	[bflag:$0x3] =	sbarrier.arrive $0xFFFF;
	s2 =	simm.s32 @!p0 $0x1C01  }
0x58: {  	[timem:s3], [sflag:s2] =	dma.local @!p0 [hbm:s0], s1  }
0x59: {  	s0 =	simm.s32 @!p0 $0x1  }
0x5a: {  	_ =	swait.ge @!p0 [sflag:s0], s1  }
0x5b: {  	s1 =	ssub.s32 @!p0 $0x0, s1;
	[sflag:s0] =	ssyncset.done @!p0 $0x0  }
0x5c: {  	[sflag:s0] =	ssyncadd.s32 @!p0 s1  }
0x5d: {  	[bflag:$0x3] =	sbarrier.arrive $0xFFFF  }
0x5e: {  	_ =	shalt  }

// kernel: gather_offload_async_start
scs
__scs_entry_jumppad:
0x0: {  	(pc) =	sbr.rel $0x88, $3  }
0x1: {  	(tag) =	ssettag $0x0;
	lr =	simm.s32 $0x1  }
0x2: {  	[smem:$0x3F99] =	sst lr;
	_ =	strace $0xD0000000  }
0x3: {  	_ = 	snop  }
0x4: {  	_ = 	snop  }
0x5: {  	_ = 	snop  }
0x6: {  	_ = 	snop  }
0x7: {  	_ = 	snop  }
__scs_overlays_trampoline_lowered:
0x8: {  	[smem:$0x3FA8] =	sst s0  }
0x9: {  	[smem:$0x3FA9] =	sst s1  }
0xa: {  	[smem:$0x3FAA] =	sst s2  }
0xb: {  	[smem:$0x3FAB] =	sst s3  }
0xc: {  	[smem:$0x3FAC] =	sst s4  }
0xd: {  	[smem:$0x3FAD] =	sst s5  }
0xe: {  	[smem:$0x3FAE] =	sst s6  }
0xf: {  	[smem:$0x3FAF] =	sst s7  }
0x10: {  	[smem:$0x3FB0] =	sst s8  }
0x11: {  	[smem:$0x3FB1] =	sst s9;
	s0 =	simm.s32 @!p0 $0x0  }
0x12: {  	s1 =	sld [smem:$0x3F97];
	s0 =	simm.s32 @p0 $0x1  }
0x13: {  	[smem:$0x3FB2] =	sst s0;
	s0 =	simm.s32 @!p1 $0x0  }
0x14: {  	s2 =	sld [smem:$0x3F96];
	s0 =	simm.s32 @p1 $0x1  }
0x15: {  	[smem:$0x3FB3] =	sst s0;
	s0 =	simm.s32 @!p2 $0x0  }
0x16: {  	s3 =	sld [smem:$0x3FDB];
	s0 =	simm.s32 @p2 $0x1  }
0x17: {  	s4 =	simm.s32 $0x1BF5;
	[smem:$0x3FB5] =	sst s0  }
0x18: {  	s0 =	sld [smem:$0x3F98];
	_ =	swait.ge [sflag:s4], $0x0  }
0x19: {  	s7 =	sld [smem:$0x3F99]  }
0x1a: {  	s8 =	sadd.s32 $0xFFFFE003, lr  }
0x1b: {  	s9 =	sadd.s32 $0xFFFFFEF7, lr;
	s5 =	simm.s32 $0xFFFFFFFF;
	p2 =	slt.u32 s8, $0xFFFFF086  }
0x1c: {  	p1 =	slt.u32 s9, $0xF7A;
	s5 =	simm.s32 @!p2 $0x0  }
0x1d: {  	s5 =	simm.s32 @p1 $0x1;
	p0 =	seq.s32 s7, s2  }
0x1e: {  	s7 =	smul.u32 @!p0 $0xF7A, s2;
	p2 =	seq.s32 @!p0 s5, $0x0  }
0x1f: {  	s9 =	smul.u32 $0xF7A, s1;
	s8 =	simm.s32 @!p0 $0x1BF5;
	p2 =	por !p2, p0  }
0x20: {  	[sflag:s8] =	ssyncset.s32 @!p0 $0xFFFFF086;
	s6 =	sadd.s32 @!p0 s3, s7;
	s7 =	simm.s32 @!p0 $0x108  }
0x21: {  	s3 =	sadd.s32 s3, s9;
	s6 =	sadd.s32 @!p0 $0x88, s6;
	s7 =	simm.s32 @p2 $0x1082  }
0x22: {  	[simem:s7], [sflag:s8] =	dma.local @!p0 [hbm:s6], $0xF7A  }
0x23: {  	s9 =	sor.u32 $0xD0000000, s2;
	s6 =	simm.s32 $0x108;
	_ =	swait.ge @!p0 [sflag:s8], $0x0  }
0x24: {  	s3 =	sadd.s32 $0x88, s3;
	s6 =	simm.s32 @!p1 $0x1082;
	[sflag:s4] =	ssyncset.s32 $0xFFFFF086  }
0x25: {  	[simem:s6], [sflag:s4] =	dma.local [hbm:s3], $0xF7A  }
0x26: {  	[smem:$0x3F99] =	sst s1;
	(tag) =	ssettag s2;
	_ =	strace s9  }
0x27: {  	s1 =	sld [smem:$0x3FA9]  }
0x28: {  	s2 =	sld [smem:$0x3FAA]  }
0x29: {  	s4 =	sld [smem:$0x3FAC]  }
0x2a: {  	p0 =	seq.s32 s5, $0x0;
	s5 =	sld [smem:$0x3FAD]  }
0x2b: {  	s6 =	sld [smem:$0x3FAE]  }
0x2c: {  	s7 =	sld [smem:$0x3FAF]  }
0x2d: {  	s3 =	simm.s32 $0x108;
	s8 =	sld [smem:$0x3FB0]  }
0x2e: {  	s3 =	simm.s32 @!p0 $0x1082;
	s9 =	sld [smem:$0x3FB1]  }
0x2f: {  	lr =	sadd.s32 s0, s3;
	s0 =	sld [smem:$0x3FA8]  }
0x30: {  	s3 =	sld [smem:$0x3FAB]  }
0x31: {  	[smem:$0x3FB4] =	sst s10  }
0x32: {  	s10 =	sld [smem:$0x3FB2];
	_ =	sdelay $0x3  }
0x33: {  	p0 =	seq.s32 s10, $0x1;
	s10 =	sld [smem:$0x3FB4];
	_ =	sdelay $0x3  }
0x34: {  	[smem:$0x3FB4] =	sst s10  }
0x35: {  	s10 =	sld [smem:$0x3FB3];
	_ =	sdelay $0x3  }
0x36: {  	p1 =	seq.s32 s10, $0x1;
	s10 =	sld [smem:$0x3FB4];
	_ =	sdelay $0x3  }
0x37: {  	[smem:$0x3FB4] =	sst s10  }
0x38: {  	s10 =	sld [smem:$0x3FB5]  }
0x39: {  	_ = 	snop;
	(pc) =	sbr.ind lr, $3  }
0x3a: {  	_ = 	snop  }
0x3b: {  	_ = 	snop  }
0x3c: {  	p2 =	seq.s32 s10, $0x1;
	s10 =	sld [smem:$0x3FB4]  }
0x3d: {  	_ =	shalt  }
0x3e: {  	_ =	shalt  }
0x3f: {  	_ =	shalt  }
0x40: {  	_ =	shalt  }
0x41: {  	_ =	shalt  }
0x42: {  	_ =	shalt  }
0x43: {  	_ =	shalt  }
0x44: {  	_ =	shalt  }
0x45: {  	_ =	shalt  }
0x46: {  	_ =	shalt  }
0x47: {  	_ =	shalt  }
0x48: {  	_ =	shalt  }
0x49: {  	_ =	shalt  }
0x4a: {  	_ =	shalt  }
0x4b: {  	_ =	shalt  }
0x4c: {  	_ =	shalt  }
0x4d: {  	_ =	shalt  }
0x4e: {  	_ =	shalt  }
0x4f: {  	_ =	shalt  }
0x50: {  	_ =	shalt  }
0x51: {  	_ =	shalt  }
0x52: {  	_ =	shalt  }
0x53: {  	_ =	shalt  }
0x54: {  	_ =	shalt  }
0x55: {  	_ =	shalt  }
0x56: {  	_ =	shalt  }
0x57: {  	_ =	shalt  }
0x58: {  	_ =	shalt  }
0x59: {  	_ =	shalt  }
0x5a: {  	_ =	shalt  }
0x5b: {  	_ =	shalt  }
0x5c: {  	_ =	shalt  }
0x5d: {  	_ =	shalt  }
0x5e: {  	_ =	shalt  }
0x5f: {  	_ =	shalt  }
0x60: {  	_ =	shalt  }
0x61: {  	_ =	shalt  }
0x62: {  	_ =	shalt  }
0x63: {  	_ =	shalt  }
0x64: {  	_ =	shalt  }
0x65: {  	_ =	shalt  }
0x66: {  	_ =	shalt  }
0x67: {  	_ =	shalt  }
0x68: {  	_ =	shalt  }
0x69: {  	_ =	shalt  }
0x6a: {  	_ =	shalt  }
0x6b: {  	_ =	shalt  }
0x6c: {  	_ =	shalt  }
0x6d: {  	_ =	shalt  }
0x6e: {  	_ =	shalt  }
0x6f: {  	_ =	shalt  }
0x70: {  	_ =	shalt  }
0x71: {  	_ =	shalt  }
0x72: {  	_ =	shalt  }
0x73: {  	_ =	shalt  }
0x74: {  	_ =	shalt  }
0x75: {  	_ =	shalt  }
0x76: {  	_ =	shalt  }
0x77: {  	_ =	shalt  }
0x78: {  	_ =	shalt  }
0x79: {  	_ =	shalt  }
0x7a: {  	_ =	shalt  }
0x7b: {  	_ =	shalt  }
0x7c: {  	_ =	shalt  }
0x7d: {  	_ =	shalt  }
0x7e: {  	_ =	shalt  }
0x7f: {  	_ =	shalt  }
0x80: {  	_ =	shalt  }
0x81: {  	_ =	shalt  }
0x82: {  	_ =	shalt  }
0x83: {  	_ =	shalt  }
0x84: {  	_ =	shalt  }
0x85: {  	_ =	shalt  }
0x86: {  	_ =	shalt  }
0x87: {  	_ =	shalt  }
.Lfunc_end0:
.L_simem_size_0:
called_computation_lowered:
.L_overlay_start_0:
0x88: {  	s2 =	sld [smem:$0x3FD9]  }
0x89: {  	s3 =	sld [smem:$0x3FFE];
	_ =	sdelay $0x1  }
0x8a: {  	s1 =	srdreg.scid  }
0x8b: {  	s0 =	sand.u32 $0x1, s1  }
0x8c: {  	s17 =	sshll.u32 s0, $0xA;
	s2 =	sadd.s32 s3, s2  }
0x8d: {  	s2 =	sadd.s32 s2, s17  }
0x8e: {  	[smem:$0x3FC0] =	sst s2  }
0x8f: {  	_ = 	snop  }
0x90: {  	s18 =	sld [smem:$0x3FD0];
	(tm) =	ssettm $0x1  }
0x91: {  	s19 =	sld [smem:$0x3FFB];
	_ =	sdelay $0x3  }
0x92: {  	_ =	strace s19  }
0x93: {  	s2 =	sld [smem:$0x3FFC];
	_ =	sdelay $0x3  }
0x94: {  	_ =	strace s2  }
0x95: {  	s2 =	sld [smem:$0x3FFD];
	_ =	sdelay $0x3  }
0x96: {  	_ =	strace s2  }
0x97: {  	_ =	strace $0x8FFFFFFF  }
0x98: {  	s20 =	sld [smem:$0x3FDB];
	_ =	sdelay $0x1  }
0x99: {  	s4 =	simm.s32 $_scs_section_size  }
0x9a: {  	s5 =	simm.s32 $_size__tile_overlayer_lowered;
	s6 =	simm.s32 $_tile_overlayer_lowered  }
0x9b: {  	s7 =	simm.s32 $0x1BFF;
	s21 =	sshll.u32 s6, $0x1;
	s4 =	sadd.s32 s4, s20  }
0x9c: {  	s22 =	simm.s32 $0x0;
	s5 =	sshll.u32 s5, $0x1;
	s6 =	sadd.s32 s21, s4  }
0x9d: {  	[timem:s22], [sflag:s7] =	dma.local [hbm:s6], s5  }
0x9e: {  	_ =	swait.ge [sflag:s7], s5  }
0x9f: {  	s5 =	ssub.s32 $0x0, s5;
	[sflag:s7] =	ssyncset.done $0x0  }
0xa0: {  	[sflag:s7] =	ssyncadd.s32 s5;
	_ =	sdelay $0x1  }
0xa1: {  	s23 =	simm.s32 $0x1B8B  }
0xa2: {  	_ =	swait.ge [sflag:s23], $0x1  }
0xa3: {  	[sflag:s23] =	ssyncset.done $0x0  }
0xa4: {  	[sflag:s23] =	ssyncadd.s32 $0xFFFFFFFF  }
0xa5: {  	s5 =	sld [smem:$0x0]  }
0xa6: {  	s6 =	sand.u32 $0xFFFFFFFE, s1  }
0xa7: {  	p0 =	sne.s32 s1, s6  }
0xa8: {  	s6 =	sshll.u32 @p0 s6, $0xE  }
0xa9: {  	s6 =	sadd.s32 @p0 $0x11B8D, s6;
	s7 =	sshll.u32 @p0 s5, $0x11  }
0xaa: {  	s6 =	sor.u32 @p0 s7, s6  }
0xab: {  	[sflag:s6] =	ssyncadd.remote.s32 @p0 $0x1;
	_ =	sdelay $0x1  }
0xac: {  	s6 =	simm.s32 @p0 $0x1B8D  }
0xad: {  	_ =	swait.eq @p0 [sflag:s6], $0x1  }
0xae: {  	[sflag:s6] =	ssyncadd.s32 @p0 $0xFFFFFFFF  }
0xaf: {  	s7 =	sshll.u32 @!p0 s1, $0xE  }
0xb0: {  	s7 =	sor.u32 @!p0 $0x4000, s7;
	s6 =	simm.s32 @!p0 $0x1B8D  }
0xb1: {  	s5 =	sshll.u32 @!p0 s5, $0x11;
	s7 =	sadd.s32 @!p0 $0x11B8D, s7;
	_ =	swait.eq @!p0 [sflag:s6], $0x1  }
0xb2: {  	s5 =	sor.u32 @!p0 s5, s7;
	[sflag:s6] =	ssyncadd.s32 @!p0 $0xFFFFFFFF  }
0xb3: {  	s25 =	simm.s32 $0x1B8E;
	s24 =	sld [smem:$0x3FFE];
	[sflag:s5] =	ssyncadd.remote.s32 @!p0 $0x1  }
0xb4: {  	s26 =	simm.s32 $execute0_lowered;
	[smem:$0x3FD2] =	sst s25  }
0xb5: {  	s6 =	sshll.u32 s26, $0x1;
	_ =	strace $0x80000049;
	[dreg:$0x1] =	wrdreg $0xFFFFFFFF  }
0xb6: {  	s28 =	simm.s32 $_size_execute0_lowered;
	s4 =	sadd.s32 s4, s6;
	[dreg:$0x0] =	wrdreg $0x0  }
0xb7: {  	s6 =	sshll.u32 s28, $0x1;
	[dreg:$0x2] =	wrdreg s4  }
0xb8: {  	[dreg:$0x3] =	wrdreg s6  }
0xb9: {  	[dreg:$0x4] =	wrdreg $0xC0  }
0xba: {  	_ =	task [dreg:s22], $0x5FFFF  }
0xbb: {  	[dreg:$0x1] =	wrdreg $0xFFFFFFFF  }
0xbc: {  	[dreg:$0x0] =	wrdreg $0x60  }
0xbd: {  	[dreg:$0x2] =	wrdreg s24  }
0xbe: {  	[dreg:$0x3] =	wrdreg s18  }
0xbf: {  	[dreg:$0x4] =	wrdreg $0x9  }
0xc0: {  	_ =	task.clear_ibuf [dreg:s22], $0x5FFFF;
	_ =	strace $0x90000049  }
0xc1: {  	s29 =	simm.s32 $0x9;
	_ =	strace $0x8000004B  }
0xc2: {  	_ =	swait.ge [sflag:s29], $0x1  }
0xc3: {  	[sflag:s29] =	ssyncadd.s32 $0xFFFFFFFF  }
0xc4: {  	_ =	strace $0x9000004B  }
0xc5: {  	_ =	sfence  }
0xc6: {  	s30 =	sld [smem:$0x0];
	_ =	sdelay $0x2  }
0xc7: {  	s31 =	sshll.u32 s1, $0xD;
	s1 =	sshrl.u32 s1, $0x2  }
0xc8: {  	s4 =	sand.u32 $0x4000, s31;
	s1 =	sadd.s32 s1, s30  }
0xc9: {  	s0 =	sor.u32 s4, s0;
	s1 =	sshll.u32 s1, $0x11  }
0xca: {  	s0 =	sor.u32 s1, s0  }
0xcb: {  	s0 =	sadd.s32 $0x8F2B, s0  }
0xcc: {  	[sflag:s0] =	ssyncadd.remote.s32 $0x1  }
0xcd: {  	_ =	sfence.sel $0xFFFF  }
0xce: {  	[dreg:$0x0] =	wrdreg $0xFFFFFFFF;
	(pc) =	sbr.abs _section_cstart, $3  }
0xcf: {  	[dreg:$0x1] =	wrdreg $0xFFFFFFFF  }
0xd0: {  	_ =	task.clear_ibuf [dreg:s22], $0x2FFFF;
	_ =	strace $0x9FFFFFFF  }
0xd1: {  	(tm) =	ssettm $0x7FFFFFFF  }
tec
execute0_lowered:
.L_overlay_start_1:
0x0: {  	(tag) =	ssettag $0x1  }
0x1: {  	s0 =	srdreg.scid  }
0x2: {  	s1 =	sshll.u32 s0, $0x4  }
0x3: {  	s0 =	stileid.u32;
	s1 =	sand.u32 $0x10, s1  }
0x4: {  	s9 =	rddreg [dreg:$0x0];
	s1 =	sor.u32 s0, s1  }
0x5: {  	s3 =	rddreg [dreg:$0x1];
	s2 =	smin.u32 s1, $0x8  }
0x6: {  	p0 =	slt.u32 s1, $0x8;
	s2 =	sadd.s32 s1, s2;
	s1 =	simm.s32 $0x80  }
0x7: {  	s6 =	simm.s32 $0x1;
	s2 =	sshll.u32 s2, $0x6;
	s1 =	simm.s32 @!p0 $0x40  }
0x8: {  	s7 =	simm.s32 $0x2;
	s10 =	simm.s32 $0x3;
	s4 =	sadd.s32 s1, s2  }
0x9: {  	s13 =	simm.s32 $0x0;
	s12 =	simm.s32 $0x0;
	s4 =	smin.u32 s4, $0xA00  }
.Ltmp0:
0xa: {  	s5 =	sadd.s32 $0xCC00, s9;
	s8 =	ssub.s32 s4, s2;
	(pc) =	sbr.rel .LBB2_1-.Ltmp0, $4  }
0xb: {  	s1 =	rddreg [dreg:$0x2];
	_ =	strace $0x8000004A;
	p0 =	sgt.s32 s8, $0x0  }
0xc: {  	s9 =	sadd.s32 $0x2C00, s9;
	[sflag:s6] =	ssyncpa.u1 $0x0;
	s8 =	simm.s32 @!p0 $0x0  }
0xd: {  	s11 =	smov.u32 s2;
	[sflag:s7] =	ssyncpa.u1 $0x0;
	s8 =	sshrl.u32 s8, $0x6  }
0xe: {  	vm0 =	vmmov $0xff;
	vm1 =	vcmask $0x3F20;
	[sflag:s10] =	ssyncpa.u1 $0x0;
	p0 =	por $0x0, $0x0;
	s10 =	sadd.s32 $0x1, s8  }
.LBB2_6:
0xf: {  	[hbm:s17] =	stream.linear.scatter [tilespmem:s14], [sflag:$0x3], $0x400, $0x38;
	[tilespmem:$0x4080] =	vst v63  }
.LBB2_7:
0x10: {  	s13 =	sadd.s32 $0x40, s11  }
0x11: {  	s15 =	smov.u32 s2;
	p2 =	slt.s32 s13, s4  }
0x12: {  	s15 =	smov.u32 @p2 s13;
	p2 =	sne.s32 s12, s10  }
.Ltmp1:
0x13: {  	p1 =	slt.u32 s12, $0x2;
	(pc) =	sbr.rel @!p2 .LBB2_8-.Ltmp1, $4  }
0x14: {  	s14 =	simm.s32 @!p1 $0x3  }
0x15: {  	s16 =	sadd.s32 $0x1, s12;
	_ =	swait.ge @!p1 [sflag:s14], $0x2000  }
0x16: {  	p0 =	por !p0, !p0;
	s13 =	smov.u32 s11;
	[sflag:s14] =	ssyncset.done @!p1 $0x0  }
0x17: {  	s12 =	smov.u32 s16;
	s11 =	smov.u32 s15;
	[sflag:s14] =	ssyncadd.s32 @!p1 $0xFFFFE000  }
.LBB2_1:
0x18: {  	p1 =	sge.u32 s12, s8  }
0x19: {  	s14 =	sxor.u32 @!p1 $0xFFFFFFFF, s12  }
0x1a: {  	s31 =	sadd.s32 $0xFFFFFFFF, s12;
	s15 =	sshrl.u32 @!p1 s11, $0x3;
	s14 =	sshll.u32 @!p1 s14, $0x6  }
0x1b: {  	s16 =	sand.u32 @!p1 $0x7, s11;
	s15 =	sadd.s32 @!p1 s9, s15;
	s14 =	sand.u32 @!p1 $0x40, s14  }
0x1c: {  	[tilespmem:s14], [sflag:$0x2] =	stream.linear.gather @!p1 [hbm4b:s15+s16], $0x40, $0x38;
	[tilespmem:$0x4080] =	vst v63  }
0x1d: {  	p1 =	sge.u32 s31, s8  }
.Ltmp2:
0x1e: {  	_ = 	snop;
	(pc) =	sbr.rel @p1 .LBB2_7-.Ltmp2, $1  }
0x1f: {  	_ =	sdelay $0x3  }
0x20: {  	s14 =	simm.s32 $0x1  }
0x21: {  	_ =	swait.ge [sflag:s7], $0x40;
	s14 =	simm.s32 @!p0 $0x0  }
0x22: {  	[sflag:s7] =	ssyncset.done $0x0;
	s16 =	sshll.u32 s14, $0x6  }
0x23: {  	[sflag:s7] =	ssyncadd.s32 $0xFFFFFFC0;
	s15 =	sadd.s32 $0x0, s16  }
0x24: {  	v0 =	vld.msk [tilespmem:s15+$0x0 ss:$0x1], $0xffff;
	_ =	sdelay $0x4  }
0x25: {  	vm2 =	vgt.s32 v0, $0x0  }
0x26: {  	v0 =	vnsel vm2, $0x0, v0  }
0x27: {  	v0 =	vmin.u32 v0, $0x9C3  }
0x28: {  	v0 =	vshll.u32 v0, $0x4;
	_ =	sdelay $0x2  }
0x29: {  	s14 =	sshll.u32 s14, $0xD  }
0x2a: {  	s14 =	sor.u32 $0x80, s14  }
0x2b: {  	[tilespmem:s14], [sflag:$0x1] =	stream.indirect_vreg.gather [hbm:s5], $0x80, v0, vm0, $0x38;
	[tilespmem:$0x4080] =	vst v63  }
0x2c: {  	s17 =	sadd.s32 $0x10, s16;
	s15 =	sadd.s32 $0x400, s14  }
0x2d: {  	[tilespmem:s15], [sflag:$0x1] =	stream.indirect_vreg.gather [hbm:s5], $0x80, v0, vm1, $0x38;
	[tilespmem:$0x4080] =	vst v63  }
0x2e: {  	s18 =	simm.s32 $0x80;
	v0 =	vld.msk [tilespmem:s17+$0x0 ss:$0x1], $0xffff;
	s17 =	smov.u32 s14  }
.LBB2_3:
0x2f: {  	p1 =	sne.s32 s18, $0xC0;
	_ =	sdelay $0x4  }
0x30: {  	vm2 =	vgt.s32 v0, $0x0  }
0x31: {  	v0 =	vnsel vm2, $0x0, v0  }
0x32: {  	v0 =	vmin.u32 v0, $0x9C3  }
0x33: {  	v0 =	vshll.u32 v0, $0x4;
	_ =	sdelay $0x3  }
.Ltmp3:
0x34: {  	s19 =	sshra.s32 s18, $0x2;
	s17 =	sadd.s32 $0x800, s17;
	(pc) =	sbr.rel @p1 .LBB2_3-.Ltmp3, $4  }
0x35: {  	[tilespmem:s17], [sflag:$0x1] =	stream.indirect_vreg.gather [hbm:s5], $0x80, v0, vm0, $0x38;
	[tilespmem:$0x4080] =	vst v63  }
0x36: {  	s19 =	sadd.s32 s19, s16;
	s20 =	sadd.s32 $0x400, s17  }
0x37: {  	[tilespmem:s20], [sflag:$0x1] =	stream.indirect_vreg.gather [hbm:s5], $0x80, v0, vm1, $0x38;
	[tilespmem:$0x4080] =	vst v63  }
0x38: {  	s18 =	sadd.s32 $0x40, s18;
	v0 =	vld.msk [tilespmem:s19+$0x0 ss:$0x1], $0xffff  }
0x39: {  	_ =	sdelay $0x3  }
0x3a: {  	vm2 =	vgt.s32 v0, $0x0  }
0x3b: {  	v0 =	vnsel vm2, $0x0, v0  }
0x3c: {  	v0 =	vmin.u32 v0, $0x9C3  }
0x3d: {  	v0 =	vshll.u32 v0, $0x4;
	_ =	sdelay $0x3  }
0x3e: {  	s16 =	sadd.s32 $0x800, s17  }
0x3f: {  	[tilespmem:s16], [sflag:$0x1] =	stream.indirect_vreg.gather [hbm:s5], $0x80, v0, vm0, $0x38;
	[tilespmem:$0x4080] =	vst v63  }
0x40: {  	s16 =	sadd.s32 $0x400, s16  }
0x41: {  	[tilespmem:s16], [sflag:$0x1] =	stream.indirect_vreg.gather [hbm:s5], $0x80, v0, vm1, $0x38;
	[tilespmem:$0x4080] =	vst v63  }
0x42: {  	s13 =	sshll.u32 s13, $0x4;
	_ =	swait.ge [sflag:s6], $0x2000  }
0x43: {  	s13 =	sadd.s32 s13, s3;
	[sflag:s6] =	ssyncset.done $0x0  }
0x44: {  	s17 =	sadd.s32 $0x0, s13;
	s16 =	simm.s32 $0x80;
	[sflag:s6] =	ssyncadd.s32 $0xFFFFE000  }
.LBB2_5:
0x45: {  	[hbm:s17] =	stream.linear.scatter [tilespmem:s14], [sflag:$0x3], $0x400, $0x38;
	[tilespmem:$0x4080] =	vst v63  }
0x46: {  	s17 =	smov.u32 s16;
	s14 =	smov.u32 s15;
	p1 =	sne.s32 s16, $0x380  }
.Ltmp4:
0x47: {  	s16 =	sadd.s32 $0x80, s16;
	(pc) =	sbr.rel @p1 .LBB2_5-.Ltmp4, $2  }
0x48: {  	_ =	sdelay $0x2  }
0x49: {  	s15 =	sadd.s32 $0x400, s15;
	s17 =	sadd.s32 s17, s13  }
.Ltmp5:
0x4a: {  	_ = 	snop;
	(pc) =	sbr.rel .LBB2_6-.Ltmp5, $1  }
0x4b: {  	_ =	sdelay $0x3  }
.LBB2_8:
0x4c: {  	_ =	sfence.sel $0x180000  }
0x4d: {  	s2 =	simm.s32 $0x2;
	[bflag:$0x0] =	sbarrier.arrive $0xFFFF  }
0x4e: {  	s30 =	simm.s32 $0x3;
	[sflag:s2] =	ssyncpa.u1 $0x1  }
0x4f: {  	s31 =	simm.s32 $0x1;
	[sflag:s30] =	ssyncpa.u1 $0x1  }
0x50: {  	[sflag:s31] =	ssyncpa.u1 $0x1  }
0x51: {  	p0 =	sne.s32 s0, $0x0;
	_ =	strace $0x9000004A  }
0x52: {  	s0 =	sadd.s32 @!p0 $0x100000, s1;
	[bflag:$0x2] =	sbarrier.arrive $0xFFFF  }
0x53: {  	[sflag:s0] =	ssyncadd.tile.s32 @!p0 $0x1;
	_ =	shalt  }
.Lfunc_end2:
_tile_overlayer_lowered:
.L_overlay_start_2:
0x54: {  	(tag) =	ssettag $0x2  }
0x55: {  	s0 =	rddreg [dreg:$0x0];
	s2 =	stileid.u32  }
0x56: {  	s1 =	rddreg [dreg:$0x1];
	p0 =	sne.s32 s2, $0x0  }
0x57: {  	s3 =	rddreg [dreg:$0x2];
	[bflag:$0x3] =	sbarrier.arrive $0xFFFF;
	s2 =	simm.s32 @!p0 $0x1C01  }
0x58: {  	[timem:s3], [sflag:s2] =	dma.local @!p0 [hbm:s0], s1  }
0x59: {  	s0 =	simm.s32 @!p0 $0x1  }
0x5a: {  	_ =	swait.ge @!p0 [sflag:s0], s1  }
0x5b: {  	s1 =	ssub.s32 @!p0 $0x0, s1;
	[sflag:s0] =	ssyncset.done @!p0 $0x0  }
0x5c: {  	[sflag:s0] =	ssyncadd.s32 @!p0 s1  }
0x5d: {  	[bflag:$0x3] =	sbarrier.arrive $0xFFFF  }
0x5e: {  	_ =	shalt  }

// kernel: kernel.10.cloned.1.call-start
scs
__scs_entry_jumppad:
0x0: {  	(pc) =	sbr.rel $0x88, $3  }
0x1: {  	(tag) =	ssettag $0x0;
	lr =	simm.s32 $0x1  }
0x2: {  	[smem:$0x3F99] =	sst lr;
	_ =	strace $0xD0000000  }
0x3: {  	_ = 	snop  }
0x4: {  	_ = 	snop  }
0x5: {  	_ = 	snop  }
0x6: {  	_ = 	snop  }
0x7: {  	_ = 	snop  }
__scs_overlays_trampoline_lowered:
0x8: {  	[smem:$0x3FA8] =	sst s0  }
0x9: {  	[smem:$0x3FA9] =	sst s1  }
0xa: {  	[smem:$0x3FAA] =	sst s2  }
0xb: {  	[smem:$0x3FAB] =	sst s3  }
0xc: {  	[smem:$0x3FAC] =	sst s4  }
0xd: {  	[smem:$0x3FAD] =	sst s5  }
0xe: {  	[smem:$0x3FAE] =	sst s6  }
0xf: {  	[smem:$0x3FAF] =	sst s7  }
0x10: {  	[smem:$0x3FB0] =	sst s8  }
0x11: {  	[smem:$0x3FB1] =	sst s9;
	s0 =	simm.s32 @!p0 $0x0  }
0x12: {  	s1 =	sld [smem:$0x3F97];
	s0 =	simm.s32 @p0 $0x1  }
0x13: {  	[smem:$0x3FB2] =	sst s0;
	s0 =	simm.s32 @!p1 $0x0  }
0x14: {  	s2 =	sld [smem:$0x3F96];
	s0 =	simm.s32 @p1 $0x1  }
0x15: {  	[smem:$0x3FB3] =	sst s0;
	s0 =	simm.s32 @!p2 $0x0  }
0x16: {  	s3 =	sld [smem:$0x3FDB];
	s0 =	simm.s32 @p2 $0x1  }
0x17: {  	s4 =	simm.s32 $0x1BF5;
	[smem:$0x3FB5] =	sst s0  }
0x18: {  	s0 =	sld [smem:$0x3F98];
	_ =	swait.ge [sflag:s4], $0x0  }
0x19: {  	s7 =	sld [smem:$0x3F99]  }
0x1a: {  	s8 =	sadd.s32 $0xFFFFE003, lr  }
0x1b: {  	s9 =	sadd.s32 $0xFFFFFEF7, lr;
	s5 =	simm.s32 $0xFFFFFFFF;
	p2 =	slt.u32 s8, $0xFFFFF086  }
0x1c: {  	p1 =	slt.u32 s9, $0xF7A;
	s5 =	simm.s32 @!p2 $0x0  }
0x1d: {  	s5 =	simm.s32 @p1 $0x1;
	p0 =	seq.s32 s7, s2  }
0x1e: {  	s7 =	smul.u32 @!p0 $0xF7A, s2;
	p2 =	seq.s32 @!p0 s5, $0x0  }
0x1f: {  	s9 =	smul.u32 $0xF7A, s1;
	s8 =	simm.s32 @!p0 $0x1BF5;
	p2 =	por !p2, p0  }
0x20: {  	[sflag:s8] =	ssyncset.s32 @!p0 $0xFFFFF086;
	s6 =	sadd.s32 @!p0 s3, s7;
	s7 =	simm.s32 @!p0 $0x108  }
0x21: {  	s3 =	sadd.s32 s3, s9;
	s6 =	sadd.s32 @!p0 $0x88, s6;
	s7 =	simm.s32 @p2 $0x1082  }
0x22: {  	[simem:s7], [sflag:s8] =	dma.local @!p0 [hbm:s6], $0xF7A  }
0x23: {  	s9 =	sor.u32 $0xD0000000, s2;
	s6 =	simm.s32 $0x108;
	_ =	swait.ge @!p0 [sflag:s8], $0x0  }
0x24: {  	s3 =	sadd.s32 $0x88, s3;
	s6 =	simm.s32 @!p1 $0x1082;
	[sflag:s4] =	ssyncset.s32 $0xFFFFF086  }
0x25: {  	[simem:s6], [sflag:s4] =	dma.local [hbm:s3], $0xF7A  }
0x26: {  	[smem:$0x3F99] =	sst s1;
	(tag) =	ssettag s2;
	_ =	strace s9  }
0x27: {  	s1 =	sld [smem:$0x3FA9]  }
0x28: {  	s2 =	sld [smem:$0x3FAA]  }
0x29: {  	s4 =	sld [smem:$0x3FAC]  }
0x2a: {  	p0 =	seq.s32 s5, $0x0;
	s5 =	sld [smem:$0x3FAD]  }
0x2b: {  	s6 =	sld [smem:$0x3FAE]  }
0x2c: {  	s7 =	sld [smem:$0x3FAF]  }
0x2d: {  	s3 =	simm.s32 $0x108;
	s8 =	sld [smem:$0x3FB0]  }
0x2e: {  	s3 =	simm.s32 @!p0 $0x1082;
	s9 =	sld [smem:$0x3FB1]  }
0x2f: {  	lr =	sadd.s32 s0, s3;
	s0 =	sld [smem:$0x3FA8]  }
0x30: {  	s3 =	sld [smem:$0x3FAB]  }
0x31: {  	[smem:$0x3FB4] =	sst s10  }
0x32: {  	s10 =	sld [smem:$0x3FB2];
	_ =	sdelay $0x3  }
0x33: {  	p0 =	seq.s32 s10, $0x1;
	s10 =	sld [smem:$0x3FB4];
	_ =	sdelay $0x3  }
0x34: {  	[smem:$0x3FB4] =	sst s10  }
0x35: {  	s10 =	sld [smem:$0x3FB3];
	_ =	sdelay $0x3  }
0x36: {  	p1 =	seq.s32 s10, $0x1;
	s10 =	sld [smem:$0x3FB4];
	_ =	sdelay $0x3  }
0x37: {  	[smem:$0x3FB4] =	sst s10  }
0x38: {  	s10 =	sld [smem:$0x3FB5]  }
0x39: {  	_ = 	snop;
	(pc) =	sbr.ind lr, $3  }
0x3a: {  	_ = 	snop  }
0x3b: {  	_ = 	snop  }
0x3c: {  	p2 =	seq.s32 s10, $0x1;
	s10 =	sld [smem:$0x3FB4]  }
0x3d: {  	_ =	shalt  }
0x3e: {  	_ =	shalt  }
0x3f: {  	_ =	shalt  }
0x40: {  	_ =	shalt  }
0x41: {  	_ =	shalt  }
0x42: {  	_ =	shalt  }
0x43: {  	_ =	shalt  }
0x44: {  	_ =	shalt  }
0x45: {  	_ =	shalt  }
0x46: {  	_ =	shalt  }
0x47: {  	_ =	shalt  }
0x48: {  	_ =	shalt  }
0x49: {  	_ =	shalt  }
0x4a: {  	_ =	shalt  }
0x4b: {  	_ =	shalt  }
0x4c: {  	_ =	shalt  }
0x4d: {  	_ =	shalt  }
0x4e: {  	_ =	shalt  }
0x4f: {  	_ =	shalt  }
0x50: {  	_ =	shalt  }
0x51: {  	_ =	shalt  }
0x52: {  	_ =	shalt  }
0x53: {  	_ =	shalt  }
0x54: {  	_ =	shalt  }
0x55: {  	_ =	shalt  }
0x56: {  	_ =	shalt  }
0x57: {  	_ =	shalt  }
0x58: {  	_ =	shalt  }
0x59: {  	_ =	shalt  }
0x5a: {  	_ =	shalt  }
0x5b: {  	_ =	shalt  }
0x5c: {  	_ =	shalt  }
0x5d: {  	_ =	shalt  }
0x5e: {  	_ =	shalt  }
0x5f: {  	_ =	shalt  }
0x60: {  	_ =	shalt  }
0x61: {  	_ =	shalt  }
0x62: {  	_ =	shalt  }
0x63: {  	_ =	shalt  }
0x64: {  	_ =	shalt  }
0x65: {  	_ =	shalt  }
0x66: {  	_ =	shalt  }
0x67: {  	_ =	shalt  }
0x68: {  	_ =	shalt  }
0x69: {  	_ =	shalt  }
0x6a: {  	_ =	shalt  }
0x6b: {  	_ =	shalt  }
0x6c: {  	_ =	shalt  }
0x6d: {  	_ =	shalt  }
0x6e: {  	_ =	shalt  }
0x6f: {  	_ =	shalt  }
0x70: {  	_ =	shalt  }
0x71: {  	_ =	shalt  }
0x72: {  	_ =	shalt  }
0x73: {  	_ =	shalt  }
0x74: {  	_ =	shalt  }
0x75: {  	_ =	shalt  }
0x76: {  	_ =	shalt  }
0x77: {  	_ =	shalt  }
0x78: {  	_ =	shalt  }
0x79: {  	_ =	shalt  }
0x7a: {  	_ =	shalt  }
0x7b: {  	_ =	shalt  }
0x7c: {  	_ =	shalt  }
0x7d: {  	_ =	shalt  }
0x7e: {  	_ =	shalt  }
0x7f: {  	_ =	shalt  }
0x80: {  	_ =	shalt  }
0x81: {  	_ =	shalt  }
0x82: {  	_ =	shalt  }
0x83: {  	_ =	shalt  }
0x84: {  	_ =	shalt  }
0x85: {  	_ =	shalt  }
0x86: {  	_ =	shalt  }
0x87: {  	_ =	shalt  }
.Lfunc_end0:
.L_simem_size_0:
called_computation.2_lowered:
.L_overlay_start_0:
0x88: {  	s2 =	sld [smem:$0x3FD9]  }
0x89: {  	s3 =	sld [smem:$0x3FFE];
	_ =	sdelay $0x1  }
0x8a: {  	s1 =	srdreg.scid  }
0x8b: {  	s0 =	sand.u32 $0x1, s1  }
0x8c: {  	s17 =	sshll.u32 s0, $0xA;
	s2 =	sadd.s32 s3, s2  }
0x8d: {  	s2 =	sadd.s32 s2, s17  }
0x8e: {  	[smem:$0x3FC0] =	sst s2  }
0x8f: {  	_ = 	snop  }
0x90: {  	(tm) =	ssettm $0x1  }
0x91: {  	s18 =	sld [smem:$0x3FFB];
	_ =	sdelay $0x3  }
0x92: {  	_ =	strace s18  }
0x93: {  	s2 =	sld [smem:$0x3FFC];
	_ =	sdelay $0x3  }
0x94: {  	_ =	strace s2  }
0x95: {  	s2 =	sld [smem:$0x3FFD];
	_ =	sdelay $0x3  }
0x96: {  	_ =	strace s2  }
0x97: {  	_ =	strace $0x8FFFFFFF  }
0x98: {  	s19 =	sld [smem:$0x3FDB];
	_ =	sdelay $0x1  }
0x99: {  	s20 =	simm.s32 $_scs_section_size  }
0x9a: {  	s4 =	simm.s32 $_size__tile_overlayer_lowered;
	s5 =	simm.s32 $_tile_overlayer_lowered  }
0x9b: {  	s6 =	simm.s32 $0x1BFF;
	s21 =	sshll.u32 s5, $0x1;
	s3 =	sadd.s32 s20, s19  }
0x9c: {  	s22 =	simm.s32 $0x0;
	s4 =	sshll.u32 s4, $0x1;
	s5 =	sadd.s32 s21, s3  }
0x9d: {  	[timem:s22], [sflag:s6] =	dma.local [hbm:s5], s4  }
0x9e: {  	_ =	swait.ge [sflag:s6], s4  }
0x9f: {  	s4 =	ssub.s32 $0x0, s4;
	[sflag:s6] =	ssyncset.done $0x0  }
0xa0: {  	[sflag:s6] =	ssyncadd.s32 s4;
	_ =	sdelay $0x1  }
0xa1: {  	s23 =	simm.s32 $0x1B8B  }
0xa2: {  	_ =	swait.ge [sflag:s23], $0x1  }
0xa3: {  	[sflag:s23] =	ssyncset.done $0x0  }
0xa4: {  	[sflag:s23] =	ssyncadd.s32 $0xFFFFFFFF  }
0xa5: {  	s4 =	sld [smem:$0x0]  }
0xa6: {  	s5 =	sand.u32 $0xFFFFFFFE, s1  }
0xa7: {  	p0 =	sne.s32 s1, s5  }
0xa8: {  	s5 =	sshll.u32 @p0 s5, $0xE  }
0xa9: {  	s5 =	sadd.s32 @p0 $0x11B8D, s5;
	s6 =	sshll.u32 @p0 s4, $0x11  }
0xaa: {  	s5 =	sor.u32 @p0 s6, s5  }
0xab: {  	[sflag:s5] =	ssyncadd.remote.s32 @p0 $0x1;
	_ =	sdelay $0x1  }
0xac: {  	s5 =	simm.s32 @p0 $0x1B8D  }
0xad: {  	_ =	swait.eq @p0 [sflag:s5], $0x1  }
0xae: {  	[sflag:s5] =	ssyncadd.s32 @p0 $0xFFFFFFFF  }
0xaf: {  	s6 =	sshll.u32 @!p0 s1, $0xE  }
0xb0: {  	s6 =	sor.u32 @!p0 $0x4000, s6;
	s5 =	simm.s32 @!p0 $0x1B8D  }
0xb1: {  	s4 =	sshll.u32 @!p0 s4, $0x11;
	s6 =	sadd.s32 @!p0 $0x11B8D, s6;
	_ =	swait.eq @!p0 [sflag:s5], $0x1  }
0xb2: {  	s4 =	sor.u32 @!p0 s4, s6;
	[sflag:s5] =	ssyncadd.s32 @!p0 $0xFFFFFFFF  }
0xb3: {  	s25 =	simm.s32 $0x1B8E;
	s24 =	sld [smem:$0x3FFE];
	[sflag:s4] =	ssyncadd.remote.s32 @!p0 $0x1  }
0xb4: {  	s26 =	simm.s32 $execute0_lowered;
	[smem:$0x3FD2] =	sst s25  }
0xb5: {  	s5 =	sshll.u32 s26, $0x1;
	_ =	strace $0x8000004C;
	[dreg:$0x1] =	wrdreg $0xFFFFFFFF  }
0xb6: {  	s28 =	simm.s32 $_size_execute0_lowered;
	s3 =	sadd.s32 s3, s5;
	[dreg:$0x0] =	wrdreg $0x0  }
0xb7: {  	s5 =	sshll.u32 s28, $0x1;
	[dreg:$0x2] =	wrdreg s3  }
0xb8: {  	[dreg:$0x3] =	wrdreg s5  }
0xb9: {  	[dreg:$0x4] =	wrdreg $0xC0  }
0xba: {  	_ =	task [dreg:s22], $0x5FFFF  }
0xbb: {  	[dreg:$0x1] =	wrdreg $0xFFFFFFFF  }
0xbc: {  	[dreg:$0x0] =	wrdreg $0x60  }
0xbd: {  	[dreg:$0x2] =	wrdreg s24  }
0xbe: {  	[dreg:$0x3] =	wrdreg $0x0  }
0xbf: {  	[dreg:$0x4] =	wrdreg $0xA  }
0xc0: {  	_ =	task.clear_ibuf [dreg:s22], $0x5FFFF;
	_ =	strace $0x9000004C  }
0xc1: {  	s29 =	simm.s32 $0xA;
	_ =	strace $0x8000004E  }
0xc2: {  	_ =	swait.ge [sflag:s29], $0x1  }
0xc3: {  	[sflag:s29] =	ssyncadd.s32 $0xFFFFFFFF  }
0xc4: {  	_ =	strace $0x9000004E  }
0xc5: {  	_ =	sfence  }
0xc6: {  	s30 =	sld [smem:$0x0];
	_ =	sdelay $0x2  }
0xc7: {  	s31 =	sshll.u32 s1, $0xD;
	s1 =	sshrl.u32 s1, $0x2  }
0xc8: {  	s4 =	sand.u32 $0x4000, s31;
	s1 =	sadd.s32 s1, s30  }
0xc9: {  	s0 =	sor.u32 s4, s0;
	s1 =	sshll.u32 s1, $0x11  }
0xca: {  	s0 =	sor.u32 s1, s0  }
0xcb: {  	s0 =	sadd.s32 $0x8F2B, s0  }
0xcc: {  	[sflag:s0] =	ssyncadd.remote.s32 $0x1  }
0xcd: {  	_ =	sfence.sel $0xFFFF  }
0xce: {  	[dreg:$0x0] =	wrdreg $0xFFFFFFFF;
	(pc) =	sbr.abs _section_cstart, $3  }
0xcf: {  	[dreg:$0x1] =	wrdreg $0xFFFFFFFF  }
0xd0: {  	_ =	task.clear_ibuf [dreg:s22], $0x2FFFF;
	_ =	strace $0x9FFFFFFF  }
0xd1: {  	(tm) =	ssettm $0x7FFFFFFF  }
tec
execute0_lowered:
.L_overlay_start_1:
0x0: {  	(tag) =	ssettag $0x1  }
0x1: {  	s0 =	rddreg [dreg:$0x0]  }
0x2: {  	s1 =	rddreg [dreg:$0x1];
	s2 =	simm.s32 $0x0  }
0x3: {  	s3 =	srdreg.scid;
	s6 =	stileid.u32;
	s12 =	simm.s32 $0x9D  }
0x4: {  	s20 =	simm.s32 $0x15000;
	s21 =	simm.s32 $0x2;
	s22 =	simm.s32 $0x19000  }
0x5: {  	s23 =	simm.s32 $0x14000;
	s24 =	simm.s32 $0x80;
	s28 =	simm.s32 $0x0  }
0x6: {  	[smem:$0x7FF] =	sst s2;
	s4 =	sadd.s32 $0x16A00, s0;
	s3 =	sand.u32 $0x1, s3  }
0x7: {  	s5 =	sadd.s32 $0x3600, s0;
	s13 =	smul.u32 $0x280, s6;
	s7 =	sadd.s32 $0x2E00, s0  }
0x8: {  	s8 =	smul.u32 $0x50000, s6;
	s0 =	sadd.s32 $0x20A00, s0;
	p0 =	slt.u32 s6, $0x4  }
0x9: {  	_ =	strace $0x8000004D;
	[dreg:$0x3] =	wrdreg s5;
	s25 =	ssub.s32 $0x2, s3  }
0xa: {  	[dreg:$0x4] =	wrdreg s7;
	s3 =	smul.u32 $0x2800, s3;
	s12 =	simm.s32 @!p0 $0x9C  }
0xb: {  	s26 =	sshrl.u32 s25, $0x1;
	s14 =	sadd.s32 $0x80, s13;
	s29 =	sshrl.u32 s8, $0x2  }
0xc: {  	s16 =	sadd.s32 $0x100, s13;
	s17 =	sadd.s32 $0x180, s13;
	s18 =	sadd.s32 $0x200, s13  }
0xd: {  	s5 =	ssub.s32 s25, s26;
	s30 =	sshll.u32 s14, $0x7;
	s7 =	sadd.s32 s29, s1  }
0xe: {  	s9 =	sshll.u32 s16, $0x7;
	s10 =	sshll.u32 s17, $0x7;
	s11 =	sshll.u32 s18, $0x7  }
0xf: {  	s13 =	sadd.s32 s13, s3;
	s14 =	sadd.s32 s3, s14;
	s16 =	sadd.s32 s3, s16  }
0x10: {  	s17 =	sadd.s32 s3, s17;
	s3 =	sadd.s32 s3, s18;
	s25 =	simm.s32 $0x14080  }
0x11: {  	s26 =	simm.s32 $0x1;
	s8 =	sadd.s32 s30, s1;
	s9 =	sadd.s32 s9, s1  }
0x12: {  	s10 =	sadd.s32 s10, s1;
	s11 =	sadd.s32 s11, s1;
	s15 =	sshll.u32 s13, $0x4  }
0x13: {  	s19 =	sshll.u32 s14, $0x4;
	s13 =	smul.u32 $0x5000, s6;
	s16 =	sshll.u32 s16, $0x4  }
0x14: {  	s17 =	sshll.u32 s17, $0x4;
	s3 =	sshll.u32 s3, $0x4;
	s31 =	sadd.s32 s0, s15  }
0x15: {  	s15 =	sadd.s32 s0, s19;
	s16 =	sadd.s32 s0, s16;
	s17 =	sadd.s32 s0, s17  }
0x16: {  	s18 =	sadd.s32 s0, s3;
	s19 =	smax.u32 s5, $0x1;
	[dreg:$0x5] =	wrdreg s31  }
.LBB2_1:
0x17: {  	s0 =	rddreg [dreg:$0x3]  }
0x18: {  	[tilespmem:s20], [sflag:$0x2] =	stream.linear.gather [hbm4b:s0+s2], $0x4000, $0x38;
	[tilespmem:$0x1D000] =	vst v63  }
0x19: {  	_ =	swait.ge [sflag:s21], $0x4000  }
0x1a: {  	[sflag:s21] =	ssyncset.done $0x0  }
0x1b: {  	s31 =	rddreg [dreg:$0x4];
	[sflag:s21] =	ssyncadd.s32 $0xFFFFC000  }
0x1c: {  	[tilespmem:s22], [sflag:$0x2] =	stream.linear.gather [hbm4b:s31+s2], $0x4000, $0x38;
	[tilespmem:$0x1D000] =	vst v63  }
0x1d: {  	_ =	swait.ge [sflag:s21], $0x4000  }
0x1e: {  	[sflag:s21] =	ssyncset.done $0x0  }
0x1f: {  	[sflag:s21] =	ssyncadd.s32 $0xFFFFC000  }
0x20: {  	[spmem:s7] =	stream.linear.scatter [tilespmem:s22], [sflag:$0x2], $0x4000, $0x38;
	[tilespmem:$0x1D000] =	vst v63  }
0x21: {  	_ =	swait.ge [sflag:s21], $0x4000  }
0x22: {  	[sflag:s21] =	ssyncset.done $0x0  }
0x23: {  	[sflag:s21] =	ssyncadd.s32 $0xFFFFC000  }
0x24: {  	[spmem:s8] =	stream.linear.scatter [tilespmem:s22], [sflag:$0x2], $0x4000, $0x38;
	[tilespmem:$0x1D000] =	vst v63  }
0x25: {  	_ =	swait.ge [sflag:s21], $0x4000  }
0x26: {  	[sflag:s21] =	ssyncset.done $0x0  }
0x27: {  	[sflag:s21] =	ssyncadd.s32 $0xFFFFC000  }
0x28: {  	[spmem:s9] =	stream.linear.scatter [tilespmem:s22], [sflag:$0x2], $0x4000, $0x38;
	[tilespmem:$0x1D000] =	vst v63  }
0x29: {  	_ =	swait.ge [sflag:s21], $0x4000  }
0x2a: {  	[sflag:s21] =	ssyncset.done $0x0  }
0x2b: {  	[sflag:s21] =	ssyncadd.s32 $0xFFFFC000  }
0x2c: {  	[spmem:s10] =	stream.linear.scatter [tilespmem:s22], [sflag:$0x2], $0x4000, $0x38;
	[tilespmem:$0x1D000] =	vst v63  }
0x2d: {  	_ =	swait.ge [sflag:s21], $0x4000  }
0x2e: {  	[sflag:s21] =	ssyncset.done $0x0  }
0x2f: {  	[sflag:s21] =	ssyncadd.s32 $0xFFFFC000  }
0x30: {  	[spmem:s11] =	stream.linear.scatter [tilespmem:s22], [sflag:$0x2], $0x4000, $0x38;
	[tilespmem:$0x1D000] =	vst v63  }
0x31: {  	_ =	swait.ge [sflag:s21], $0x4000  }
0x32: {  	[sflag:s21] =	ssyncset.done $0x0  }
0x33: {  	[sflag:s21] =	ssyncadd.s32 $0xFFFFC000  }
0x34: {  	s29 =	simm.s32 $0x0;
	s30 =	simm.s32 $0x0;
	[bflag:$0x0] =	sbarrier.arrive $0xFFFF  }
.LBB2_2:
0x35: {  	s0 =	sshll.u32 s30, $0xC  }
0x36: {  	s0 =	sadd.s32 s13, s0  }
0x37: {  	s0 =	sshrl.u32 s0, $0x3  }
0x38: {  	s6 =	simm.s32 $0x2;
	s0 =	sadd.s32 s4, s0  }
0x39: {  	[tilespmem:s23], [sflag:$0x2] =	stream.linear.gather [hbm4b:s0+s2], $0x1000, $0x38;
	[tilespmem:$0x1D000] =	vst v63  }
0x3a: {  	_ =	swait.ge [sflag:s6], $0x1000  }
0x3b: {  	[sflag:s6] =	ssyncset.done $0x0  }
0x3c: {  	s14 =	sadd.s32 $0x2, s29;
	[sflag:s6] =	ssyncadd.s32 $0xFFFFF000  }
0x3d: {  	[spmem:s1] =	stream.indirect.scatter.add.f32 [tilespmem:s20], [sflag:$0x1], $0x80, s23, s24, $0xb8;
	[tilespmem:$0x1D000] =	vst v63  }
0x3e: {  	s3 =	simm.s32 $0x14100;
	p0 =	sge.u32 s14, s12  }
0x3f: {  	[spmem:s1] =	stream.indirect.scatter.add.f32 [tilespmem:s20], [sflag:$0x1], $0x80, s25, s24, $0xb8;
	[tilespmem:$0x1D000] =	vst v63  }
0x40: {  	s31 =	simm.s32 @!p0 $0x15000;
	s5 =	simm.s32 @!p0 $0x1;
	s0 =	simm.s32 @!p0 $0x80  }
0x41: {  	[spmem:s1] =	stream.indirect.scatter.add.f32 @!p0 [tilespmem:s31], [sflag:$0x1], $0x80, s3, s0, $0xb8;
	[tilespmem:$0x1D000] =	vst v63  }
0x42: {  	s0 =	simm.s32 $0x3;
	_ =	swait.ge @!p0 [sflag:s5], $0x4000  }
0x43: {  	s3 =	simm.s32 $0x4;
	s31 =	simm.s32 $0x14180;
	[sflag:s5] =	ssyncset.done @!p0 $0x0  }
.LBB2_3:
0x44: {  	s6 =	sadd.s32 s0, s29;
	s0 =	smov.u32 s3;
	s3 =	sadd.s32 $0x1, s3  }
0x45: {  	[sflag:s5] =	ssyncadd.s32 @!p0 $0xFFFFC000;
	p1 =	sne.s32 s3, $0x20  }
.Ltmp0:
0x46: {  	p0 =	sge.u32 s6, s12;
	(pc) =	sbr.rel @p1 .LBB2_3-.Ltmp0, $4  }
0x47: {  	s6 =	simm.s32 @!p0 $0x80;
	s14 =	simm.s32 @!p0 $0x15000;
	s5 =	simm.s32 @!p0 $0x1  }
0x48: {  	[spmem:s1] =	stream.indirect.scatter.add.f32 @!p0 [tilespmem:s14], [sflag:$0x1], $0x80, s31, s6, $0xb8;
	[tilespmem:$0x1D000] =	vst v63  }
0x49: {  	_ =	swait.ge @!p0 [sflag:s5], $0x4000  }
0x4a: {  	s31 =	sadd.s32 $0x80, s31;
	[sflag:s5] =	ssyncset.done @!p0 $0x0  }
0x4b: {  	s0 =	sadd.s32 s0, s29  }
0x4c: {  	[sflag:s5] =	ssyncadd.s32 @!p0 $0xFFFFC000;
	p0 =	sge.u32 s0, s12  }
0x4d: {  	s0 =	simm.s32 @!p0 $0x80;
	s3 =	simm.s32 @!p0 $0x15000;
	s5 =	simm.s32 @!p0 $0x1  }
0x4e: {  	[spmem:s1] =	stream.indirect.scatter.add.f32 @!p0 [tilespmem:s3], [sflag:$0x1], $0x80, s31, s0, $0xb8;
	[tilespmem:$0x1D000] =	vst v63  }
0x4f: {  	_ =	swait.ge @!p0 [sflag:s5], $0x4000  }
0x50: {  	[sflag:s5] =	ssyncset.done @!p0 $0x0  }
0x51: {  	s30 =	sadd.s32 $0x1, s30;
	[sflag:s5] =	ssyncadd.s32 @!p0 $0xFFFFC000  }
0x52: {  	p0 =	sne.s32 s30, $0x5;
	_ =	swait.ge [sflag:s26], $0x4000  }
.Ltmp1:
0x53: {  	[sflag:s26] =	ssyncset.done $0x0;
	(pc) =	sbr.rel @p0 .LBB2_2-.Ltmp1, $4  }
0x54: {  	[sflag:s26] =	ssyncadd.s32 $0xFFFFC000  }
0x55: {  	_ =	swait.ge [sflag:s26], $0x4000  }
0x56: {  	[sflag:s26] =	ssyncset.done $0x0  }
0x57: {  	s29 =	sadd.s32 $0x20, s29;
	[sflag:s26] =	ssyncadd.s32 $0xFFFFC000  }
0x58: {  	[bflag:$0x0] =	sbarrier.arrive $0xFFFF  }
0x59: {  	[tilespmem:s22], [sflag:$0x2] =	stream.linear.gather [spmem:s7], $0x4000, $0x38;
	[tilespmem:$0x1D000] =	vst v63  }
0x5a: {  	_ =	swait.ge [sflag:s21], $0x4000  }
0x5b: {  	[sflag:s21] =	ssyncset.done $0x0  }
0x5c: {  	s0 =	rddreg [dreg:$0x5];
	[sflag:s21] =	ssyncadd.s32 $0xFFFFC000  }
0x5d: {  	[hbm4b:s0+s2] =	stream.linear.scatter [tilespmem:s22], [sflag:$0x2], $0x4000, $0x38;
	[tilespmem:$0x1D000] =	vst v63  }
0x5e: {  	_ =	swait.ge [sflag:s21], $0x4000  }
0x5f: {  	[sflag:s21] =	ssyncset.done $0x0  }
0x60: {  	[sflag:s21] =	ssyncadd.s32 $0xFFFFC000  }
0x61: {  	[tilespmem:s22], [sflag:$0x2] =	stream.linear.gather [spmem:s8], $0x4000, $0x38;
	[tilespmem:$0x1D000] =	vst v63  }
0x62: {  	_ =	swait.ge [sflag:s21], $0x4000  }
0x63: {  	[sflag:s21] =	ssyncset.done $0x0  }
0x64: {  	[sflag:s21] =	ssyncadd.s32 $0xFFFFC000  }
0x65: {  	[hbm4b:s15+s2] =	stream.linear.scatter [tilespmem:s22], [sflag:$0x2], $0x4000, $0x38;
	[tilespmem:$0x1D000] =	vst v63  }
0x66: {  	_ =	swait.ge [sflag:s21], $0x4000  }
0x67: {  	[sflag:s21] =	ssyncset.done $0x0  }
0x68: {  	[sflag:s21] =	ssyncadd.s32 $0xFFFFC000  }
0x69: {  	[tilespmem:s22], [sflag:$0x2] =	stream.linear.gather [spmem:s9], $0x4000, $0x38;
	[tilespmem:$0x1D000] =	vst v63  }
0x6a: {  	_ =	swait.ge [sflag:s21], $0x4000  }
0x6b: {  	[sflag:s21] =	ssyncset.done $0x0  }
0x6c: {  	[sflag:s21] =	ssyncadd.s32 $0xFFFFC000  }
0x6d: {  	[hbm4b:s16+s2] =	stream.linear.scatter [tilespmem:s22], [sflag:$0x2], $0x4000, $0x38;
	[tilespmem:$0x1D000] =	vst v63  }
0x6e: {  	_ =	swait.ge [sflag:s21], $0x4000  }
0x6f: {  	[sflag:s21] =	ssyncset.done $0x0  }
0x70: {  	[sflag:s21] =	ssyncadd.s32 $0xFFFFC000  }
0x71: {  	[tilespmem:s22], [sflag:$0x2] =	stream.linear.gather [spmem:s10], $0x4000, $0x38;
	[tilespmem:$0x1D000] =	vst v63  }
0x72: {  	_ =	swait.ge [sflag:s21], $0x4000  }
0x73: {  	[sflag:s21] =	ssyncset.done $0x0  }
0x74: {  	[sflag:s21] =	ssyncadd.s32 $0xFFFFC000  }
0x75: {  	[hbm4b:s17+s2] =	stream.linear.scatter [tilespmem:s22], [sflag:$0x2], $0x4000, $0x38;
	[tilespmem:$0x1D000] =	vst v63  }
0x76: {  	_ =	swait.ge [sflag:s21], $0x4000  }
0x77: {  	[sflag:s21] =	ssyncset.done $0x0  }
0x78: {  	[sflag:s21] =	ssyncadd.s32 $0xFFFFC000  }
0x79: {  	[tilespmem:s22], [sflag:$0x2] =	stream.linear.gather [spmem:s11], $0x4000, $0x38;
	[tilespmem:$0x1D000] =	vst v63  }
0x7a: {  	s28 =	sadd.s32 $0x1, s28;
	_ =	swait.ge [sflag:s21], $0x4000  }
0x7b: {  	p0 =	sne.s32 s28, s19;
	[sflag:s21] =	ssyncset.done $0x0  }
.Ltmp2:
0x7c: {  	[sflag:s21] =	ssyncadd.s32 $0xFFFFC000;
	(pc) =	sbr.rel @p0 .LBB2_1-.Ltmp2, $4  }
0x7d: {  	[hbm4b:s18+s2] =	stream.linear.scatter [tilespmem:s22], [sflag:$0x2], $0x4000, $0x38;
	[tilespmem:$0x1D000] =	vst v63  }
0x7e: {  	_ =	swait.ge [sflag:s21], $0x4000  }
0x7f: {  	[sflag:s21] =	ssyncset.done $0x0  }
0x80: {  	[sflag:s21] =	ssyncadd.s32 $0xFFFFC000  }
0x81: {  	_ =	sfence.sel $0x180000  }
0x82: {  	[bflag:$0x0] =	sbarrier.arrive $0xFFFF  }
0x83: {  	_ =	strace $0x9000004D  }
0x84: {  	s0 =	stileid.u32;
	[bflag:$0x2] =	sbarrier.arrive $0xFFFF  }
0x85: {  	p0 =	sne.s32 s0, $0x0;
	s0 =	rddreg [dreg:$0x2]  }
0x86: {  	s0 =	sadd.s32 @!p0 $0x100000, s0  }
0x87: {  	[sflag:s0] =	ssyncadd.tile.s32 @!p0 $0x1;
	_ =	shalt  }
.Lfunc_end2:
_tile_overlayer_lowered:
.L_overlay_start_2:
0x88: {  	(tag) =	ssettag $0x2  }
0x89: {  	s0 =	rddreg [dreg:$0x0];
	s2 =	stileid.u32  }
0x8a: {  	s1 =	rddreg [dreg:$0x1];
	p0 =	sne.s32 s2, $0x0  }
0x8b: {  	s3 =	rddreg [dreg:$0x2];
	[bflag:$0x3] =	sbarrier.arrive $0xFFFF;
	s2 =	simm.s32 @!p0 $0x1C02  }
0x8c: {  	[timem:s3], [sflag:s2] =	dma.local @!p0 [hbm:s0], s1  }
0x8d: {  	s0 =	simm.s32 @!p0 $0x2  }
0x8e: {  	_ =	swait.ge @!p0 [sflag:s0], s1  }
0x8f: {  	s1 =	ssub.s32 @!p0 $0x0, s1;
	[sflag:s0] =	ssyncset.done @!p0 $0x0  }
0x90: {  	[sflag:s0] =	ssyncadd.s32 @!p0 s1  }
0x91: {  	[bflag:$0x3] =	sbarrier.arrive $0xFFFF  }
0x92: {  	_ =	shalt  }

// kernel: kernel.13.cloned.1.call-start
scs
__scs_entry_jumppad:
0x0: {  	(pc) =	sbr.rel $0x88, $3  }
0x1: {  	(tag) =	ssettag $0x0;
	lr =	simm.s32 $0x1  }
0x2: {  	[smem:$0x3F99] =	sst lr;
	_ =	strace $0xD0000000  }
0x3: {  	_ = 	snop  }
0x4: {  	_ = 	snop  }
0x5: {  	_ = 	snop  }
0x6: {  	_ = 	snop  }
0x7: {  	_ = 	snop  }
__scs_overlays_trampoline_lowered:
0x8: {  	[smem:$0x3FA8] =	sst s0  }
0x9: {  	[smem:$0x3FA9] =	sst s1  }
0xa: {  	[smem:$0x3FAA] =	sst s2  }
0xb: {  	[smem:$0x3FAB] =	sst s3  }
0xc: {  	[smem:$0x3FAC] =	sst s4  }
0xd: {  	[smem:$0x3FAD] =	sst s5  }
0xe: {  	[smem:$0x3FAE] =	sst s6  }
0xf: {  	[smem:$0x3FAF] =	sst s7  }
0x10: {  	[smem:$0x3FB0] =	sst s8  }
0x11: {  	[smem:$0x3FB1] =	sst s9;
	s0 =	simm.s32 @!p0 $0x0  }
0x12: {  	s1 =	sld [smem:$0x3F97];
	s0 =	simm.s32 @p0 $0x1  }
0x13: {  	[smem:$0x3FB2] =	sst s0;
	s0 =	simm.s32 @!p1 $0x0  }
0x14: {  	s2 =	sld [smem:$0x3F96];
	s0 =	simm.s32 @p1 $0x1  }
0x15: {  	[smem:$0x3FB3] =	sst s0;
	s0 =	simm.s32 @!p2 $0x0  }
0x16: {  	s3 =	sld [smem:$0x3FDB];
	s0 =	simm.s32 @p2 $0x1  }
0x17: {  	s4 =	simm.s32 $0x1BF5;
	[smem:$0x3FB5] =	sst s0  }
0x18: {  	s0 =	sld [smem:$0x3F98];
	_ =	swait.ge [sflag:s4], $0x0  }
0x19: {  	s7 =	sld [smem:$0x3F99]  }
0x1a: {  	s8 =	sadd.s32 $0xFFFFE003, lr  }
0x1b: {  	s9 =	sadd.s32 $0xFFFFFEF7, lr;
	s5 =	simm.s32 $0xFFFFFFFF;
	p2 =	slt.u32 s8, $0xFFFFF086  }
0x1c: {  	p1 =	slt.u32 s9, $0xF7A;
	s5 =	simm.s32 @!p2 $0x0  }
0x1d: {  	s5 =	simm.s32 @p1 $0x1;
	p0 =	seq.s32 s7, s2  }
0x1e: {  	s7 =	smul.u32 @!p0 $0xF7A, s2;
	p2 =	seq.s32 @!p0 s5, $0x0  }
0x1f: {  	s9 =	smul.u32 $0xF7A, s1;
	s8 =	simm.s32 @!p0 $0x1BF5;
	p2 =	por !p2, p0  }
0x20: {  	[sflag:s8] =	ssyncset.s32 @!p0 $0xFFFFF086;
	s6 =	sadd.s32 @!p0 s3, s7;
	s7 =	simm.s32 @!p0 $0x108  }
0x21: {  	s3 =	sadd.s32 s3, s9;
	s6 =	sadd.s32 @!p0 $0x88, s6;
	s7 =	simm.s32 @p2 $0x1082  }
0x22: {  	[simem:s7], [sflag:s8] =	dma.local @!p0 [hbm:s6], $0xF7A  }
0x23: {  	s9 =	sor.u32 $0xD0000000, s2;
	s6 =	simm.s32 $0x108;
	_ =	swait.ge @!p0 [sflag:s8], $0x0  }
0x24: {  	s3 =	sadd.s32 $0x88, s3;
	s6 =	simm.s32 @!p1 $0x1082;
	[sflag:s4] =	ssyncset.s32 $0xFFFFF086  }
0x25: {  	[simem:s6], [sflag:s4] =	dma.local [hbm:s3], $0xF7A  }
0x26: {  	[smem:$0x3F99] =	sst s1;
	(tag) =	ssettag s2;
	_ =	strace s9  }
0x27: {  	s1 =	sld [smem:$0x3FA9]  }
0x28: {  	s2 =	sld [smem:$0x3FAA]  }
0x29: {  	s4 =	sld [smem:$0x3FAC]  }
0x2a: {  	p0 =	seq.s32 s5, $0x0;
	s5 =	sld [smem:$0x3FAD]  }
0x2b: {  	s6 =	sld [smem:$0x3FAE]  }
0x2c: {  	s7 =	sld [smem:$0x3FAF]  }
0x2d: {  	s3 =	simm.s32 $0x108;
	s8 =	sld [smem:$0x3FB0]  }
0x2e: {  	s3 =	simm.s32 @!p0 $0x1082;
	s9 =	sld [smem:$0x3FB1]  }
0x2f: {  	lr =	sadd.s32 s0, s3;
	s0 =	sld [smem:$0x3FA8]  }
0x30: {  	s3 =	sld [smem:$0x3FAB]  }
0x31: {  	[smem:$0x3FB4] =	sst s10  }
0x32: {  	s10 =	sld [smem:$0x3FB2];
	_ =	sdelay $0x3  }
0x33: {  	p0 =	seq.s32 s10, $0x1;
	s10 =	sld [smem:$0x3FB4];
	_ =	sdelay $0x3  }
0x34: {  	[smem:$0x3FB4] =	sst s10  }
0x35: {  	s10 =	sld [smem:$0x3FB3];
	_ =	sdelay $0x3  }
0x36: {  	p1 =	seq.s32 s10, $0x1;
	s10 =	sld [smem:$0x3FB4];
	_ =	sdelay $0x3  }
0x37: {  	[smem:$0x3FB4] =	sst s10  }
0x38: {  	s10 =	sld [smem:$0x3FB5]  }
0x39: {  	_ = 	snop;
	(pc) =	sbr.ind lr, $3  }
0x3a: {  	_ = 	snop  }
0x3b: {  	_ = 	snop  }
0x3c: {  	p2 =	seq.s32 s10, $0x1;
	s10 =	sld [smem:$0x3FB4]  }
0x3d: {  	_ =	shalt  }
0x3e: {  	_ =	shalt  }
0x3f: {  	_ =	shalt  }
0x40: {  	_ =	shalt  }
0x41: {  	_ =	shalt  }
0x42: {  	_ =	shalt  }
0x43: {  	_ =	shalt  }
0x44: {  	_ =	shalt  }
0x45: {  	_ =	shalt  }
0x46: {  	_ =	shalt  }
0x47: {  	_ =	shalt  }
0x48: {  	_ =	shalt  }
0x49: {  	_ =	shalt  }
0x4a: {  	_ =	shalt  }
0x4b: {  	_ =	shalt  }
0x4c: {  	_ =	shalt  }
0x4d: {  	_ =	shalt  }
0x4e: {  	_ =	shalt  }
0x4f: {  	_ =	shalt  }
0x50: {  	_ =	shalt  }
0x51: {  	_ =	shalt  }
0x52: {  	_ =	shalt  }
0x53: {  	_ =	shalt  }
0x54: {  	_ =	shalt  }
0x55: {  	_ =	shalt  }
0x56: {  	_ =	shalt  }
0x57: {  	_ =	shalt  }
0x58: {  	_ =	shalt  }
0x59: {  	_ =	shalt  }
0x5a: {  	_ =	shalt  }
0x5b: {  	_ =	shalt  }
0x5c: {  	_ =	shalt  }
0x5d: {  	_ =	shalt  }
0x5e: {  	_ =	shalt  }
0x5f: {  	_ =	shalt  }
0x60: {  	_ =	shalt  }
0x61: {  	_ =	shalt  }
0x62: {  	_ =	shalt  }
0x63: {  	_ =	shalt  }
0x64: {  	_ =	shalt  }
0x65: {  	_ =	shalt  }
0x66: {  	_ =	shalt  }
0x67: {  	_ =	shalt  }
0x68: {  	_ =	shalt  }
0x69: {  	_ =	shalt  }
0x6a: {  	_ =	shalt  }
0x6b: {  	_ =	shalt  }
0x6c: {  	_ =	shalt  }
0x6d: {  	_ =	shalt  }
0x6e: {  	_ =	shalt  }
0x6f: {  	_ =	shalt  }
0x70: {  	_ =	shalt  }
0x71: {  	_ =	shalt  }
0x72: {  	_ =	shalt  }
0x73: {  	_ =	shalt  }
0x74: {  	_ =	shalt  }
0x75: {  	_ =	shalt  }
0x76: {  	_ =	shalt  }
0x77: {  	_ =	shalt  }
0x78: {  	_ =	shalt  }
0x79: {  	_ =	shalt  }
0x7a: {  	_ =	shalt  }
0x7b: {  	_ =	shalt  }
0x7c: {  	_ =	shalt  }
0x7d: {  	_ =	shalt  }
0x7e: {  	_ =	shalt  }
0x7f: {  	_ =	shalt  }
0x80: {  	_ =	shalt  }
0x81: {  	_ =	shalt  }
0x82: {  	_ =	shalt  }
0x83: {  	_ =	shalt  }
0x84: {  	_ =	shalt  }
0x85: {  	_ =	shalt  }
0x86: {  	_ =	shalt  }
0x87: {  	_ =	shalt  }
.Lfunc_end0:
.L_simem_size_0:
called_computation.3_lowered:
.L_overlay_start_0:
0x88: {  	s2 =	sld [smem:$0x3FD9]  }
0x89: {  	s3 =	sld [smem:$0x3FFE];
	_ =	sdelay $0x1  }
0x8a: {  	s1 =	srdreg.scid  }
0x8b: {  	s0 =	sand.u32 $0x1, s1  }
0x8c: {  	s17 =	sshll.u32 s0, $0xA;
	s2 =	sadd.s32 s3, s2  }
0x8d: {  	s2 =	sadd.s32 s2, s17  }
0x8e: {  	[smem:$0x3FC0] =	sst s2  }
0x8f: {  	_ = 	snop  }
0x90: {  	s2 =	sld [smem:$0x3FD0];
	(tm) =	ssettm $0x1  }
0x91: {  	s18 =	sld [smem:$0x3FFB];
	_ =	sdelay $0x3  }
0x92: {  	_ =	strace s18  }
0x93: {  	s3 =	sld [smem:$0x3FFC];
	_ =	sdelay $0x3  }
0x94: {  	_ =	strace s3  }
0x95: {  	s3 =	sld [smem:$0x3FFD];
	_ =	sdelay $0x3  }
0x96: {  	_ =	strace s3  }
0x97: {  	_ =	strace $0x8FFFFFFF  }
0x98: {  	s19 =	sld [smem:$0x3FDB];
	_ =	sdelay $0x1  }
0x99: {  	s4 =	simm.s32 $_scs_section_size  }
0x9a: {  	s5 =	simm.s32 $_size__tile_overlayer_lowered;
	s6 =	simm.s32 $_tile_overlayer_lowered  }
0x9b: {  	s22 =	simm.s32 $0x1BFF;
	s21 =	sshll.u32 s6, $0x1;
	s3 =	sadd.s32 s4, s19  }
0x9c: {  	s7 =	simm.s32 $0x0;
	s20 =	sshll.u32 s5, $0x1;
	s5 =	sadd.s32 s21, s3  }
0x9d: {  	[timem:s7], [sflag:s22] =	dma.local [hbm:s5], s20  }
0x9e: {  	_ =	swait.ge [sflag:s22], s20  }
0x9f: {  	s4 =	ssub.s32 $0x0, s20;
	[sflag:s22] =	ssyncset.done $0x0  }
0xa0: {  	[sflag:s22] =	ssyncadd.s32 s4;
	_ =	sdelay $0x1  }
0xa1: {  	s23 =	simm.s32 $0x1B8B  }
0xa2: {  	_ =	swait.ge [sflag:s23], $0x1  }
0xa3: {  	[sflag:s23] =	ssyncset.done $0x0  }
0xa4: {  	s25 =	simm.s32 $0x1B8E;
	s24 =	sld [smem:$0x3FFE];
	[sflag:s23] =	ssyncadd.s32 $0xFFFFFFFF  }
0xa5: {  	s26 =	simm.s32 $execute0_lowered;
	[smem:$0x3FD2] =	sst s25  }
0xa6: {  	s5 =	sshll.u32 s26, $0x1;
	_ =	strace $0x8000004F;
	[dreg:$0x1] =	wrdreg $0xFFFFFFFF  }
0xa7: {  	s28 =	simm.s32 $_size_execute0_lowered;
	s3 =	sadd.s32 s3, s5;
	[dreg:$0x0] =	wrdreg $0x0  }
0xa8: {  	s5 =	sshll.u32 s28, $0x1;
	[dreg:$0x2] =	wrdreg s3  }
0xa9: {  	[dreg:$0x3] =	wrdreg s5  }
0xaa: {  	[dreg:$0x4] =	wrdreg $0xC0  }
0xab: {  	_ =	task [dreg:s7], $0x5FFFF  }
0xac: {  	[dreg:$0x1] =	wrdreg $0xFFFFFFFF  }
0xad: {  	[dreg:$0x0] =	wrdreg $0x60  }
0xae: {  	[dreg:$0x2] =	wrdreg s24  }
0xaf: {  	[dreg:$0x3] =	wrdreg s2  }
0xb0: {  	[dreg:$0x4] =	wrdreg $0x0  }
0xb1: {  	[dreg:$0x5] =	wrdreg $0x9  }
0xb2: {  	_ =	task.clear_ibuf [dreg:s7], $0x6FFFF;
	_ =	strace $0x9000004F  }
0xb3: {  	s29 =	simm.s32 $0x9;
	_ =	strace $0x80000051  }
0xb4: {  	_ =	swait.ge [sflag:s29], $0x1  }
0xb5: {  	[sflag:s29] =	ssyncadd.s32 $0xFFFFFFFF  }
0xb6: {  	_ =	strace $0x90000051  }
0xb7: {  	_ =	sfence  }
0xb8: {  	s30 =	sld [smem:$0x0];
	_ =	sdelay $0x2  }
0xb9: {  	s31 =	sshll.u32 s1, $0xD;
	s1 =	sshrl.u32 s1, $0x2  }
0xba: {  	s3 =	sand.u32 $0x4000, s31;
	s1 =	sadd.s32 s1, s30  }
0xbb: {  	s0 =	sor.u32 s3, s0;
	s1 =	sshll.u32 s1, $0x11  }
0xbc: {  	s0 =	sor.u32 s1, s0  }
0xbd: {  	s0 =	sadd.s32 $0x8F2B, s0  }
0xbe: {  	[sflag:s0] =	ssyncadd.remote.s32 $0x1  }
0xbf: {  	_ =	sfence.sel $0xFFFF  }
0xc0: {  	[dreg:$0x0] =	wrdreg $0xFFFFFFFF;
	(pc) =	sbr.abs _section_cstart, $3  }
0xc1: {  	[dreg:$0x1] =	wrdreg $0xFFFFFFFF  }
0xc2: {  	_ =	task.clear_ibuf [dreg:s7], $0x2FFFF;
	_ =	strace $0x9FFFFFFF  }
0xc3: {  	(tm) =	ssettm $0x7FFFFFFF  }
tec
execute0_lowered:
.L_overlay_start_1:
0x0: {  	(tag) =	ssettag $0x1  }
0x1: {  	s0 =	rddreg [dreg:$0x0]  }
0x2: {  	s2 =	rddreg [dreg:$0x2];
	s1 =	simm.s32 $0x0  }
0x3: {  	s3 =	srdreg.scid;
	s14 =	stileid.u32;
	s28 =	simm.s32 $0x15000  }
0x4: {  	s29 =	simm.s32 $0x80;
	s31 =	simm.s32 $0x1A000;
	[smem:$0x7FF] =	sst s1  }
0x5: {  	s5 =	sadd.s32 $0x20A00, s0;
	s3 =	sand.u32 $0x1, s3;
	s7 =	smul.u32 $0x280, s14  }
0x6: {  	s6 =	sadd.s32 $0x16A00, s0;
	s8 =	sadd.s32 $0x2E00, s0;
	s9 =	smul.u32 $0x50000, s14  }
0x7: {  	s0 =	sadd.s32 $0x70A00, s0;
	p0 =	slt.u32 s14, $0x4;
	s14 =	smul.u32 $0x5000, s14  }
0x8: {  	_ =	strace $0x80000050;
	s4 =	ssub.s32 $0x2, s3;
	s15 =	smul.u32 $0x50000, s3  }
0x9: {  	[dreg:$0x4] =	wrdreg s8;
	s3 =	smul.u32 $0x2800, s3;
	s26 =	sshrl.u32 s4, $0x1  }
0xa: {  	s30 =	sadd.s32 $0x80, s7;
	s9 =	sshrl.u32 s9, $0x2;
	s11 =	sadd.s32 $0x100, s7  }
0xb: {  	s17 =	sadd.s32 $0x180, s7;
	s22 =	sadd.s32 $0x200, s7;
	s4 =	ssub.s32 s4, s26  }
0xc: {  	s10 =	sshll.u32 s30, $0x7;
	s18 =	sadd.s32 s9, s2;
	s16 =	sshll.u32 s11, $0x7  }
0xd: {  	s12 =	sshll.u32 s17, $0x7;
	s13 =	sshll.u32 s22, $0x7;
	s7 =	sadd.s32 s7, s3  }
0xe: {  	s8 =	sadd.s32 s3, s30;
	s15 =	sadd.s32 s15, s14;
	s24 =	sadd.s32 s3, s11  }
0xf: {  	s25 =	sadd.s32 s3, s17;
	s3 =	sadd.s32 s3, s22;
	s17 =	simm.s32 $0x2  }
0x10: {  	s19 =	sadd.s32 s10, s2;
	s30 =	smax.u32 s4, $0x1;
	[dreg:$0x5] =	wrdreg s18  }
0x11: {  	s20 =	sadd.s32 s16, s2;
	s12 =	sadd.s32 s12, s2;
	[dreg:$0xf] =	wrdreg s30  }
0x12: {  	s21 =	sadd.s32 s13, s2;
	s13 =	simm.s32 $0x9D;
	[dreg:$0x6] =	wrdreg s19  }
0x13: {  	s7 =	sshll.u32 s7, $0x4;
	s8 =	sshll.u32 s8, $0x4;
	[dreg:$0x7] =	wrdreg s20  }
0x14: {  	s3 =	sshll.u32 s3, $0x4;
	s4 =	simm.s32 $0x3;
	[dreg:$0x8] =	wrdreg s12  }
0x15: {  	s13 =	simm.s32 @!p0 $0x9C;
	s7 =	sadd.s32 s0, s7;
	[dreg:$0x9] =	wrdreg s21  }
0x16: {  	s23 =	sadd.s32 s0, s8;
	s8 =	sshll.u32 s25, $0x4;
	[dreg:$0xa] =	wrdreg s7  }
0x17: {  	s25 =	simm.s32 $0x5;
	s16 =	sadd.s32 $0xFFFFFFFF, s13;
	[dreg:$0xb] =	wrdreg s23  }
0x18: {  	s7 =	sshll.u32 s24, $0x4;
	s26 =	sadd.s32 s0, s8;
	s23 =	sadd.s32 $0xFFFFFFE1, s13  }
0x19: {  	s24 =	simm.s32 $0x16000;
	s7 =	sadd.s32 s0, s7;
	[dreg:$0xd] =	wrdreg s26  }
0x1a: {  	s0 =	sadd.s32 s0, s3;
	s26 =	simm.s32 $0x14000;
	[dreg:$0xc] =	wrdreg s7  }
0x1b: {  	[dreg:$0xe] =	wrdreg s0;
	s0 =	simm.s32 $0x1;
	s7 =	simm.s32 $0x0  }
.LBB2_1:
0x1c: {  	[dreg:$0x10] =	wrdreg s7  }
0x1d: {  	s3 =	rddreg [dreg:$0x4]  }
0x1e: {  	[tilespmem:s24], [sflag:$0x5] =	stream.linear.gather [hbm4b:s3+s1], $0x4000, $0x38;
	[tilespmem:$0x1E000] =	vst v63  }
0x1f: {  	_ =	swait.ge [sflag:s25], $0x4000  }
0x20: {  	[sflag:s25] =	ssyncset.done $0x0  }
0x21: {  	[sflag:s25] =	ssyncadd.s32 $0xFFFFC000  }
0x22: {  	[spmem:s18] =	stream.linear.scatter [tilespmem:s24], [sflag:$0x5], $0x4000, $0x38;
	[tilespmem:$0x1E000] =	vst v63  }
0x23: {  	_ =	swait.ge [sflag:s25], $0x4000  }
0x24: {  	[sflag:s25] =	ssyncset.done $0x0  }
0x25: {  	[sflag:s25] =	ssyncadd.s32 $0xFFFFC000  }
0x26: {  	[spmem:s19] =	stream.linear.scatter [tilespmem:s24], [sflag:$0x5], $0x4000, $0x38;
	[tilespmem:$0x1E000] =	vst v63  }
0x27: {  	_ =	swait.ge [sflag:s25], $0x4000  }
0x28: {  	[sflag:s25] =	ssyncset.done $0x0  }
0x29: {  	[sflag:s25] =	ssyncadd.s32 $0xFFFFC000  }
0x2a: {  	[spmem:s20] =	stream.linear.scatter [tilespmem:s24], [sflag:$0x5], $0x4000, $0x38;
	[tilespmem:$0x1E000] =	vst v63  }
0x2b: {  	_ =	swait.ge [sflag:s25], $0x4000  }
0x2c: {  	[sflag:s25] =	ssyncset.done $0x0  }
0x2d: {  	[sflag:s25] =	ssyncadd.s32 $0xFFFFC000  }
0x2e: {  	[spmem:s12] =	stream.linear.scatter [tilespmem:s24], [sflag:$0x5], $0x4000, $0x38;
	[tilespmem:$0x1E000] =	vst v63  }
0x2f: {  	_ =	swait.ge [sflag:s25], $0x4000  }
0x30: {  	[sflag:s25] =	ssyncset.done $0x0  }
0x31: {  	[sflag:s25] =	ssyncadd.s32 $0xFFFFC000  }
0x32: {  	[spmem:s21] =	stream.linear.scatter [tilespmem:s24], [sflag:$0x5], $0x4000, $0x38;
	[tilespmem:$0x1E000] =	vst v63  }
0x33: {  	_ =	swait.ge [sflag:s25], $0x4000  }
0x34: {  	[sflag:s25] =	ssyncset.done $0x0  }
0x35: {  	[sflag:s25] =	ssyncadd.s32 $0xFFFFC000  }
0x36: {  	s10 =	simm.s32 $0x2;
	s21 =	simm.s32 $0x0;
	[bflag:$0x0] =	sbarrier.arrive $0xFFFF  }
.LBB2_2:
0x37: {  	s3 =	sshll.u32 s21, $0xC  }
0x38: {  	s8 =	sadd.s32 s15, s3  }
0x39: {  	s1 =	rddreg [dreg:$0x1];
	s8 =	sshrl.u32 s8, $0x3  }
0x3a: {  	s9 =	simm.s32 $0x0;
	s8 =	sadd.s32 s1, s8  }
0x3b: {  	[tilespmem:s26], [sflag:$0x5] =	stream.linear.gather [hbm4b:s8+s9], $0x1000, $0x38;
	[tilespmem:$0x1E000] =	vst v63  }
0x3c: {  	s3 =	sadd.s32 s14, s3;
	_ =	swait.ge [sflag:s25], $0x1000  }
0x3d: {  	s3 =	sshrl.u32 s3, $0x3;
	[sflag:s25] =	ssyncset.done $0x0  }
0x3e: {  	s3 =	sadd.s32 s6, s3;
	[sflag:s25] =	ssyncadd.s32 $0xFFFFF000  }
0x3f: {  	[tilespmem:s28], [sflag:$0x5] =	stream.linear.gather [hbm4b:s3+s9], $0x1000, $0x38;
	[tilespmem:$0x1E000] =	vst v63  }
0x40: {  	_ =	swait.ge [sflag:s25], $0x1000  }
0x41: {  	[sflag:s25] =	ssyncset.done $0x0  }
0x42: {  	[sflag:s25] =	ssyncadd.s32 $0xFFFFF000  }
0x43: {  	[tilespmem:s24], [sflag:$0x1] =	stream.indirect.gather [hbm4b:s5+s29], $0x80, s26, s29, $0xb8;
	[tilespmem:$0x1E000] =	vst v63  }
0x44: {  	s19 =	simm.s32 $0x14080  }
0x45: {  	[tilespmem:s31], [sflag:$0x2] =	stream.indirect.gather [hbm4b:s5+s29], $0x80, s19, s29, $0xb8;
	[tilespmem:$0x1E000] =	vst v63  }
0x46: {  	_ =	swait.ge [sflag:s0], $0x4000  }
0x47: {  	[sflag:s0] =	ssyncset.done $0x0  }
0x48: {  	[sflag:s0] =	ssyncadd.s32 $0xFFFFC000  }
0x49: {  	[spmem:s2] =	stream.indirect.scatter.add.f32 [tilespmem:s24], [sflag:$0x3], $0x80, s28, s29, $0xb8;
	[tilespmem:$0x1E000] =	vst v63  }
0x4a: {  	_ =	swait.ge [sflag:s4], $0x4000  }
0x4b: {  	[sflag:s4] =	ssyncset.done $0x0  }
0x4c: {  	s20 =	simm.s32 $0x14100;
	[sflag:s4] =	ssyncadd.s32 $0xFFFFC000  }
0x4d: {  	[tilespmem:s24], [sflag:$0x1] =	stream.indirect.gather [hbm4b:s5+s29], $0x80, s20, s29, $0xb8;
	[tilespmem:$0x1E000] =	vst v63  }
0x4e: {  	_ =	swait.ge [sflag:s17], $0x4000  }
0x4f: {  	s22 =	simm.s32 $0x15080;
	p1 =	sge.u32 s10, s13;
	[sflag:s17] =	ssyncset.done $0x0  }
0x50: {  	p0 =	sge.u32 @!p1 s10, s16;
	s3 =	simm.s32 @!p1 $0x4;
	[sflag:s17] =	ssyncadd.s32 $0xFFFFC000  }
0x51: {  	[spmem:s2] =	stream.indirect.scatter.add.f32 [tilespmem:s31], [sflag:$0x4], $0x80, s22, s29, $0xb8;
	[tilespmem:$0x1E000] =	vst v63  }
0x52: {  	p0 =	por p0, p1;
	_ =	swait.ge @!p1 [sflag:s3], $0x4000  }
0x53: {  	s11 =	simm.s32 @!p0 $0x1A000;
	[sflag:s3] =	ssyncset.done @!p1 $0x0  }
0x54: {  	s9 =	simm.s32 @!p0 $0x80;
	[sflag:s3] =	ssyncadd.s32 @!p1 $0xFFFFC000;
	s3 =	simm.s32 @!p0 $0x14180  }
0x55: {  	[tilespmem:s11], [sflag:$0x2] =	stream.indirect.gather @!p0 [hbm4b:s5+s9], $0x80, s3, s9, $0xb8;
	[tilespmem:$0x1E000] =	vst v63  }
0x56: {  	s8 =	simm.s32 @!p1 $0x1;
	s20 =	smov.u32 s10;
	s9 =	sadd.s32 $0x1, s10  }
0x57: {  	s3 =	simm.s32 @!p1 $0x15100;
	_ =	swait.ge @!p1 [sflag:s8], $0x4000;
	p0 =	sge.u32 s9, s13  }
0x58: {  	[sflag:s8] =	ssyncset.done @!p1 $0x0;
	s11 =	simm.s32 @!p0 $0x3;
	p2 =	sge.u32 @!p0 s9, s16  }
0x59: {  	s9 =	simm.s32 @!p1 $0x16000;
	[sflag:s8] =	ssyncadd.s32 @!p1 $0xFFFFC000;
	s8 =	simm.s32 @!p1 $0x80  }
0x5a: {  	[spmem:s2] =	stream.indirect.scatter.add.f32 @!p1 [tilespmem:s9], [sflag:$0x3], $0x80, s3, s8, $0xb8;
	[tilespmem:$0x1E000] =	vst v63  }
0x5b: {  	s8 =	sshll.u32 s21, $0x5;
	p1 =	por p2, p0;
	s3 =	simm.s32 @!p0 $0x80  }
0x5c: {  	_ =	swait.ge @!p0 [sflag:s11], $0x4000;
	s30 =	ssub.s32 s13, s8;
	s9 =	simm.s32 @!p1 $0x80  }
0x5d: {  	s12 =	simm.s32 @!p1 $0x16000;
	s19 =	simm.s32 @!p1 $0x14200;
	[sflag:s11] =	ssyncset.done @!p0 $0x0  }
0x5e: {  	s22 =	smin.u32 s30, $0x20;
	[sflag:s11] =	ssyncadd.s32 @!p0 $0xFFFFC000;
	s11 =	simm.s32 @!p0 $0x15180  }
0x5f: {  	[tilespmem:s12], [sflag:$0x1] =	stream.indirect.gather @!p1 [hbm4b:s5+s9], $0x80, s19, s9, $0xb8;
	[tilespmem:$0x1E000] =	vst v63  }
0x60: {  	s9 =	simm.s32 $0x400;
	s12 =	simm.s32 @!p0 $0x2;
	s19 =	simm.s32 @!p0 $0x1A000  }
.LBB2_3:
0x61: {  	_ =	swait.ge @!p0 [sflag:s12], $0x4000  }
0x62: {  	s20 =	sadd.s32 $0x2, s20;
	s1 =	smov.u32 s9;
	s9 =	sadd.s32 $0x400, s9  }
0x63: {  	p1 =	sne.s32 s9, $0x3800;
	[sflag:s12] =	ssyncset.done @!p0 $0x0  }
0x64: {  	p2 =	sge.u32 s20, s13;
	[sflag:s12] =	ssyncadd.s32 @!p0 $0xFFFFC000  }
0x65: {  	[spmem:s2] =	stream.indirect.scatter.add.f32 @!p0 [tilespmem:s19], [sflag:$0x4], $0x80, s11, s3, $0xb8;
	[tilespmem:$0x1E000] =	vst v63  }
0x66: {  	s3 =	simm.s32 @!p2 $0x4;
	p0 =	sge.u32 @!p2 s20, s16;
	s11 =	sshra.s32 @!p2 s1, $0x2  }
0x67: {  	s12 =	simm.s32 @!p2 $0x1;
	p0 =	por p0, p2;
	_ =	swait.ge @!p2 [sflag:s3], $0x4000  }
0x68: {  	s19 =	sshra.s32 @!p0 s1, $0x2;
	s30 =	simm.s32 @!p0 $0x80;
	[sflag:s3] =	ssyncset.done @!p2 $0x0  }
0x69: {  	[sflag:s3] =	ssyncadd.s32 @!p2 $0xFFFFC000;
	s3 =	sadd.s32 @!p0 $0x14180, s19;
	s19 =	simm.s32 @!p0 $0x1A000  }
0x6a: {  	[tilespmem:s19], [sflag:$0x2] =	stream.indirect.gather @!p0 [hbm4b:s5+s30], $0x80, s3, s30, $0xb8;
	[tilespmem:$0x1E000] =	vst v63  }
0x6b: {  	s3 =	sadd.s32 @!p2 $0x15100, s11;
	_ =	swait.ge @!p2 [sflag:s12], $0x4000  }
0x6c: {  	s11 =	sadd.s32 $0x1, s20;
	[sflag:s12] =	ssyncset.done @!p2 $0x0  }
0x6d: {  	p0 =	sge.u32 s11, s13;
	[sflag:s12] =	ssyncadd.s32 @!p2 $0xFFFFC000;
	s12 =	simm.s32 @!p2 $0x80  }
0x6e: {  	s19 =	simm.s32 @!p0 $0x3;
	p3 =	sge.u32 @!p0 s11, s16;
	s11 =	sshra.s32 @!p0 s1, $0x2  }
0x6f: {  	s30 =	simm.s32 @!p2 $0x16000;
	p3 =	por p3, p0;
	s11 =	sadd.s32 @!p0 $0x15180, s11  }
0x70: {  	s1 =	sshra.s32 @!p3 s1, $0x2;
	s7 =	simm.s32 @!p3 $0x80;
	s18 =	simm.s32 @!p3 $0x16000  }
0x71: {  	[spmem:s2] =	stream.indirect.scatter.add.f32 @!p2 [tilespmem:s30], [sflag:$0x3], $0x80, s3, s12, $0xb8;
	[tilespmem:$0x1E000] =	vst v63  }
.Ltmp0:
0x72: {  	_ = 	snop;
	(pc) =	sbr.rel @p1 .LBB2_3-.Ltmp0, $4  }
0x73: {  	s1 =	sadd.s32 @!p3 $0x14200, s1;
	s12 =	simm.s32 @!p0 $0x2;
	_ =	swait.ge @!p0 [sflag:s19], $0x4000  }
0x74: {  	[sflag:s19] =	ssyncset.done @!p0 $0x0  }
0x75: {  	s3 =	simm.s32 @!p0 $0x80;
	[sflag:s19] =	ssyncadd.s32 @!p0 $0xFFFFC000;
	s19 =	simm.s32 @!p0 $0x1A000  }
0x76: {  	[tilespmem:s18], [sflag:$0x1] =	stream.indirect.gather @!p3 [hbm4b:s5+s7], $0x80, s1, s7, $0xb8;
	[tilespmem:$0x1E000] =	vst v63  }
0x77: {  	_ =	swait.ge @!p0 [sflag:s12], $0x4000  }
0x78: {  	[sflag:s12] =	ssyncset.done @!p0 $0x0  }
0x79: {  	s1 =	sor.u32 $0x1E, s8;
	[sflag:s12] =	ssyncadd.s32 @!p0 $0xFFFFC000  }
0x7a: {  	[spmem:s2] =	stream.indirect.scatter.add.f32 @!p0 [tilespmem:s19], [sflag:$0x4], $0x80, s11, s3, $0xb8;
	[tilespmem:$0x1E000] =	vst v63  }
0x7b: {  	p0 =	sge.u32 s1, s13  }
0x7c: {  	s3 =	simm.s32 @!p0 $0x4;
	p1 =	sge.u32 @!p0 s1, s16  }
0x7d: {  	_ =	swait.ge @!p0 [sflag:s3], $0x4000;
	p1 =	por p1, p0  }
0x7e: {  	[sflag:s3] =	ssyncset.done @!p0 $0x0;
	s1 =	simm.s32 @!p1 $0x80  }
0x7f: {  	s7 =	simm.s32 @!p1 $0x1A000;
	[sflag:s3] =	ssyncadd.s32 @!p0 $0xFFFFC000;
	s3 =	simm.s32 @!p1 $0x14F80  }
0x80: {  	[tilespmem:s7], [sflag:$0x2] =	stream.indirect.gather @!p1 [hbm4b:s5+s1], $0x80, s3, s1, $0xb8;
	[tilespmem:$0x1E000] =	vst v63  }
0x81: {  	s1 =	simm.s32 @!p0 $0x1  }
0x82: {  	_ =	swait.ge @!p0 [sflag:s1], $0x4000  }
0x83: {  	s3 =	simm.s32 @!p0 $0x15F00;
	[sflag:s1] =	ssyncset.done @!p0 $0x0  }
0x84: {  	s7 =	simm.s32 @!p0 $0x16000;
	[sflag:s1] =	ssyncadd.s32 @!p0 $0xFFFFC000;
	s1 =	simm.s32 @!p0 $0x80  }
0x85: {  	[spmem:s2] =	stream.indirect.scatter.add.f32 @!p0 [tilespmem:s7], [sflag:$0x3], $0x80, s3, s1, $0xb8;
	[tilespmem:$0x1E000] =	vst v63  }
0x86: {  	p0 =	sge.u32 s8, s23  }
0x87: {  	s1 =	simm.s32 @!p0 $0x3  }
0x88: {  	_ =	swait.ge @!p0 [sflag:s1], $0x4000  }
0x89: {  	[sflag:s1] =	ssyncset.done @!p0 $0x0  }
0x8a: {  	[sflag:s1] =	ssyncadd.s32 @!p0 $0xFFFFC000;
	s1 =	simm.s32 @!p0 $0x2  }
0x8b: {  	_ =	swait.ge @!p0 [sflag:s1], $0x4000  }
0x8c: {  	s30 =	sand.u32 $0x1, s22;
	s3 =	simm.s32 @!p0 $0x15F80;
	[sflag:s1] =	ssyncset.done @!p0 $0x0  }
0x8d: {  	s7 =	simm.s32 @!p0 $0x1A000;
	[sflag:s1] =	ssyncadd.s32 @!p0 $0xFFFFC000;
	s1 =	simm.s32 @!p0 $0x80  }
0x8e: {  	[spmem:s2] =	stream.indirect.scatter.add.f32 @!p0 [tilespmem:s7], [sflag:$0x4], $0x80, s3, s1, $0xb8;
	[tilespmem:$0x1E000] =	vst v63  }
0x8f: {  	s21 =	sadd.s32 $0x1, s21;
	p0 =	seq.s32 s30, $0x1;
	s1 =	simm.s32 $0x3  }
0x90: {  	s1 =	simm.s32 @!p0 $0x4;
	p0 =	sne.s32 s21, $0x5  }
.Ltmp1:
0x91: {  	_ = 	snop;
	(pc) =	sbr.rel @p0 .LBB2_2-.Ltmp1, $4  }
0x92: {  	_ = 	snop  }
0x93: {  	_ =	swait.ge [sflag:s1], $0x4000  }
0x94: {  	[sflag:s1] =	ssyncset.done $0x0  }
0x95: {  	s10 =	sadd.s32 $0x20, s10;
	[sflag:s1] =	ssyncadd.s32 $0xFFFFC000  }
0x96: {  	[bflag:$0x0] =	sbarrier.arrive $0xFFFF  }
0x97: {  	s18 =	rddreg [dreg:$0x5]  }
0x98: {  	[tilespmem:s24], [sflag:$0x5] =	stream.linear.gather [spmem:s18], $0x4000, $0x38;
	[tilespmem:$0x1E000] =	vst v63  }
0x99: {  	_ =	swait.ge [sflag:s25], $0x4000  }
0x9a: {  	[sflag:s25] =	ssyncset.done $0x0  }
0x9b: {  	s1 =	simm.s32 $0x0;
	s3 =	rddreg [dreg:$0xa];
	[sflag:s25] =	ssyncadd.s32 $0xFFFFC000  }
0x9c: {  	[hbm4b:s3+s1] =	stream.linear.scatter [tilespmem:s24], [sflag:$0x5], $0x4000, $0x38;
	[tilespmem:$0x1E000] =	vst v63  }
0x9d: {  	_ =	swait.ge [sflag:s25], $0x4000  }
0x9e: {  	[sflag:s25] =	ssyncset.done $0x0  }
0x9f: {  	s19 =	rddreg [dreg:$0x6];
	[sflag:s25] =	ssyncadd.s32 $0xFFFFC000  }
0xa0: {  	[tilespmem:s24], [sflag:$0x5] =	stream.linear.gather [spmem:s19], $0x4000, $0x38;
	[tilespmem:$0x1E000] =	vst v63  }
0xa1: {  	_ =	swait.ge [sflag:s25], $0x4000  }
0xa2: {  	[sflag:s25] =	ssyncset.done $0x0  }
0xa3: {  	s11 =	rddreg [dreg:$0xb];
	[sflag:s25] =	ssyncadd.s32 $0xFFFFC000  }
0xa4: {  	[hbm4b:s11+s1] =	stream.linear.scatter [tilespmem:s24], [sflag:$0x5], $0x4000, $0x38;
	[tilespmem:$0x1E000] =	vst v63  }
0xa5: {  	_ =	swait.ge [sflag:s25], $0x4000  }
0xa6: {  	[sflag:s25] =	ssyncset.done $0x0  }
0xa7: {  	s20 =	rddreg [dreg:$0x7];
	[sflag:s25] =	ssyncadd.s32 $0xFFFFC000  }
0xa8: {  	[tilespmem:s24], [sflag:$0x5] =	stream.linear.gather [spmem:s20], $0x4000, $0x38;
	[tilespmem:$0x1E000] =	vst v63  }
0xa9: {  	_ =	swait.ge [sflag:s25], $0x4000  }
0xaa: {  	[sflag:s25] =	ssyncset.done $0x0  }
0xab: {  	s12 =	rddreg [dreg:$0xc];
	[sflag:s25] =	ssyncadd.s32 $0xFFFFC000  }
0xac: {  	[hbm4b:s12+s1] =	stream.linear.scatter [tilespmem:s24], [sflag:$0x5], $0x4000, $0x38;
	[tilespmem:$0x1E000] =	vst v63  }
0xad: {  	_ =	swait.ge [sflag:s25], $0x4000  }
0xae: {  	[sflag:s25] =	ssyncset.done $0x0  }
0xaf: {  	s12 =	rddreg [dreg:$0x8];
	[sflag:s25] =	ssyncadd.s32 $0xFFFFC000  }
0xb0: {  	[tilespmem:s24], [sflag:$0x5] =	stream.linear.gather [spmem:s12], $0x4000, $0x38;
	[tilespmem:$0x1E000] =	vst v63  }
0xb1: {  	_ =	swait.ge [sflag:s25], $0x4000  }
0xb2: {  	[sflag:s25] =	ssyncset.done $0x0  }
0xb3: {  	s21 =	rddreg [dreg:$0xd];
	[sflag:s25] =	ssyncadd.s32 $0xFFFFC000  }
0xb4: {  	[hbm4b:s21+s1] =	stream.linear.scatter [tilespmem:s24], [sflag:$0x5], $0x4000, $0x38;
	[tilespmem:$0x1E000] =	vst v63  }
0xb5: {  	_ =	swait.ge [sflag:s25], $0x4000  }
0xb6: {  	[sflag:s25] =	ssyncset.done $0x0  }
0xb7: {  	s21 =	rddreg [dreg:$0x9];
	[sflag:s25] =	ssyncadd.s32 $0xFFFFC000  }
0xb8: {  	[tilespmem:s24], [sflag:$0x5] =	stream.linear.gather [spmem:s21], $0x4000, $0x38;
	[tilespmem:$0x1E000] =	vst v63  }
0xb9: {  	_ =	swait.ge [sflag:s25], $0x4000  }
0xba: {  	[sflag:s25] =	ssyncset.done $0x0  }
0xbb: {  	s22 =	rddreg [dreg:$0xe];
	[sflag:s25] =	ssyncadd.s32 $0xFFFFC000  }
0xbc: {  	[hbm4b:s22+s1] =	stream.linear.scatter [tilespmem:s24], [sflag:$0x5], $0x4000, $0x38;
	[tilespmem:$0x1E000] =	vst v63  }
0xbd: {  	_ =	swait.ge [sflag:s25], $0x4000  }
0xbe: {  	s7 =	rddreg [dreg:$0x10]  }
0xbf: {  	s30 =	rddreg [dreg:$0xf];
	s7 =	sadd.s32 $0x1, s7  }
0xc0: {  	p0 =	sne.s32 s7, s30  }
.Ltmp2:
0xc1: {  	_ = 	snop;
	(pc) =	sbr.rel @p0 .LBB2_1-.Ltmp2, $3  }
0xc2: {  	_ =	sdelay $0x1  }
0xc3: {  	[sflag:s25] =	ssyncset.done $0x0  }
0xc4: {  	[sflag:s25] =	ssyncadd.s32 $0xFFFFC000  }
0xc5: {  	_ =	sfence.sel $0x180000  }
0xc6: {  	[bflag:$0x0] =	sbarrier.arrive $0xFFFF  }
0xc7: {  	_ =	strace $0x90000050  }
0xc8: {  	s0 =	stileid.u32;
	[bflag:$0x2] =	sbarrier.arrive $0xFFFF  }
0xc9: {  	p0 =	sne.s32 s0, $0x0;
	s0 =	rddreg [dreg:$0x3]  }
0xca: {  	s0 =	sadd.s32 @!p0 $0x100000, s0  }
0xcb: {  	[sflag:s0] =	ssyncadd.tile.s32 @!p0 $0x1;
	_ =	shalt  }
.Lfunc_end2:
_tile_overlayer_lowered:
.L_overlay_start_2:
0xcc: {  	(tag) =	ssettag $0x2  }
0xcd: {  	s0 =	rddreg [dreg:$0x0];
	s2 =	stileid.u32  }
0xce: {  	s1 =	rddreg [dreg:$0x1];
	p0 =	sne.s32 s2, $0x0  }
0xcf: {  	s3 =	rddreg [dreg:$0x2];
	[bflag:$0x3] =	sbarrier.arrive $0xFFFF;
	s2 =	simm.s32 @!p0 $0x1C05  }
0xd0: {  	[timem:s3], [sflag:s2] =	dma.local @!p0 [hbm:s0], s1  }
0xd1: {  	s0 =	simm.s32 @!p0 $0x5  }
0xd2: {  	_ =	swait.ge @!p0 [sflag:s0], s1  }
0xd3: {  	s1 =	ssub.s32 @!p0 $0x0, s1;
	[sflag:s0] =	ssyncset.done @!p0 $0x0  }
0xd4: {  	[sflag:s0] =	ssyncadd.s32 @!p0 s1  }
0xd5: {  	[bflag:$0x3] =	sbarrier.arrive $0xFFFF  }
0xd6: {  	_ =	shalt  }

// kernel: kernel.16.cloned.1.call-start
scs
__scs_entry_jumppad:
0x0: {  	(pc) =	sbr.rel $0x88, $3  }
0x1: {  	(tag) =	ssettag $0x0;
	lr =	simm.s32 $0x1  }
0x2: {  	[smem:$0x3F99] =	sst lr;
	_ =	strace $0xD0000000  }
0x3: {  	_ = 	snop  }
0x4: {  	_ = 	snop  }
0x5: {  	_ = 	snop  }
0x6: {  	_ = 	snop  }
0x7: {  	_ = 	snop  }
__scs_overlays_trampoline_lowered:
0x8: {  	[smem:$0x3FA8] =	sst s0  }
0x9: {  	[smem:$0x3FA9] =	sst s1  }
0xa: {  	[smem:$0x3FAA] =	sst s2  }
0xb: {  	[smem:$0x3FAB] =	sst s3  }
0xc: {  	[smem:$0x3FAC] =	sst s4  }
0xd: {  	[smem:$0x3FAD] =	sst s5  }
0xe: {  	[smem:$0x3FAE] =	sst s6  }
0xf: {  	[smem:$0x3FAF] =	sst s7  }
0x10: {  	[smem:$0x3FB0] =	sst s8  }
0x11: {  	[smem:$0x3FB1] =	sst s9;
	s0 =	simm.s32 @!p0 $0x0  }
0x12: {  	s1 =	sld [smem:$0x3F97];
	s0 =	simm.s32 @p0 $0x1  }
0x13: {  	[smem:$0x3FB2] =	sst s0;
	s0 =	simm.s32 @!p1 $0x0  }
0x14: {  	s2 =	sld [smem:$0x3F96];
	s0 =	simm.s32 @p1 $0x1  }
0x15: {  	[smem:$0x3FB3] =	sst s0;
	s0 =	simm.s32 @!p2 $0x0  }
0x16: {  	s3 =	sld [smem:$0x3FDB];
	s0 =	simm.s32 @p2 $0x1  }
0x17: {  	s4 =	simm.s32 $0x1BF5;
	[smem:$0x3FB5] =	sst s0  }
0x18: {  	s0 =	sld [smem:$0x3F98];
	_ =	swait.ge [sflag:s4], $0x0  }
0x19: {  	s7 =	sld [smem:$0x3F99]  }
0x1a: {  	s8 =	sadd.s32 $0xFFFFE003, lr  }
0x1b: {  	s9 =	sadd.s32 $0xFFFFFEF7, lr;
	s5 =	simm.s32 $0xFFFFFFFF;
	p2 =	slt.u32 s8, $0xFFFFF086  }
0x1c: {  	p1 =	slt.u32 s9, $0xF7A;
	s5 =	simm.s32 @!p2 $0x0  }
0x1d: {  	s5 =	simm.s32 @p1 $0x1;
	p0 =	seq.s32 s7, s2  }
0x1e: {  	s7 =	smul.u32 @!p0 $0xF7A, s2;
	p2 =	seq.s32 @!p0 s5, $0x0  }
0x1f: {  	s9 =	smul.u32 $0xF7A, s1;
	s8 =	simm.s32 @!p0 $0x1BF5;
	p2 =	por !p2, p0  }
0x20: {  	[sflag:s8] =	ssyncset.s32 @!p0 $0xFFFFF086;
	s6 =	sadd.s32 @!p0 s3, s7;
	s7 =	simm.s32 @!p0 $0x108  }
0x21: {  	s3 =	sadd.s32 s3, s9;
	s6 =	sadd.s32 @!p0 $0x88, s6;
	s7 =	simm.s32 @p2 $0x1082  }
0x22: {  	[simem:s7], [sflag:s8] =	dma.local @!p0 [hbm:s6], $0xF7A  }
0x23: {  	s9 =	sor.u32 $0xD0000000, s2;
	s6 =	simm.s32 $0x108;
	_ =	swait.ge @!p0 [sflag:s8], $0x0  }
0x24: {  	s3 =	sadd.s32 $0x88, s3;
	s6 =	simm.s32 @!p1 $0x1082;
	[sflag:s4] =	ssyncset.s32 $0xFFFFF086  }
0x25: {  	[simem:s6], [sflag:s4] =	dma.local [hbm:s3], $0xF7A  }
0x26: {  	[smem:$0x3F99] =	sst s1;
	(tag) =	ssettag s2;
	_ =	strace s9  }
0x27: {  	s1 =	sld [smem:$0x3FA9]  }
0x28: {  	s2 =	sld [smem:$0x3FAA]  }
0x29: {  	s4 =	sld [smem:$0x3FAC]  }
0x2a: {  	p0 =	seq.s32 s5, $0x0;
	s5 =	sld [smem:$0x3FAD]  }
0x2b: {  	s6 =	sld [smem:$0x3FAE]  }
0x2c: {  	s7 =	sld [smem:$0x3FAF]  }
0x2d: {  	s3 =	simm.s32 $0x108;
	s8 =	sld [smem:$0x3FB0]  }
0x2e: {  	s3 =	simm.s32 @!p0 $0x1082;
	s9 =	sld [smem:$0x3FB1]  }
0x2f: {  	lr =	sadd.s32 s0, s3;
	s0 =	sld [smem:$0x3FA8]  }
0x30: {  	s3 =	sld [smem:$0x3FAB]  }
0x31: {  	[smem:$0x3FB4] =	sst s10  }
0x32: {  	s10 =	sld [smem:$0x3FB2];
	_ =	sdelay $0x3  }
0x33: {  	p0 =	seq.s32 s10, $0x1;
	s10 =	sld [smem:$0x3FB4];
	_ =	sdelay $0x3  }
0x34: {  	[smem:$0x3FB4] =	sst s10  }
0x35: {  	s10 =	sld [smem:$0x3FB3];
	_ =	sdelay $0x3  }
0x36: {  	p1 =	seq.s32 s10, $0x1;
	s10 =	sld [smem:$0x3FB4];
	_ =	sdelay $0x3  }
0x37: {  	[smem:$0x3FB4] =	sst s10  }
0x38: {  	s10 =	sld [smem:$0x3FB5]  }
0x39: {  	_ = 	snop;
	(pc) =	sbr.ind lr, $3  }
0x3a: {  	_ = 	snop  }
0x3b: {  	_ = 	snop  }
0x3c: {  	p2 =	seq.s32 s10, $0x1;
	s10 =	sld [smem:$0x3FB4]  }
0x3d: {  	_ =	shalt  }
0x3e: {  	_ =	shalt  }
0x3f: {  	_ =	shalt  }
0x40: {  	_ =	shalt  }
0x41: {  	_ =	shalt  }
0x42: {  	_ =	shalt  }
0x43: {  	_ =	shalt  }
0x44: {  	_ =	shalt  }
0x45: {  	_ =	shalt  }
0x46: {  	_ =	shalt  }
0x47: {  	_ =	shalt  }
0x48: {  	_ =	shalt  }
0x49: {  	_ =	shalt  }
0x4a: {  	_ =	shalt  }
0x4b: {  	_ =	shalt  }
0x4c: {  	_ =	shalt  }
0x4d: {  	_ =	shalt  }
0x4e: {  	_ =	shalt  }
0x4f: {  	_ =	shalt  }
0x50: {  	_ =	shalt  }
0x51: {  	_ =	shalt  }
0x52: {  	_ =	shalt  }
0x53: {  	_ =	shalt  }
0x54: {  	_ =	shalt  }
0x55: {  	_ =	shalt  }
0x56: {  	_ =	shalt  }
0x57: {  	_ =	shalt  }
0x58: {  	_ =	shalt  }
0x59: {  	_ =	shalt  }
0x5a: {  	_ =	shalt  }
0x5b: {  	_ =	shalt  }
0x5c: {  	_ =	shalt  }
0x5d: {  	_ =	shalt  }
0x5e: {  	_ =	shalt  }
0x5f: {  	_ =	shalt  }
0x60: {  	_ =	shalt  }
0x61: {  	_ =	shalt  }
0x62: {  	_ =	shalt  }
0x63: {  	_ =	shalt  }
0x64: {  	_ =	shalt  }
0x65: {  	_ =	shalt  }
0x66: {  	_ =	shalt  }
0x67: {  	_ =	shalt  }
0x68: {  	_ =	shalt  }
0x69: {  	_ =	shalt  }
0x6a: {  	_ =	shalt  }
0x6b: {  	_ =	shalt  }
0x6c: {  	_ =	shalt  }
0x6d: {  	_ =	shalt  }
0x6e: {  	_ =	shalt  }
0x6f: {  	_ =	shalt  }
0x70: {  	_ =	shalt  }
0x71: {  	_ =	shalt  }
0x72: {  	_ =	shalt  }
0x73: {  	_ =	shalt  }
0x74: {  	_ =	shalt  }
0x75: {  	_ =	shalt  }
0x76: {  	_ =	shalt  }
0x77: {  	_ =	shalt  }
0x78: {  	_ =	shalt  }
0x79: {  	_ =	shalt  }
0x7a: {  	_ =	shalt  }
0x7b: {  	_ =	shalt  }
0x7c: {  	_ =	shalt  }
0x7d: {  	_ =	shalt  }
0x7e: {  	_ =	shalt  }
0x7f: {  	_ =	shalt  }
0x80: {  	_ =	shalt  }
0x81: {  	_ =	shalt  }
0x82: {  	_ =	shalt  }
0x83: {  	_ =	shalt  }
0x84: {  	_ =	shalt  }
0x85: {  	_ =	shalt  }
0x86: {  	_ =	shalt  }
0x87: {  	_ =	shalt  }
.Lfunc_end0:
.L_simem_size_0:
called_computation.4_lowered:
.L_overlay_start_0:
0x88: {  	s2 =	sld [smem:$0x3FD9]  }
0x89: {  	s3 =	sld [smem:$0x3FFE];
	_ =	sdelay $0x1  }
0x8a: {  	s1 =	srdreg.scid  }
0x8b: {  	s0 =	sand.u32 $0x1, s1  }
0x8c: {  	s17 =	sshll.u32 s0, $0xA;
	s2 =	sadd.s32 s3, s2  }
0x8d: {  	s2 =	sadd.s32 s2, s17  }
0x8e: {  	[smem:$0x3FC0] =	sst s2  }
0x8f: {  	_ = 	snop  }
0x90: {  	s2 =	sld [smem:$0x3FD0];
	(tm) =	ssettm $0x1  }
0x91: {  	s18 =	sld [smem:$0x3FFB];
	_ =	sdelay $0x3  }
0x92: {  	_ =	strace s18  }
0x93: {  	s3 =	sld [smem:$0x3FFC];
	_ =	sdelay $0x3  }
0x94: {  	_ =	strace s3  }
0x95: {  	s3 =	sld [smem:$0x3FFD];
	_ =	sdelay $0x3  }
0x96: {  	_ =	strace s3  }
0x97: {  	_ =	strace $0x8FFFFFFF  }
0x98: {  	s19 =	sld [smem:$0x3FDB];
	_ =	sdelay $0x1  }
0x99: {  	s4 =	simm.s32 $_scs_section_size  }
0x9a: {  	s5 =	simm.s32 $_size__tile_overlayer_lowered;
	s6 =	simm.s32 $_tile_overlayer_lowered  }
0x9b: {  	s22 =	simm.s32 $0x1BFF;
	s21 =	sshll.u32 s6, $0x1;
	s3 =	sadd.s32 s4, s19  }
0x9c: {  	s7 =	simm.s32 $0x0;
	s20 =	sshll.u32 s5, $0x1;
	s5 =	sadd.s32 s21, s3  }
0x9d: {  	[timem:s7], [sflag:s22] =	dma.local [hbm:s5], s20  }
0x9e: {  	_ =	swait.ge [sflag:s22], s20  }
0x9f: {  	s4 =	ssub.s32 $0x0, s20;
	[sflag:s22] =	ssyncset.done $0x0  }
0xa0: {  	[sflag:s22] =	ssyncadd.s32 s4;
	_ =	sdelay $0x1  }
0xa1: {  	s23 =	simm.s32 $0x1B8B  }
0xa2: {  	_ =	swait.ge [sflag:s23], $0x1  }
0xa3: {  	[sflag:s23] =	ssyncset.done $0x0  }
0xa4: {  	s25 =	simm.s32 $0x1B8E;
	s24 =	sld [smem:$0x3FFE];
	[sflag:s23] =	ssyncadd.s32 $0xFFFFFFFF  }
0xa5: {  	s26 =	simm.s32 $execute0_lowered;
	[smem:$0x3FD2] =	sst s25  }
0xa6: {  	s5 =	sshll.u32 s26, $0x1;
	_ =	strace $0x80000052;
	[dreg:$0x1] =	wrdreg $0xFFFFFFFF  }
0xa7: {  	s28 =	simm.s32 $_size_execute0_lowered;
	s3 =	sadd.s32 s3, s5;
	[dreg:$0x0] =	wrdreg $0x0  }
0xa8: {  	s5 =	sshll.u32 s28, $0x1;
	[dreg:$0x2] =	wrdreg s3  }
0xa9: {  	[dreg:$0x3] =	wrdreg s5  }
0xaa: {  	[dreg:$0x4] =	wrdreg $0xC0  }
0xab: {  	_ =	task [dreg:s7], $0x5FFFF  }
0xac: {  	[dreg:$0x1] =	wrdreg $0xFFFFFFFF  }
0xad: {  	[dreg:$0x0] =	wrdreg $0x60  }
0xae: {  	[dreg:$0x2] =	wrdreg s24  }
0xaf: {  	[dreg:$0x3] =	wrdreg s2  }
0xb0: {  	[dreg:$0x4] =	wrdreg $0x0  }
0xb1: {  	[dreg:$0x5] =	wrdreg $0x9  }
0xb2: {  	_ =	task.clear_ibuf [dreg:s7], $0x6FFFF;
	_ =	strace $0x90000052  }
0xb3: {  	s29 =	simm.s32 $0x9;
	_ =	strace $0x80000054  }
0xb4: {  	_ =	swait.ge [sflag:s29], $0x1  }
0xb5: {  	[sflag:s29] =	ssyncadd.s32 $0xFFFFFFFF  }
0xb6: {  	_ =	strace $0x90000054  }
0xb7: {  	_ =	sfence  }
0xb8: {  	s30 =	sld [smem:$0x0];
	_ =	sdelay $0x2  }
0xb9: {  	s31 =	sshll.u32 s1, $0xD;
	s1 =	sshrl.u32 s1, $0x2  }
0xba: {  	s3 =	sand.u32 $0x4000, s31;
	s1 =	sadd.s32 s1, s30  }
0xbb: {  	s0 =	sor.u32 s3, s0;
	s1 =	sshll.u32 s1, $0x11  }
0xbc: {  	s0 =	sor.u32 s1, s0  }
0xbd: {  	s0 =	sadd.s32 $0x8F2B, s0  }
0xbe: {  	[sflag:s0] =	ssyncadd.remote.s32 $0x1  }
0xbf: {  	_ =	sfence.sel $0xFFFF  }
0xc0: {  	[dreg:$0x0] =	wrdreg $0xFFFFFFFF;
	(pc) =	sbr.abs _section_cstart, $3  }
0xc1: {  	[dreg:$0x1] =	wrdreg $0xFFFFFFFF  }
0xc2: {  	_ =	task.clear_ibuf [dreg:s7], $0x2FFFF;
	_ =	strace $0x9FFFFFFF  }
0xc3: {  	(tm) =	ssettm $0x7FFFFFFF  }
tec
execute0_lowered:
.L_overlay_start_1:
0x0: {  	(tag) =	ssettag $0x1  }
0x1: {  	s0 =	rddreg [dreg:$0x0]  }
0x2: {  	s2 =	rddreg [dreg:$0x2];
	s1 =	simm.s32 $0x0  }
0x3: {  	s3 =	srdreg.scid;
	s14 =	stileid.u32;
	s28 =	simm.s32 $0x15000  }
0x4: {  	s29 =	simm.s32 $0x80;
	s31 =	simm.s32 $0x1A000;
	[smem:$0x7FF] =	sst s1  }
0x5: {  	s5 =	sadd.s32 $0x20A00, s0;
	s3 =	sand.u32 $0x1, s3;
	s7 =	smul.u32 $0x280, s14  }
0x6: {  	s6 =	sadd.s32 $0x16A00, s0;
	s8 =	sadd.s32 $0x2E00, s0;
	s9 =	smul.u32 $0x50000, s14  }
0x7: {  	s0 =	sadd.s32 $0x70A00, s0;
	p0 =	slt.u32 s14, $0x4;
	s14 =	smul.u32 $0x5000, s14  }
0x8: {  	_ =	strace $0x80000053;
	s4 =	ssub.s32 $0x2, s3;
	s15 =	smul.u32 $0x50000, s3  }
0x9: {  	[dreg:$0x4] =	wrdreg s8;
	s3 =	smul.u32 $0x2800, s3;
	s26 =	sshrl.u32 s4, $0x1  }
0xa: {  	s30 =	sadd.s32 $0x80, s7;
	s9 =	sshrl.u32 s9, $0x2;
	s11 =	sadd.s32 $0x100, s7  }
0xb: {  	s17 =	sadd.s32 $0x180, s7;
	s22 =	sadd.s32 $0x200, s7;
	s4 =	ssub.s32 s4, s26  }
0xc: {  	s10 =	sshll.u32 s30, $0x7;
	s18 =	sadd.s32 s9, s2;
	s16 =	sshll.u32 s11, $0x7  }
0xd: {  	s12 =	sshll.u32 s17, $0x7;
	s13 =	sshll.u32 s22, $0x7;
	s7 =	sadd.s32 s7, s3  }
0xe: {  	s8 =	sadd.s32 s3, s30;
	s15 =	sadd.s32 s15, s14;
	s24 =	sadd.s32 s3, s11  }
0xf: {  	s25 =	sadd.s32 s3, s17;
	s3 =	sadd.s32 s3, s22;
	s17 =	simm.s32 $0x2  }
0x10: {  	s19 =	sadd.s32 s10, s2;
	s30 =	smax.u32 s4, $0x1;
	[dreg:$0x5] =	wrdreg s18  }
0x11: {  	s20 =	sadd.s32 s16, s2;
	s12 =	sadd.s32 s12, s2;
	[dreg:$0xf] =	wrdreg s30  }
0x12: {  	s21 =	sadd.s32 s13, s2;
	s13 =	simm.s32 $0x9D;
	[dreg:$0x6] =	wrdreg s19  }
0x13: {  	s7 =	sshll.u32 s7, $0x4;
	s8 =	sshll.u32 s8, $0x4;
	[dreg:$0x7] =	wrdreg s20  }
0x14: {  	s3 =	sshll.u32 s3, $0x4;
	s4 =	simm.s32 $0x3;
	[dreg:$0x8] =	wrdreg s12  }
0x15: {  	s13 =	simm.s32 @!p0 $0x9C;
	s7 =	sadd.s32 s0, s7;
	[dreg:$0x9] =	wrdreg s21  }
0x16: {  	s23 =	sadd.s32 s0, s8;
	s8 =	sshll.u32 s25, $0x4;
	[dreg:$0xa] =	wrdreg s7  }
0x17: {  	s25 =	simm.s32 $0x5;
	s16 =	sadd.s32 $0xFFFFFFFF, s13;
	[dreg:$0xb] =	wrdreg s23  }
0x18: {  	s7 =	sshll.u32 s24, $0x4;
	s26 =	sadd.s32 s0, s8;
	s23 =	sadd.s32 $0xFFFFFFE1, s13  }
0x19: {  	s24 =	simm.s32 $0x16000;
	s7 =	sadd.s32 s0, s7;
	[dreg:$0xd] =	wrdreg s26  }
0x1a: {  	s0 =	sadd.s32 s0, s3;
	s26 =	simm.s32 $0x14000;
	[dreg:$0xc] =	wrdreg s7  }
0x1b: {  	[dreg:$0xe] =	wrdreg s0;
	s0 =	simm.s32 $0x1;
	s7 =	simm.s32 $0x0  }
.LBB2_1:
0x1c: {  	[dreg:$0x10] =	wrdreg s7  }
0x1d: {  	s3 =	rddreg [dreg:$0x4]  }
0x1e: {  	[tilespmem:s24], [sflag:$0x5] =	stream.linear.gather [hbm4b:s3+s1], $0x4000, $0x38;
	[tilespmem:$0x1E000] =	vst v63  }
0x1f: {  	_ =	swait.ge [sflag:s25], $0x4000  }
0x20: {  	[sflag:s25] =	ssyncset.done $0x0  }
0x21: {  	[sflag:s25] =	ssyncadd.s32 $0xFFFFC000  }
0x22: {  	[spmem:s18] =	stream.linear.scatter [tilespmem:s24], [sflag:$0x5], $0x4000, $0x38;
	[tilespmem:$0x1E000] =	vst v63  }
0x23: {  	_ =	swait.ge [sflag:s25], $0x4000  }
0x24: {  	[sflag:s25] =	ssyncset.done $0x0  }
0x25: {  	[sflag:s25] =	ssyncadd.s32 $0xFFFFC000  }
0x26: {  	[spmem:s19] =	stream.linear.scatter [tilespmem:s24], [sflag:$0x5], $0x4000, $0x38;
	[tilespmem:$0x1E000] =	vst v63  }
0x27: {  	_ =	swait.ge [sflag:s25], $0x4000  }
0x28: {  	[sflag:s25] =	ssyncset.done $0x0  }
0x29: {  	[sflag:s25] =	ssyncadd.s32 $0xFFFFC000  }
0x2a: {  	[spmem:s20] =	stream.linear.scatter [tilespmem:s24], [sflag:$0x5], $0x4000, $0x38;
	[tilespmem:$0x1E000] =	vst v63  }
0x2b: {  	_ =	swait.ge [sflag:s25], $0x4000  }
0x2c: {  	[sflag:s25] =	ssyncset.done $0x0  }
0x2d: {  	[sflag:s25] =	ssyncadd.s32 $0xFFFFC000  }
0x2e: {  	[spmem:s12] =	stream.linear.scatter [tilespmem:s24], [sflag:$0x5], $0x4000, $0x38;
	[tilespmem:$0x1E000] =	vst v63  }
0x2f: {  	_ =	swait.ge [sflag:s25], $0x4000  }
0x30: {  	[sflag:s25] =	ssyncset.done $0x0  }
0x31: {  	[sflag:s25] =	ssyncadd.s32 $0xFFFFC000  }
0x32: {  	[spmem:s21] =	stream.linear.scatter [tilespmem:s24], [sflag:$0x5], $0x4000, $0x38;
	[tilespmem:$0x1E000] =	vst v63  }
0x33: {  	_ =	swait.ge [sflag:s25], $0x4000  }
0x34: {  	[sflag:s25] =	ssyncset.done $0x0  }
0x35: {  	[sflag:s25] =	ssyncadd.s32 $0xFFFFC000  }
0x36: {  	s10 =	simm.s32 $0x2;
	s21 =	simm.s32 $0x0;
	[bflag:$0x0] =	sbarrier.arrive $0xFFFF  }
.LBB2_2:
0x37: {  	s3 =	sshll.u32 s21, $0xC  }
0x38: {  	s8 =	sadd.s32 s15, s3  }
0x39: {  	s1 =	rddreg [dreg:$0x1];
	s8 =	sshrl.u32 s8, $0x3  }
0x3a: {  	s9 =	simm.s32 $0x0;
	s8 =	sadd.s32 s1, s8  }
0x3b: {  	[tilespmem:s26], [sflag:$0x5] =	stream.linear.gather [hbm4b:s8+s9], $0x1000, $0x38;
	[tilespmem:$0x1E000] =	vst v63  }
0x3c: {  	s3 =	sadd.s32 s14, s3;
	_ =	swait.ge [sflag:s25], $0x1000  }
0x3d: {  	s3 =	sshrl.u32 s3, $0x3;
	[sflag:s25] =	ssyncset.done $0x0  }
0x3e: {  	s3 =	sadd.s32 s6, s3;
	[sflag:s25] =	ssyncadd.s32 $0xFFFFF000  }
0x3f: {  	[tilespmem:s28], [sflag:$0x5] =	stream.linear.gather [hbm4b:s3+s9], $0x1000, $0x38;
	[tilespmem:$0x1E000] =	vst v63  }
0x40: {  	_ =	swait.ge [sflag:s25], $0x1000  }
0x41: {  	[sflag:s25] =	ssyncset.done $0x0  }
0x42: {  	[sflag:s25] =	ssyncadd.s32 $0xFFFFF000  }
0x43: {  	[tilespmem:s24], [sflag:$0x1] =	stream.indirect.gather [hbm4b:s5+s29], $0x80, s26, s29, $0xb8;
	[tilespmem:$0x1E000] =	vst v63  }
0x44: {  	s19 =	simm.s32 $0x14080  }
0x45: {  	[tilespmem:s31], [sflag:$0x2] =	stream.indirect.gather [hbm4b:s5+s29], $0x80, s19, s29, $0xb8;
	[tilespmem:$0x1E000] =	vst v63  }
0x46: {  	_ =	swait.ge [sflag:s0], $0x4000  }
0x47: {  	[sflag:s0] =	ssyncset.done $0x0  }
0x48: {  	[sflag:s0] =	ssyncadd.s32 $0xFFFFC000  }
0x49: {  	[spmem:s2] =	stream.indirect.scatter.add.f32 [tilespmem:s24], [sflag:$0x3], $0x80, s28, s29, $0xb8;
	[tilespmem:$0x1E000] =	vst v63  }
0x4a: {  	_ =	swait.ge [sflag:s4], $0x4000  }
0x4b: {  	[sflag:s4] =	ssyncset.done $0x0  }
0x4c: {  	s20 =	simm.s32 $0x14100;
	[sflag:s4] =	ssyncadd.s32 $0xFFFFC000  }
0x4d: {  	[tilespmem:s24], [sflag:$0x1] =	stream.indirect.gather [hbm4b:s5+s29], $0x80, s20, s29, $0xb8;
	[tilespmem:$0x1E000] =	vst v63  }
0x4e: {  	_ =	swait.ge [sflag:s17], $0x4000  }
0x4f: {  	s22 =	simm.s32 $0x15080;
	p1 =	sge.u32 s10, s13;
	[sflag:s17] =	ssyncset.done $0x0  }
0x50: {  	p0 =	sge.u32 @!p1 s10, s16;
	s3 =	simm.s32 @!p1 $0x4;
	[sflag:s17] =	ssyncadd.s32 $0xFFFFC000  }
0x51: {  	[spmem:s2] =	stream.indirect.scatter.add.f32 [tilespmem:s31], [sflag:$0x4], $0x80, s22, s29, $0xb8;
	[tilespmem:$0x1E000] =	vst v63  }
0x52: {  	p0 =	por p0, p1;
	_ =	swait.ge @!p1 [sflag:s3], $0x4000  }
0x53: {  	s11 =	simm.s32 @!p0 $0x1A000;
	[sflag:s3] =	ssyncset.done @!p1 $0x0  }
0x54: {  	s9 =	simm.s32 @!p0 $0x80;
	[sflag:s3] =	ssyncadd.s32 @!p1 $0xFFFFC000;
	s3 =	simm.s32 @!p0 $0x14180  }
0x55: {  	[tilespmem:s11], [sflag:$0x2] =	stream.indirect.gather @!p0 [hbm4b:s5+s9], $0x80, s3, s9, $0xb8;
	[tilespmem:$0x1E000] =	vst v63  }
0x56: {  	s8 =	simm.s32 @!p1 $0x1;
	s20 =	smov.u32 s10;
	s9 =	sadd.s32 $0x1, s10  }
0x57: {  	s3 =	simm.s32 @!p1 $0x15100;
	_ =	swait.ge @!p1 [sflag:s8], $0x4000;
	p0 =	sge.u32 s9, s13  }
0x58: {  	[sflag:s8] =	ssyncset.done @!p1 $0x0;
	s11 =	simm.s32 @!p0 $0x3;
	p2 =	sge.u32 @!p0 s9, s16  }
0x59: {  	s9 =	simm.s32 @!p1 $0x16000;
	[sflag:s8] =	ssyncadd.s32 @!p1 $0xFFFFC000;
	s8 =	simm.s32 @!p1 $0x80  }
0x5a: {  	[spmem:s2] =	stream.indirect.scatter.add.f32 @!p1 [tilespmem:s9], [sflag:$0x3], $0x80, s3, s8, $0xb8;
	[tilespmem:$0x1E000] =	vst v63  }
0x5b: {  	s8 =	sshll.u32 s21, $0x5;
	p1 =	por p2, p0;
	s3 =	simm.s32 @!p0 $0x80  }
0x5c: {  	_ =	swait.ge @!p0 [sflag:s11], $0x4000;
	s30 =	ssub.s32 s13, s8;
	s9 =	simm.s32 @!p1 $0x80  }
0x5d: {  	s12 =	simm.s32 @!p1 $0x16000;
	s19 =	simm.s32 @!p1 $0x14200;
	[sflag:s11] =	ssyncset.done @!p0 $0x0  }
0x5e: {  	s22 =	smin.u32 s30, $0x20;
	[sflag:s11] =	ssyncadd.s32 @!p0 $0xFFFFC000;
	s11 =	simm.s32 @!p0 $0x15180  }
0x5f: {  	[tilespmem:s12], [sflag:$0x1] =	stream.indirect.gather @!p1 [hbm4b:s5+s9], $0x80, s19, s9, $0xb8;
	[tilespmem:$0x1E000] =	vst v63  }
0x60: {  	s9 =	simm.s32 $0x400;
	s12 =	simm.s32 @!p0 $0x2;
	s19 =	simm.s32 @!p0 $0x1A000  }
.LBB2_3:
0x61: {  	_ =	swait.ge @!p0 [sflag:s12], $0x4000  }
0x62: {  	s20 =	sadd.s32 $0x2, s20;
	s1 =	smov.u32 s9;
	s9 =	sadd.s32 $0x400, s9  }
0x63: {  	p1 =	sne.s32 s9, $0x3800;
	[sflag:s12] =	ssyncset.done @!p0 $0x0  }
0x64: {  	p2 =	sge.u32 s20, s13;
	[sflag:s12] =	ssyncadd.s32 @!p0 $0xFFFFC000  }
0x65: {  	[spmem:s2] =	stream.indirect.scatter.add.f32 @!p0 [tilespmem:s19], [sflag:$0x4], $0x80, s11, s3, $0xb8;
	[tilespmem:$0x1E000] =	vst v63  }
0x66: {  	s3 =	simm.s32 @!p2 $0x4;
	p0 =	sge.u32 @!p2 s20, s16;
	s11 =	sshra.s32 @!p2 s1, $0x2  }
0x67: {  	s12 =	simm.s32 @!p2 $0x1;
	p0 =	por p0, p2;
	_ =	swait.ge @!p2 [sflag:s3], $0x4000  }
0x68: {  	s19 =	sshra.s32 @!p0 s1, $0x2;
	s30 =	simm.s32 @!p0 $0x80;
	[sflag:s3] =	ssyncset.done @!p2 $0x0  }
0x69: {  	[sflag:s3] =	ssyncadd.s32 @!p2 $0xFFFFC000;
	s3 =	sadd.s32 @!p0 $0x14180, s19;
	s19 =	simm.s32 @!p0 $0x1A000  }
0x6a: {  	[tilespmem:s19], [sflag:$0x2] =	stream.indirect.gather @!p0 [hbm4b:s5+s30], $0x80, s3, s30, $0xb8;
	[tilespmem:$0x1E000] =	vst v63  }
0x6b: {  	s3 =	sadd.s32 @!p2 $0x15100, s11;
	_ =	swait.ge @!p2 [sflag:s12], $0x4000  }
0x6c: {  	s11 =	sadd.s32 $0x1, s20;
	[sflag:s12] =	ssyncset.done @!p2 $0x0  }
0x6d: {  	p0 =	sge.u32 s11, s13;
	[sflag:s12] =	ssyncadd.s32 @!p2 $0xFFFFC000;
	s12 =	simm.s32 @!p2 $0x80  }
0x6e: {  	s19 =	simm.s32 @!p0 $0x3;
	p3 =	sge.u32 @!p0 s11, s16;
	s11 =	sshra.s32 @!p0 s1, $0x2  }
0x6f: {  	s30 =	simm.s32 @!p2 $0x16000;
	p3 =	por p3, p0;
	s11 =	sadd.s32 @!p0 $0x15180, s11  }
0x70: {  	s1 =	sshra.s32 @!p3 s1, $0x2;
	s7 =	simm.s32 @!p3 $0x80;
	s18 =	simm.s32 @!p3 $0x16000  }
0x71: {  	[spmem:s2] =	stream.indirect.scatter.add.f32 @!p2 [tilespmem:s30], [sflag:$0x3], $0x80, s3, s12, $0xb8;
	[tilespmem:$0x1E000] =	vst v63  }
.Ltmp0:
0x72: {  	_ = 	snop;
	(pc) =	sbr.rel @p1 .LBB2_3-.Ltmp0, $4  }
0x73: {  	s1 =	sadd.s32 @!p3 $0x14200, s1;
	s12 =	simm.s32 @!p0 $0x2;
	_ =	swait.ge @!p0 [sflag:s19], $0x4000  }
0x74: {  	[sflag:s19] =	ssyncset.done @!p0 $0x0  }
0x75: {  	s3 =	simm.s32 @!p0 $0x80;
	[sflag:s19] =	ssyncadd.s32 @!p0 $0xFFFFC000;
	s19 =	simm.s32 @!p0 $0x1A000  }
0x76: {  	[tilespmem:s18], [sflag:$0x1] =	stream.indirect.gather @!p3 [hbm4b:s5+s7], $0x80, s1, s7, $0xb8;
	[tilespmem:$0x1E000] =	vst v63  }
0x77: {  	_ =	swait.ge @!p0 [sflag:s12], $0x4000  }
0x78: {  	[sflag:s12] =	ssyncset.done @!p0 $0x0  }
0x79: {  	s1 =	sor.u32 $0x1E, s8;
	[sflag:s12] =	ssyncadd.s32 @!p0 $0xFFFFC000  }
0x7a: {  	[spmem:s2] =	stream.indirect.scatter.add.f32 @!p0 [tilespmem:s19], [sflag:$0x4], $0x80, s11, s3, $0xb8;
	[tilespmem:$0x1E000] =	vst v63  }
0x7b: {  	p0 =	sge.u32 s1, s13  }
0x7c: {  	s3 =	simm.s32 @!p0 $0x4;
	p1 =	sge.u32 @!p0 s1, s16  }
0x7d: {  	_ =	swait.ge @!p0 [sflag:s3], $0x4000;
	p1 =	por p1, p0  }
0x7e: {  	[sflag:s3] =	ssyncset.done @!p0 $0x0;
	s1 =	simm.s32 @!p1 $0x80  }
0x7f: {  	s7 =	simm.s32 @!p1 $0x1A000;
	[sflag:s3] =	ssyncadd.s32 @!p0 $0xFFFFC000;
	s3 =	simm.s32 @!p1 $0x14F80  }
0x80: {  	[tilespmem:s7], [sflag:$0x2] =	stream.indirect.gather @!p1 [hbm4b:s5+s1], $0x80, s3, s1, $0xb8;
	[tilespmem:$0x1E000] =	vst v63  }
0x81: {  	s1 =	simm.s32 @!p0 $0x1  }
0x82: {  	_ =	swait.ge @!p0 [sflag:s1], $0x4000  }
0x83: {  	s3 =	simm.s32 @!p0 $0x15F00;
	[sflag:s1] =	ssyncset.done @!p0 $0x0  }
0x84: {  	s7 =	simm.s32 @!p0 $0x16000;
	[sflag:s1] =	ssyncadd.s32 @!p0 $0xFFFFC000;
	s1 =	simm.s32 @!p0 $0x80  }
0x85: {  	[spmem:s2] =	stream.indirect.scatter.add.f32 @!p0 [tilespmem:s7], [sflag:$0x3], $0x80, s3, s1, $0xb8;
	[tilespmem:$0x1E000] =	vst v63  }
0x86: {  	p0 =	sge.u32 s8, s23  }
0x87: {  	s1 =	simm.s32 @!p0 $0x3  }
0x88: {  	_ =	swait.ge @!p0 [sflag:s1], $0x4000  }
0x89: {  	[sflag:s1] =	ssyncset.done @!p0 $0x0  }
0x8a: {  	[sflag:s1] =	ssyncadd.s32 @!p0 $0xFFFFC000;
	s1 =	simm.s32 @!p0 $0x2  }
0x8b: {  	_ =	swait.ge @!p0 [sflag:s1], $0x4000  }
0x8c: {  	s30 =	sand.u32 $0x1, s22;
	s3 =	simm.s32 @!p0 $0x15F80;
	[sflag:s1] =	ssyncset.done @!p0 $0x0  }
0x8d: {  	s7 =	simm.s32 @!p0 $0x1A000;
	[sflag:s1] =	ssyncadd.s32 @!p0 $0xFFFFC000;
	s1 =	simm.s32 @!p0 $0x80  }
0x8e: {  	[spmem:s2] =	stream.indirect.scatter.add.f32 @!p0 [tilespmem:s7], [sflag:$0x4], $0x80, s3, s1, $0xb8;
	[tilespmem:$0x1E000] =	vst v63  }
0x8f: {  	s21 =	sadd.s32 $0x1, s21;
	p0 =	seq.s32 s30, $0x1;
	s1 =	simm.s32 $0x3  }
0x90: {  	s1 =	simm.s32 @!p0 $0x4;
	p0 =	sne.s32 s21, $0x5  }
.Ltmp1:
0x91: {  	_ = 	snop;
	(pc) =	sbr.rel @p0 .LBB2_2-.Ltmp1, $4  }
0x92: {  	_ = 	snop  }
0x93: {  	_ =	swait.ge [sflag:s1], $0x4000  }
0x94: {  	[sflag:s1] =	ssyncset.done $0x0  }
0x95: {  	s10 =	sadd.s32 $0x20, s10;
	[sflag:s1] =	ssyncadd.s32 $0xFFFFC000  }
0x96: {  	[bflag:$0x0] =	sbarrier.arrive $0xFFFF  }
0x97: {  	s18 =	rddreg [dreg:$0x5]  }
0x98: {  	[tilespmem:s24], [sflag:$0x5] =	stream.linear.gather [spmem:s18], $0x4000, $0x38;
	[tilespmem:$0x1E000] =	vst v63  }
0x99: {  	_ =	swait.ge [sflag:s25], $0x4000  }
0x9a: {  	[sflag:s25] =	ssyncset.done $0x0  }
0x9b: {  	s1 =	simm.s32 $0x0;
	s3 =	rddreg [dreg:$0xa];
	[sflag:s25] =	ssyncadd.s32 $0xFFFFC000  }
0x9c: {  	[hbm4b:s3+s1] =	stream.linear.scatter [tilespmem:s24], [sflag:$0x5], $0x4000, $0x38;
	[tilespmem:$0x1E000] =	vst v63  }
0x9d: {  	_ =	swait.ge [sflag:s25], $0x4000  }
0x9e: {  	[sflag:s25] =	ssyncset.done $0x0  }
0x9f: {  	s19 =	rddreg [dreg:$0x6];
	[sflag:s25] =	ssyncadd.s32 $0xFFFFC000  }
0xa0: {  	[tilespmem:s24], [sflag:$0x5] =	stream.linear.gather [spmem:s19], $0x4000, $0x38;
	[tilespmem:$0x1E000] =	vst v63  }
0xa1: {  	_ =	swait.ge [sflag:s25], $0x4000  }
0xa2: {  	[sflag:s25] =	ssyncset.done $0x0  }
0xa3: {  	s11 =	rddreg [dreg:$0xb];
	[sflag:s25] =	ssyncadd.s32 $0xFFFFC000  }
0xa4: {  	[hbm4b:s11+s1] =	stream.linear.scatter [tilespmem:s24], [sflag:$0x5], $0x4000, $0x38;
	[tilespmem:$0x1E000] =	vst v63  }
0xa5: {  	_ =	swait.ge [sflag:s25], $0x4000  }
0xa6: {  	[sflag:s25] =	ssyncset.done $0x0  }
0xa7: {  	s20 =	rddreg [dreg:$0x7];
	[sflag:s25] =	ssyncadd.s32 $0xFFFFC000  }
0xa8: {  	[tilespmem:s24], [sflag:$0x5] =	stream.linear.gather [spmem:s20], $0x4000, $0x38;
	[tilespmem:$0x1E000] =	vst v63  }
0xa9: {  	_ =	swait.ge [sflag:s25], $0x4000  }
0xaa: {  	[sflag:s25] =	ssyncset.done $0x0  }
0xab: {  	s12 =	rddreg [dreg:$0xc];
	[sflag:s25] =	ssyncadd.s32 $0xFFFFC000  }
0xac: {  	[hbm4b:s12+s1] =	stream.linear.scatter [tilespmem:s24], [sflag:$0x5], $0x4000, $0x38;
	[tilespmem:$0x1E000] =	vst v63  }
0xad: {  	_ =	swait.ge [sflag:s25], $0x4000  }
0xae: {  	[sflag:s25] =	ssyncset.done $0x0  }
0xaf: {  	s12 =	rddreg [dreg:$0x8];
	[sflag:s25] =	ssyncadd.s32 $0xFFFFC000  }
0xb0: {  	[tilespmem:s24], [sflag:$0x5] =	stream.linear.gather [spmem:s12], $0x4000, $0x38;
	[tilespmem:$0x1E000] =	vst v63  }
0xb1: {  	_ =	swait.ge [sflag:s25], $0x4000  }
0xb2: {  	[sflag:s25] =	ssyncset.done $0x0  }
0xb3: {  	s21 =	rddreg [dreg:$0xd];
	[sflag:s25] =	ssyncadd.s32 $0xFFFFC000  }
0xb4: {  	[hbm4b:s21+s1] =	stream.linear.scatter [tilespmem:s24], [sflag:$0x5], $0x4000, $0x38;
	[tilespmem:$0x1E000] =	vst v63  }
0xb5: {  	_ =	swait.ge [sflag:s25], $0x4000  }
0xb6: {  	[sflag:s25] =	ssyncset.done $0x0  }
0xb7: {  	s21 =	rddreg [dreg:$0x9];
	[sflag:s25] =	ssyncadd.s32 $0xFFFFC000  }
0xb8: {  	[tilespmem:s24], [sflag:$0x5] =	stream.linear.gather [spmem:s21], $0x4000, $0x38;
	[tilespmem:$0x1E000] =	vst v63  }
0xb9: {  	_ =	swait.ge [sflag:s25], $0x4000  }
0xba: {  	[sflag:s25] =	ssyncset.done $0x0  }
0xbb: {  	s22 =	rddreg [dreg:$0xe];
	[sflag:s25] =	ssyncadd.s32 $0xFFFFC000  }
0xbc: {  	[hbm4b:s22+s1] =	stream.linear.scatter [tilespmem:s24], [sflag:$0x5], $0x4000, $0x38;
	[tilespmem:$0x1E000] =	vst v63  }
0xbd: {  	_ =	swait.ge [sflag:s25], $0x4000  }
0xbe: {  	s7 =	rddreg [dreg:$0x10]  }
0xbf: {  	s30 =	rddreg [dreg:$0xf];
	s7 =	sadd.s32 $0x1, s7  }
0xc0: {  	p0 =	sne.s32 s7, s30  }
.Ltmp2:
0xc1: {  	_ = 	snop;
	(pc) =	sbr.rel @p0 .LBB2_1-.Ltmp2, $3  }
0xc2: {  	_ =	sdelay $0x1  }
0xc3: {  	[sflag:s25] =	ssyncset.done $0x0  }
0xc4: {  	[sflag:s25] =	ssyncadd.s32 $0xFFFFC000  }
0xc5: {  	_ =	sfence.sel $0x180000  }
0xc6: {  	[bflag:$0x0] =	sbarrier.arrive $0xFFFF  }
0xc7: {  	_ =	strace $0x90000053  }
0xc8: {  	s0 =	stileid.u32;
	[bflag:$0x2] =	sbarrier.arrive $0xFFFF  }
0xc9: {  	p0 =	sne.s32 s0, $0x0;
	s0 =	rddreg [dreg:$0x3]  }
0xca: {  	s0 =	sadd.s32 @!p0 $0x100000, s0  }
0xcb: {  	[sflag:s0] =	ssyncadd.tile.s32 @!p0 $0x1;
	_ =	shalt  }
.Lfunc_end2:
_tile_overlayer_lowered:
.L_overlay_start_2:
0xcc: {  	(tag) =	ssettag $0x2  }
0xcd: {  	s0 =	rddreg [dreg:$0x0];
	s2 =	stileid.u32  }
0xce: {  	s1 =	rddreg [dreg:$0x1];
	p0 =	sne.s32 s2, $0x0  }
0xcf: {  	s3 =	rddreg [dreg:$0x2];
	[bflag:$0x3] =	sbarrier.arrive $0xFFFF;
	s2 =	simm.s32 @!p0 $0x1C05  }
0xd0: {  	[timem:s3], [sflag:s2] =	dma.local @!p0 [hbm:s0], s1  }
0xd1: {  	s0 =	simm.s32 @!p0 $0x5  }
0xd2: {  	_ =	swait.ge @!p0 [sflag:s0], s1  }
0xd3: {  	s1 =	ssub.s32 @!p0 $0x0, s1;
	[sflag:s0] =	ssyncset.done @!p0 $0x0  }
0xd4: {  	[sflag:s0] =	ssyncadd.s32 @!p0 s1  }
0xd5: {  	[bflag:$0x3] =	sbarrier.arrive $0xFFFF  }
0xd6: {  	_ =	shalt  }

// kernel: kernel.19.cloned.1.call-start
scs
__scs_entry_jumppad:
0x0: {  	(pc) =	sbr.rel $0x88, $3  }
0x1: {  	(tag) =	ssettag $0x0;
	lr =	simm.s32 $0x1  }
0x2: {  	[smem:$0x3F99] =	sst lr;
	_ =	strace $0xD0000000  }
0x3: {  	_ = 	snop  }
0x4: {  	_ = 	snop  }
0x5: {  	_ = 	snop  }
0x6: {  	_ = 	snop  }
0x7: {  	_ = 	snop  }
__scs_overlays_trampoline_lowered:
0x8: {  	[smem:$0x3FA8] =	sst s0  }
0x9: {  	[smem:$0x3FA9] =	sst s1  }
0xa: {  	[smem:$0x3FAA] =	sst s2  }
0xb: {  	[smem:$0x3FAB] =	sst s3  }
0xc: {  	[smem:$0x3FAC] =	sst s4  }
0xd: {  	[smem:$0x3FAD] =	sst s5  }
0xe: {  	[smem:$0x3FAE] =	sst s6  }
0xf: {  	[smem:$0x3FAF] =	sst s7  }
0x10: {  	[smem:$0x3FB0] =	sst s8  }
0x11: {  	[smem:$0x3FB1] =	sst s9;
	s0 =	simm.s32 @!p0 $0x0  }
0x12: {  	s1 =	sld [smem:$0x3F97];
	s0 =	simm.s32 @p0 $0x1  }
0x13: {  	[smem:$0x3FB2] =	sst s0;
	s0 =	simm.s32 @!p1 $0x0  }
0x14: {  	s2 =	sld [smem:$0x3F96];
	s0 =	simm.s32 @p1 $0x1  }
0x15: {  	[smem:$0x3FB3] =	sst s0;
	s0 =	simm.s32 @!p2 $0x0  }
0x16: {  	s3 =	sld [smem:$0x3FDB];
	s0 =	simm.s32 @p2 $0x1  }
0x17: {  	s4 =	simm.s32 $0x1BF5;
	[smem:$0x3FB5] =	sst s0  }
0x18: {  	s0 =	sld [smem:$0x3F98];
	_ =	swait.ge [sflag:s4], $0x0  }
0x19: {  	s7 =	sld [smem:$0x3F99]  }
0x1a: {  	s8 =	sadd.s32 $0xFFFFE003, lr  }
0x1b: {  	s9 =	sadd.s32 $0xFFFFFEF7, lr;
	s5 =	simm.s32 $0xFFFFFFFF;
	p2 =	slt.u32 s8, $0xFFFFF086  }
0x1c: {  	p1 =	slt.u32 s9, $0xF7A;
	s5 =	simm.s32 @!p2 $0x0  }
0x1d: {  	s5 =	simm.s32 @p1 $0x1;
	p0 =	seq.s32 s7, s2  }
0x1e: {  	s7 =	smul.u32 @!p0 $0xF7A, s2;
	p2 =	seq.s32 @!p0 s5, $0x0  }
0x1f: {  	s9 =	smul.u32 $0xF7A, s1;
	s8 =	simm.s32 @!p0 $0x1BF5;
	p2 =	por !p2, p0  }
0x20: {  	[sflag:s8] =	ssyncset.s32 @!p0 $0xFFFFF086;
	s6 =	sadd.s32 @!p0 s3, s7;
	s7 =	simm.s32 @!p0 $0x108  }
0x21: {  	s3 =	sadd.s32 s3, s9;
	s6 =	sadd.s32 @!p0 $0x88, s6;
	s7 =	simm.s32 @p2 $0x1082  }
0x22: {  	[simem:s7], [sflag:s8] =	dma.local @!p0 [hbm:s6], $0xF7A  }
0x23: {  	s9 =	sor.u32 $0xD0000000, s2;
	s6 =	simm.s32 $0x108;
	_ =	swait.ge @!p0 [sflag:s8], $0x0  }
0x24: {  	s3 =	sadd.s32 $0x88, s3;
	s6 =	simm.s32 @!p1 $0x1082;
	[sflag:s4] =	ssyncset.s32 $0xFFFFF086  }
0x25: {  	[simem:s6], [sflag:s4] =	dma.local [hbm:s3], $0xF7A  }
0x26: {  	[smem:$0x3F99] =	sst s1;
	(tag) =	ssettag s2;
	_ =	strace s9  }
0x27: {  	s1 =	sld [smem:$0x3FA9]  }
0x28: {  	s2 =	sld [smem:$0x3FAA]  }
0x29: {  	s4 =	sld [smem:$0x3FAC]  }
0x2a: {  	p0 =	seq.s32 s5, $0x0;
	s5 =	sld [smem:$0x3FAD]  }
0x2b: {  	s6 =	sld [smem:$0x3FAE]  }
0x2c: {  	s7 =	sld [smem:$0x3FAF]  }
0x2d: {  	s3 =	simm.s32 $0x108;
	s8 =	sld [smem:$0x3FB0]  }
0x2e: {  	s3 =	simm.s32 @!p0 $0x1082;
	s9 =	sld [smem:$0x3FB1]  }
0x2f: {  	lr =	sadd.s32 s0, s3;
	s0 =	sld [smem:$0x3FA8]  }
0x30: {  	s3 =	sld [smem:$0x3FAB]  }
0x31: {  	[smem:$0x3FB4] =	sst s10  }
0x32: {  	s10 =	sld [smem:$0x3FB2];
	_ =	sdelay $0x3  }
0x33: {  	p0 =	seq.s32 s10, $0x1;
	s10 =	sld [smem:$0x3FB4];
	_ =	sdelay $0x3  }
0x34: {  	[smem:$0x3FB4] =	sst s10  }
0x35: {  	s10 =	sld [smem:$0x3FB3];
	_ =	sdelay $0x3  }
0x36: {  	p1 =	seq.s32 s10, $0x1;
	s10 =	sld [smem:$0x3FB4];
	_ =	sdelay $0x3  }
0x37: {  	[smem:$0x3FB4] =	sst s10  }
0x38: {  	s10 =	sld [smem:$0x3FB5]  }
0x39: {  	_ = 	snop;
	(pc) =	sbr.ind lr, $3  }
0x3a: {  	_ = 	snop  }
0x3b: {  	_ = 	snop  }
0x3c: {  	p2 =	seq.s32 s10, $0x1;
	s10 =	sld [smem:$0x3FB4]  }
0x3d: {  	_ =	shalt  }
0x3e: {  	_ =	shalt  }
0x3f: {  	_ =	shalt  }
0x40: {  	_ =	shalt  }
0x41: {  	_ =	shalt  }
0x42: {  	_ =	shalt  }
0x43: {  	_ =	shalt  }
0x44: {  	_ =	shalt  }
0x45: {  	_ =	shalt  }
0x46: {  	_ =	shalt  }
0x47: {  	_ =	shalt  }
0x48: {  	_ =	shalt  }
0x49: {  	_ =	shalt  }
0x4a: {  	_ =	shalt  }
0x4b: {  	_ =	shalt  }
0x4c: {  	_ =	shalt  }
0x4d: {  	_ =	shalt  }
0x4e: {  	_ =	shalt  }
0x4f: {  	_ =	shalt  }
0x50: {  	_ =	shalt  }
0x51: {  	_ =	shalt  }
0x52: {  	_ =	shalt  }
0x53: {  	_ =	shalt  }
0x54: {  	_ =	shalt  }
0x55: {  	_ =	shalt  }
0x56: {  	_ =	shalt  }
0x57: {  	_ =	shalt  }
0x58: {  	_ =	shalt  }
0x59: {  	_ =	shalt  }
0x5a: {  	_ =	shalt  }
0x5b: {  	_ =	shalt  }
0x5c: {  	_ =	shalt  }
0x5d: {  	_ =	shalt  }
0x5e: {  	_ =	shalt  }
0x5f: {  	_ =	shalt  }
0x60: {  	_ =	shalt  }
0x61: {  	_ =	shalt  }
0x62: {  	_ =	shalt  }
0x63: {  	_ =	shalt  }
0x64: {  	_ =	shalt  }
0x65: {  	_ =	shalt  }
0x66: {  	_ =	shalt  }
0x67: {  	_ =	shalt  }
0x68: {  	_ =	shalt  }
0x69: {  	_ =	shalt  }
0x6a: {  	_ =	shalt  }
0x6b: {  	_ =	shalt  }
0x6c: {  	_ =	shalt  }
0x6d: {  	_ =	shalt  }
0x6e: {  	_ =	shalt  }
0x6f: {  	_ =	shalt  }
0x70: {  	_ =	shalt  }
0x71: {  	_ =	shalt  }
0x72: {  	_ =	shalt  }
0x73: {  	_ =	shalt  }
0x74: {  	_ =	shalt  }
0x75: {  	_ =	shalt  }
0x76: {  	_ =	shalt  }
0x77: {  	_ =	shalt  }
0x78: {  	_ =	shalt  }
0x79: {  	_ =	shalt  }
0x7a: {  	_ =	shalt  }
0x7b: {  	_ =	shalt  }
0x7c: {  	_ =	shalt  }
0x7d: {  	_ =	shalt  }
0x7e: {  	_ =	shalt  }
0x7f: {  	_ =	shalt  }
0x80: {  	_ =	shalt  }
0x81: {  	_ =	shalt  }
0x82: {  	_ =	shalt  }
0x83: {  	_ =	shalt  }
0x84: {  	_ =	shalt  }
0x85: {  	_ =	shalt  }
0x86: {  	_ =	shalt  }
0x87: {  	_ =	shalt  }
.Lfunc_end0:
.L_simem_size_0:
called_computation.5_lowered:
.L_overlay_start_0:
0x88: {  	s2 =	sld [smem:$0x3FD9]  }
0x89: {  	s3 =	sld [smem:$0x3FFE];
	_ =	sdelay $0x1  }
0x8a: {  	s1 =	srdreg.scid  }
0x8b: {  	s0 =	sand.u32 $0x1, s1  }
0x8c: {  	s17 =	sshll.u32 s0, $0xA;
	s2 =	sadd.s32 s3, s2  }
0x8d: {  	s2 =	sadd.s32 s2, s17  }
0x8e: {  	[smem:$0x3FC0] =	sst s2  }
0x8f: {  	_ = 	snop  }
0x90: {  	s2 =	sld [smem:$0x3FD0];
	(tm) =	ssettm $0x1  }
0x91: {  	s18 =	sld [smem:$0x3FFB];
	_ =	sdelay $0x3  }
0x92: {  	_ =	strace s18  }
0x93: {  	s3 =	sld [smem:$0x3FFC];
	_ =	sdelay $0x3  }
0x94: {  	_ =	strace s3  }
0x95: {  	s3 =	sld [smem:$0x3FFD];
	_ =	sdelay $0x3  }
0x96: {  	_ =	strace s3  }
0x97: {  	_ =	strace $0x8FFFFFFF  }
0x98: {  	s19 =	sld [smem:$0x3FDB];
	_ =	sdelay $0x1  }
0x99: {  	s4 =	simm.s32 $_scs_section_size  }
0x9a: {  	s5 =	simm.s32 $_size__tile_overlayer_lowered;
	s6 =	simm.s32 $_tile_overlayer_lowered  }
0x9b: {  	s22 =	simm.s32 $0x1BFF;
	s21 =	sshll.u32 s6, $0x1;
	s3 =	sadd.s32 s4, s19  }
0x9c: {  	s7 =	simm.s32 $0x0;
	s20 =	sshll.u32 s5, $0x1;
	s5 =	sadd.s32 s21, s3  }
0x9d: {  	[timem:s7], [sflag:s22] =	dma.local [hbm:s5], s20  }
0x9e: {  	_ =	swait.ge [sflag:s22], s20  }
0x9f: {  	s4 =	ssub.s32 $0x0, s20;
	[sflag:s22] =	ssyncset.done $0x0  }
0xa0: {  	[sflag:s22] =	ssyncadd.s32 s4;
	_ =	sdelay $0x1  }
0xa1: {  	s23 =	simm.s32 $0x1B8B  }
0xa2: {  	_ =	swait.ge [sflag:s23], $0x1  }
0xa3: {  	[sflag:s23] =	ssyncset.done $0x0  }
0xa4: {  	s25 =	simm.s32 $0x1B8E;
	s24 =	sld [smem:$0x3FFE];
	[sflag:s23] =	ssyncadd.s32 $0xFFFFFFFF  }
0xa5: {  	s26 =	simm.s32 $execute0_lowered;
	[smem:$0x3FD2] =	sst s25  }
0xa6: {  	s5 =	sshll.u32 s26, $0x1;
	_ =	strace $0x80000055;
	[dreg:$0x1] =	wrdreg $0xFFFFFFFF  }
0xa7: {  	s28 =	simm.s32 $_size_execute0_lowered;
	s3 =	sadd.s32 s3, s5;
	[dreg:$0x0] =	wrdreg $0x0  }
0xa8: {  	s5 =	sshll.u32 s28, $0x1;
	[dreg:$0x2] =	wrdreg s3  }
0xa9: {  	[dreg:$0x3] =	wrdreg s5  }
0xaa: {  	[dreg:$0x4] =	wrdreg $0xC0  }
0xab: {  	_ =	task [dreg:s7], $0x5FFFF  }
0xac: {  	[dreg:$0x1] =	wrdreg $0xFFFFFFFF  }
0xad: {  	[dreg:$0x0] =	wrdreg $0x60  }
0xae: {  	[dreg:$0x2] =	wrdreg s24  }
0xaf: {  	[dreg:$0x3] =	wrdreg s2  }
0xb0: {  	[dreg:$0x4] =	wrdreg $0x0  }
0xb1: {  	[dreg:$0x5] =	wrdreg $0x9  }
0xb2: {  	_ =	task.clear_ibuf [dreg:s7], $0x6FFFF;
	_ =	strace $0x90000055  }
0xb3: {  	s29 =	simm.s32 $0x9;
	_ =	strace $0x80000057  }
0xb4: {  	_ =	swait.ge [sflag:s29], $0x1  }
0xb5: {  	[sflag:s29] =	ssyncadd.s32 $0xFFFFFFFF  }
0xb6: {  	_ =	strace $0x90000057  }
0xb7: {  	_ =	sfence  }
0xb8: {  	s30 =	sld [smem:$0x0];
	_ =	sdelay $0x2  }
0xb9: {  	s31 =	sshll.u32 s1, $0xD;
	s1 =	sshrl.u32 s1, $0x2  }
0xba: {  	s3 =	sand.u32 $0x4000, s31;
	s1 =	sadd.s32 s1, s30  }
0xbb: {  	s0 =	sor.u32 s3, s0;
	s1 =	sshll.u32 s1, $0x11  }
0xbc: {  	s0 =	sor.u32 s1, s0  }
0xbd: {  	s0 =	sadd.s32 $0x8F2B, s0  }
0xbe: {  	[sflag:s0] =	ssyncadd.remote.s32 $0x1  }
0xbf: {  	_ =	sfence.sel $0xFFFF  }
0xc0: {  	[dreg:$0x0] =	wrdreg $0xFFFFFFFF;
	(pc) =	sbr.abs _section_cstart, $3  }
0xc1: {  	[dreg:$0x1] =	wrdreg $0xFFFFFFFF  }
0xc2: {  	_ =	task.clear_ibuf [dreg:s7], $0x2FFFF;
	_ =	strace $0x9FFFFFFF  }
0xc3: {  	(tm) =	ssettm $0x7FFFFFFF  }
tec
execute0_lowered:
.L_overlay_start_1:
0x0: {  	(tag) =	ssettag $0x1  }
0x1: {  	s0 =	rddreg [dreg:$0x0]  }
0x2: {  	s2 =	rddreg [dreg:$0x2];
	s1 =	simm.s32 $0x0  }
0x3: {  	s3 =	srdreg.scid;
	s14 =	stileid.u32;
	s28 =	simm.s32 $0x15000  }
0x4: {  	s29 =	simm.s32 $0x80;
	s31 =	simm.s32 $0x1A000;
	[smem:$0x7FF] =	sst s1  }
0x5: {  	s5 =	sadd.s32 $0x20A00, s0;
	s3 =	sand.u32 $0x1, s3;
	s7 =	smul.u32 $0x280, s14  }
0x6: {  	s6 =	sadd.s32 $0x16A00, s0;
	s8 =	sadd.s32 $0x2E00, s0;
	s9 =	smul.u32 $0x50000, s14  }
0x7: {  	s0 =	sadd.s32 $0x70A00, s0;
	p0 =	slt.u32 s14, $0x4;
	s14 =	smul.u32 $0x5000, s14  }
0x8: {  	_ =	strace $0x80000056;
	s4 =	ssub.s32 $0x2, s3;
	s15 =	smul.u32 $0x50000, s3  }
0x9: {  	[dreg:$0x4] =	wrdreg s8;
	s3 =	smul.u32 $0x2800, s3;
	s26 =	sshrl.u32 s4, $0x1  }
0xa: {  	s30 =	sadd.s32 $0x80, s7;
	s9 =	sshrl.u32 s9, $0x2;
	s11 =	sadd.s32 $0x100, s7  }
0xb: {  	s17 =	sadd.s32 $0x180, s7;
	s22 =	sadd.s32 $0x200, s7;
	s4 =	ssub.s32 s4, s26  }
0xc: {  	s10 =	sshll.u32 s30, $0x7;
	s18 =	sadd.s32 s9, s2;
	s16 =	sshll.u32 s11, $0x7  }
0xd: {  	s12 =	sshll.u32 s17, $0x7;
	s13 =	sshll.u32 s22, $0x7;
	s7 =	sadd.s32 s7, s3  }
0xe: {  	s8 =	sadd.s32 s3, s30;
	s15 =	sadd.s32 s15, s14;
	s24 =	sadd.s32 s3, s11  }
0xf: {  	s25 =	sadd.s32 s3, s17;
	s3 =	sadd.s32 s3, s22;
	s17 =	simm.s32 $0x2  }
0x10: {  	s19 =	sadd.s32 s10, s2;
	s30 =	smax.u32 s4, $0x1;
	[dreg:$0x5] =	wrdreg s18  }
0x11: {  	s20 =	sadd.s32 s16, s2;
	s12 =	sadd.s32 s12, s2;
	[dreg:$0xf] =	wrdreg s30  }
0x12: {  	s21 =	sadd.s32 s13, s2;
	s13 =	simm.s32 $0x9D;
	[dreg:$0x6] =	wrdreg s19  }
0x13: {  	s7 =	sshll.u32 s7, $0x4;
	s8 =	sshll.u32 s8, $0x4;
	[dreg:$0x7] =	wrdreg s20  }
0x14: {  	s3 =	sshll.u32 s3, $0x4;
	s4 =	simm.s32 $0x3;
	[dreg:$0x8] =	wrdreg s12  }
0x15: {  	s13 =	simm.s32 @!p0 $0x9C;
	s7 =	sadd.s32 s0, s7;
	[dreg:$0x9] =	wrdreg s21  }
0x16: {  	s23 =	sadd.s32 s0, s8;
	s8 =	sshll.u32 s25, $0x4;
	[dreg:$0xa] =	wrdreg s7  }
0x17: {  	s25 =	simm.s32 $0x5;
	s16 =	sadd.s32 $0xFFFFFFFF, s13;
	[dreg:$0xb] =	wrdreg s23  }
0x18: {  	s7 =	sshll.u32 s24, $0x4;
	s26 =	sadd.s32 s0, s8;
	s23 =	sadd.s32 $0xFFFFFFE1, s13  }
0x19: {  	s24 =	simm.s32 $0x16000;
	s7 =	sadd.s32 s0, s7;
	[dreg:$0xd] =	wrdreg s26  }
0x1a: {  	s0 =	sadd.s32 s0, s3;
	s26 =	simm.s32 $0x14000;
	[dreg:$0xc] =	wrdreg s7  }
0x1b: {  	[dreg:$0xe] =	wrdreg s0;
	s0 =	simm.s32 $0x1;
	s7 =	simm.s32 $0x0  }
.LBB2_1:
0x1c: {  	[dreg:$0x10] =	wrdreg s7  }
0x1d: {  	s3 =	rddreg [dreg:$0x4]  }
0x1e: {  	[tilespmem:s24], [sflag:$0x5] =	stream.linear.gather [hbm4b:s3+s1], $0x4000, $0x38;
	[tilespmem:$0x1E000] =	vst v63  }
0x1f: {  	_ =	swait.ge [sflag:s25], $0x4000  }
0x20: {  	[sflag:s25] =	ssyncset.done $0x0  }
0x21: {  	[sflag:s25] =	ssyncadd.s32 $0xFFFFC000  }
0x22: {  	[spmem:s18] =	stream.linear.scatter [tilespmem:s24], [sflag:$0x5], $0x4000, $0x38;
	[tilespmem:$0x1E000] =	vst v63  }
0x23: {  	_ =	swait.ge [sflag:s25], $0x4000  }
0x24: {  	[sflag:s25] =	ssyncset.done $0x0  }
0x25: {  	[sflag:s25] =	ssyncadd.s32 $0xFFFFC000  }
0x26: {  	[spmem:s19] =	stream.linear.scatter [tilespmem:s24], [sflag:$0x5], $0x4000, $0x38;
	[tilespmem:$0x1E000] =	vst v63  }
0x27: {  	_ =	swait.ge [sflag:s25], $0x4000  }
0x28: {  	[sflag:s25] =	ssyncset.done $0x0  }
0x29: {  	[sflag:s25] =	ssyncadd.s32 $0xFFFFC000  }
0x2a: {  	[spmem:s20] =	stream.linear.scatter [tilespmem:s24], [sflag:$0x5], $0x4000, $0x38;
	[tilespmem:$0x1E000] =	vst v63  }
0x2b: {  	_ =	swait.ge [sflag:s25], $0x4000  }
0x2c: {  	[sflag:s25] =	ssyncset.done $0x0  }
0x2d: {  	[sflag:s25] =	ssyncadd.s32 $0xFFFFC000  }
0x2e: {  	[spmem:s12] =	stream.linear.scatter [tilespmem:s24], [sflag:$0x5], $0x4000, $0x38;
	[tilespmem:$0x1E000] =	vst v63  }
0x2f: {  	_ =	swait.ge [sflag:s25], $0x4000  }
0x30: {  	[sflag:s25] =	ssyncset.done $0x0  }
0x31: {  	[sflag:s25] =	ssyncadd.s32 $0xFFFFC000  }
0x32: {  	[spmem:s21] =	stream.linear.scatter [tilespmem:s24], [sflag:$0x5], $0x4000, $0x38;
	[tilespmem:$0x1E000] =	vst v63  }
0x33: {  	_ =	swait.ge [sflag:s25], $0x4000  }
0x34: {  	[sflag:s25] =	ssyncset.done $0x0  }
0x35: {  	[sflag:s25] =	ssyncadd.s32 $0xFFFFC000  }
0x36: {  	s10 =	simm.s32 $0x2;
	s21 =	simm.s32 $0x0;
	[bflag:$0x0] =	sbarrier.arrive $0xFFFF  }
.LBB2_2:
0x37: {  	s3 =	sshll.u32 s21, $0xC  }
0x38: {  	s8 =	sadd.s32 s15, s3  }
0x39: {  	s1 =	rddreg [dreg:$0x1];
	s8 =	sshrl.u32 s8, $0x3  }
0x3a: {  	s9 =	simm.s32 $0x0;
	s8 =	sadd.s32 s1, s8  }
0x3b: {  	[tilespmem:s26], [sflag:$0x5] =	stream.linear.gather [hbm4b:s8+s9], $0x1000, $0x38;
	[tilespmem:$0x1E000] =	vst v63  }
0x3c: {  	s3 =	sadd.s32 s14, s3;
	_ =	swait.ge [sflag:s25], $0x1000  }
0x3d: {  	s3 =	sshrl.u32 s3, $0x3;
	[sflag:s25] =	ssyncset.done $0x0  }
0x3e: {  	s3 =	sadd.s32 s6, s3;
	[sflag:s25] =	ssyncadd.s32 $0xFFFFF000  }
0x3f: {  	[tilespmem:s28], [sflag:$0x5] =	stream.linear.gather [hbm4b:s3+s9], $0x1000, $0x38;
	[tilespmem:$0x1E000] =	vst v63  }
0x40: {  	_ =	swait.ge [sflag:s25], $0x1000  }
0x41: {  	[sflag:s25] =	ssyncset.done $0x0  }
0x42: {  	[sflag:s25] =	ssyncadd.s32 $0xFFFFF000  }
0x43: {  	[tilespmem:s24], [sflag:$0x1] =	stream.indirect.gather [hbm4b:s5+s29], $0x80, s26, s29, $0xb8;
	[tilespmem:$0x1E000] =	vst v63  }
0x44: {  	s19 =	simm.s32 $0x14080  }
0x45: {  	[tilespmem:s31], [sflag:$0x2] =	stream.indirect.gather [hbm4b:s5+s29], $0x80, s19, s29, $0xb8;
	[tilespmem:$0x1E000] =	vst v63  }
0x46: {  	_ =	swait.ge [sflag:s0], $0x4000  }
0x47: {  	[sflag:s0] =	ssyncset.done $0x0  }
0x48: {  	[sflag:s0] =	ssyncadd.s32 $0xFFFFC000  }
0x49: {  	[spmem:s2] =	stream.indirect.scatter.add.f32 [tilespmem:s24], [sflag:$0x3], $0x80, s28, s29, $0xb8;
	[tilespmem:$0x1E000] =	vst v63  }
0x4a: {  	_ =	swait.ge [sflag:s4], $0x4000  }
0x4b: {  	[sflag:s4] =	ssyncset.done $0x0  }
0x4c: {  	s20 =	simm.s32 $0x14100;
	[sflag:s4] =	ssyncadd.s32 $0xFFFFC000  }
0x4d: {  	[tilespmem:s24], [sflag:$0x1] =	stream.indirect.gather [hbm4b:s5+s29], $0x80, s20, s29, $0xb8;
	[tilespmem:$0x1E000] =	vst v63  }
0x4e: {  	_ =	swait.ge [sflag:s17], $0x4000  }
0x4f: {  	s22 =	simm.s32 $0x15080;
	p1 =	sge.u32 s10, s13;
	[sflag:s17] =	ssyncset.done $0x0  }
0x50: {  	p0 =	sge.u32 @!p1 s10, s16;
	s3 =	simm.s32 @!p1 $0x4;
	[sflag:s17] =	ssyncadd.s32 $0xFFFFC000  }
0x51: {  	[spmem:s2] =	stream.indirect.scatter.add.f32 [tilespmem:s31], [sflag:$0x4], $0x80, s22, s29, $0xb8;
	[tilespmem:$0x1E000] =	vst v63  }
0x52: {  	p0 =	por p0, p1;
	_ =	swait.ge @!p1 [sflag:s3], $0x4000  }
0x53: {  	s11 =	simm.s32 @!p0 $0x1A000;
	[sflag:s3] =	ssyncset.done @!p1 $0x0  }
0x54: {  	s9 =	simm.s32 @!p0 $0x80;
	[sflag:s3] =	ssyncadd.s32 @!p1 $0xFFFFC000;
	s3 =	simm.s32 @!p0 $0x14180  }
0x55: {  	[tilespmem:s11], [sflag:$0x2] =	stream.indirect.gather @!p0 [hbm4b:s5+s9], $0x80, s3, s9, $0xb8;
	[tilespmem:$0x1E000] =	vst v63  }
0x56: {  	s8 =	simm.s32 @!p1 $0x1;
	s20 =	smov.u32 s10;
	s9 =	sadd.s32 $0x1, s10  }
0x57: {  	s3 =	simm.s32 @!p1 $0x15100;
	_ =	swait.ge @!p1 [sflag:s8], $0x4000;
	p0 =	sge.u32 s9, s13  }
0x58: {  	[sflag:s8] =	ssyncset.done @!p1 $0x0;
	s11 =	simm.s32 @!p0 $0x3;
	p2 =	sge.u32 @!p0 s9, s16  }
0x59: {  	s9 =	simm.s32 @!p1 $0x16000;
	[sflag:s8] =	ssyncadd.s32 @!p1 $0xFFFFC000;
	s8 =	simm.s32 @!p1 $0x80  }
0x5a: {  	[spmem:s2] =	stream.indirect.scatter.add.f32 @!p1 [tilespmem:s9], [sflag:$0x3], $0x80, s3, s8, $0xb8;
	[tilespmem:$0x1E000] =	vst v63  }
0x5b: {  	s8 =	sshll.u32 s21, $0x5;
	p1 =	por p2, p0;
	s3 =	simm.s32 @!p0 $0x80  }
0x5c: {  	_ =	swait.ge @!p0 [sflag:s11], $0x4000;
	s30 =	ssub.s32 s13, s8;
	s9 =	simm.s32 @!p1 $0x80  }
0x5d: {  	s12 =	simm.s32 @!p1 $0x16000;
	s19 =	simm.s32 @!p1 $0x14200;
	[sflag:s11] =	ssyncset.done @!p0 $0x0  }
0x5e: {  	s22 =	smin.u32 s30, $0x20;
	[sflag:s11] =	ssyncadd.s32 @!p0 $0xFFFFC000;
	s11 =	simm.s32 @!p0 $0x15180  }
0x5f: {  	[tilespmem:s12], [sflag:$0x1] =	stream.indirect.gather @!p1 [hbm4b:s5+s9], $0x80, s19, s9, $0xb8;
	[tilespmem:$0x1E000] =	vst v63  }
0x60: {  	s9 =	simm.s32 $0x400;
	s12 =	simm.s32 @!p0 $0x2;
	s19 =	simm.s32 @!p0 $0x1A000  }
.LBB2_3:
0x61: {  	_ =	swait.ge @!p0 [sflag:s12], $0x4000  }
0x62: {  	s20 =	sadd.s32 $0x2, s20;
	s1 =	smov.u32 s9;
	s9 =	sadd.s32 $0x400, s9  }
0x63: {  	p1 =	sne.s32 s9, $0x3800;
	[sflag:s12] =	ssyncset.done @!p0 $0x0  }
0x64: {  	p2 =	sge.u32 s20, s13;
	[sflag:s12] =	ssyncadd.s32 @!p0 $0xFFFFC000  }
0x65: {  	[spmem:s2] =	stream.indirect.scatter.add.f32 @!p0 [tilespmem:s19], [sflag:$0x4], $0x80, s11, s3, $0xb8;
	[tilespmem:$0x1E000] =	vst v63  }
0x66: {  	s3 =	simm.s32 @!p2 $0x4;
	p0 =	sge.u32 @!p2 s20, s16;
	s11 =	sshra.s32 @!p2 s1, $0x2  }
0x67: {  	s12 =	simm.s32 @!p2 $0x1;
	p0 =	por p0, p2;
	_ =	swait.ge @!p2 [sflag:s3], $0x4000  }
0x68: {  	s19 =	sshra.s32 @!p0 s1, $0x2;
	s30 =	simm.s32 @!p0 $0x80;
	[sflag:s3] =	ssyncset.done @!p2 $0x0  }
0x69: {  	[sflag:s3] =	ssyncadd.s32 @!p2 $0xFFFFC000;
	s3 =	sadd.s32 @!p0 $0x14180, s19;
	s19 =	simm.s32 @!p0 $0x1A000  }
0x6a: {  	[tilespmem:s19], [sflag:$0x2] =	stream.indirect.gather @!p0 [hbm4b:s5+s30], $0x80, s3, s30, $0xb8;
	[tilespmem:$0x1E000] =	vst v63  }
0x6b: {  	s3 =	sadd.s32 @!p2 $0x15100, s11;
	_ =	swait.ge @!p2 [sflag:s12], $0x4000  }
0x6c: {  	s11 =	sadd.s32 $0x1, s20;
	[sflag:s12] =	ssyncset.done @!p2 $0x0  }
0x6d: {  	p0 =	sge.u32 s11, s13;
	[sflag:s12] =	ssyncadd.s32 @!p2 $0xFFFFC000;
	s12 =	simm.s32 @!p2 $0x80  }
0x6e: {  	s19 =	simm.s32 @!p0 $0x3;
	p3 =	sge.u32 @!p0 s11, s16;
	s11 =	sshra.s32 @!p0 s1, $0x2  }
0x6f: {  	s30 =	simm.s32 @!p2 $0x16000;
	p3 =	por p3, p0;
	s11 =	sadd.s32 @!p0 $0x15180, s11  }
0x70: {  	s1 =	sshra.s32 @!p3 s1, $0x2;
	s7 =	simm.s32 @!p3 $0x80;
	s18 =	simm.s32 @!p3 $0x16000  }
0x71: {  	[spmem:s2] =	stream.indirect.scatter.add.f32 @!p2 [tilespmem:s30], [sflag:$0x3], $0x80, s3, s12, $0xb8;
	[tilespmem:$0x1E000] =	vst v63  }
.Ltmp0:
0x72: {  	_ = 	snop;
	(pc) =	sbr.rel @p1 .LBB2_3-.Ltmp0, $4  }
0x73: {  	s1 =	sadd.s32 @!p3 $0x14200, s1;
	s12 =	simm.s32 @!p0 $0x2;
	_ =	swait.ge @!p0 [sflag:s19], $0x4000  }
0x74: {  	[sflag:s19] =	ssyncset.done @!p0 $0x0  }
0x75: {  	s3 =	simm.s32 @!p0 $0x80;
	[sflag:s19] =	ssyncadd.s32 @!p0 $0xFFFFC000;
	s19 =	simm.s32 @!p0 $0x1A000  }
0x76: {  	[tilespmem:s18], [sflag:$0x1] =	stream.indirect.gather @!p3 [hbm4b:s5+s7], $0x80, s1, s7, $0xb8;
	[tilespmem:$0x1E000] =	vst v63  }
0x77: {  	_ =	swait.ge @!p0 [sflag:s12], $0x4000  }
0x78: {  	[sflag:s12] =	ssyncset.done @!p0 $0x0  }
0x79: {  	s1 =	sor.u32 $0x1E, s8;
	[sflag:s12] =	ssyncadd.s32 @!p0 $0xFFFFC000  }
0x7a: {  	[spmem:s2] =	stream.indirect.scatter.add.f32 @!p0 [tilespmem:s19], [sflag:$0x4], $0x80, s11, s3, $0xb8;
	[tilespmem:$0x1E000] =	vst v63  }
0x7b: {  	p0 =	sge.u32 s1, s13  }
0x7c: {  	s3 =	simm.s32 @!p0 $0x4;
	p1 =	sge.u32 @!p0 s1, s16  }
0x7d: {  	_ =	swait.ge @!p0 [sflag:s3], $0x4000;
	p1 =	por p1, p0  }
0x7e: {  	[sflag:s3] =	ssyncset.done @!p0 $0x0;
	s1 =	simm.s32 @!p1 $0x80  }
0x7f: {  	s7 =	simm.s32 @!p1 $0x1A000;
	[sflag:s3] =	ssyncadd.s32 @!p0 $0xFFFFC000;
	s3 =	simm.s32 @!p1 $0x14F80  }
0x80: {  	[tilespmem:s7], [sflag:$0x2] =	stream.indirect.gather @!p1 [hbm4b:s5+s1], $0x80, s3, s1, $0xb8;
	[tilespmem:$0x1E000] =	vst v63  }
0x81: {  	s1 =	simm.s32 @!p0 $0x1  }
0x82: {  	_ =	swait.ge @!p0 [sflag:s1], $0x4000  }
0x83: {  	s3 =	simm.s32 @!p0 $0x15F00;
	[sflag:s1] =	ssyncset.done @!p0 $0x0  }
0x84: {  	s7 =	simm.s32 @!p0 $0x16000;
	[sflag:s1] =	ssyncadd.s32 @!p0 $0xFFFFC000;
	s1 =	simm.s32 @!p0 $0x80  }
0x85: {  	[spmem:s2] =	stream.indirect.scatter.add.f32 @!p0 [tilespmem:s7], [sflag:$0x3], $0x80, s3, s1, $0xb8;
	[tilespmem:$0x1E000] =	vst v63  }
0x86: {  	p0 =	sge.u32 s8, s23  }
0x87: {  	s1 =	simm.s32 @!p0 $0x3  }
0x88: {  	_ =	swait.ge @!p0 [sflag:s1], $0x4000  }
0x89: {  	[sflag:s1] =	ssyncset.done @!p0 $0x0  }
0x8a: {  	[sflag:s1] =	ssyncadd.s32 @!p0 $0xFFFFC000;
	s1 =	simm.s32 @!p0 $0x2  }
0x8b: {  	_ =	swait.ge @!p0 [sflag:s1], $0x4000  }
0x8c: {  	s30 =	sand.u32 $0x1, s22;
	s3 =	simm.s32 @!p0 $0x15F80;
	[sflag:s1] =	ssyncset.done @!p0 $0x0  }
0x8d: {  	s7 =	simm.s32 @!p0 $0x1A000;
	[sflag:s1] =	ssyncadd.s32 @!p0 $0xFFFFC000;
	s1 =	simm.s32 @!p0 $0x80  }
0x8e: {  	[spmem:s2] =	stream.indirect.scatter.add.f32 @!p0 [tilespmem:s7], [sflag:$0x4], $0x80, s3, s1, $0xb8;
	[tilespmem:$0x1E000] =	vst v63  }
0x8f: {  	s21 =	sadd.s32 $0x1, s21;
	p0 =	seq.s32 s30, $0x1;
	s1 =	simm.s32 $0x3  }
0x90: {  	s1 =	simm.s32 @!p0 $0x4;
	p0 =	sne.s32 s21, $0x5  }
.Ltmp1:
0x91: {  	_ = 	snop;
	(pc) =	sbr.rel @p0 .LBB2_2-.Ltmp1, $4  }
0x92: {  	_ = 	snop  }
0x93: {  	_ =	swait.ge [sflag:s1], $0x4000  }
0x94: {  	[sflag:s1] =	ssyncset.done $0x0  }
0x95: {  	s10 =	sadd.s32 $0x20, s10;
	[sflag:s1] =	ssyncadd.s32 $0xFFFFC000  }
0x96: {  	[bflag:$0x0] =	sbarrier.arrive $0xFFFF  }
0x97: {  	s18 =	rddreg [dreg:$0x5]  }
0x98: {  	[tilespmem:s24], [sflag:$0x5] =	stream.linear.gather [spmem:s18], $0x4000, $0x38;
	[tilespmem:$0x1E000] =	vst v63  }
0x99: {  	_ =	swait.ge [sflag:s25], $0x4000  }
0x9a: {  	[sflag:s25] =	ssyncset.done $0x0  }
0x9b: {  	s1 =	simm.s32 $0x0;
	s3 =	rddreg [dreg:$0xa];
	[sflag:s25] =	ssyncadd.s32 $0xFFFFC000  }
0x9c: {  	[hbm4b:s3+s1] =	stream.linear.scatter [tilespmem:s24], [sflag:$0x5], $0x4000, $0x38;
	[tilespmem:$0x1E000] =	vst v63  }
0x9d: {  	_ =	swait.ge [sflag:s25], $0x4000  }
0x9e: {  	[sflag:s25] =	ssyncset.done $0x0  }
0x9f: {  	s19 =	rddreg [dreg:$0x6];
	[sflag:s25] =	ssyncadd.s32 $0xFFFFC000  }
0xa0: {  	[tilespmem:s24], [sflag:$0x5] =	stream.linear.gather [spmem:s19], $0x4000, $0x38;
	[tilespmem:$0x1E000] =	vst v63  }
0xa1: {  	_ =	swait.ge [sflag:s25], $0x4000  }
0xa2: {  	[sflag:s25] =	ssyncset.done $0x0  }
0xa3: {  	s11 =	rddreg [dreg:$0xb];
	[sflag:s25] =	ssyncadd.s32 $0xFFFFC000  }
0xa4: {  	[hbm4b:s11+s1] =	stream.linear.scatter [tilespmem:s24], [sflag:$0x5], $0x4000, $0x38;
	[tilespmem:$0x1E000] =	vst v63  }
0xa5: {  	_ =	swait.ge [sflag:s25], $0x4000  }
0xa6: {  	[sflag:s25] =	ssyncset.done $0x0  }
0xa7: {  	s20 =	rddreg [dreg:$0x7];
	[sflag:s25] =	ssyncadd.s32 $0xFFFFC000  }
0xa8: {  	[tilespmem:s24], [sflag:$0x5] =	stream.linear.gather [spmem:s20], $0x4000, $0x38;
	[tilespmem:$0x1E000] =	vst v63  }
0xa9: {  	_ =	swait.ge [sflag:s25], $0x4000  }
0xaa: {  	[sflag:s25] =	ssyncset.done $0x0  }
0xab: {  	s12 =	rddreg [dreg:$0xc];
	[sflag:s25] =	ssyncadd.s32 $0xFFFFC000  }
0xac: {  	[hbm4b:s12+s1] =	stream.linear.scatter [tilespmem:s24], [sflag:$0x5], $0x4000, $0x38;
	[tilespmem:$0x1E000] =	vst v63  }
0xad: {  	_ =	swait.ge [sflag:s25], $0x4000  }
0xae: {  	[sflag:s25] =	ssyncset.done $0x0  }
0xaf: {  	s12 =	rddreg [dreg:$0x8];
	[sflag:s25] =	ssyncadd.s32 $0xFFFFC000  }
0xb0: {  	[tilespmem:s24], [sflag:$0x5] =	stream.linear.gather [spmem:s12], $0x4000, $0x38;
	[tilespmem:$0x1E000] =	vst v63  }
0xb1: {  	_ =	swait.ge [sflag:s25], $0x4000  }
0xb2: {  	[sflag:s25] =	ssyncset.done $0x0  }
0xb3: {  	s21 =	rddreg [dreg:$0xd];
	[sflag:s25] =	ssyncadd.s32 $0xFFFFC000  }
0xb4: {  	[hbm4b:s21+s1] =	stream.linear.scatter [tilespmem:s24], [sflag:$0x5], $0x4000, $0x38;
	[tilespmem:$0x1E000] =	vst v63  }
0xb5: {  	_ =	swait.ge [sflag:s25], $0x4000  }
0xb6: {  	[sflag:s25] =	ssyncset.done $0x0  }
0xb7: {  	s21 =	rddreg [dreg:$0x9];
	[sflag:s25] =	ssyncadd.s32 $0xFFFFC000  }
0xb8: {  	[tilespmem:s24], [sflag:$0x5] =	stream.linear.gather [spmem:s21], $0x4000, $0x38;
	[tilespmem:$0x1E000] =	vst v63  }
0xb9: {  	_ =	swait.ge [sflag:s25], $0x4000  }
0xba: {  	[sflag:s25] =	ssyncset.done $0x0  }
0xbb: {  	s22 =	rddreg [dreg:$0xe];
	[sflag:s25] =	ssyncadd.s32 $0xFFFFC000  }
0xbc: {  	[hbm4b:s22+s1] =	stream.linear.scatter [tilespmem:s24], [sflag:$0x5], $0x4000, $0x38;
	[tilespmem:$0x1E000] =	vst v63  }
0xbd: {  	_ =	swait.ge [sflag:s25], $0x4000  }
0xbe: {  	s7 =	rddreg [dreg:$0x10]  }
0xbf: {  	s30 =	rddreg [dreg:$0xf];
	s7 =	sadd.s32 $0x1, s7  }
0xc0: {  	p0 =	sne.s32 s7, s30  }
.Ltmp2:
0xc1: {  	_ = 	snop;
	(pc) =	sbr.rel @p0 .LBB2_1-.Ltmp2, $3  }
0xc2: {  	_ =	sdelay $0x1  }
0xc3: {  	[sflag:s25] =	ssyncset.done $0x0  }
0xc4: {  	[sflag:s25] =	ssyncadd.s32 $0xFFFFC000  }
0xc5: {  	_ =	sfence.sel $0x180000  }
0xc6: {  	[bflag:$0x0] =	sbarrier.arrive $0xFFFF  }
0xc7: {  	_ =	strace $0x90000056  }
0xc8: {  	s0 =	stileid.u32;
	[bflag:$0x2] =	sbarrier.arrive $0xFFFF  }
0xc9: {  	p0 =	sne.s32 s0, $0x0;
	s0 =	rddreg [dreg:$0x3]  }
0xca: {  	s0 =	sadd.s32 @!p0 $0x100000, s0  }
0xcb: {  	[sflag:s0] =	ssyncadd.tile.s32 @!p0 $0x1;
	_ =	shalt  }
.Lfunc_end2:
_tile_overlayer_lowered:
.L_overlay_start_2:
0xcc: {  	(tag) =	ssettag $0x2  }
0xcd: {  	s0 =	rddreg [dreg:$0x0];
	s2 =	stileid.u32  }
0xce: {  	s1 =	rddreg [dreg:$0x1];
	p0 =	sne.s32 s2, $0x0  }
0xcf: {  	s3 =	rddreg [dreg:$0x2];
	[bflag:$0x3] =	sbarrier.arrive $0xFFFF;
	s2 =	simm.s32 @!p0 $0x1C05  }
0xd0: {  	[timem:s3], [sflag:s2] =	dma.local @!p0 [hbm:s0], s1  }
0xd1: {  	s0 =	simm.s32 @!p0 $0x5  }
0xd2: {  	_ =	swait.ge @!p0 [sflag:s0], s1  }
0xd3: {  	s1 =	ssub.s32 @!p0 $0x0, s1;
	[sflag:s0] =	ssyncset.done @!p0 $0x0  }
0xd4: {  	[sflag:s0] =	ssyncadd.s32 @!p0 s1  }
0xd5: {  	[bflag:$0x3] =	sbarrier.arrive $0xFFFF  }
0xd6: {  	_ =	shalt  }

</sc_bundles>
